<compile_context>
chip_gen: v7x
topology: tpu7x:2x2x1
jax: 0.10.2.dev20260603
libtpu: 0.0.44.dev20260713+nightly
codegen_flags: <defaults>
</compile_context>

<pallas_src>
import functools

import jax
import jax.numpy as jnp
from jax import lax
from jax.experimental import pallas as pl
from jax.experimental.pallas import tpu as pltpu
from jax.experimental.pallas import tpu_sc as plsc

N = 4096
E = 65536
HID = 128
K = 10
F = 5
S = 3

NC = 2
NS = 16
NW = NC * NS
RPT = N // NW
HALF = N // NC
C = 128
EN = E + N
EP = EN + C
ACC_ROWS = HALF + 8
L = 16
DW = HID


@functools.cache
def _mesh():
    return plsc.VectorSubcoreMesh(core_axis_name="c", subcore_axis_name="s",
                                  num_cores=NC, num_subcores=NS)



def _sc_deg(dstl, cstarts, zeros_deg, ones_deg):

    def body(dstl_hbm, cst_hbm, zd_hbm, od_hbm, deg_hbm,
             deg_acc, didx, ones_v, cst_v, sem):
        c = lax.axis_index("c")
        s = lax.axis_index("s")
        wid = c * NS + s
        pltpu.sync_copy(cst_hbm.at[wid], cst_v)
        cv = cst_v[...]
        lo = cv[0]
        hi = cv[1]
        pltpu.sync_copy(zd_hbm.at[pl.ds(s * RPT, RPT)],
                        deg_acc.at[pl.ds(s * RPT, RPT)])

        @pl.when(s == 0)
        def _():
            pltpu.sync_copy(zd_hbm.at[pl.ds(HALF, ACC_ROWS - HALF)],
                            deg_acc.at[pl.ds(HALF, ACC_ROWS - HALF)])

        pltpu.sync_copy(od_hbm, ones_v)
        plsc.subcore_barrier()

        def chunk(ci, carry):
            base = ci * C
            pltpu.sync_copy(dstl_hbm.at[pl.ds(base, C)], didx)
            pltpu.sync_copy(ones_v, deg_acc.at[didx], add=True)
            return carry

        lax.fori_loop(lo, hi, chunk, 0)
        plsc.subcore_barrier()

        pltpu.sync_copy(deg_acc.at[pl.ds(s * RPT, RPT)],
                        deg_hbm.at[pl.ds(wid * RPT, RPT)])

    fn = pl.kernel(
        body,
        out_type=jax.ShapeDtypeStruct((N, DW), jnp.float32),
        mesh=_mesh(),
        scratch_types=[
            pltpu.VMEM_SHARED((ACC_ROWS, DW), jnp.float32),
            pltpu.VMEM((C,), jnp.int32),
            pltpu.VMEM((C, DW), jnp.float32),
            pltpu.VMEM((L,), jnp.int32),
            pltpu.SemaphoreType.DMA,
        ],
    )
    return fn(dstl, cstarts, zeros_deg, ones_deg)


def _sc_hop(y, srcs, dstl, cstarts, dinv2, zeros_big):

    def body(y_hbm, srcs_hbm, dstl_hbm, cst_hbm, dv2_hbm, zb_hbm,
             yo_hbm,
             acc, sidx, didx, rows, accv, cst_v, dv2_v, sem):
        c = lax.axis_index("c")
        s = lax.axis_index("s")
        wid = c * NS + s
        pltpu.sync_copy(cst_hbm.at[wid], cst_v)
        cv = cst_v[...]
        lo = cv[0]
        hi = cv[1]
        pltpu.sync_copy(zb_hbm.at[pl.ds(s * RPT, RPT)],
                        acc.at[pl.ds(s * RPT, RPT)])

        @pl.when(s == 0)
        def _():
            pltpu.sync_copy(zb_hbm.at[pl.ds(HALF, ACC_ROWS - HALF)],
                            acc.at[pl.ds(HALF, ACC_ROWS - HALF)])

        pltpu.sync_copy(dv2_hbm.at[pl.ds(wid * RPT, RPT)], dv2_v)
        plsc.subcore_barrier()

        def chunk(ci, carry):
            base = ci * C
            pltpu.sync_copy(srcs_hbm.at[pl.ds(base, C)], sidx)
            pltpu.sync_copy(dstl_hbm.at[pl.ds(base, C)], didx)
            pltpu.async_copy(y_hbm.at[sidx], rows, sem).wait()
            pltpu.sync_copy(rows, acc.at[didx], add=True)
            return carry

        lax.fori_loop(lo, hi, chunk, 0)
        plsc.subcore_barrier()

        pltpu.sync_copy(acc.at[pl.ds(s * RPT, RPT)], accv)

        def rowgrp(rg, carry):
            sf = dv2_v[pl.ds(rg * L, L)]
            for j in range(L):
                sv = lax.broadcast(sf[j], (L,))
                r = rg * L + j
                for cg in range(HID // L):
                    accv[r, pl.ds(cg * L, L)] = accv[r, pl.ds(cg * L, L)] * sv
            return carry

        lax.fori_loop(0, RPT // L, rowgrp, 0)
        pltpu.sync_copy(accv, yo_hbm.at[pl.ds(wid * RPT, RPT)])

    fn = pl.kernel(
        body,
        out_type=jax.ShapeDtypeStruct((N, HID), jnp.float32),
        mesh=_mesh(),
        scratch_types=[
            pltpu.VMEM_SHARED((ACC_ROWS, HID), jnp.float32),
            pltpu.VMEM((C,), jnp.int32),
            pltpu.VMEM((C,), jnp.int32),
            pltpu.VMEM((C, HID), jnp.float32),
            pltpu.VMEM((RPT, HID), jnp.float32),
            pltpu.VMEM((L,), jnp.int32),
            pltpu.VMEM((RPT,), jnp.float32),
            pltpu.SemaphoreType.DMA,
        ],
    )
    return fn(y, srcs, dstl, cstarts, dinv2, zeros_big)


def _prep_edges(edges):
    loops = lax.iota(jnp.int32, N)
    src = jnp.concatenate([edges[:, 0], loops])
    dst = jnp.concatenate([edges[:, 1], loops])
    dst_s, src_s = lax.sort_key_val(dst, src)
    b = jnp.searchsorted(dst_s, jnp.int32(HALF)).astype(jnp.int32)
    shift = (C - b % C) % C
    pos = lax.iota(jnp.int32, EP)
    old = jnp.where(pos < b, pos, pos - shift)
    valid = (pos < b) | ((pos >= b + shift) & (old < EN))
    oldc = jnp.clip(old, 0, EN - 1)
    src_p = jnp.where(valid, src_s[oldc], 0)
    dsel = dst_s[oldc]
    dstl_p = jnp.where(valid, dsel - jnp.where(dsel >= HALF, HALF, 0),
                       jnp.int32(HALF))
    row_bounds = lax.iota(jnp.int32, NW + 1) * RPT
    start = jnp.searchsorted(dst_s, row_bounds).astype(jnp.int32)
    start_p = start + jnp.where(start >= b, shift, 0)
    cs = (start_p + (C - 1)) // C
    cstarts = jnp.zeros((NW, L), jnp.int32)
    cstarts = cstarts.at[:, 0].set(cs[:NW]).at[:, 1].set(cs[1:])
    return src_p, dstl_p, cstarts



def _mlp(feats, degcol, W1, b1, W2, b2):
    BM = 256

    def body(f_ref, d_ref, w1_ref, b1_ref, w2_ref, b2_ref,
             y0_ref, dv2_ref, sqd_ref):
        h = lax.dot_general(f_ref[...], w1_ref[...],
                            (((1,), (0,)), ((), ())),
                            preferred_element_type=jnp.float32)
        h = jnp.maximum(h + b1_ref[...], 0.0)
        o = lax.dot_general(h, w2_ref[...], (((1,), (0,)), ((), ())),
                            preferred_element_type=jnp.float32)
        x = o + b2_ref[...]
        deg = jnp.maximum(d_ref[...], 1.0)
        dinv = lax.rsqrt(deg)
        y0_ref[...] = x * dinv
        dv2_ref[...] = dinv * dinv
        sqd_ref[...] = deg * dinv

    return pl.pallas_call(
        body,
        grid=(N // BM,),
        in_specs=[
            pl.BlockSpec((BM, HID), lambda i: (i, 0)),
            pl.BlockSpec((BM, 1), lambda i: (i, 0)),
            pl.BlockSpec((HID, HID), lambda i: (0, 0)),
            pl.BlockSpec((1, HID), lambda i: (0, 0)),
            pl.BlockSpec((HID, HID), lambda i: (0, 0)),
            pl.BlockSpec((1, HID), lambda i: (0, 0)),
        ],
        out_specs=(
            pl.BlockSpec((BM, HID), lambda i: (i, 0)),
            pl.BlockSpec((BM, 1), lambda i: (i, 0)),
            pl.BlockSpec((BM, 1), lambda i: (i, 0)),
        ),
        out_shape=(
            jax.ShapeDtypeStruct((N, HID), jnp.float32),
            jax.ShapeDtypeStruct((N, 1), jnp.float32),
            jax.ShapeDtypeStruct((N, 1), jnp.float32),
        ),
    )(feats, degcol, W1, b1.reshape(1, HID), W2, b2.reshape(1, HID))


def _filter_attn(ys, sqd, conv_weight, W_filt, W_attn, b_attn):
    BM = 512

    def body(*refs):
        y_refs = refs[: K + 1]
        sd_ref, cw_ref, wf_ref, wa_ref, ba_ref, o_ref = refs[K + 1:]
        sd = sd_ref[...]
        ys_b = [y_refs[k][...] for k in range(K + 1)]
        xb = ys_b[0] * sd
        hs = [[None] * F for _ in range(S)]
        sc = [[None] * F for _ in range(S)]
        for s in range(S):
            wa = wa_ref[s]
            proj = jnp.tanh(
                lax.dot_general(xb, wa, (((1,), (0,)), ((), ())),
                                preferred_element_type=jnp.float32)
                + ba_ref[s][None, :])
            for f in range(F):
                acc = cw_ref[s, f, 0] * ys_b[0]
                for k in range(1, K + 1):
                    acc = acc + cw_ref[s, f, k] * ys_b[k]
                hb = lax.dot_general(acc * sd, wf_ref[f],
                                     (((1,), (0,)), ((), ())),
                                     preferred_element_type=jnp.float32)
                h = jnp.where(hb >= 0.0, hb, 0.01 * hb)
                hs[s][f] = h
                sc[s][f] = jnp.sum(h * proj, axis=1, keepdims=True)
        outs = []
        for s in range(S):
            acc = None
            for f in range(F):
                m = jnp.maximum(jnp.maximum(sc[0][f], sc[1][f]), sc[2][f])
                es = [jnp.exp(sc[t][f] - m) for t in range(S)]
                den = es[0] + es[1] + es[2]
                w_sf = es[s] / den
                t = w_sf * hs[s][f]
                acc = t if acc is None else acc + t
            outs.append(acc)
        o_ref[...] = jnp.stack(outs, axis=0)

    in_specs = [pl.BlockSpec((BM, HID), lambda i: (i, 0))
                for _ in range(K + 1)]
    in_specs += [
        pl.BlockSpec((BM, 1), lambda i: (i, 0)),
        pl.BlockSpec(memory_space=pltpu.MemorySpace.SMEM),
        pl.BlockSpec((F, HID, HID), lambda i: (0, 0, 0)),
        pl.BlockSpec((S, HID, HID), lambda i: (0, 0, 0)),
        pl.BlockSpec((S, HID), lambda i: (0, 0)),
    ]
    return pl.pallas_call(
        body,
        grid=(N // BM,),
        in_specs=in_specs,
        out_specs=pl.BlockSpec((S, BM, HID), lambda i: (0, i, 0)),
        out_shape=jax.ShapeDtypeStruct((S, N, HID), jnp.float32),
    )(*ys, sqd, conv_weight, W_filt, W_attn, b_attn)


def _recons(h_):
    BM = 1024

    def body(a_ref, b_ref, o_ref):
        a = a_ref[0].astype(jnp.bfloat16)
        b = b_ref[0].astype(jnp.bfloat16)
        r = lax.dot_general(a, b, (((1,), (1,)), ((), ())),
                            preferred_element_type=jnp.float32)
        o_ref[0] = 1.0 / (1.0 + jnp.exp(-r))

    return pl.pallas_call(
        body,
        grid=(S, N // BM, N // BM),
        in_specs=[
            pl.BlockSpec((1, BM, HID), lambda s, i, j: (s, i, 0)),
            pl.BlockSpec((1, BM, HID), lambda s, i, j: (s, j, 0)),
        ],
        out_specs=pl.BlockSpec((1, BM, BM), lambda s, i, j: (s, i, j)),
        out_shape=jax.ShapeDtypeStruct((S, N, N), jnp.float32),
    )(h_, h_)



def kernel(edges, feats, W1, b1, W2, b2, conv_weight, W_filt, W_attn, b_attn):
    srcs, dstl, cstarts = _prep_edges(edges)
    zeros_big = jnp.zeros((ACC_ROWS, HID), jnp.float32)
    ones_deg = jnp.ones((C, DW), jnp.float32)
    deg = _sc_deg(dstl, cstarts, zeros_big, ones_deg)
    y, dv2, sqd = _mlp(feats, deg[:, :1], W1, b1, W2, b2)
    dinv2 = dv2.reshape(N)

    def hop_step(cur, _):
        nxt = _sc_hop(cur, srcs, dstl, cstarts, dinv2, zeros_big)
        return nxt, nxt

    _, ys_stack = lax.scan(hop_step, y, None, length=K)
    ys = [y] + [ys_stack[k] for k in range(K)]
    h_ = _filter_attn(ys, sqd, conv_weight, W_filt, W_attn, b_attn)
    r = _recons(h_)
    return r, r, h_

# --- scband reference (transcript-rebuilt; emitter-appended) ---
"""Pipeline reference for scband-graph-reconstruction-87213605913259 (READ-ONLY COPY).

The authoritative reference and input builder live on the scoring server;
editing this copy changes nothing except your own understanding.
"""

import jax, jax.numpy as jnp
import numpy as np

N = 4096
E = 65536
IN_SIZE = 128
HID = 128
K = 10
F = 5
S = 3


def setup_inputs(seed: int = 0) -> dict:
    key = jax.random.key(seed)
    ks = jax.random.split(key, 10)
    edges = jax.random.randint(ks[0], (E, 2), 0, N, dtype=jnp.int32)
    feats = jax.random.normal(ks[1], (N, IN_SIZE), dtype=jnp.float32)
    W1 = jax.random.normal(ks[2], (IN_SIZE, HID), dtype=jnp.float32) * (1.0 / np.sqrt(IN_SIZE))
    b1 = jnp.zeros((HID,), jnp.float32)
    W2 = jax.random.normal(ks[3], (HID, HID), dtype=jnp.float32) * (1.0 / np.sqrt(HID))
    b2 = jnp.zeros((HID,), jnp.float32)
    # conv_weight: nn.Parameter(torch.normal(mean=zeros(3,5,11), std=4))
    conv_weight = jax.random.normal(ks[4], (S, F, K + 1), dtype=jnp.float32) * 4.0
    W_filt = jax.random.normal(ks[5], (F, HID, HID), dtype=jnp.float32) * (1.0 / np.sqrt(HID))
    W_attn = jax.random.normal(ks[6], (S, HID, HID), dtype=jnp.float32) * (1.0 / np.sqrt(HID))
    b_attn = jnp.zeros((S, HID), jnp.float32)
    return {"edges": edges, "feats": feats, "W1": W1, "b1": b1, "W2": W2, "b2": b2,
            "conv_weight": conv_weight, "W_filt": W_filt, "W_attn": W_attn, "b_attn": b_attn}


def reference(edges, feats, W1, b1, W2, b2, conv_weight, W_filt, W_attn, b_attn):
    # linear_transform_in: Linear -> ReLU -> Linear
    x = feats @ W1 + b1
    x = jnp.maximum(x, 0.0)
    x = x @ W2 + b2

    # gcn_norm with self-loops
    src = jnp.concatenate([edges[:, 0], jnp.arange(N, dtype=edges.dtype)])
    dst = jnp.concatenate([edges[:, 1], jnp.arange(N, dtype=edges.dtype)])
    deg = jax.ops.segment_sum(jnp.ones_like(src, dtype=x.dtype), dst, num_segments=N)
    dinv = jax.lax.rsqrt(jnp.maximum(deg, 1.0))
    w = dinv[src] * dinv[dst]

    # K-order propagation bases A_hat^k x, shared across the 3 scales
    xs = [x]
    cur = x
    for _ in range(K):
        cur = jax.ops.segment_sum(cur[src] * w[:, None], dst, num_segments=N)
        xs.append(cur)
    X = jnp.stack(xs, 0)  # (K+1, N, HID)

    hs_list, sc_list = [], []
    for s in range(S):
        # AMNet_ms: learnable polynomial spectral filter bank (5 filters, order 10)
        h = jnp.einsum('fk,knd->nfd', conv_weight[s], X)  # (N, F, HID)
        h = jnp.einsum('nfd,fde->nfe', h, W_filt)
        h = jax.nn.leaky_relu(h, 0.01)  # embed_act = LeakyReLU
        # AttentionProjection: tanh-projected dot-product score per filter
        proj = jnp.tanh(x @ W_attn[s] + b_attn[s])  # attn_fn = Tanh
        scores = jnp.einsum('nfd,nd->nf', h, proj)  # (N, F)
        hs_list.append(h)
        sc_list.append(scores)

    hs = jnp.stack(hs_list, 0)        # (3, N, F, HID)
    score_sc = jnp.stack(sc_list, 0)  # (3, N, F)
    attn_weights = jax.nn.softmax(score_sc, axis=0)
    h_ = (attn_weights[..., None] * hs).sum(2)  # (3, N, HID)
    # recons_a = sigmoid(bmm(h_, h_^T))
    recons_a = jax.nn.sigmoid(jnp.einsum('bnd,bmd->bnm', h_, h_))  # (3, N, N)
    return recons_a, recons_a, h_

if __name__ == "__main__":
    import jax
    _d = setup_inputs()
    print(jax.jit(kernel)(*tuple(_d.values())))

</pallas_src>

<mosaic_0001>
#map = affine_map<(d0, d1) -> (0)>
#map1 = affine_map<(d0, d1) -> (0, 0)>
module attributes {stable_mosaic.version = 14 : i64} {
  func.func @body(%arg0: i32, %arg1: i32, %arg2: memref<69760xi32, #tpu.memory_space<hbm>>, %arg3: memref<32x16xi32, #tpu.memory_space<hbm>>, %arg4: memref<2056x128xf32, #tpu.memory_space<hbm>>, %arg5: memref<128x128xf32, #tpu.memory_space<hbm>>, %arg6: memref<4096x128xf32, #tpu.memory_space<hbm>>, %arg7: memref<2056x128xf32, #tpu.memory_space<vmem_shared>>, %arg8: memref<128xi32, #tpu.memory_space<vmem>>, %arg9: memref<128x128xf32, #tpu.memory_space<vmem>>, %arg10: memref<16xi32, #tpu.memory_space<vmem>>, %arg11: memref<!tpu.dma_semaphore, #tpu.memory_space<semaphore_mem>>) attributes {dimension_semantics = [#tpu.dimension_semantics<core_parallel>, #tpu.dimension_semantics<subcore_parallel>], iteration_bounds = array<i64: 2, 16>, scalar_prefetch = 0 : i64, scratch_operands = 5 : i64, tpu.core_type = #tpu.core_type<sc_vector_subcore>, window_params = [{transform_indices = #map}, {transform_indices = #map1}, {transform_indices = #map1}, {transform_indices = #map1}, {transform_indices = #map1}]} {
    %mul3A = arith.constant 16 : i32
    %mul3A_0 = arith.muli %arg0, %mul3A : i32
    %add3A = arith.addi %mul3A_0, %arg1 : i32
    "tpu.region"() ({
      %run_scoped3A = tpu.sem_alloc : memref<!tpu.dma_semaphore, #tpu.memory_space<semaphore_mem>>
      %dma_start3A = arith.constant 0 : i32
      %dma_start3A_24 = tpu.memref_slice %arg3[%add3A, %dma_start3A] : memref<32x16xi32, #tpu.memory_space<hbm>> -> memref<1x16xi32, #tpu.memory_space<hbm>>
      %dma_start3A_25 = tpu.memref_squeeze %dma_start3A_24 : memref<1x16xi32, #tpu.memory_space<hbm>> -> memref<16xi32, #tpu.memory_space<hbm>>
      %dma_start3A_26 = arith.constant 0 : i32
      %dma_start3A_27 = tpu.memref_slice %arg3[%add3A, %dma_start3A_26] : memref<32x16xi32, #tpu.memory_space<hbm>> -> memref<1x16xi32, #tpu.memory_space<hbm>>
      %dma_start3A_28 = tpu.memref_squeeze %dma_start3A_27 : memref<1x16xi32, #tpu.memory_space<hbm>> -> memref<16xi32, #tpu.memory_space<hbm>>
      tpu.enqueue_dma source(%dma_start3A_28 : memref<16xi32, #tpu.memory_space<hbm>>) target(%arg10 : memref<16xi32, #tpu.memory_space<vmem>>) target_semaphore(%run_scoped3A : memref<!tpu.dma_semaphore, #tpu.memory_space<semaphore_mem>>)
      %dma_wait3A = arith.constant 0 : i32
      %dma_wait3A_29 = tpu.memref_slice %arg3[%add3A, %dma_wait3A] : memref<32x16xi32, #tpu.memory_space<hbm>> -> memref<1x16xi32, #tpu.memory_space<hbm>>
      %dma_wait3A_30 = tpu.memref_squeeze %dma_wait3A_29 : memref<1x16xi32, #tpu.memory_space<hbm>> -> memref<16xi32, #tpu.memory_space<hbm>>
      %dma_wait3A_31 = arith.constant 0 : i32
      %dma_wait3A_32 = tpu.memref_slice %arg3[%add3A, %dma_wait3A_31] : memref<32x16xi32, #tpu.memory_space<hbm>> -> memref<1x16xi32, #tpu.memory_space<hbm>>
      %dma_wait3A_33 = tpu.memref_squeeze %dma_wait3A_32 : memref<1x16xi32, #tpu.memory_space<hbm>> -> memref<16xi32, #tpu.memory_space<hbm>>
      tpu.wait_dma2 semaphore(%run_scoped3A : memref<!tpu.dma_semaphore, #tpu.memory_space<semaphore_mem>>) src(%dma_wait3A_33 : memref<16xi32, #tpu.memory_space<hbm>>) dst(%arg10 : memref<16xi32, #tpu.memory_space<vmem>>)
      tpu.yield
    }) : () -> ()
    %get3A = arith.constant 0 : index
    %get3A_1 = tpu.vector_load %arg10[%get3A] {strides = array<i32>} : memref<16xi32, #tpu.memory_space<vmem>>, vector<16xi32>,
    %get3A_2 = vector.shape_cast %get3A_1 : vector<16xi32> to vector<16xi32>
    %slice3A = vector.extract_strided_slice %get3A_2 {offsets = [0], sizes = [1], strides = [1]} : vector<16xi32> to vector<1xi32>
    %squeeze3A = vector.extract %slice3A[0] : i32 from vector<1xi32>
    %slice3A_3 = vector.extract_strided_slice %get3A_2 {offsets = [1], sizes = [1], strides = [1]} : vector<16xi32> to vector<1xi32>
    %squeeze3A_4 = vector.extract %slice3A_3[0] : i32 from vector<1xi32>
    %mul3A_5 = arith.constant 128 : i32
    %mul3A_6 = arith.muli %arg1, %mul3A_5 : i32
    %mul3A_7 = arith.constant 128 : i32
    %mul3A_8 = arith.muli %arg1, %mul3A_7 : i32
    "tpu.region"() ({
      %run_scoped3A = tpu.sem_alloc : memref<!tpu.dma_semaphore, #tpu.memory_space<semaphore_mem>>
      %dma_start3A = arith.constant 0 : i32
      %dma_start3A_24 = tpu.memref_slice %arg7[%mul3A_8, %dma_start3A] : memref<2056x128xf32, #tpu.memory_space<vmem_shared>> -> memref<128x128xf32, #tpu.memory_space<vmem_shared>>
      %dma_start3A_25 = arith.constant 0 : i32
      %dma_start3A_26 = tpu.memref_slice %arg4[%mul3A_6, %dma_start3A_25] : memref<2056x128xf32, #tpu.memory_space<hbm>> -> memref<128x128xf32, #tpu.memory_space<hbm>>
      tpu.enqueue_dma source(%dma_start3A_26 : memref<128x128xf32, #tpu.memory_space<hbm>>) target(%dma_start3A_24 : memref<128x128xf32, #tpu.memory_space<vmem_shared>>) target_semaphore(%run_scoped3A : memref<!tpu.dma_semaphore, #tpu.memory_space<semaphore_mem>>)
      %dma_wait3A = arith.constant 0 : i32
      %dma_wait3A_27 = tpu.memref_slice %arg7[%mul3A_8, %dma_wait3A] : memref<2056x128xf32, #tpu.memory_space<vmem_shared>> -> memref<128x128xf32, #tpu.memory_space<vmem_shared>>
      %dma_wait3A_28 = arith.constant 0 : i32
      %dma_wait3A_29 = tpu.memref_slice %arg4[%mul3A_6, %dma_wait3A_28] : memref<2056x128xf32, #tpu.memory_space<hbm>> -> memref<128x128xf32, #tpu.memory_space<hbm>>
      tpu.wait_dma2 semaphore(%run_scoped3A : memref<!tpu.dma_semaphore, #tpu.memory_space<semaphore_mem>>) src(%dma_wait3A_29 : memref<128x128xf32, #tpu.memory_space<hbm>>) dst(%dma_wait3A_27 : memref<128x128xf32, #tpu.memory_space<vmem_shared>>)
      tpu.yield
    }) : () -> ()
    %eq3A = arith.constant 0 : i32
    %eq3A_9 = arith.cmpi eq, %arg1, %eq3A : i32
    %convert_element_type3A = arith.extui %eq3A_9 : i1 to i32
    %cond3A = arith.constant 0 : i32
    %cond3A_10 = arith.cmpi ne, %convert_element_type3A, %cond3A : i32
    scf.if %cond3A_10 {
      "tpu.region"() ({
        %run_scoped3A = tpu.sem_alloc : memref<!tpu.dma_semaphore, #tpu.memory_space<semaphore_mem>>
        %dma_start3A = arith.constant 2048 : i32
        %dma_start3A_24 = arith.constant 0 : i32
        %dma_start3A_25 = tpu.memref_slice %arg7[%dma_start3A, %dma_start3A_24] : memref<2056x128xf32, #tpu.memory_space<vmem_shared>> -> memref<8x128xf32, #tpu.memory_space<vmem_shared>>
        %dma_start3A_26 = arith.constant 2048 : i32
        %dma_start3A_27 = arith.constant 0 : i32
        %dma_start3A_28 = tpu.memref_slice %arg4[%dma_start3A_26, %dma_start3A_27] : memref<2056x128xf32, #tpu.memory_space<hbm>> -> memref<8x128xf32, #tpu.memory_space<hbm>>
        tpu.enqueue_dma source(%dma_start3A_28 : memref<8x128xf32, #tpu.memory_space<hbm>>) target(%dma_start3A_25 : memref<8x128xf32, #tpu.memory_space<vmem_shared>>) target_semaphore(%run_scoped3A : memref<!tpu.dma_semaphore, #tpu.memory_space<semaphore_mem>>)
        %dma_wait3A = arith.constant 2048 : i32
        %dma_wait3A_29 = arith.constant 0 : i32
        %dma_wait3A_30 = tpu.memref_slice %arg7[%dma_wait3A, %dma_wait3A_29] : memref<2056x128xf32, #tpu.memory_space<vmem_shared>> -> memref<8x128xf32, #tpu.memory_space<vmem_shared>>
        %dma_wait3A_31 = arith.constant 2048 : i32
        %dma_wait3A_32 = arith.constant 0 : i32
        %dma_wait3A_33 = tpu.memref_slice %arg4[%dma_wait3A_31, %dma_wait3A_32] : memref<2056x128xf32, #tpu.memory_space<hbm>> -> memref<8x128xf32, #tpu.memory_space<hbm>>
        tpu.wait_dma2 semaphore(%run_scoped3A : memref<!tpu.dma_semaphore, #tpu.memory_space<semaphore_mem>>) src(%dma_wait3A_33 : memref<8x128xf32, #tpu.memory_space<hbm>>) dst(%dma_wait3A_30 : memref<8x128xf32, #tpu.memory_space<vmem_shared>>)
        tpu.yield
      }) : () -> ()
    } else {
    }
    "tpu.region"() ({
      %run_scoped3A = tpu.sem_alloc : memref<!tpu.dma_semaphore, #tpu.memory_space<semaphore_mem>>
      tpu.enqueue_dma source(%arg5 : memref<128x128xf32, #tpu.memory_space<hbm>>) target(%arg9 : memref<128x128xf32, #tpu.memory_space<vmem>>) target_semaphore(%run_scoped3A : memref<!tpu.dma_semaphore, #tpu.memory_space<semaphore_mem>>)
      tpu.wait_dma2 semaphore(%run_scoped3A : memref<!tpu.dma_semaphore, #tpu.memory_space<semaphore_mem>>) src(%arg5 : memref<128x128xf32, #tpu.memory_space<hbm>>) dst(%arg9 : memref<128x128xf32, #tpu.memory_space<vmem>>)
      tpu.yield
    }) : () -> ()
    %barrier3A = arith.constant 0 : index
    tpu.barrier barrier_id(%barrier3A)
    %while3A = arith.constant 0 : i32
    %while3A_11 = arith.subi %squeeze3A_4, %squeeze3A : i32
    %while3A_12 = arith.addi %squeeze3A, %while3A_11 : i32
    %while3A_13 = arith.constant 1 : i32
    %while3A_14 = arith.divsi %while3A_11, %while3A_13 : i32
    %while3A_15 = arith.muli %while3A_14, %while3A_13 : i32
    %while3A_16 = arith.addi %squeeze3A, %while3A_15 : i32
    %while3A_17 = arith.constant 1 : i32
    scf.for %while3A_24 = %squeeze3A to %while3A_16 step %while3A_17  : i32 {
      %mul3A_25 = arith.constant 128 : i32
      %mul3A_26 = arith.muli %while3A_24, %mul3A_25 : i32
      "tpu.region"() ({
        %run_scoped3A = tpu.sem_alloc : memref<!tpu.dma_semaphore, #tpu.memory_space<semaphore_mem>>
        %dma_start3A = tpu.memref_slice %arg2[%mul3A_26] : memref<69760xi32, #tpu.memory_space<hbm>> -> memref<128xi32, #tpu.memory_space<hbm>>
        %dma_start3A_27 = tpu.memref_slice %arg2[%mul3A_26] : memref<69760xi32, #tpu.memory_space<hbm>> -> memref<128xi32, #tpu.memory_space<hbm>>
        tpu.enqueue_dma source(%dma_start3A_27 : memref<128xi32, #tpu.memory_space<hbm>>) target(%arg8 : memref<128xi32, #tpu.memory_space<vmem>>) target_semaphore(%run_scoped3A : memref<!tpu.dma_semaphore, #tpu.memory_space<semaphore_mem>>)
        %dma_wait3A = tpu.memref_slice %arg2[%mul3A_26] : memref<69760xi32, #tpu.memory_space<hbm>> -> memref<128xi32, #tpu.memory_space<hbm>>
        %dma_wait3A_28 = tpu.memref_slice %arg2[%mul3A_26] : memref<69760xi32, #tpu.memory_space<hbm>> -> memref<128xi32, #tpu.memory_space<hbm>>
        tpu.wait_dma2 semaphore(%run_scoped3A : memref<!tpu.dma_semaphore, #tpu.memory_space<semaphore_mem>>) src(%dma_wait3A_28 : memref<128xi32, #tpu.memory_space<hbm>>) dst(%arg8 : memref<128xi32, #tpu.memory_space<vmem>>)
        tpu.yield
      }) : () -> ()
      "tpu.region"() ({
        %run_scoped3A = tpu.sem_alloc : memref<!tpu.dma_semaphore, #tpu.memory_space<semaphore_mem>>
        %dma_start3A = arith.constant 0 : i32
        %dma_start3A_27 = arith.constant 0 : i32
        %dma_start3A_28 = tpu.memref_slice %arg7[%dma_start3A, %dma_start3A_27] : memref<2056x128xf32, #tpu.memory_space<vmem_shared>> -> memref<2056x128xf32, #tpu.memory_space<vmem_shared>>
        tpu.enqueue_indirect_dma source(%arg9 : memref<128x128xf32, #tpu.memory_space<vmem>>) target(%dma_start3A_28 : memref<2056x128xf32, #tpu.memory_space<vmem_shared>>) offsets(%arg8 : memref<128xi32, #tpu.memory_space<vmem>>) semaphore(%run_scoped3A : memref<!tpu.dma_semaphore, #tpu.memory_space<semaphore_mem>>) {add = true}
        %dma_wait3A = arith.constant 0 : i32
        %dma_wait3A_29 = arith.constant 0 : i32
        %dma_wait3A_30 = tpu.memref_slice %arg7[%dma_wait3A, %dma_wait3A_29] : memref<2056x128xf32, #tpu.memory_space<vmem_shared>> -> memref<2056x128xf32, #tpu.memory_space<vmem_shared>>
        tpu.wait_indirect_dma semaphore(%run_scoped3A : memref<!tpu.dma_semaphore, #tpu.memory_space<semaphore_mem>>) src(%arg9 : memref<128x128xf32, #tpu.memory_space<vmem>>) dst(%dma_wait3A_30 : memref<2056x128xf32, #tpu.memory_space<vmem_shared>>)
        tpu.yield
      }) : () -> ()
    }
    %while3A_18 = arith.constant 1 : i32
    scf.for %while3A_24 = %while3A_16 to %while3A_12 step %while3A_18  : i32 {
      %mul3A_25 = arith.constant 128 : i32
      %mul3A_26 = arith.muli %while3A_24, %mul3A_25 : i32
      "tpu.region"() ({
        %run_scoped3A = tpu.sem_alloc : memref<!tpu.dma_semaphore, #tpu.memory_space<semaphore_mem>>
        %dma_start3A = tpu.memref_slice %arg2[%mul3A_26] : memref<69760xi32, #tpu.memory_space<hbm>> -> memref<128xi32, #tpu.memory_space<hbm>>
        %dma_start3A_27 = tpu.memref_slice %arg2[%mul3A_26] : memref<69760xi32, #tpu.memory_space<hbm>> -> memref<128xi32, #tpu.memory_space<hbm>>
        tpu.enqueue_dma source(%dma_start3A_27 : memref<128xi32, #tpu.memory_space<hbm>>) target(%arg8 : memref<128xi32, #tpu.memory_space<vmem>>) target_semaphore(%run_scoped3A : memref<!tpu.dma_semaphore, #tpu.memory_space<semaphore_mem>>)
        %dma_wait3A = tpu.memref_slice %arg2[%mul3A_26] : memref<69760xi32, #tpu.memory_space<hbm>> -> memref<128xi32, #tpu.memory_space<hbm>>
        %dma_wait3A_28 = tpu.memref_slice %arg2[%mul3A_26] : memref<69760xi32, #tpu.memory_space<hbm>> -> memref<128xi32, #tpu.memory_space<hbm>>
        tpu.wait_dma2 semaphore(%run_scoped3A : memref<!tpu.dma_semaphore, #tpu.memory_space<semaphore_mem>>) src(%dma_wait3A_28 : memref<128xi32, #tpu.memory_space<hbm>>) dst(%arg8 : memref<128xi32, #tpu.memory_space<vmem>>)
        tpu.yield
      }) : () -> ()
      "tpu.region"() ({
        %run_scoped3A = tpu.sem_alloc : memref<!tpu.dma_semaphore, #tpu.memory_space<semaphore_mem>>
        %dma_start3A = arith.constant 0 : i32
        %dma_start3A_27 = arith.constant 0 : i32
        %dma_start3A_28 = tpu.memref_slice %arg7[%dma_start3A, %dma_start3A_27] : memref<2056x128xf32, #tpu.memory_space<vmem_shared>> -> memref<2056x128xf32, #tpu.memory_space<vmem_shared>>
        tpu.enqueue_indirect_dma source(%arg9 : memref<128x128xf32, #tpu.memory_space<vmem>>) target(%dma_start3A_28 : memref<2056x128xf32, #tpu.memory_space<vmem_shared>>) offsets(%arg8 : memref<128xi32, #tpu.memory_space<vmem>>) semaphore(%run_scoped3A : memref<!tpu.dma_semaphore, #tpu.memory_space<semaphore_mem>>) {add = true}
        %dma_wait3A = arith.constant 0 : i32
        %dma_wait3A_29 = arith.constant 0 : i32
        %dma_wait3A_30 = tpu.memref_slice %arg7[%dma_wait3A, %dma_wait3A_29] : memref<2056x128xf32, #tpu.memory_space<vmem_shared>> -> memref<2056x128xf32, #tpu.memory_space<vmem_shared>>
        tpu.wait_indirect_dma semaphore(%run_scoped3A : memref<!tpu.dma_semaphore, #tpu.memory_space<semaphore_mem>>) src(%arg9 : memref<128x128xf32, #tpu.memory_space<vmem>>) dst(%dma_wait3A_30 : memref<2056x128xf32, #tpu.memory_space<vmem_shared>>)
        tpu.yield
      }) : () -> ()
    }
    %barrier3A_19 = arith.constant 0 : index
    tpu.barrier barrier_id(%barrier3A_19)
    %mul3A_20 = arith.constant 128 : i32
    %mul3A_21 = arith.muli %arg1, %mul3A_20 : i32
    %mul3A_22 = arith.constant 128 : i32
    %mul3A_23 = arith.muli %add3A, %mul3A_22 : i32
    "tpu.region"() ({
      %run_scoped3A = tpu.sem_alloc : memref<!tpu.dma_semaphore, #tpu.memory_space<semaphore_mem>>
      %dma_start3A = arith.constant 0 : i32
      %dma_start3A_24 = tpu.memref_slice %arg6[%mul3A_23, %dma_start3A] : memref<4096x128xf32, #tpu.memory_space<hbm>> -> memref<128x128xf32, #tpu.memory_space<hbm>>
      %dma_start3A_25 = arith.constant 0 : i32
      %dma_start3A_26 = tpu.memref_slice %arg7[%mul3A_21, %dma_start3A_25] : memref<2056x128xf32, #tpu.memory_space<vmem_shared>> -> memref<128x128xf32, #tpu.memory_space<vmem_shared>>
      tpu.enqueue_dma source(%dma_start3A_26 : memref<128x128xf32, #tpu.memory_space<vmem_shared>>) target(%dma_start3A_24 : memref<128x128xf32, #tpu.memory_space<hbm>>) target_semaphore(%run_scoped3A : memref<!tpu.dma_semaphore, #tpu.memory_space<semaphore_mem>>)
      %dma_wait3A = arith.constant 0 : i32
      %dma_wait3A_27 = tpu.memref_slice %arg6[%mul3A_23, %dma_wait3A] : memref<4096x128xf32, #tpu.memory_space<hbm>> -> memref<128x128xf32, #tpu.memory_space<hbm>>
      %dma_wait3A_28 = arith.constant 0 : i32
      %dma_wait3A_29 = tpu.memref_slice %arg7[%mul3A_21, %dma_wait3A_28] : memref<2056x128xf32, #tpu.memory_space<vmem_shared>> -> memref<128x128xf32, #tpu.memory_space<vmem_shared>>
      tpu.wait_dma2 semaphore(%run_scoped3A : memref<!tpu.dma_semaphore, #tpu.memory_space<semaphore_mem>>) src(%dma_wait3A_29 : memref<128x128xf32, #tpu.memory_space<vmem_shared>>) dst(%dma_wait3A_27 : memref<128x128xf32, #tpu.memory_space<hbm>>)
      tpu.yield
    }) : () -> ()
    return
  }
}

#map = affine_map<(d0, d1) -> (0, 0)>
#map1 = affine_map<(d0, d1) -> (0)>
module attributes {stable_mosaic.version = 14 : i64} {
  func.func @body(%arg0: i32, %arg1: i32, %arg2: memref<4096x128xf32, #tpu.memory_space<hbm>>, %arg3: memref<69760xi32, #tpu.memory_space<hbm>>, %arg4: memref<69760xi32, #tpu.memory_space<hbm>>, %arg5: memref<32x16xi32, #tpu.memory_space<hbm>>, %arg6: memref<4096xf32, #tpu.memory_space<hbm>>, %arg7: memref<2056x128xf32, #tpu.memory_space<hbm>>, %arg8: memref<4096x128xf32, #tpu.memory_space<hbm>>, %arg9: memref<2056x128xf32, #tpu.memory_space<vmem_shared>>, %arg10: memref<128xi32, #tpu.memory_space<vmem>>, %arg11: memref<128xi32, #tpu.memory_space<vmem>>, %arg12: memref<128x128xf32, #tpu.memory_space<vmem>>, %arg13: memref<128x128xf32, #tpu.memory_space<vmem>>, %arg14: memref<16xi32, #tpu.memory_space<vmem>>, %arg15: memref<128xf32, #tpu.memory_space<vmem>>, %arg16: memref<!tpu.dma_semaphore, #tpu.memory_space<semaphore_mem>>) attributes {dimension_semantics = [#tpu.dimension_semantics<core_parallel>, #tpu.dimension_semantics<subcore_parallel>], iteration_bounds = array<i64: 2, 16>, scalar_prefetch = 0 : i64, scratch_operands = 8 : i64, tpu.core_type = #tpu.core_type<sc_vector_subcore>, window_params = [{transform_indices = #map}, {transform_indices = #map1}, {transform_indices = #map1}, {transform_indices = #map}, {transform_indices = #map1}, {transform_indices = #map}, {transform_indices = #map}]} {
    %mul3A = arith.constant 16 : i32
    %mul3A_0 = arith.muli %arg0, %mul3A : i32
    %add3A = arith.addi %mul3A_0, %arg1 : i32
    "tpu.region"() ({
      %run_scoped3A = tpu.sem_alloc : memref<!tpu.dma_semaphore, #tpu.memory_space<semaphore_mem>>
      %dma_start3A = arith.constant 0 : i32
      %dma_start3A_31 = tpu.memref_slice %arg5[%add3A, %dma_start3A] : memref<32x16xi32, #tpu.memory_space<hbm>> -> memref<1x16xi32, #tpu.memory_space<hbm>>
      %dma_start3A_32 = tpu.memref_squeeze %dma_start3A_31 : memref<1x16xi32, #tpu.memory_space<hbm>> -> memref<16xi32, #tpu.memory_space<hbm>>
      %dma_start3A_33 = arith.constant 0 : i32
      %dma_start3A_34 = tpu.memref_slice %arg5[%add3A, %dma_start3A_33] : memref<32x16xi32, #tpu.memory_space<hbm>> -> memref<1x16xi32, #tpu.memory_space<hbm>>
      %dma_start3A_35 = tpu.memref_squeeze %dma_start3A_34 : memref<1x16xi32, #tpu.memory_space<hbm>> -> memref<16xi32, #tpu.memory_space<hbm>>
      tpu.enqueue_dma source(%dma_start3A_35 : memref<16xi32, #tpu.memory_space<hbm>>) target(%arg14 : memref<16xi32, #tpu.memory_space<vmem>>) target_semaphore(%run_scoped3A : memref<!tpu.dma_semaphore, #tpu.memory_space<semaphore_mem>>)
      %dma_wait3A = arith.constant 0 : i32
      %dma_wait3A_36 = tpu.memref_slice %arg5[%add3A, %dma_wait3A] : memref<32x16xi32, #tpu.memory_space<hbm>> -> memref<1x16xi32, #tpu.memory_space<hbm>>
      %dma_wait3A_37 = tpu.memref_squeeze %dma_wait3A_36 : memref<1x16xi32, #tpu.memory_space<hbm>> -> memref<16xi32, #tpu.memory_space<hbm>>
      %dma_wait3A_38 = arith.constant 0 : i32
      %dma_wait3A_39 = tpu.memref_slice %arg5[%add3A, %dma_wait3A_38] : memref<32x16xi32, #tpu.memory_space<hbm>> -> memref<1x16xi32, #tpu.memory_space<hbm>>
      %dma_wait3A_40 = tpu.memref_squeeze %dma_wait3A_39 : memref<1x16xi32, #tpu.memory_space<hbm>> -> memref<16xi32, #tpu.memory_space<hbm>>
      tpu.wait_dma2 semaphore(%run_scoped3A : memref<!tpu.dma_semaphore, #tpu.memory_space<semaphore_mem>>) src(%dma_wait3A_40 : memref<16xi32, #tpu.memory_space<hbm>>) dst(%arg14 : memref<16xi32, #tpu.memory_space<vmem>>)
      tpu.yield
    }) : () -> ()
    %get3A = arith.constant 0 : index
    %get3A_1 = tpu.vector_load %arg14[%get3A] {strides = array<i32>} : memref<16xi32, #tpu.memory_space<vmem>>, vector<16xi32>,
    %get3A_2 = vector.shape_cast %get3A_1 : vector<16xi32> to vector<16xi32>
    %slice3A = vector.extract_strided_slice %get3A_2 {offsets = [0], sizes = [1], strides = [1]} : vector<16xi32> to vector<1xi32>
    %squeeze3A = vector.extract %slice3A[0] : i32 from vector<1xi32>
    %slice3A_3 = vector.extract_strided_slice %get3A_2 {offsets = [1], sizes = [1], strides = [1]} : vector<16xi32> to vector<1xi32>
    %squeeze3A_4 = vector.extract %slice3A_3[0] : i32 from vector<1xi32>
    %mul3A_5 = arith.constant 128 : i32
    %mul3A_6 = arith.muli %arg1, %mul3A_5 : i32
    %mul3A_7 = arith.constant 128 : i32
    %mul3A_8 = arith.muli %arg1, %mul3A_7 : i32
    "tpu.region"() ({
      %run_scoped3A = tpu.sem_alloc : memref<!tpu.dma_semaphore, #tpu.memory_space<semaphore_mem>>
      %dma_start3A = arith.constant 0 : i32
      %dma_start3A_31 = tpu.memref_slice %arg9[%mul3A_8, %dma_start3A] : memref<2056x128xf32, #tpu.memory_space<vmem_shared>> -> memref<128x128xf32, #tpu.memory_space<vmem_shared>>
      %dma_start3A_32 = arith.constant 0 : i32
      %dma_start3A_33 = tpu.memref_slice %arg7[%mul3A_6, %dma_start3A_32] : memref<2056x128xf32, #tpu.memory_space<hbm>> -> memref<128x128xf32, #tpu.memory_space<hbm>>
      tpu.enqueue_dma source(%dma_start3A_33 : memref<128x128xf32, #tpu.memory_space<hbm>>) target(%dma_start3A_31 : memref<128x128xf32, #tpu.memory_space<vmem_shared>>) target_semaphore(%run_scoped3A : memref<!tpu.dma_semaphore, #tpu.memory_space<semaphore_mem>>)
      %dma_wait3A = arith.constant 0 : i32
      %dma_wait3A_34 = tpu.memref_slice %arg9[%mul3A_8, %dma_wait3A] : memref<2056x128xf32, #tpu.memory_space<vmem_shared>> -> memref<128x128xf32, #tpu.memory_space<vmem_shared>>
      %dma_wait3A_35 = arith.constant 0 : i32
      %dma_wait3A_36 = tpu.memref_slice %arg7[%mul3A_6, %dma_wait3A_35] : memref<2056x128xf32, #tpu.memory_space<hbm>> -> memref<128x128xf32, #tpu.memory_space<hbm>>
      tpu.wait_dma2 semaphore(%run_scoped3A : memref<!tpu.dma_semaphore, #tpu.memory_space<semaphore_mem>>) src(%dma_wait3A_36 : memref<128x128xf32, #tpu.memory_space<hbm>>) dst(%dma_wait3A_34 : memref<128x128xf32, #tpu.memory_space<vmem_shared>>)
      tpu.yield
    }) : () -> ()
    %eq3A = arith.constant 0 : i32
    %eq3A_9 = arith.cmpi eq, %arg1, %eq3A : i32
    %convert_element_type3A = arith.extui %eq3A_9 : i1 to i32
    %cond3A = arith.constant 0 : i32
    %cond3A_10 = arith.cmpi ne, %convert_element_type3A, %cond3A : i32
    scf.if %cond3A_10 {
      "tpu.region"() ({
        %run_scoped3A = tpu.sem_alloc : memref<!tpu.dma_semaphore, #tpu.memory_space<semaphore_mem>>
        %dma_start3A = arith.constant 2048 : i32
        %dma_start3A_31 = arith.constant 0 : i32
        %dma_start3A_32 = tpu.memref_slice %arg9[%dma_start3A, %dma_start3A_31] : memref<2056x128xf32, #tpu.memory_space<vmem_shared>> -> memref<8x128xf32, #tpu.memory_space<vmem_shared>>
        %dma_start3A_33 = arith.constant 2048 : i32
        %dma_start3A_34 = arith.constant 0 : i32
        %dma_start3A_35 = tpu.memref_slice %arg7[%dma_start3A_33, %dma_start3A_34] : memref<2056x128xf32, #tpu.memory_space<hbm>> -> memref<8x128xf32, #tpu.memory_space<hbm>>
        tpu.enqueue_dma source(%dma_start3A_35 : memref<8x128xf32, #tpu.memory_space<hbm>>) target(%dma_start3A_32 : memref<8x128xf32, #tpu.memory_space<vmem_shared>>) target_semaphore(%run_scoped3A : memref<!tpu.dma_semaphore, #tpu.memory_space<semaphore_mem>>)
        %dma_wait3A = arith.constant 2048 : i32
        %dma_wait3A_36 = arith.constant 0 : i32
        %dma_wait3A_37 = tpu.memref_slice %arg9[%dma_wait3A, %dma_wait3A_36] : memref<2056x128xf32, #tpu.memory_space<vmem_shared>> -> memref<8x128xf32, #tpu.memory_space<vmem_shared>>
        %dma_wait3A_38 = arith.constant 2048 : i32
        %dma_wait3A_39 = arith.constant 0 : i32
        %dma_wait3A_40 = tpu.memref_slice %arg7[%dma_wait3A_38, %dma_wait3A_39] : memref<2056x128xf32, #tpu.memory_space<hbm>> -> memref<8x128xf32, #tpu.memory_space<hbm>>
        tpu.wait_dma2 semaphore(%run_scoped3A : memref<!tpu.dma_semaphore, #tpu.memory_space<semaphore_mem>>) src(%dma_wait3A_40 : memref<8x128xf32, #tpu.memory_space<hbm>>) dst(%dma_wait3A_37 : memref<8x128xf32, #tpu.memory_space<vmem_shared>>)
        tpu.yield
      }) : () -> ()
    } else {
    }
    %mul3A_11 = arith.constant 128 : i32
    %mul3A_12 = arith.muli %add3A, %mul3A_11 : i32
    "tpu.region"() ({
      %run_scoped3A = tpu.sem_alloc : memref<!tpu.dma_semaphore, #tpu.memory_space<semaphore_mem>>
      %dma_start3A = tpu.memref_slice %arg6[%mul3A_12] : memref<4096xf32, #tpu.memory_space<hbm>> -> memref<128xf32, #tpu.memory_space<hbm>>
      %dma_start3A_31 = tpu.memref_slice %arg6[%mul3A_12] : memref<4096xf32, #tpu.memory_space<hbm>> -> memref<128xf32, #tpu.memory_space<hbm>>
      tpu.enqueue_dma source(%dma_start3A_31 : memref<128xf32, #tpu.memory_space<hbm>>) target(%arg15 : memref<128xf32, #tpu.memory_space<vmem>>) target_semaphore(%run_scoped3A : memref<!tpu.dma_semaphore, #tpu.memory_space<semaphore_mem>>)
      %dma_wait3A = tpu.memref_slice %arg6[%mul3A_12] : memref<4096xf32, #tpu.memory_space<hbm>> -> memref<128xf32, #tpu.memory_space<hbm>>
      %dma_wait3A_32 = tpu.memref_slice %arg6[%mul3A_12] : memref<4096xf32, #tpu.memory_space<hbm>> -> memref<128xf32, #tpu.memory_space<hbm>>
      tpu.wait_dma2 semaphore(%run_scoped3A : memref<!tpu.dma_semaphore, #tpu.memory_space<semaphore_mem>>) src(%dma_wait3A_32 : memref<128xf32, #tpu.memory_space<hbm>>) dst(%arg15 : memref<128xf32, #tpu.memory_space<vmem>>)
      tpu.yield
    }) : () -> ()
    %barrier3A = arith.constant 0 : index
    tpu.barrier barrier_id(%barrier3A)
    %while3A = arith.constant 0 : i32
    %while3A_13 = arith.subi %squeeze3A_4, %squeeze3A : i32
    %while3A_14 = arith.addi %squeeze3A, %while3A_13 : i32
    %while3A_15 = arith.constant 1 : i32
    %while3A_16 = arith.divsi %while3A_13, %while3A_15 : i32
    %while3A_17 = arith.muli %while3A_16, %while3A_15 : i32
    %while3A_18 = arith.addi %squeeze3A, %while3A_17 : i32
    %while3A_19 = arith.constant 1 : i32
    scf.for %while3A_31 = %squeeze3A to %while3A_18 step %while3A_19  : i32 {
      %mul3A_32 = arith.constant 128 : i32
      %mul3A_33 = arith.muli %while3A_31, %mul3A_32 : i32
      "tpu.region"() ({
        %run_scoped3A = tpu.sem_alloc : memref<!tpu.dma_semaphore, #tpu.memory_space<semaphore_mem>>
        %dma_start3A_38 = tpu.memref_slice %arg3[%mul3A_33] : memref<69760xi32, #tpu.memory_space<hbm>> -> memref<128xi32, #tpu.memory_space<hbm>>
        %dma_start3A_39 = tpu.memref_slice %arg3[%mul3A_33] : memref<69760xi32, #tpu.memory_space<hbm>> -> memref<128xi32, #tpu.memory_space<hbm>>
        tpu.enqueue_dma source(%dma_start3A_39 : memref<128xi32, #tpu.memory_space<hbm>>) target(%arg10 : memref<128xi32, #tpu.memory_space<vmem>>) target_semaphore(%run_scoped3A : memref<!tpu.dma_semaphore, #tpu.memory_space<semaphore_mem>>)
        %dma_wait3A_40 = tpu.memref_slice %arg3[%mul3A_33] : memref<69760xi32, #tpu.memory_space<hbm>> -> memref<128xi32, #tpu.memory_space<hbm>>
        %dma_wait3A_41 = tpu.memref_slice %arg3[%mul3A_33] : memref<69760xi32, #tpu.memory_space<hbm>> -> memref<128xi32, #tpu.memory_space<hbm>>
        tpu.wait_dma2 semaphore(%run_scoped3A : memref<!tpu.dma_semaphore, #tpu.memory_space<semaphore_mem>>) src(%dma_wait3A_41 : memref<128xi32, #tpu.memory_space<hbm>>) dst(%arg10 : memref<128xi32, #tpu.memory_space<vmem>>)
        tpu.yield
      }) : () -> ()
      "tpu.region"() ({
        %run_scoped3A = tpu.sem_alloc : memref<!tpu.dma_semaphore, #tpu.memory_space<semaphore_mem>>
        %dma_start3A_38 = tpu.memref_slice %arg4[%mul3A_33] : memref<69760xi32, #tpu.memory_space<hbm>> -> memref<128xi32, #tpu.memory_space<hbm>>
        %dma_start3A_39 = tpu.memref_slice %arg4[%mul3A_33] : memref<69760xi32, #tpu.memory_space<hbm>> -> memref<128xi32, #tpu.memory_space<hbm>>
        tpu.enqueue_dma source(%dma_start3A_39 : memref<128xi32, #tpu.memory_space<hbm>>) target(%arg11 : memref<128xi32, #tpu.memory_space<vmem>>) target_semaphore(%run_scoped3A : memref<!tpu.dma_semaphore, #tpu.memory_space<semaphore_mem>>)
        %dma_wait3A_40 = tpu.memref_slice %arg4[%mul3A_33] : memref<69760xi32, #tpu.memory_space<hbm>> -> memref<128xi32, #tpu.memory_space<hbm>>
        %dma_wait3A_41 = tpu.memref_slice %arg4[%mul3A_33] : memref<69760xi32, #tpu.memory_space<hbm>> -> memref<128xi32, #tpu.memory_space<hbm>>
        tpu.wait_dma2 semaphore(%run_scoped3A : memref<!tpu.dma_semaphore, #tpu.memory_space<semaphore_mem>>) src(%dma_wait3A_41 : memref<128xi32, #tpu.memory_space<hbm>>) dst(%arg11 : memref<128xi32, #tpu.memory_space<vmem>>)
        tpu.yield
      }) : () -> ()
      %dma_start3A = arith.constant 0 : i32
      %dma_start3A_34 = arith.constant 0 : i32
      %dma_start3A_35 = tpu.memref_slice %arg2[%dma_start3A, %dma_start3A_34] : memref<4096x128xf32, #tpu.memory_space<hbm>> -> memref<4096x128xf32, #tpu.memory_space<hbm>>
      tpu.enqueue_indirect_dma source(%dma_start3A_35 : memref<4096x128xf32, #tpu.memory_space<hbm>>) target(%arg12 : memref<128x128xf32, #tpu.memory_space<vmem>>) offsets(%arg10 : memref<128xi32, #tpu.memory_space<vmem>>) semaphore(%arg16 : memref<!tpu.dma_semaphore, #tpu.memory_space<semaphore_mem>>)
      %dma_wait3A = arith.constant 0 : i32
      %dma_wait3A_36 = arith.constant 0 : i32
      %dma_wait3A_37 = tpu.memref_slice %arg2[%dma_wait3A, %dma_wait3A_36] : memref<4096x128xf32, #tpu.memory_space<hbm>> -> memref<4096x128xf32, #tpu.memory_space<hbm>>
      tpu.wait_indirect_dma semaphore(%arg16 : memref<!tpu.dma_semaphore, #tpu.memory_space<semaphore_mem>>) src(%dma_wait3A_37 : memref<4096x128xf32, #tpu.memory_space<hbm>>) dst(%arg12 : memref<128x128xf32, #tpu.memory_space<vmem>>)
      "tpu.region"() ({
        %run_scoped3A = tpu.sem_alloc : memref<!tpu.dma_semaphore, #tpu.memory_space<semaphore_mem>>
        %dma_start3A_38 = arith.constant 0 : i32
        %dma_start3A_39 = arith.constant 0 : i32
        %dma_start3A_40 = tpu.memref_slice %arg9[%dma_start3A_38, %dma_start3A_39] : memref<2056x128xf32, #tpu.memory_space<vmem_shared>> -> memref<2056x128xf32, #tpu.memory_space<vmem_shared>>
        tpu.enqueue_indirect_dma source(%arg12 : memref<128x128xf32, #tpu.memory_space<vmem>>) target(%dma_start3A_40 : memref<2056x128xf32, #tpu.memory_space<vmem_shared>>) offsets(%arg11 : memref<128xi32, #tpu.memory_space<vmem>>) semaphore(%run_scoped3A : memref<!tpu.dma_semaphore, #tpu.memory_space<semaphore_mem>>) {add = true}
        %dma_wait3A_41 = arith.constant 0 : i32
        %dma_wait3A_42 = arith.constant 0 : i32
        %dma_wait3A_43 = tpu.memref_slice %arg9[%dma_wait3A_41, %dma_wait3A_42] : memref<2056x128xf32, #tpu.memory_space<vmem_shared>> -> memref<2056x128xf32, #tpu.memory_space<vmem_shared>>
        tpu.wait_indirect_dma semaphore(%run_scoped3A : memref<!tpu.dma_semaphore, #tpu.memory_space<semaphore_mem>>) src(%arg12 : memref<128x128xf32, #tpu.memory_space<vmem>>) dst(%dma_wait3A_43 : memref<2056x128xf32, #tpu.memory_space<vmem_shared>>)
        tpu.yield
      }) : () -> ()
    }
    %while3A_20 = arith.constant 1 : i32
    scf.for %while3A_31 = %while3A_18 to %while3A_14 step %while3A_20  : i32 {
      %mul3A_32 = arith.constant 128 : i32
      %mul3A_33 = arith.muli %while3A_31, %mul3A_32 : i32
      "tpu.region"() ({
        %run_scoped3A = tpu.sem_alloc : memref<!tpu.dma_semaphore, #tpu.memory_space<semaphore_mem>>
        %dma_start3A_38 = tpu.memref_slice %arg3[%mul3A_33] : memref<69760xi32, #tpu.memory_space<hbm>> -> memref<128xi32, #tpu.memory_space<hbm>>
        %dma_start3A_39 = tpu.memref_slice %arg3[%mul3A_33] : memref<69760xi32, #tpu.memory_space<hbm>> -> memref<128xi32, #tpu.memory_space<hbm>>
        tpu.enqueue_dma source(%dma_start3A_39 : memref<128xi32, #tpu.memory_space<hbm>>) target(%arg10 : memref<128xi32, #tpu.memory_space<vmem>>) target_semaphore(%run_scoped3A : memref<!tpu.dma_semaphore, #tpu.memory_space<semaphore_mem>>)
        %dma_wait3A_40 = tpu.memref_slice %arg3[%mul3A_33] : memref<69760xi32, #tpu.memory_space<hbm>> -> memref<128xi32, #tpu.memory_space<hbm>>
        %dma_wait3A_41 = tpu.memref_slice %arg3[%mul3A_33] : memref<69760xi32, #tpu.memory_space<hbm>> -> memref<128xi32, #tpu.memory_space<hbm>>
        tpu.wait_dma2 semaphore(%run_scoped3A : memref<!tpu.dma_semaphore, #tpu.memory_space<semaphore_mem>>) src(%dma_wait3A_41 : memref<128xi32, #tpu.memory_space<hbm>>) dst(%arg10 : memref<128xi32, #tpu.memory_space<vmem>>)
        tpu.yield
      }) : () -> ()
      "tpu.region"() ({
        %run_scoped3A = tpu.sem_alloc : memref<!tpu.dma_semaphore, #tpu.memory_space<semaphore_mem>>
        %dma_start3A_38 = tpu.memref_slice %arg4[%mul3A_33] : memref<69760xi32, #tpu.memory_space<hbm>> -> memref<128xi32, #tpu.memory_space<hbm>>
        %dma_start3A_39 = tpu.memref_slice %arg4[%mul3A_33] : memref<69760xi32, #tpu.memory_space<hbm>> -> memref<128xi32, #tpu.memory_space<hbm>>
        tpu.enqueue_dma source(%dma_start3A_39 : memref<128xi32, #tpu.memory_space<hbm>>) target(%arg11 : memref<128xi32, #tpu.memory_space<vmem>>) target_semaphore(%run_scoped3A : memref<!tpu.dma_semaphore, #tpu.memory_space<semaphore_mem>>)
        %dma_wait3A_40 = tpu.memref_slice %arg4[%mul3A_33] : memref<69760xi32, #tpu.memory_space<hbm>> -> memref<128xi32, #tpu.memory_space<hbm>>
        %dma_wait3A_41 = tpu.memref_slice %arg4[%mul3A_33] : memref<69760xi32, #tpu.memory_space<hbm>> -> memref<128xi32, #tpu.memory_space<hbm>>
        tpu.wait_dma2 semaphore(%run_scoped3A : memref<!tpu.dma_semaphore, #tpu.memory_space<semaphore_mem>>) src(%dma_wait3A_41 : memref<128xi32, #tpu.memory_space<hbm>>) dst(%arg11 : memref<128xi32, #tpu.memory_space<vmem>>)
        tpu.yield
      }) : () -> ()
      %dma_start3A = arith.constant 0 : i32
      %dma_start3A_34 = arith.constant 0 : i32
      %dma_start3A_35 = tpu.memref_slice %arg2[%dma_start3A, %dma_start3A_34] : memref<4096x128xf32, #tpu.memory_space<hbm>> -> memref<4096x128xf32, #tpu.memory_space<hbm>>
      tpu.enqueue_indirect_dma source(%dma_start3A_35 : memref<4096x128xf32, #tpu.memory_space<hbm>>) target(%arg12 : memref<128x128xf32, #tpu.memory_space<vmem>>) offsets(%arg10 : memref<128xi32, #tpu.memory_space<vmem>>) semaphore(%arg16 : memref<!tpu.dma_semaphore, #tpu.memory_space<semaphore_mem>>)
      %dma_wait3A = arith.constant 0 : i32
      %dma_wait3A_36 = arith.constant 0 : i32
      %dma_wait3A_37 = tpu.memref_slice %arg2[%dma_wait3A, %dma_wait3A_36] : memref<4096x128xf32, #tpu.memory_space<hbm>> -> memref<4096x128xf32, #tpu.memory_space<hbm>>
      tpu.wait_indirect_dma semaphore(%arg16 : memref<!tpu.dma_semaphore, #tpu.memory_space<semaphore_mem>>) src(%dma_wait3A_37 : memref<4096x128xf32, #tpu.memory_space<hbm>>) dst(%arg12 : memref<128x128xf32, #tpu.memory_space<vmem>>)
      "tpu.region"() ({
        %run_scoped3A = tpu.sem_alloc : memref<!tpu.dma_semaphore, #tpu.memory_space<semaphore_mem>>
        %dma_start3A_38 = arith.constant 0 : i32
        %dma_start3A_39 = arith.constant 0 : i32
        %dma_start3A_40 = tpu.memref_slice %arg9[%dma_start3A_38, %dma_start3A_39] : memref<2056x128xf32, #tpu.memory_space<vmem_shared>> -> memref<2056x128xf32, #tpu.memory_space<vmem_shared>>
        tpu.enqueue_indirect_dma source(%arg12 : memref<128x128xf32, #tpu.memory_space<vmem>>) target(%dma_start3A_40 : memref<2056x128xf32, #tpu.memory_space<vmem_shared>>) offsets(%arg11 : memref<128xi32, #tpu.memory_space<vmem>>) semaphore(%run_scoped3A : memref<!tpu.dma_semaphore, #tpu.memory_space<semaphore_mem>>) {add = true}
        %dma_wait3A_41 = arith.constant 0 : i32
        %dma_wait3A_42 = arith.constant 0 : i32
        %dma_wait3A_43 = tpu.memref_slice %arg9[%dma_wait3A_41, %dma_wait3A_42] : memref<2056x128xf32, #tpu.memory_space<vmem_shared>> -> memref<2056x128xf32, #tpu.memory_space<vmem_shared>>
        tpu.wait_indirect_dma semaphore(%run_scoped3A : memref<!tpu.dma_semaphore, #tpu.memory_space<semaphore_mem>>) src(%arg12 : memref<128x128xf32, #tpu.memory_space<vmem>>) dst(%dma_wait3A_43 : memref<2056x128xf32, #tpu.memory_space<vmem_shared>>)
        tpu.yield
      }) : () -> ()
    }
    %barrier3A_21 = arith.constant 0 : index
    tpu.barrier barrier_id(%barrier3A_21)
    %mul3A_22 = arith.constant 128 : i32
    %mul3A_23 = arith.muli %arg1, %mul3A_22 : i32
    "tpu.region"() ({
      %run_scoped3A = tpu.sem_alloc : memref<!tpu.dma_semaphore, #tpu.memory_space<semaphore_mem>>
      %dma_start3A = arith.constant 0 : i32
      %dma_start3A_31 = tpu.memref_slice %arg9[%mul3A_23, %dma_start3A] : memref<2056x128xf32, #tpu.memory_space<vmem_shared>> -> memref<128x128xf32, #tpu.memory_space<vmem_shared>>
      %dma_start3A_32 = arith.constant 0 : i32
      %dma_start3A_33 = tpu.memref_slice %arg9[%mul3A_23, %dma_start3A_32] : memref<2056x128xf32, #tpu.memory_space<vmem_shared>> -> memref<128x128xf32, #tpu.memory_space<vmem_shared>>
      tpu.enqueue_dma source(%dma_start3A_33 : memref<128x128xf32, #tpu.memory_space<vmem_shared>>) target(%arg13 : memref<128x128xf32, #tpu.memory_space<vmem>>) target_semaphore(%run_scoped3A : memref<!tpu.dma_semaphore, #tpu.memory_space<semaphore_mem>>)
      %dma_wait3A = arith.constant 0 : i32
      %dma_wait3A_34 = tpu.memref_slice %arg9[%mul3A_23, %dma_wait3A] : memref<2056x128xf32, #tpu.memory_space<vmem_shared>> -> memref<128x128xf32, #tpu.memory_space<vmem_shared>>
      %dma_wait3A_35 = arith.constant 0 : i32
      %dma_wait3A_36 = tpu.memref_slice %arg9[%mul3A_23, %dma_wait3A_35] : memref<2056x128xf32, #tpu.memory_space<vmem_shared>> -> memref<128x128xf32, #tpu.memory_space<vmem_shared>>
      tpu.wait_dma2 semaphore(%run_scoped3A : memref<!tpu.dma_semaphore, #tpu.memory_space<semaphore_mem>>) src(%dma_wait3A_36 : memref<128x128xf32, #tpu.memory_space<vmem_shared>>) dst(%arg13 : memref<128x128xf32, #tpu.memory_space<vmem>>)
      tpu.yield
    }) : () -> ()
    %scan3A = arith.constant 0 : i32
    %scan3A_24 = arith.constant 0 : i32
    %scan3A_25 = arith.constant 8 : i32
    %scan3A_26 = arith.addi %scan3A_24, %scan3A_25 : i32
    %scan3A_27 = arith.constant 1 : i32
    scf.for %scan3A_31 = %scan3A_24 to %scan3A_26 step %scan3A_27  : i32 {
      %mul3A_32 = arith.constant 16 : i32
      %mul3A_33 = arith.muli %scan3A_31, %mul3A_32 : i32
      %get3A_34 = arith.index_cast %mul3A_33 : i32 to index
      %get3A_35 = tpu.vector_load %arg15[%get3A_34] {strides = array<i32>} : memref<128xf32, #tpu.memory_space<vmem>>, vector<16xf32>,
      %get3A_36 = vector.shape_cast %get3A_35 : vector<16xf32> to vector<16xf32>
      %slice3A_37 = vector.extract_strided_slice %get3A_36 {offsets = [0], sizes = [1], strides = [1]} : vector<16xf32> to vector<1xf32>
      %squeeze3A_38 = vector.extract %slice3A_37[0] : f32 from vector<1xf32>
      %broadcast_in_dim3A = vector.broadcast %squeeze3A_38 : f32 to vector<16xf32>
      %mul3A_39 = arith.constant 16 : i32
      %mul3A_40 = arith.muli %scan3A_31, %mul3A_39 : i32
      %add3A_41 = arith.constant 0 : i32
      %add3A_42 = arith.addi %mul3A_40, %add3A_41 : i32
      %get3A_43 = arith.index_cast %add3A_42 : i32 to index
      %get3A_44 = arith.constant 0 : index
      %get3A_45 = tpu.vector_load %arg13[%get3A_43, %get3A_44] {strides = array<i32>} : memref<128x128xf32, #tpu.memory_space<vmem>>, vector<1x16xf32>,
      %get3A_46 = vector.shape_cast %get3A_45 : vector<1x16xf32> to vector<16xf32>
      %mul3A_47 = arith.mulf %get3A_46, %broadcast_in_dim3A : vector<16xf32>
      %swap3A = arith.index_cast %add3A_42 : i32 to index
      %swap3A_48 = arith.constant 0 : index
      %swap3A_49 = tpu.vector_load %arg13[%swap3A, %swap3A_48] {strides = array<i32>} : memref<128x128xf32, #tpu.memory_space<vmem>>, vector<1x16xf32>,
      %swap3A_50 = vector.shape_cast %swap3A_49 : vector<1x16xf32> to vector<16xf32>
      %swap3A_51 = vector.shape_cast %mul3A_47 : vector<16xf32> to vector<1x16xf32>
      tpu.vector_store %arg13[%swap3A, %swap3A_48], %swap3A_51 {strides = array<i32>} : memref<128x128xf32, #tpu.memory_space<vmem>>, vector<1x16xf32>,
      %get3A_52 = arith.index_cast %add3A_42 : i32 to index
      %get3A_53 = arith.constant 16 : index
      %get3A_54 = tpu.vector_load %arg13[%get3A_52, %get3A_53] {strides = array<i32>} : memref<128x128xf32, #tpu.memory_space<vmem>>, vector<1x16xf32>,
      %get3A_55 = vector.shape_cast %get3A_54 : vector<1x16xf32> to vector<16xf32>
      %mul3A_56 = arith.mulf %get3A_55, %broadcast_in_dim3A : vector<16xf32>
      %swap3A_57 = arith.index_cast %add3A_42 : i32 to index
      %swap3A_58 = arith.constant 16 : index
      %swap3A_59 = tpu.vector_load %arg13[%swap3A_57, %swap3A_58] {strides = array<i32>} : memref<128x128xf32, #tpu.memory_space<vmem>>, vector<1x16xf32>,
      %swap3A_60 = vector.shape_cast %swap3A_59 : vector<1x16xf32> to vector<16xf32>
      %swap3A_61 = vector.shape_cast %mul3A_56 : vector<16xf32> to vector<1x16xf32>
      tpu.vector_store %arg13[%swap3A_57, %swap3A_58], %swap3A_61 {strides = array<i32>} : memref<128x128xf32, #tpu.memory_space<vmem>>, vector<1x16xf32>,
      %get3A_62 = arith.index_cast %add3A_42 : i32 to index
      %get3A_63 = arith.constant 32 : index
      %get3A_64 = tpu.vector_load %arg13[%get3A_62, %get3A_63] {strides = array<i32>} : memref<128x128xf32, #tpu.memory_space<vmem>>, vector<1x16xf32>,
      %get3A_65 = vector.shape_cast %get3A_64 : vector<1x16xf32> to vector<16xf32>
      %mul3A_66 = arith.mulf %get3A_65, %broadcast_in_dim3A : vector<16xf32>
      %swap3A_67 = arith.index_cast %add3A_42 : i32 to index
      %swap3A_68 = arith.constant 32 : index
      %swap3A_69 = tpu.vector_load %arg13[%swap3A_67, %swap3A_68] {strides = array<i32>} : memref<128x128xf32, #tpu.memory_space<vmem>>, vector<1x16xf32>,
      %swap3A_70 = vector.shape_cast %swap3A_69 : vector<1x16xf32> to vector<16xf32>
      %swap3A_71 = vector.shape_cast %mul3A_66 : vector<16xf32> to vector<1x16xf32>
      tpu.vector_store %arg13[%swap3A_67, %swap3A_68], %swap3A_71 {strides = array<i32>} : memref<128x128xf32, #tpu.memory_space<vmem>>, vector<1x16xf32>,
      %get3A_72 = arith.index_cast %add3A_42 : i32 to index
      %get3A_73 = arith.constant 48 : index
      %get3A_74 = tpu.vector_load %arg13[%get3A_72, %get3A_73] {strides = array<i32>} : memref<128x128xf32, #tpu.memory_space<vmem>>, vector<1x16xf32>,
      %get3A_75 = vector.shape_cast %get3A_74 : vector<1x16xf32> to vector<16xf32>
      %mul3A_76 = arith.mulf %get3A_75, %broadcast_in_dim3A : vector<16xf32>
      %swap3A_77 = arith.index_cast %add3A_42 : i32 to index
      %swap3A_78 = arith.constant 48 : index
      %swap3A_79 = tpu.vector_load %arg13[%swap3A_77, %swap3A_78] {strides = array<i32>} : memref<128x128xf32, #tpu.memory_space<vmem>>, vector<1x16xf32>,
      %swap3A_80 = vector.shape_cast %swap3A_79 : vector<1x16xf32> to vector<16xf32>
      %swap3A_81 = vector.shape_cast %mul3A_76 : vector<16xf32> to vector<1x16xf32>
      tpu.vector_store %arg13[%swap3A_77, %swap3A_78], %swap3A_81 {strides = array<i32>} : memref<128x128xf32, #tpu.memory_space<vmem>>, vector<1x16xf32>,
      %get3A_82 = arith.index_cast %add3A_42 : i32 to index
      %get3A_83 = arith.constant 64 : index
      %get3A_84 = tpu.vector_load %arg13[%get3A_82, %get3A_83] {strides = array<i32>} : memref<128x128xf32, #tpu.memory_space<vmem>>, vector<1x16xf32>,
      %get3A_85 = vector.shape_cast %get3A_84 : vector<1x16xf32> to vector<16xf32>
      %mul3A_86 = arith.mulf %get3A_85, %broadcast_in_dim3A : vector<16xf32>
      %swap3A_87 = arith.index_cast %add3A_42 : i32 to index
      %swap3A_88 = arith.constant 64 : index
      %swap3A_89 = tpu.vector_load %arg13[%swap3A_87, %swap3A_88] {strides = array<i32>} : memref<128x128xf32, #tpu.memory_space<vmem>>, vector<1x16xf32>,
      %swap3A_90 = vector.shape_cast %swap3A_89 : vector<1x16xf32> to vector<16xf32>
      %swap3A_91 = vector.shape_cast %mul3A_86 : vector<16xf32> to vector<1x16xf32>
      tpu.vector_store %arg13[%swap3A_87, %swap3A_88], %swap3A_91 {strides = array<i32>} : memref<128x128xf32, #tpu.memory_space<vmem>>, vector<1x16xf32>,
      %get3A_92 = arith.index_cast %add3A_42 : i32 to index
      %get3A_93 = arith.constant 80 : index
      %get3A_94 = tpu.vector_load %arg13[%get3A_92, %get3A_93] {strides = array<i32>} : memref<128x128xf32, #tpu.memory_space<vmem>>, vector<1x16xf32>,
      %get3A_95 = vector.shape_cast %get3A_94 : vector<1x16xf32> to vector<16xf32>
      %mul3A_96 = arith.mulf %get3A_95, %broadcast_in_dim3A : vector<16xf32>
      %swap3A_97 = arith.index_cast %add3A_42 : i32 to index
      %swap3A_98 = arith.constant 80 : index
      %swap3A_99 = tpu.vector_load %arg13[%swap3A_97, %swap3A_98] {strides = array<i32>} : memref<128x128xf32, #tpu.memory_space<vmem>>, vector<1x16xf32>,
      %swap3A_100 = vector.shape_cast %swap3A_99 : vector<1x16xf32> to vector<16xf32>
      %swap3A_101 = vector.shape_cast %mul3A_96 : vector<16xf32> to vector<1x16xf32>
      tpu.vector_store %arg13[%swap3A_97, %swap3A_98], %swap3A_101 {strides = array<i32>} : memref<128x128xf32, #tpu.memory_space<vmem>>, vector<1x16xf32>,
      %get3A_102 = arith.index_cast %add3A_42 : i32 to index
      %get3A_103 = arith.constant 96 : index
      %get3A_104 = tpu.vector_load %arg13[%get3A_102, %get3A_103] {strides = array<i32>} : memref<128x128xf32, #tpu.memory_space<vmem>>, vector<1x16xf32>,
      %get3A_105 = vector.shape_cast %get3A_104 : vector<1x16xf32> to vector<16xf32>
      %mul3A_106 = arith.mulf %get3A_105, %broadcast_in_dim3A : vector<16xf32>
      %swap3A_107 = arith.index_cast %add3A_42 : i32 to index
      %swap3A_108 = arith.constant 96 : index
      %swap3A_109 = tpu.vector_load %arg13[%swap3A_107, %swap3A_108] {strides = array<i32>} : memref<128x128xf32, #tpu.memory_space<vmem>>, vector<1x16xf32>,
      %swap3A_110 = vector.shape_cast %swap3A_109 : vector<1x16xf32> to vector<16xf32>
      %swap3A_111 = vector.shape_cast %mul3A_106 : vector<16xf32> to vector<1x16xf32>
      tpu.vector_store %arg13[%swap3A_107, %swap3A_108], %swap3A_111 {strides = array<i32>} : memref<128x128xf32, #tpu.memory_space<vmem>>, vector<1x16xf32>,
      %get3A_112 = arith.index_cast %add3A_42 : i32 to index
      %get3A_113 = arith.constant 112 : index
      %get3A_114 = tpu.vector_load %arg13[%get3A_112, %get3A_113] {strides = array<i32>} : memref<128x128xf32, #tpu.memory_space<vmem>>, vector<1x16xf32>,
      %get3A_115 = vector.shape_cast %get3A_114 : vector<1x16xf32> to vector<16xf32>
      %mul3A_116 = arith.mulf %get3A_115, %broadcast_in_dim3A : vector<16xf32>
      %swap3A_117 = arith.index_cast %add3A_42 : i32 to index
      %swap3A_118 = arith.constant 112 : index
      %swap3A_119 = tpu.vector_load %arg13[%swap3A_117, %swap3A_118] {strides = array<i32>} : memref<128x128xf32, #tpu.memory_space<vmem>>, vector<1x16xf32>,
      %swap3A_120 = vector.shape_cast %swap3A_119 : vector<1x16xf32> to vector<16xf32>
      %swap3A_121 = vector.shape_cast %mul3A_116 : vector<16xf32> to vector<1x16xf32>
      tpu.vector_store %arg13[%swap3A_117, %swap3A_118], %swap3A_121 {strides = array<i32>} : memref<128x128xf32, #tpu.memory_space<vmem>>, vector<1x16xf32>,
      %slice3A_122 = vector.extract_strided_slice %get3A_36 {offsets = [1], sizes = [1], strides = [1]} : vector<16xf32> to vector<1xf32>
      %squeeze3A_123 = vector.extract %slice3A_122[0] : f32 from vector<1xf32>
      %broadcast_in_dim3A_124 = vector.broadcast %squeeze3A_123 : f32 to vector<16xf32>
      %mul3A_125 = arith.constant 16 : i32
      %mul3A_126 = arith.muli %scan3A_31, %mul3A_125 : i32
      %add3A_127 = arith.constant 1 : i32
      %add3A_128 = arith.addi %mul3A_126, %add3A_127 : i32
      %get3A_129 = arith.index_cast %add3A_128 : i32 to index
      %get3A_130 = arith.constant 0 : index
      %get3A_131 = tpu.vector_load %arg13[%get3A_129, %get3A_130] {strides = array<i32>} : memref<128x128xf32, #tpu.memory_space<vmem>>, vector<1x16xf32>,
      %get3A_132 = vector.shape_cast %get3A_131 : vector<1x16xf32> to vector<16xf32>
      %mul3A_133 = arith.mulf %get3A_132, %broadcast_in_dim3A_124 : vector<16xf32>
      %swap3A_134 = arith.index_cast %add3A_128 : i32 to index
      %swap3A_135 = arith.constant 0 : index
      %swap3A_136 = tpu.vector_load %arg13[%swap3A_134, %swap3A_135] {strides = array<i32>} : memref<128x128xf32, #tpu.memory_space<vmem>>, vector<1x16xf32>,
      %swap3A_137 = vector.shape_cast %swap3A_136 : vector<1x16xf32> to vector<16xf32>
      %swap3A_138 = vector.shape_cast %mul3A_133 : vector<16xf32> to vector<1x16xf32>
      tpu.vector_store %arg13[%swap3A_134, %swap3A_135], %swap3A_138 {strides = array<i32>} : memref<128x128xf32, #tpu.memory_space<vmem>>, vector<1x16xf32>,
      %get3A_139 = arith.index_cast %add3A_128 : i32 to index
      %get3A_140 = arith.constant 16 : index
      %get3A_141 = tpu.vector_load %arg13[%get3A_139, %get3A_140] {strides = array<i32>} : memref<128x128xf32, #tpu.memory_space<vmem>>, vector<1x16xf32>,
      %get3A_142 = vector.shape_cast %get3A_141 : vector<1x16xf32> to vector<16xf32>
      %mul3A_143 = arith.mulf %get3A_142, %broadcast_in_dim3A_124 : vector<16xf32>
      %swap3A_144 = arith.index_cast %add3A_128 : i32 to index
      %swap3A_145 = arith.constant 16 : index
      %swap3A_146 = tpu.vector_load %arg13[%swap3A_144, %swap3A_145] {strides = array<i32>} : memref<128x128xf32, #tpu.memory_space<vmem>>, vector<1x16xf32>,
      %swap3A_147 = vector.shape_cast %swap3A_146 : vector<1x16xf32> to vector<16xf32>
      %swap3A_148 = vector.shape_cast %mul3A_143 : vector<16xf32> to vector<1x16xf32>
      tpu.vector_store %arg13[%swap3A_144, %swap3A_145], %swap3A_148 {strides = array<i32>} : memref<128x128xf32, #tpu.memory_space<vmem>>, vector<1x16xf32>,
      %get3A_149 = arith.index_cast %add3A_128 : i32 to index
      %get3A_150 = arith.constant 32 : index
      %get3A_151 = tpu.vector_load %arg13[%get3A_149, %get3A_150] {strides = array<i32>} : memref<128x128xf32, #tpu.memory_space<vmem>>, vector<1x16xf32>,
      %get3A_152 = vector.shape_cast %get3A_151 : vector<1x16xf32> to vector<16xf32>
      %mul3A_153 = arith.mulf %get3A_152, %broadcast_in_dim3A_124 : vector<16xf32>
      %swap3A_154 = arith.index_cast %add3A_128 : i32 to index
      %swap3A_155 = arith.constant 32 : index
      %swap3A_156 = tpu.vector_load %arg13[%swap3A_154, %swap3A_155] {strides = array<i32>} : memref<128x128xf32, #tpu.memory_space<vmem>>, vector<1x16xf32>,
      %swap3A_157 = vector.shape_cast %swap3A_156 : vector<1x16xf32> to vector<16xf32>
      %swap3A_158 = vector.shape_cast %mul3A_153 : vector<16xf32> to vector<1x16xf32>
      tpu.vector_store %arg13[%swap3A_154, %swap3A_155], %swap3A_158 {strides = array<i32>} : memref<128x128xf32, #tpu.memory_space<vmem>>, vector<1x16xf32>,
      %get3A_159 = arith.index_cast %add3A_128 : i32 to index
      %get3A_160 = arith.constant 48 : index
      %get3A_161 = tpu.vector_load %arg13[%get3A_159, %get3A_160] {strides = array<i32>} : memref<128x128xf32, #tpu.memory_space<vmem>>, vector<1x16xf32>,
      %get3A_162 = vector.shape_cast %get3A_161 : vector<1x16xf32> to vector<16xf32>
      %mul3A_163 = arith.mulf %get3A_162, %broadcast_in_dim3A_124 : vector<16xf32>
      %swap3A_164 = arith.index_cast %add3A_128 : i32 to index
      %swap3A_165 = arith.constant 48 : index
      %swap3A_166 = tpu.vector_load %arg13[%swap3A_164, %swap3A_165] {strides = array<i32>} : memref<128x128xf32, #tpu.memory_space<vmem>>, vector<1x16xf32>,
      %swap3A_167 = vector.shape_cast %swap3A_166 : vector<1x16xf32> to vector<16xf32>
      %swap3A_168 = vector.shape_cast %mul3A_163 : vector<16xf32> to vector<1x16xf32>
      tpu.vector_store %arg13[%swap3A_164, %swap3A_165], %swap3A_168 {strides = array<i32>} : memref<128x128xf32, #tpu.memory_space<vmem>>, vector<1x16xf32>,
      %get3A_169 = arith.index_cast %add3A_128 : i32 to index
      %get3A_170 = arith.constant 64 : index
      %get3A_171 = tpu.vector_load %arg13[%get3A_169, %get3A_170] {strides = array<i32>} : memref<128x128xf32, #tpu.memory_space<vmem>>, vector<1x16xf32>,
      %get3A_172 = vector.shape_cast %get3A_171 : vector<1x16xf32> to vector<16xf32>
      %mul3A_173 = arith.mulf %get3A_172, %broadcast_in_dim3A_124 : vector<16xf32>
      %swap3A_174 = arith.index_cast %add3A_128 : i32 to index
      %swap3A_175 = arith.constant 64 : index
      %swap3A_176 = tpu.vector_load %arg13[%swap3A_174, %swap3A_175] {strides = array<i32>} : memref<128x128xf32, #tpu.memory_space<vmem>>, vector<1x16xf32>,
      %swap3A_177 = vector.shape_cast %swap3A_176 : vector<1x16xf32> to vector<16xf32>
      %swap3A_178 = vector.shape_cast %mul3A_173 : vector<16xf32> to vector<1x16xf32>
      tpu.vector_store %arg13[%swap3A_174, %swap3A_175], %swap3A_178 {strides = array<i32>} : memref<128x128xf32, #tpu.memory_space<vmem>>, vector<1x16xf32>,
      %get3A_179 = arith.index_cast %add3A_128 : i32 to index
      %get3A_180 = arith.constant 80 : index
      %get3A_181 = tpu.vector_load %arg13[%get3A_179, %get3A_180] {strides = array<i32>} : memref<128x128xf32, #tpu.memory_space<vmem>>, vector<1x16xf32>,
      %get3A_182 = vector.shape_cast %get3A_181 : vector<1x16xf32> to vector<16xf32>
      %mul3A_183 = arith.mulf %get3A_182, %broadcast_in_dim3A_124 : vector<16xf32>
      %swap3A_184 = arith.index_cast %add3A_128 : i32 to index
      %swap3A_185 = arith.constant 80 : index
      %swap3A_186 = tpu.vector_load %arg13[%swap3A_184, %swap3A_185] {strides = array<i32>} : memref<128x128xf32, #tpu.memory_space<vmem>>, vector<1x16xf32>,
      %swap3A_187 = vector.shape_cast %swap3A_186 : vector<1x16xf32> to vector<16xf32>
      %swap3A_188 = vector.shape_cast %mul3A_183 : vector<16xf32> to vector<1x16xf32>
      tpu.vector_store %arg13[%swap3A_184, %swap3A_185], %swap3A_188 {strides = array<i32>} : memref<128x128xf32, #tpu.memory_space<vmem>>, vector<1x16xf32>,
      %get3A_189 = arith.index_cast %add3A_128 : i32 to index
      %get3A_190 = arith.constant 96 : index
      %get3A_191 = tpu.vector_load %arg13[%get3A_189, %get3A_190] {strides = array<i32>} : memref<128x128xf32, #tpu.memory_space<vmem>>, vector<1x16xf32>,
      %get3A_192 = vector.shape_cast %get3A_191 : vector<1x16xf32> to vector<16xf32>
      %mul3A_193 = arith.mulf %get3A_192, %broadcast_in_dim3A_124 : vector<16xf32>
      %swap3A_194 = arith.index_cast %add3A_128 : i32 to index
      %swap3A_195 = arith.constant 96 : index
      %swap3A_196 = tpu.vector_load %arg13[%swap3A_194, %swap3A_195] {strides = array<i32>} : memref<128x128xf32, #tpu.memory_space<vmem>>, vector<1x16xf32>,
      %swap3A_197 = vector.shape_cast %swap3A_196 : vector<1x16xf32> to vector<16xf32>
      %swap3A_198 = vector.shape_cast %mul3A_193 : vector<16xf32> to vector<1x16xf32>
      tpu.vector_store %arg13[%swap3A_194, %swap3A_195], %swap3A_198 {strides = array<i32>} : memref<128x128xf32, #tpu.memory_space<vmem>>, vector<1x16xf32>,
      %get3A_199 = arith.index_cast %add3A_128 : i32 to index
      %get3A_200 = arith.constant 112 : index
      %get3A_201 = tpu.vector_load %arg13[%get3A_199, %get3A_200] {strides = array<i32>} : memref<128x128xf32, #tpu.memory_space<vmem>>, vector<1x16xf32>,
      %get3A_202 = vector.shape_cast %get3A_201 : vector<1x16xf32> to vector<16xf32>
      %mul3A_203 = arith.mulf %get3A_202, %broadcast_in_dim3A_124 : vector<16xf32>
      %swap3A_204 = arith.index_cast %add3A_128 : i32 to index
      %swap3A_205 = arith.constant 112 : index
      %swap3A_206 = tpu.vector_load %arg13[%swap3A_204, %swap3A_205] {strides = array<i32>} : memref<128x128xf32, #tpu.memory_space<vmem>>, vector<1x16xf32>,
      %swap3A_207 = vector.shape_cast %swap3A_206 : vector<1x16xf32> to vector<16xf32>
      %swap3A_208 = vector.shape_cast %mul3A_203 : vector<16xf32> to vector<1x16xf32>
      tpu.vector_store %arg13[%swap3A_204, %swap3A_205], %swap3A_208 {strides = array<i32>} : memref<128x128xf32, #tpu.memory_space<vmem>>, vector<1x16xf32>,
      %slice3A_209 = vector.extract_strided_slice %get3A_36 {offsets = [2], sizes = [1], strides = [1]} : vector<16xf32> to vector<1xf32>
      %squeeze3A_210 = vector.extract %slice3A_209[0] : f32 from vector<1xf32>
      %broadcast_in_dim3A_211 = vector.broadcast %squeeze3A_210 : f32 to vector<16xf32>
      %mul3A_212 = arith.constant 16 : i32
      %mul3A_213 = arith.muli %scan3A_31, %mul3A_212 : i32
      %add3A_214 = arith.constant 2 : i32
      %add3A_215 = arith.addi %mul3A_213, %add3A_214 : i32
      %get3A_216 = arith.index_cast %add3A_215 : i32 to index
      %get3A_217 = arith.constant 0 : index
      %get3A_218 = tpu.vector_load %arg13[%get3A_216, %get3A_217] {strides = array<i32>} : memref<128x128xf32, #tpu.memory_space<vmem>>, vector<1x16xf32>,
      %get3A_219 = vector.shape_cast %get3A_218 : vector<1x16xf32> to vector<16xf32>
      %mul3A_220 = arith.mulf %get3A_219, %broadcast_in_dim3A_211 : vector<16xf32>
      %swap3A_221 = arith.index_cast %add3A_215 : i32 to index
      %swap3A_222 = arith.constant 0 : index
      %swap3A_223 = tpu.vector_load %arg13[%swap3A_221, %swap3A_222] {strides = array<i32>} : memref<128x128xf32, #tpu.memory_space<vmem>>, vector<1x16xf32>,
      %swap3A_224 = vector.shape_cast %swap3A_223 : vector<1x16xf32> to vector<16xf32>
      %swap3A_225 = vector.shape_cast %mul3A_220 : vector<16xf32> to vector<1x16xf32>
      tpu.vector_store %arg13[%swap3A_221, %swap3A_222], %swap3A_225 {strides = array<i32>} : memref<128x128xf32, #tpu.memory_space<vmem>>, vector<1x16xf32>,
      %get3A_226 = arith.index_cast %add3A_215 : i32 to index
      %get3A_227 = arith.constant 16 : index
      %get3A_228 = tpu.vector_load %arg13[%get3A_226, %get3A_227] {strides = array<i32>} : memref<128x128xf32, #tpu.memory_space<vmem>>, vector<1x16xf32>,
      %get3A_229 = vector.shape_cast %get3A_228 : vector<1x16xf32> to vector<16xf32>
      %mul3A_230 = arith.mulf %get3A_229, %broadcast_in_dim3A_211 : vector<16xf32>
      %swap3A_231 = arith.index_cast %add3A_215 : i32 to index
      %swap3A_232 = arith.constant 16 : index
      %swap3A_233 = tpu.vector_load %arg13[%swap3A_231, %swap3A_232] {strides = array<i32>} : memref<128x128xf32, #tpu.memory_space<vmem>>, vector<1x16xf32>,
      %swap3A_234 = vector.shape_cast %swap3A_233 : vector<1x16xf32> to vector<16xf32>
      %swap3A_235 = vector.shape_cast %mul3A_230 : vector<16xf32> to vector<1x16xf32>
      tpu.vector_store %arg13[%swap3A_231, %swap3A_232], %swap3A_235 {strides = array<i32>} : memref<128x128xf32, #tpu.memory_space<vmem>>, vector<1x16xf32>,
      %get3A_236 = arith.index_cast %add3A_215 : i32 to index
      %get3A_237 = arith.constant 32 : index
      %get3A_238 = tpu.vector_load %arg13[%get3A_236, %get3A_237] {strides = array<i32>} : memref<128x128xf32, #tpu.memory_space<vmem>>, vector<1x16xf32>,
      %get3A_239 = vector.shape_cast %get3A_238 : vector<1x16xf32> to vector<16xf32>
      %mul3A_240 = arith.mulf %get3A_239, %broadcast_in_dim3A_211 : vector<16xf32>
      %swap3A_241 = arith.index_cast %add3A_215 : i32 to index
      %swap3A_242 = arith.constant 32 : index
      %swap3A_243 = tpu.vector_load %arg13[%swap3A_241, %swap3A_242] {strides = array<i32>} : memref<128x128xf32, #tpu.memory_space<vmem>>, vector<1x16xf32>,
      %swap3A_244 = vector.shape_cast %swap3A_243 : vector<1x16xf32> to vector<16xf32>
      %swap3A_245 = vector.shape_cast %mul3A_240 : vector<16xf32> to vector<1x16xf32>
      tpu.vector_store %arg13[%swap3A_241, %swap3A_242], %swap3A_245 {strides = array<i32>} : memref<128x128xf32, #tpu.memory_space<vmem>>, vector<1x16xf32>,
      %get3A_246 = arith.index_cast %add3A_215 : i32 to index
      %get3A_247 = arith.constant 48 : index
      %get3A_248 = tpu.vector_load %arg13[%get3A_246, %get3A_247] {strides = array<i32>} : memref<128x128xf32, #tpu.memory_space<vmem>>, vector<1x16xf32>,
      %get3A_249 = vector.shape_cast %get3A_248 : vector<1x16xf32> to vector<16xf32>
      %mul3A_250 = arith.mulf %get3A_249, %broadcast_in_dim3A_211 : vector<16xf32>
      %swap3A_251 = arith.index_cast %add3A_215 : i32 to index
      %swap3A_252 = arith.constant 48 : index
      %swap3A_253 = tpu.vector_load %arg13[%swap3A_251, %swap3A_252] {strides = array<i32>} : memref<128x128xf32, #tpu.memory_space<vmem>>, vector<1x16xf32>,
      %swap3A_254 = vector.shape_cast %swap3A_253 : vector<1x16xf32> to vector<16xf32>
      %swap3A_255 = vector.shape_cast %mul3A_250 : vector<16xf32> to vector<1x16xf32>
      tpu.vector_store %arg13[%swap3A_251, %swap3A_252], %swap3A_255 {strides = array<i32>} : memref<128x128xf32, #tpu.memory_space<vmem>>, vector<1x16xf32>,
      %get3A_256 = arith.index_cast %add3A_215 : i32 to index
      %get3A_257 = arith.constant 64 : index
      %get3A_258 = tpu.vector_load %arg13[%get3A_256, %get3A_257] {strides = array<i32>} : memref<128x128xf32, #tpu.memory_space<vmem>>, vector<1x16xf32>,
      %get3A_259 = vector.shape_cast %get3A_258 : vector<1x16xf32> to vector<16xf32>
      %mul3A_260 = arith.mulf %get3A_259, %broadcast_in_dim3A_211 : vector<16xf32>
      %swap3A_261 = arith.index_cast %add3A_215 : i32 to index
      %swap3A_262 = arith.constant 64 : index
      %swap3A_263 = tpu.vector_load %arg13[%swap3A_261, %swap3A_262] {strides = array<i32>} : memref<128x128xf32, #tpu.memory_space<vmem>>, vector<1x16xf32>,
      %swap3A_264 = vector.shape_cast %swap3A_263 : vector<1x16xf32> to vector<16xf32>
      %swap3A_265 = vector.shape_cast %mul3A_260 : vector<16xf32> to vector<1x16xf32>
      tpu.vector_store %arg13[%swap3A_261, %swap3A_262], %swap3A_265 {strides = array<i32>} : memref<128x128xf32, #tpu.memory_space<vmem>>, vector<1x16xf32>,
      %get3A_266 = arith.index_cast %add3A_215 : i32 to index
      %get3A_267 = arith.constant 80 : index
      %get3A_268 = tpu.vector_load %arg13[%get3A_266, %get3A_267] {strides = array<i32>} : memref<128x128xf32, #tpu.memory_space<vmem>>, vector<1x16xf32>,
      %get3A_269 = vector.shape_cast %get3A_268 : vector<1x16xf32> to vector<16xf32>
      %mul3A_270 = arith.mulf %get3A_269, %broadcast_in_dim3A_211 : vector<16xf32>
      %swap3A_271 = arith.index_cast %add3A_215 : i32 to index
      %swap3A_272 = arith.constant 80 : index
      %swap3A_273 = tpu.vector_load %arg13[%swap3A_271, %swap3A_272] {strides = array<i32>} : memref<128x128xf32, #tpu.memory_space<vmem>>, vector<1x16xf32>,
      %swap3A_274 = vector.shape_cast %swap3A_273 : vector<1x16xf32> to vector<16xf32>
      %swap3A_275 = vector.shape_cast %mul3A_270 : vector<16xf32> to vector<1x16xf32>
      tpu.vector_store %arg13[%swap3A_271, %swap3A_272], %swap3A_275 {strides = array<i32>} : memref<128x128xf32, #tpu.memory_space<vmem>>, vector<1x16xf32>,
      %get3A_276 = arith.index_cast %add3A_215 : i32 to index
      %get3A_277 = arith.constant 96 : index
      %get3A_278 = tpu.vector_load %arg13[%get3A_276, %get3A_277] {strides = array<i32>} : memref<128x128xf32, #tpu.memory_space<vmem>>, vector<1x16xf32>,
      %get3A_279 = vector.shape_cast %get3A_278 : vector<1x16xf32> to vector<16xf32>
      %mul3A_280 = arith.mulf %get3A_279, %broadcast_in_dim3A_211 : vector<16xf32>
      %swap3A_281 = arith.index_cast %add3A_215 : i32 to index
      %swap3A_282 = arith.constant 96 : index
      %swap3A_283 = tpu.vector_load %arg13[%swap3A_281, %swap3A_282] {strides = array<i32>} : memref<128x128xf32, #tpu.memory_space<vmem>>, vector<1x16xf32>,
      %swap3A_284 = vector.shape_cast %swap3A_283 : vector<1x16xf32> to vector<16xf32>
      %swap3A_285 = vector.shape_cast %mul3A_280 : vector<16xf32> to vector<1x16xf32>
      tpu.vector_store %arg13[%swap3A_281, %swap3A_282], %swap3A_285 {strides = array<i32>} : memref<128x128xf32, #tpu.memory_space<vmem>>, vector<1x16xf32>,
      %get3A_286 = arith.index_cast %add3A_215 : i32 to index
      %get3A_287 = arith.constant 112 : index
      %get3A_288 = tpu.vector_load %arg13[%get3A_286, %get3A_287] {strides = array<i32>} : memref<128x128xf32, #tpu.memory_space<vmem>>, vector<1x16xf32>,
      %get3A_289 = vector.shape_cast %get3A_288 : vector<1x16xf32> to vector<16xf32>
      %mul3A_290 = arith.mulf %get3A_289, %broadcast_in_dim3A_211 : vector<16xf32>
      %swap3A_291 = arith.index_cast %add3A_215 : i32 to index
      %swap3A_292 = arith.constant 112 : index
      %swap3A_293 = tpu.vector_load %arg13[%swap3A_291, %swap3A_292] {strides = array<i32>} : memref<128x128xf32, #tpu.memory_space<vmem>>, vector<1x16xf32>,
      %swap3A_294 = vector.shape_cast %swap3A_293 : vector<1x16xf32> to vector<16xf32>
      %swap3A_295 = vector.shape_cast %mul3A_290 : vector<16xf32> to vector<1x16xf32>
      tpu.vector_store %arg13[%swap3A_291, %swap3A_292], %swap3A_295 {strides = array<i32>} : memref<128x128xf32, #tpu.memory_space<vmem>>, vector<1x16xf32>,
      %slice3A_296 = vector.extract_strided_slice %get3A_36 {offsets = [3], sizes = [1], strides = [1]} : vector<16xf32> to vector<1xf32>
      %squeeze3A_297 = vector.extract %slice3A_296[0] : f32 from vector<1xf32>
      %broadcast_in_dim3A_298 = vector.broadcast %squeeze3A_297 : f32 to vector<16xf32>
      %mul3A_299 = arith.constant 16 : i32
      %mul3A_300 = arith.muli %scan3A_31, %mul3A_299 : i32
      %add3A_301 = arith.constant 3 : i32
      %add3A_302 = arith.addi %mul3A_300, %add3A_301 : i32
      %get3A_303 = arith.index_cast %add3A_302 : i32 to index
      %get3A_304 = arith.constant 0 : index
      %get3A_305 = tpu.vector_load %arg13[%get3A_303, %get3A_304] {strides = array<i32>} : memref<128x128xf32, #tpu.memory_space<vmem>>, vector<1x16xf32>,
      %get3A_306 = vector.shape_cast %get3A_305 : vector<1x16xf32> to vector<16xf32>
      %mul3A_307 = arith.mulf %get3A_306, %broadcast_in_dim3A_298 : vector<16xf32>
      %swap3A_308 = arith.index_cast %add3A_302 : i32 to index
      %swap3A_309 = arith.constant 0 : index
      %swap3A_310 = tpu.vector_load %arg13[%swap3A_308, %swap3A_309] {strides = array<i32>} : memref<128x128xf32, #tpu.memory_space<vmem>>, vector<1x16xf32>,
      %swap3A_311 = vector.shape_cast %swap3A_310 : vector<1x16xf32> to vector<16xf32>
      %swap3A_312 = vector.shape_cast %mul3A_307 : vector<16xf32> to vector<1x16xf32>
      tpu.vector_store %arg13[%swap3A_308, %swap3A_309], %swap3A_312 {strides = array<i32>} : memref<128x128xf32, #tpu.memory_space<vmem>>, vector<1x16xf32>,
      %get3A_313 = arith.index_cast %add3A_302 : i32 to index
      %get3A_314 = arith.constant 16 : index
      %get3A_315 = tpu.vector_load %arg13[%get3A_313, %get3A_314] {strides = array<i32>} : memref<128x128xf32, #tpu.memory_space<vmem>>, vector<1x16xf32>,
      %get3A_316 = vector.shape_cast %get3A_315 : vector<1x16xf32> to vector<16xf32>
      %mul3A_317 = arith.mulf %get3A_316, %broadcast_in_dim3A_298 : vector<16xf32>
      %swap3A_318 = arith.index_cast %add3A_302 : i32 to index
      %swap3A_319 = arith.constant 16 : index
      %swap3A_320 = tpu.vector_load %arg13[%swap3A_318, %swap3A_319] {strides = array<i32>} : memref<128x128xf32, #tpu.memory_space<vmem>>, vector<1x16xf32>,
      %swap3A_321 = vector.shape_cast %swap3A_320 : vector<1x16xf32> to vector<16xf32>
      %swap3A_322 = vector.shape_cast %mul3A_317 : vector<16xf32> to vector<1x16xf32>
      tpu.vector_store %arg13[%swap3A_318, %swap3A_319], %swap3A_322 {strides = array<i32>} : memref<128x128xf32, #tpu.memory_space<vmem>>, vector<1x16xf32>,
      %get3A_323 = arith.index_cast %add3A_302 : i32 to index
      %get3A_324 = arith.constant 32 : index
      %get3A_325 = tpu.vector_load %arg13[%get3A_323, %get3A_324] {strides = array<i32>} : memref<128x128xf32, #tpu.memory_space<vmem>>, vector<1x16xf32>,
      %get3A_326 = vector.shape_cast %get3A_325 : vector<1x16xf32> to vector<16xf32>
      %mul3A_327 = arith.mulf %get3A_326, %broadcast_in_dim3A_298 : vector<16xf32>
      %swap3A_328 = arith.index_cast %add3A_302 : i32 to index
      %swap3A_329 = arith.constant 32 : index
      %swap3A_330 = tpu.vector_load %arg13[%swap3A_328, %swap3A_329] {strides = array<i32>} : memref<128x128xf32, #tpu.memory_space<vmem>>, vector<1x16xf32>,
      %swap3A_331 = vector.shape_cast %swap3A_330 : vector<1x16xf32> to vector<16xf32>
      %swap3A_332 = vector.shape_cast %mul3A_327 : vector<16xf32> to vector<1x16xf32>
      tpu.vector_store %arg13[%swap3A_328, %swap3A_329], %swap3A_332 {strides = array<i32>} : memref<128x128xf32, #tpu.memory_space<vmem>>, vector<1x16xf32>,
      %get3A_333 = arith.index_cast %add3A_302 : i32 to index
      %get3A_334 = arith.constant 48 : index
      %get3A_335 = tpu.vector_load %arg13[%get3A_333, %get3A_334] {strides = array<i32>} : memref<128x128xf32, #tpu.memory_space<vmem>>, vector<1x16xf32>,
      %get3A_336 = vector.shape_cast %get3A_335 : vector<1x16xf32> to vector<16xf32>
      %mul3A_337 = arith.mulf %get3A_336, %broadcast_in_dim3A_298 : vector<16xf32>
      %swap3A_338 = arith.index_cast %add3A_302 : i32 to index
      %swap3A_339 = arith.constant 48 : index
      %swap3A_340 = tpu.vector_load %arg13[%swap3A_338, %swap3A_339] {strides = array<i32>} : memref<128x128xf32, #tpu.memory_space<vmem>>, vector<1x16xf32>,
      %swap3A_341 = vector.shape_cast %swap3A_340 : vector<1x16xf32> to vector<16xf32>
      %swap3A_342 = vector.shape_cast %mul3A_337 : vector<16xf32> to vector<1x16xf32>
      tpu.vector_store %arg13[%swap3A_338, %swap3A_339], %swap3A_342 {strides = array<i32>} : memref<128x128xf32, #tpu.memory_space<vmem>>, vector<1x16xf32>,
      %get3A_343 = arith.index_cast %add3A_302 : i32 to index
      %get3A_344 = arith.constant 64 : index
      %get3A_345 = tpu.vector_load %arg13[%get3A_343, %get3A_344] {strides = array<i32>} : memref<128x128xf32, #tpu.memory_space<vmem>>, vector<1x16xf32>,
      %get3A_346 = vector.shape_cast %get3A_345 : vector<1x16xf32> to vector<16xf32>
      %mul3A_347 = arith.mulf %get3A_346, %broadcast_in_dim3A_298 : vector<16xf32>
      %swap3A_348 = arith.index_cast %add3A_302 : i32 to index
      %swap3A_349 = arith.constant 64 : index
      %swap3A_350 = tpu.vector_load %arg13[%swap3A_348, %swap3A_349] {strides = array<i32>} : memref<128x128xf32, #tpu.memory_space<vmem>>, vector<1x16xf32>,
      %swap3A_351 = vector.shape_cast %swap3A_350 : vector<1x16xf32> to vector<16xf32>
      %swap3A_352 = vector.shape_cast %mul3A_347 : vector<16xf32> to vector<1x16xf32>
      tpu.vector_store %arg13[%swap3A_348, %swap3A_349], %swap3A_352 {strides = array<i32>} : memref<128x128xf32, #tpu.memory_space<vmem>>, vector<1x16xf32>,
      %get3A_353 = arith.index_cast %add3A_302 : i32 to index
      %get3A_354 = arith.constant 80 : index
      %get3A_355 = tpu.vector_load %arg13[%get3A_353, %get3A_354] {strides = array<i32>} : memref<128x128xf32, #tpu.memory_space<vmem>>, vector<1x16xf32>,
      %get3A_356 = vector.shape_cast %get3A_355 : vector<1x16xf32> to vector<16xf32>
      %mul3A_357 = arith.mulf %get3A_356, %broadcast_in_dim3A_298 : vector<16xf32>
      %swap3A_358 = arith.index_cast %add3A_302 : i32 to index
      %swap3A_359 = arith.constant 80 : index
      %swap3A_360 = tpu.vector_load %arg13[%swap3A_358, %swap3A_359] {strides = array<i32>} : memref<128x128xf32, #tpu.memory_space<vmem>>, vector<1x16xf32>,
      %swap3A_361 = vector.shape_cast %swap3A_360 : vector<1x16xf32> to vector<16xf32>
      %swap3A_362 = vector.shape_cast %mul3A_357 : vector<16xf32> to vector<1x16xf32>
      tpu.vector_store %arg13[%swap3A_358, %swap3A_359], %swap3A_362 {strides = array<i32>} : memref<128x128xf32, #tpu.memory_space<vmem>>, vector<1x16xf32>,
      %get3A_363 = arith.index_cast %add3A_302 : i32 to index
      %get3A_364 = arith.constant 96 : index
      %get3A_365 = tpu.vector_load %arg13[%get3A_363, %get3A_364] {strides = array<i32>} : memref<128x128xf32, #tpu.memory_space<vmem>>, vector<1x16xf32>,
      %get3A_366 = vector.shape_cast %get3A_365 : vector<1x16xf32> to vector<16xf32>
      %mul3A_367 = arith.mulf %get3A_366, %broadcast_in_dim3A_298 : vector<16xf32>
      %swap3A_368 = arith.index_cast %add3A_302 : i32 to index
      %swap3A_369 = arith.constant 96 : index
      %swap3A_370 = tpu.vector_load %arg13[%swap3A_368, %swap3A_369] {strides = array<i32>} : memref<128x128xf32, #tpu.memory_space<vmem>>, vector<1x16xf32>,
      %swap3A_371 = vector.shape_cast %swap3A_370 : vector<1x16xf32> to vector<16xf32>
      %swap3A_372 = vector.shape_cast %mul3A_367 : vector<16xf32> to vector<1x16xf32>
      tpu.vector_store %arg13[%swap3A_368, %swap3A_369], %swap3A_372 {strides = array<i32>} : memref<128x128xf32, #tpu.memory_space<vmem>>, vector<1x16xf32>,
      %get3A_373 = arith.index_cast %add3A_302 : i32 to index
      %get3A_374 = arith.constant 112 : index
      %get3A_375 = tpu.vector_load %arg13[%get3A_373, %get3A_374] {strides = array<i32>} : memref<128x128xf32, #tpu.memory_space<vmem>>, vector<1x16xf32>,
      %get3A_376 = vector.shape_cast %get3A_375 : vector<1x16xf32> to vector<16xf32>
      %mul3A_377 = arith.mulf %get3A_376, %broadcast_in_dim3A_298 : vector<16xf32>
      %swap3A_378 = arith.index_cast %add3A_302 : i32 to index
      %swap3A_379 = arith.constant 112 : index
      %swap3A_380 = tpu.vector_load %arg13[%swap3A_378, %swap3A_379] {strides = array<i32>} : memref<128x128xf32, #tpu.memory_space<vmem>>, vector<1x16xf32>,
      %swap3A_381 = vector.shape_cast %swap3A_380 : vector<1x16xf32> to vector<16xf32>
      %swap3A_382 = vector.shape_cast %mul3A_377 : vector<16xf32> to vector<1x16xf32>
      tpu.vector_store %arg13[%swap3A_378, %swap3A_379], %swap3A_382 {strides = array<i32>} : memref<128x128xf32, #tpu.memory_space<vmem>>, vector<1x16xf32>,
      %slice3A_383 = vector.extract_strided_slice %get3A_36 {offsets = [4], sizes = [1], strides = [1]} : vector<16xf32> to vector<1xf32>
      %squeeze3A_384 = vector.extract %slice3A_383[0] : f32 from vector<1xf32>
      %broadcast_in_dim3A_385 = vector.broadcast %squeeze3A_384 : f32 to vector<16xf32>
      %mul3A_386 = arith.constant 16 : i32
      %mul3A_387 = arith.muli %scan3A_31, %mul3A_386 : i32
      %add3A_388 = arith.constant 4 : i32
      %add3A_389 = arith.addi %mul3A_387, %add3A_388 : i32
      %get3A_390 = arith.index_cast %add3A_389 : i32 to index
      %get3A_391 = arith.constant 0 : index
      %get3A_392 = tpu.vector_load %arg13[%get3A_390, %get3A_391] {strides = array<i32>} : memref<128x128xf32, #tpu.memory_space<vmem>>, vector<1x16xf32>,
      %get3A_393 = vector.shape_cast %get3A_392 : vector<1x16xf32> to vector<16xf32>
      %mul3A_394 = arith.mulf %get3A_393, %broadcast_in_dim3A_385 : vector<16xf32>
      %swap3A_395 = arith.index_cast %add3A_389 : i32 to index
      %swap3A_396 = arith.constant 0 : index
      %swap3A_397 = tpu.vector_load %arg13[%swap3A_395, %swap3A_396] {strides = array<i32>} : memref<128x128xf32, #tpu.memory_space<vmem>>, vector<1x16xf32>,
      %swap3A_398 = vector.shape_cast %swap3A_397 : vector<1x16xf32> to vector<16xf32>
      %swap3A_399 = vector.shape_cast %mul3A_394 : vector<16xf32> to vector<1x16xf32>
      tpu.vector_store %arg13[%swap3A_395, %swap3A_396], %swap3A_399 {strides = array<i32>} : memref<128x128xf32, #tpu.memory_space<vmem>>, vector<1x16xf32>,
      %get3A_400 = arith.index_cast %add3A_389 : i32 to index
      %get3A_401 = arith.constant 16 : index
      %get3A_402 = tpu.vector_load %arg13[%get3A_400, %get3A_401] {strides = array<i32>} : memref<128x128xf32, #tpu.memory_space<vmem>>, vector<1x16xf32>,
      %get3A_403 = vector.shape_cast %get3A_402 : vector<1x16xf32> to vector<16xf32>
      %mul3A_404 = arith.mulf %get3A_403, %broadcast_in_dim3A_385 : vector<16xf32>
      %swap3A_405 = arith.index_cast %add3A_389 : i32 to index
      %swap3A_406 = arith.constant 16 : index
      %swap3A_407 = tpu.vector_load %arg13[%swap3A_405, %swap3A_406] {strides = array<i32>} : memref<128x128xf32, #tpu.memory_space<vmem>>, vector<1x16xf32>,
      %swap3A_408 = vector.shape_cast %swap3A_407 : vector<1x16xf32> to vector<16xf32>
      %swap3A_409 = vector.shape_cast %mul3A_404 : vector<16xf32> to vector<1x16xf32>
      tpu.vector_store %arg13[%swap3A_405, %swap3A_406], %swap3A_409 {strides = array<i32>} : memref<128x128xf32, #tpu.memory_space<vmem>>, vector<1x16xf32>,
      %get3A_410 = arith.index_cast %add3A_389 : i32 to index
      %get3A_411 = arith.constant 32 : index
      %get3A_412 = tpu.vector_load %arg13[%get3A_410, %get3A_411] {strides = array<i32>} : memref<128x128xf32, #tpu.memory_space<vmem>>, vector<1x16xf32>,
      %get3A_413 = vector.shape_cast %get3A_412 : vector<1x16xf32> to vector<16xf32>
      %mul3A_414 = arith.mulf %get3A_413, %broadcast_in_dim3A_385 : vector<16xf32>
      %swap3A_415 = arith.index_cast %add3A_389 : i32 to index
      %swap3A_416 = arith.constant 32 : index
      %swap3A_417 = tpu.vector_load %arg13[%swap3A_415, %swap3A_416] {strides = array<i32>} : memref<128x128xf32, #tpu.memory_space<vmem>>, vector<1x16xf32>,
      %swap3A_418 = vector.shape_cast %swap3A_417 : vector<1x16xf32> to vector<16xf32>
      %swap3A_419 = vector.shape_cast %mul3A_414 : vector<16xf32> to vector<1x16xf32>
      tpu.vector_store %arg13[%swap3A_415, %swap3A_416], %swap3A_419 {strides = array<i32>} : memref<128x128xf32, #tpu.memory_space<vmem>>, vector<1x16xf32>,
      %get3A_420 = arith.index_cast %add3A_389 : i32 to index
      %get3A_421 = arith.constant 48 : index
      %get3A_422 = tpu.vector_load %arg13[%get3A_420, %get3A_421] {strides = array<i32>} : memref<128x128xf32, #tpu.memory_space<vmem>>, vector<1x16xf32>,
      %get3A_423 = vector.shape_cast %get3A_422 : vector<1x16xf32> to vector<16xf32>
      %mul3A_424 = arith.mulf %get3A_423, %broadcast_in_dim3A_385 : vector<16xf32>
      %swap3A_425 = arith.index_cast %add3A_389 : i32 to index
      %swap3A_426 = arith.constant 48 : index
      %swap3A_427 = tpu.vector_load %arg13[%swap3A_425, %swap3A_426] {strides = array<i32>} : memref<128x128xf32, #tpu.memory_space<vmem>>, vector<1x16xf32>,
      %swap3A_428 = vector.shape_cast %swap3A_427 : vector<1x16xf32> to vector<16xf32>
      %swap3A_429 = vector.shape_cast %mul3A_424 : vector<16xf32> to vector<1x16xf32>
      tpu.vector_store %arg13[%swap3A_425, %swap3A_426], %swap3A_429 {strides = array<i32>} : memref<128x128xf32, #tpu.memory_space<vmem>>, vector<1x16xf32>,
      %get3A_430 = arith.index_cast %add3A_389 : i32 to index
      %get3A_431 = arith.constant 64 : index
      %get3A_432 = tpu.vector_load %arg13[%get3A_430, %get3A_431] {strides = array<i32>} : memref<128x128xf32, #tpu.memory_space<vmem>>, vector<1x16xf32>,
      %get3A_433 = vector.shape_cast %get3A_432 : vector<1x16xf32> to vector<16xf32>
      %mul3A_434 = arith.mulf %get3A_433, %broadcast_in_dim3A_385 : vector<16xf32>
      %swap3A_435 = arith.index_cast %add3A_389 : i32 to index
      %swap3A_436 = arith.constant 64 : index
      %swap3A_437 = tpu.vector_load %arg13[%swap3A_435, %swap3A_436] {strides = array<i32>} : memref<128x128xf32, #tpu.memory_space<vmem>>, vector<1x16xf32>,
      %swap3A_438 = vector.shape_cast %swap3A_437 : vector<1x16xf32> to vector<16xf32>
      %swap3A_439 = vector.shape_cast %mul3A_434 : vector<16xf32> to vector<1x16xf32>
      tpu.vector_store %arg13[%swap3A_435, %swap3A_436], %swap3A_439 {strides = array<i32>} : memref<128x128xf32, #tpu.memory_space<vmem>>, vector<1x16xf32>,
      %get3A_440 = arith.index_cast %add3A_389 : i32 to index
      %get3A_441 = arith.constant 80 : index
      %get3A_442 = tpu.vector_load %arg13[%get3A_440, %get3A_441] {strides = array<i32>} : memref<128x128xf32, #tpu.memory_space<vmem>>, vector<1x16xf32>,
      %get3A_443 = vector.shape_cast %get3A_442 : vector<1x16xf32> to vector<16xf32>
      %mul3A_444 = arith.mulf %get3A_443, %broadcast_in_dim3A_385 : vector<16xf32>
      %swap3A_445 = arith.index_cast %add3A_389 : i32 to index
      %swap3A_446 = arith.constant 80 : index
      %swap3A_447 = tpu.vector_load %arg13[%swap3A_445, %swap3A_446] {strides = array<i32>} : memref<128x128xf32, #tpu.memory_space<vmem>>, vector<1x16xf32>,
      %swap3A_448 = vector.shape_cast %swap3A_447 : vector<1x16xf32> to vector<16xf32>
      %swap3A_449 = vector.shape_cast %mul3A_444 : vector<16xf32> to vector<1x16xf32>
      tpu.vector_store %arg13[%swap3A_445, %swap3A_446], %swap3A_449 {strides = array<i32>} : memref<128x128xf32, #tpu.memory_space<vmem>>, vector<1x16xf32>,
      %get3A_450 = arith.index_cast %add3A_389 : i32 to index
      %get3A_451 = arith.constant 96 : index
      %get3A_452 = tpu.vector_load %arg13[%get3A_450, %get3A_451] {strides = array<i32>} : memref<128x128xf32, #tpu.memory_space<vmem>>, vector<1x16xf32>,
      %get3A_453 = vector.shape_cast %get3A_452 : vector<1x16xf32> to vector<16xf32>
      %mul3A_454 = arith.mulf %get3A_453, %broadcast_in_dim3A_385 : vector<16xf32>
      %swap3A_455 = arith.index_cast %add3A_389 : i32 to index
      %swap3A_456 = arith.constant 96 : index
      %swap3A_457 = tpu.vector_load %arg13[%swap3A_455, %swap3A_456] {strides = array<i32>} : memref<128x128xf32, #tpu.memory_space<vmem>>, vector<1x16xf32>,
      %swap3A_458 = vector.shape_cast %swap3A_457 : vector<1x16xf32> to vector<16xf32>
      %swap3A_459 = vector.shape_cast %mul3A_454 : vector<16xf32> to vector<1x16xf32>
      tpu.vector_store %arg13[%swap3A_455, %swap3A_456], %swap3A_459 {strides = array<i32>} : memref<128x128xf32, #tpu.memory_space<vmem>>, vector<1x16xf32>,
      %get3A_460 = arith.index_cast %add3A_389 : i32 to index
      %get3A_461 = arith.constant 112 : index
      %get3A_462 = tpu.vector_load %arg13[%get3A_460, %get3A_461] {strides = array<i32>} : memref<128x128xf32, #tpu.memory_space<vmem>>, vector<1x16xf32>,
      %get3A_463 = vector.shape_cast %get3A_462 : vector<1x16xf32> to vector<16xf32>
      %mul3A_464 = arith.mulf %get3A_463, %broadcast_in_dim3A_385 : vector<16xf32>
      %swap3A_465 = arith.index_cast %add3A_389 : i32 to index
      %swap3A_466 = arith.constant 112 : index
      %swap3A_467 = tpu.vector_load %arg13[%swap3A_465, %swap3A_466] {strides = array<i32>} : memref<128x128xf32, #tpu.memory_space<vmem>>, vector<1x16xf32>,
      %swap3A_468 = vector.shape_cast %swap3A_467 : vector<1x16xf32> to vector<16xf32>
      %swap3A_469 = vector.shape_cast %mul3A_464 : vector<16xf32> to vector<1x16xf32>
      tpu.vector_store %arg13[%swap3A_465, %swap3A_466], %swap3A_469 {strides = array<i32>} : memref<128x128xf32, #tpu.memory_space<vmem>>, vector<1x16xf32>,
      %slice3A_470 = vector.extract_strided_slice %get3A_36 {offsets = [5], sizes = [1], strides = [1]} : vector<16xf32> to vector<1xf32>
      %squeeze3A_471 = vector.extract %slice3A_470[0] : f32 from vector<1xf32>
      %broadcast_in_dim3A_472 = vector.broadcast %squeeze3A_471 : f32 to vector<16xf32>
      %mul3A_473 = arith.constant 16 : i32
      %mul3A_474 = arith.muli %scan3A_31, %mul3A_473 : i32
      %add3A_475 = arith.constant 5 : i32
      %add3A_476 = arith.addi %mul3A_474, %add3A_475 : i32
      %get3A_477 = arith.index_cast %add3A_476 : i32 to index
      %get3A_478 = arith.constant 0 : index
      %get3A_479 = tpu.vector_load %arg13[%get3A_477, %get3A_478] {strides = array<i32>} : memref<128x128xf32, #tpu.memory_space<vmem>>, vector<1x16xf32>,
      %get3A_480 = vector.shape_cast %get3A_479 : vector<1x16xf32> to vector<16xf32>
      %mul3A_481 = arith.mulf %get3A_480, %broadcast_in_dim3A_472 : vector<16xf32>
      %swap3A_482 = arith.index_cast %add3A_476 : i32 to index
      %swap3A_483 = arith.constant 0 : index
      %swap3A_484 = tpu.vector_load %arg13[%swap3A_482, %swap3A_483] {strides = array<i32>} : memref<128x128xf32, #tpu.memory_space<vmem>>, vector<1x16xf32>,
      %swap3A_485 = vector.shape_cast %swap3A_484 : vector<1x16xf32> to vector<16xf32>
      %swap3A_486 = vector.shape_cast %mul3A_481 : vector<16xf32> to vector<1x16xf32>
      tpu.vector_store %arg13[%swap3A_482, %swap3A_483], %swap3A_486 {strides = array<i32>} : memref<128x128xf32, #tpu.memory_space<vmem>>, vector<1x16xf32>,
      %get3A_487 = arith.index_cast %add3A_476 : i32 to index
      %get3A_488 = arith.constant 16 : index
      %get3A_489 = tpu.vector_load %arg13[%get3A_487, %get3A_488] {strides = array<i32>} : memref<128x128xf32, #tpu.memory_space<vmem>>, vector<1x16xf32>,
      %get3A_490 = vector.shape_cast %get3A_489 : vector<1x16xf32> to vector<16xf32>
      %mul3A_491 = arith.mulf %get3A_490, %broadcast_in_dim3A_472 : vector<16xf32>
      %swap3A_492 = arith.index_cast %add3A_476 : i32 to index
      %swap3A_493 = arith.constant 16 : index
      %swap3A_494 = tpu.vector_load %arg13[%swap3A_492, %swap3A_493] {strides = array<i32>} : memref<128x128xf32, #tpu.memory_space<vmem>>, vector<1x16xf32>,
      %swap3A_495 = vector.shape_cast %swap3A_494 : vector<1x16xf32> to vector<16xf32>
      %swap3A_496 = vector.shape_cast %mul3A_491 : vector<16xf32> to vector<1x16xf32>
      tpu.vector_store %arg13[%swap3A_492, %swap3A_493], %swap3A_496 {strides = array<i32>} : memref<128x128xf32, #tpu.memory_space<vmem>>, vector<1x16xf32>,
      %get3A_497 = arith.index_cast %add3A_476 : i32 to index
      %get3A_498 = arith.constant 32 : index
      %get3A_499 = tpu.vector_load %arg13[%get3A_497, %get3A_498] {strides = array<i32>} : memref<128x128xf32, #tpu.memory_space<vmem>>, vector<1x16xf32>,
      %get3A_500 = vector.shape_cast %get3A_499 : vector<1x16xf32> to vector<16xf32>
      %mul3A_501 = arith.mulf %get3A_500, %broadcast_in_dim3A_472 : vector<16xf32>
      %swap3A_502 = arith.index_cast %add3A_476 : i32 to index
      %swap3A_503 = arith.constant 32 : index
      %swap3A_504 = tpu.vector_load %arg13[%swap3A_502, %swap3A_503] {strides = array<i32>} : memref<128x128xf32, #tpu.memory_space<vmem>>, vector<1x16xf32>,
      %swap3A_505 = vector.shape_cast %swap3A_504 : vector<1x16xf32> to vector<16xf32>
      %swap3A_506 = vector.shape_cast %mul3A_501 : vector<16xf32> to vector<1x16xf32>
      tpu.vector_store %arg13[%swap3A_502, %swap3A_503], %swap3A_506 {strides = array<i32>} : memref<128x128xf32, #tpu.memory_space<vmem>>, vector<1x16xf32>,
      %get3A_507 = arith.index_cast %add3A_476 : i32 to index
      %get3A_508 = arith.constant 48 : index
      %get3A_509 = tpu.vector_load %arg13[%get3A_507, %get3A_508] {strides = array<i32>} : memref<128x128xf32, #tpu.memory_space<vmem>>, vector<1x16xf32>,
      %get3A_510 = vector.shape_cast %get3A_509 : vector<1x16xf32> to vector<16xf32>
      %mul3A_511 = arith.mulf %get3A_510, %broadcast_in_dim3A_472 : vector<16xf32>
      %swap3A_512 = arith.index_cast %add3A_476 : i32 to index
      %swap3A_513 = arith.constant 48 : index
      %swap3A_514 = tpu.vector_load %arg13[%swap3A_512, %swap3A_513] {strides = array<i32>} : memref<128x128xf32, #tpu.memory_space<vmem>>, vector<1x16xf32>,
      %swap3A_515 = vector.shape_cast %swap3A_514 : vector<1x16xf32> to vector<16xf32>
      %swap3A_516 = vector.shape_cast %mul3A_511 : vector<16xf32> to vector<1x16xf32>
      tpu.vector_store %arg13[%swap3A_512, %swap3A_513], %swap3A_516 {strides = array<i32>} : memref<128x128xf32, #tpu.memory_space<vmem>>, vector<1x16xf32>,
      %get3A_517 = arith.index_cast %add3A_476 : i32 to index
      %get3A_518 = arith.constant 64 : index
      %get3A_519 = tpu.vector_load %arg13[%get3A_517, %get3A_518] {strides = array<i32>} : memref<128x128xf32, #tpu.memory_space<vmem>>, vector<1x16xf32>,
      %get3A_520 = vector.shape_cast %get3A_519 : vector<1x16xf32> to vector<16xf32>
      %mul3A_521 = arith.mulf %get3A_520, %broadcast_in_dim3A_472 : vector<16xf32>
      %swap3A_522 = arith.index_cast %add3A_476 : i32 to index
      %swap3A_523 = arith.constant 64 : index
      %swap3A_524 = tpu.vector_load %arg13[%swap3A_522, %swap3A_523] {strides = array<i32>} : memref<128x128xf32, #tpu.memory_space<vmem>>, vector<1x16xf32>,
      %swap3A_525 = vector.shape_cast %swap3A_524 : vector<1x16xf32> to vector<16xf32>
      %swap3A_526 = vector.shape_cast %mul3A_521 : vector<16xf32> to vector<1x16xf32>
      tpu.vector_store %arg13[%swap3A_522, %swap3A_523], %swap3A_526 {strides = array<i32>} : memref<128x128xf32, #tpu.memory_space<vmem>>, vector<1x16xf32>,
      %get3A_527 = arith.index_cast %add3A_476 : i32 to index
      %get3A_528 = arith.constant 80 : index
      %get3A_529 = tpu.vector_load %arg13[%get3A_527, %get3A_528] {strides = array<i32>} : memref<128x128xf32, #tpu.memory_space<vmem>>, vector<1x16xf32>,
      %get3A_530 = vector.shape_cast %get3A_529 : vector<1x16xf32> to vector<16xf32>
      %mul3A_531 = arith.mulf %get3A_530, %broadcast_in_dim3A_472 : vector<16xf32>
      %swap3A_532 = arith.index_cast %add3A_476 : i32 to index
      %swap3A_533 = arith.constant 80 : index
      %swap3A_534 = tpu.vector_load %arg13[%swap3A_532, %swap3A_533] {strides = array<i32>} : memref<128x128xf32, #tpu.memory_space<vmem>>, vector<1x16xf32>,
      %swap3A_535 = vector.shape_cast %swap3A_534 : vector<1x16xf32> to vector<16xf32>
      %swap3A_536 = vector.shape_cast %mul3A_531 : vector<16xf32> to vector<1x16xf32>
      tpu.vector_store %arg13[%swap3A_532, %swap3A_533], %swap3A_536 {strides = array<i32>} : memref<128x128xf32, #tpu.memory_space<vmem>>, vector<1x16xf32>,
      %get3A_537 = arith.index_cast %add3A_476 : i32 to index
      %get3A_538 = arith.constant 96 : index
      %get3A_539 = tpu.vector_load %arg13[%get3A_537, %get3A_538] {strides = array<i32>} : memref<128x128xf32, #tpu.memory_space<vmem>>, vector<1x16xf32>,
      %get3A_540 = vector.shape_cast %get3A_539 : vector<1x16xf32> to vector<16xf32>
      %mul3A_541 = arith.mulf %get3A_540, %broadcast_in_dim3A_472 : vector<16xf32>
      %swap3A_542 = arith.index_cast %add3A_476 : i32 to index
      %swap3A_543 = arith.constant 96 : index
      %swap3A_544 = tpu.vector_load %arg13[%swap3A_542, %swap3A_543] {strides = array<i32>} : memref<128x128xf32, #tpu.memory_space<vmem>>, vector<1x16xf32>,
      %swap3A_545 = vector.shape_cast %swap3A_544 : vector<1x16xf32> to vector<16xf32>
      %swap3A_546 = vector.shape_cast %mul3A_541 : vector<16xf32> to vector<1x16xf32>
      tpu.vector_store %arg13[%swap3A_542, %swap3A_543], %swap3A_546 {strides = array<i32>} : memref<128x128xf32, #tpu.memory_space<vmem>>, vector<1x16xf32>,
      %get3A_547 = arith.index_cast %add3A_476 : i32 to index
      %get3A_548 = arith.constant 112 : index
      %get3A_549 = tpu.vector_load %arg13[%get3A_547, %get3A_548] {strides = array<i32>} : memref<128x128xf32, #tpu.memory_space<vmem>>, vector<1x16xf32>,
      %get3A_550 = vector.shape_cast %get3A_549 : vector<1x16xf32> to vector<16xf32>
      %mul3A_551 = arith.mulf %get3A_550, %broadcast_in_dim3A_472 : vector<16xf32>
      %swap3A_552 = arith.index_cast %add3A_476 : i32 to index
      %swap3A_553 = arith.constant 112 : index
      %swap3A_554 = tpu.vector_load %arg13[%swap3A_552, %swap3A_553] {strides = array<i32>} : memref<128x128xf32, #tpu.memory_space<vmem>>, vector<1x16xf32>,
      %swap3A_555 = vector.shape_cast %swap3A_554 : vector<1x16xf32> to vector<16xf32>
      %swap3A_556 = vector.shape_cast %mul3A_551 : vector<16xf32> to vector<1x16xf32>
      tpu.vector_store %arg13[%swap3A_552, %swap3A_553], %swap3A_556 {strides = array<i32>} : memref<128x128xf32, #tpu.memory_space<vmem>>, vector<1x16xf32>,
      %slice3A_557 = vector.extract_strided_slice %get3A_36 {offsets = [6], sizes = [1], strides = [1]} : vector<16xf32> to vector<1xf32>
      %squeeze3A_558 = vector.extract %slice3A_557[0] : f32 from vector<1xf32>
      %broadcast_in_dim3A_559 = vector.broadcast %squeeze3A_558 : f32 to vector<16xf32>
      %mul3A_560 = arith.constant 16 : i32
      %mul3A_561 = arith.muli %scan3A_31, %mul3A_560 : i32
      %add3A_562 = arith.constant 6 : i32
      %add3A_563 = arith.addi %mul3A_561, %add3A_562 : i32
      %get3A_564 = arith.index_cast %add3A_563 : i32 to index
      %get3A_565 = arith.constant 0 : index
      %get3A_566 = tpu.vector_load %arg13[%get3A_564, %get3A_565] {strides = array<i32>} : memref<128x128xf32, #tpu.memory_space<vmem>>, vector<1x16xf32>,
      %get3A_567 = vector.shape_cast %get3A_566 : vector<1x16xf32> to vector<16xf32>
      %mul3A_568 = arith.mulf %get3A_567, %broadcast_in_dim3A_559 : vector<16xf32>
      %swap3A_569 = arith.index_cast %add3A_563 : i32 to index
      %swap3A_570 = arith.constant 0 : index
      %swap3A_571 = tpu.vector_load %arg13[%swap3A_569, %swap3A_570] {strides = array<i32>} : memref<128x128xf32, #tpu.memory_space<vmem>>, vector<1x16xf32>,
      %swap3A_572 = vector.shape_cast %swap3A_571 : vector<1x16xf32> to vector<16xf32>
      %swap3A_573 = vector.shape_cast %mul3A_568 : vector<16xf32> to vector<1x16xf32>
      tpu.vector_store %arg13[%swap3A_569, %swap3A_570], %swap3A_573 {strides = array<i32>} : memref<128x128xf32, #tpu.memory_space<vmem>>, vector<1x16xf32>,
      %get3A_574 = arith.index_cast %add3A_563 : i32 to index
      %get3A_575 = arith.constant 16 : index
      %get3A_576 = tpu.vector_load %arg13[%get3A_574, %get3A_575] {strides = array<i32>} : memref<128x128xf32, #tpu.memory_space<vmem>>, vector<1x16xf32>,
      %get3A_577 = vector.shape_cast %get3A_576 : vector<1x16xf32> to vector<16xf32>
      %mul3A_578 = arith.mulf %get3A_577, %broadcast_in_dim3A_559 : vector<16xf32>
      %swap3A_579 = arith.index_cast %add3A_563 : i32 to index
      %swap3A_580 = arith.constant 16 : index
      %swap3A_581 = tpu.vector_load %arg13[%swap3A_579, %swap3A_580] {strides = array<i32>} : memref<128x128xf32, #tpu.memory_space<vmem>>, vector<1x16xf32>,
      %swap3A_582 = vector.shape_cast %swap3A_581 : vector<1x16xf32> to vector<16xf32>
      %swap3A_583 = vector.shape_cast %mul3A_578 : vector<16xf32> to vector<1x16xf32>
      tpu.vector_store %arg13[%swap3A_579, %swap3A_580], %swap3A_583 {strides = array<i32>} : memref<128x128xf32, #tpu.memory_space<vmem>>, vector<1x16xf32>,
      %get3A_584 = arith.index_cast %add3A_563 : i32 to index
      %get3A_585 = arith.constant 32 : index
      %get3A_586 = tpu.vector_load %arg13[%get3A_584, %get3A_585] {strides = array<i32>} : memref<128x128xf32, #tpu.memory_space<vmem>>, vector<1x16xf32>,
      %get3A_587 = vector.shape_cast %get3A_586 : vector<1x16xf32> to vector<16xf32>
      %mul3A_588 = arith.mulf %get3A_587, %broadcast_in_dim3A_559 : vector<16xf32>
      %swap3A_589 = arith.index_cast %add3A_563 : i32 to index
      %swap3A_590 = arith.constant 32 : index
      %swap3A_591 = tpu.vector_load %arg13[%swap3A_589, %swap3A_590] {strides = array<i32>} : memref<128x128xf32, #tpu.memory_space<vmem>>, vector<1x16xf32>,
      %swap3A_592 = vector.shape_cast %swap3A_591 : vector<1x16xf32> to vector<16xf32>
      %swap3A_593 = vector.shape_cast %mul3A_588 : vector<16xf32> to vector<1x16xf32>
      tpu.vector_store %arg13[%swap3A_589, %swap3A_590], %swap3A_593 {strides = array<i32>} : memref<128x128xf32, #tpu.memory_space<vmem>>, vector<1x16xf32>,
      %get3A_594 = arith.index_cast %add3A_563 : i32 to index
      %get3A_595 = arith.constant 48 : index
      %get3A_596 = tpu.vector_load %arg13[%get3A_594, %get3A_595] {strides = array<i32>} : memref<128x128xf32, #tpu.memory_space<vmem>>, vector<1x16xf32>,
      %get3A_597 = vector.shape_cast %get3A_596 : vector<1x16xf32> to vector<16xf32>
      %mul3A_598 = arith.mulf %get3A_597, %broadcast_in_dim3A_559 : vector<16xf32>
      %swap3A_599 = arith.index_cast %add3A_563 : i32 to index
      %swap3A_600 = arith.constant 48 : index
      %swap3A_601 = tpu.vector_load %arg13[%swap3A_599, %swap3A_600] {strides = array<i32>} : memref<128x128xf32, #tpu.memory_space<vmem>>, vector<1x16xf32>,
      %swap3A_602 = vector.shape_cast %swap3A_601 : vector<1x16xf32> to vector<16xf32>
      %swap3A_603 = vector.shape_cast %mul3A_598 : vector<16xf32> to vector<1x16xf32>
      tpu.vector_store %arg13[%swap3A_599, %swap3A_600], %swap3A_603 {strides = array<i32>} : memref<128x128xf32, #tpu.memory_space<vmem>>, vector<1x16xf32>,
      %get3A_604 = arith.index_cast %add3A_563 : i32 to index
      %get3A_605 = arith.constant 64 : index
      %get3A_606 = tpu.vector_load %arg13[%get3A_604, %get3A_605] {strides = array<i32>} : memref<128x128xf32, #tpu.memory_space<vmem>>, vector<1x16xf32>,
      %get3A_607 = vector.shape_cast %get3A_606 : vector<1x16xf32> to vector<16xf32>
      %mul3A_608 = arith.mulf %get3A_607, %broadcast_in_dim3A_559 : vector<16xf32>
      %swap3A_609 = arith.index_cast %add3A_563 : i32 to index
      %swap3A_610 = arith.constant 64 : index
      %swap3A_611 = tpu.vector_load %arg13[%swap3A_609, %swap3A_610] {strides = array<i32>} : memref<128x128xf32, #tpu.memory_space<vmem>>, vector<1x16xf32>,
      %swap3A_612 = vector.shape_cast %swap3A_611 : vector<1x16xf32> to vector<16xf32>
      %swap3A_613 = vector.shape_cast %mul3A_608 : vector<16xf32> to vector<1x16xf32>
      tpu.vector_store %arg13[%swap3A_609, %swap3A_610], %swap3A_613 {strides = array<i32>} : memref<128x128xf32, #tpu.memory_space<vmem>>, vector<1x16xf32>,
      %get3A_614 = arith.index_cast %add3A_563 : i32 to index
      %get3A_615 = arith.constant 80 : index
      %get3A_616 = tpu.vector_load %arg13[%get3A_614, %get3A_615] {strides = array<i32>} : memref<128x128xf32, #tpu.memory_space<vmem>>, vector<1x16xf32>,
      %get3A_617 = vector.shape_cast %get3A_616 : vector<1x16xf32> to vector<16xf32>
      %mul3A_618 = arith.mulf %get3A_617, %broadcast_in_dim3A_559 : vector<16xf32>
      %swap3A_619 = arith.index_cast %add3A_563 : i32 to index
      %swap3A_620 = arith.constant 80 : index
      %swap3A_621 = tpu.vector_load %arg13[%swap3A_619, %swap3A_620] {strides = array<i32>} : memref<128x128xf32, #tpu.memory_space<vmem>>, vector<1x16xf32>,
      %swap3A_622 = vector.shape_cast %swap3A_621 : vector<1x16xf32> to vector<16xf32>
      %swap3A_623 = vector.shape_cast %mul3A_618 : vector<16xf32> to vector<1x16xf32>
      tpu.vector_store %arg13[%swap3A_619, %swap3A_620], %swap3A_623 {strides = array<i32>} : memref<128x128xf32, #tpu.memory_space<vmem>>, vector<1x16xf32>,
      %get3A_624 = arith.index_cast %add3A_563 : i32 to index
      %get3A_625 = arith.constant 96 : index
      %get3A_626 = tpu.vector_load %arg13[%get3A_624, %get3A_625] {strides = array<i32>} : memref<128x128xf32, #tpu.memory_space<vmem>>, vector<1x16xf32>,
      %get3A_627 = vector.shape_cast %get3A_626 : vector<1x16xf32> to vector<16xf32>
      %mul3A_628 = arith.mulf %get3A_627, %broadcast_in_dim3A_559 : vector<16xf32>
      %swap3A_629 = arith.index_cast %add3A_563 : i32 to index
      %swap3A_630 = arith.constant 96 : index
      %swap3A_631 = tpu.vector_load %arg13[%swap3A_629, %swap3A_630] {strides = array<i32>} : memref<128x128xf32, #tpu.memory_space<vmem>>, vector<1x16xf32>,
      %swap3A_632 = vector.shape_cast %swap3A_631 : vector<1x16xf32> to vector<16xf32>
      %swap3A_633 = vector.shape_cast %mul3A_628 : vector<16xf32> to vector<1x16xf32>
      tpu.vector_store %arg13[%swap3A_629, %swap3A_630], %swap3A_633 {strides = array<i32>} : memref<128x128xf32, #tpu.memory_space<vmem>>, vector<1x16xf32>,
      %get3A_634 = arith.index_cast %add3A_563 : i32 to index
      %get3A_635 = arith.constant 112 : index
      %get3A_636 = tpu.vector_load %arg13[%get3A_634, %get3A_635] {strides = array<i32>} : memref<128x128xf32, #tpu.memory_space<vmem>>, vector<1x16xf32>,
      %get3A_637 = vector.shape_cast %get3A_636 : vector<1x16xf32> to vector<16xf32>
      %mul3A_638 = arith.mulf %get3A_637, %broadcast_in_dim3A_559 : vector<16xf32>
      %swap3A_639 = arith.index_cast %add3A_563 : i32 to index
      %swap3A_640 = arith.constant 112 : index
      %swap3A_641 = tpu.vector_load %arg13[%swap3A_639, %swap3A_640] {strides = array<i32>} : memref<128x128xf32, #tpu.memory_space<vmem>>, vector<1x16xf32>,
      %swap3A_642 = vector.shape_cast %swap3A_641 : vector<1x16xf32> to vector<16xf32>
      %swap3A_643 = vector.shape_cast %mul3A_638 : vector<16xf32> to vector<1x16xf32>
      tpu.vector_store %arg13[%swap3A_639, %swap3A_640], %swap3A_643 {strides = array<i32>} : memref<128x128xf32, #tpu.memory_space<vmem>>, vector<1x16xf32>,
      %slice3A_644 = vector.extract_strided_slice %get3A_36 {offsets = [7], sizes = [1], strides = [1]} : vector<16xf32> to vector<1xf32>
      %squeeze3A_645 = vector.extract %slice3A_644[0] : f32 from vector<1xf32>
      %broadcast_in_dim3A_646 = vector.broadcast %squeeze3A_645 : f32 to vector<16xf32>
      %mul3A_647 = arith.constant 16 : i32
      %mul3A_648 = arith.muli %scan3A_31, %mul3A_647 : i32
      %add3A_649 = arith.constant 7 : i32
      %add3A_650 = arith.addi %mul3A_648, %add3A_649 : i32
      %get3A_651 = arith.index_cast %add3A_650 : i32 to index
      %get3A_652 = arith.constant 0 : index
      %get3A_653 = tpu.vector_load %arg13[%get3A_651, %get3A_652] {strides = array<i32>} : memref<128x128xf32, #tpu.memory_space<vmem>>, vector<1x16xf32>,
      %get3A_654 = vector.shape_cast %get3A_653 : vector<1x16xf32> to vector<16xf32>
      %mul3A_655 = arith.mulf %get3A_654, %broadcast_in_dim3A_646 : vector<16xf32>
      %swap3A_656 = arith.index_cast %add3A_650 : i32 to index
      %swap3A_657 = arith.constant 0 : index
      %swap3A_658 = tpu.vector_load %arg13[%swap3A_656, %swap3A_657] {strides = array<i32>} : memref<128x128xf32, #tpu.memory_space<vmem>>, vector<1x16xf32>,
      %swap3A_659 = vector.shape_cast %swap3A_658 : vector<1x16xf32> to vector<16xf32>
      %swap3A_660 = vector.shape_cast %mul3A_655 : vector<16xf32> to vector<1x16xf32>
      tpu.vector_store %arg13[%swap3A_656, %swap3A_657], %swap3A_660 {strides = array<i32>} : memref<128x128xf32, #tpu.memory_space<vmem>>, vector<1x16xf32>,
      %get3A_661 = arith.index_cast %add3A_650 : i32 to index
      %get3A_662 = arith.constant 16 : index
      %get3A_663 = tpu.vector_load %arg13[%get3A_661, %get3A_662] {strides = array<i32>} : memref<128x128xf32, #tpu.memory_space<vmem>>, vector<1x16xf32>,
      %get3A_664 = vector.shape_cast %get3A_663 : vector<1x16xf32> to vector<16xf32>
      %mul3A_665 = arith.mulf %get3A_664, %broadcast_in_dim3A_646 : vector<16xf32>
      %swap3A_666 = arith.index_cast %add3A_650 : i32 to index
      %swap3A_667 = arith.constant 16 : index
      %swap3A_668 = tpu.vector_load %arg13[%swap3A_666, %swap3A_667] {strides = array<i32>} : memref<128x128xf32, #tpu.memory_space<vmem>>, vector<1x16xf32>,
      %swap3A_669 = vector.shape_cast %swap3A_668 : vector<1x16xf32> to vector<16xf32>
      %swap3A_670 = vector.shape_cast %mul3A_665 : vector<16xf32> to vector<1x16xf32>
      tpu.vector_store %arg13[%swap3A_666, %swap3A_667], %swap3A_670 {strides = array<i32>} : memref<128x128xf32, #tpu.memory_space<vmem>>, vector<1x16xf32>,
      %get3A_671 = arith.index_cast %add3A_650 : i32 to index
      %get3A_672 = arith.constant 32 : index
      %get3A_673 = tpu.vector_load %arg13[%get3A_671, %get3A_672] {strides = array<i32>} : memref<128x128xf32, #tpu.memory_space<vmem>>, vector<1x16xf32>,
      %get3A_674 = vector.shape_cast %get3A_673 : vector<1x16xf32> to vector<16xf32>
      %mul3A_675 = arith.mulf %get3A_674, %broadcast_in_dim3A_646 : vector<16xf32>
      %swap3A_676 = arith.index_cast %add3A_650 : i32 to index
      %swap3A_677 = arith.constant 32 : index
      %swap3A_678 = tpu.vector_load %arg13[%swap3A_676, %swap3A_677] {strides = array<i32>} : memref<128x128xf32, #tpu.memory_space<vmem>>, vector<1x16xf32>,
      %swap3A_679 = vector.shape_cast %swap3A_678 : vector<1x16xf32> to vector<16xf32>
      %swap3A_680 = vector.shape_cast %mul3A_675 : vector<16xf32> to vector<1x16xf32>
      tpu.vector_store %arg13[%swap3A_676, %swap3A_677], %swap3A_680 {strides = array<i32>} : memref<128x128xf32, #tpu.memory_space<vmem>>, vector<1x16xf32>,
      %get3A_681 = arith.index_cast %add3A_650 : i32 to index
      %get3A_682 = arith.constant 48 : index
      %get3A_683 = tpu.vector_load %arg13[%get3A_681, %get3A_682] {strides = array<i32>} : memref<128x128xf32, #tpu.memory_space<vmem>>, vector<1x16xf32>,
      %get3A_684 = vector.shape_cast %get3A_683 : vector<1x16xf32> to vector<16xf32>
      %mul3A_685 = arith.mulf %get3A_684, %broadcast_in_dim3A_646 : vector<16xf32>
      %swap3A_686 = arith.index_cast %add3A_650 : i32 to index
      %swap3A_687 = arith.constant 48 : index
      %swap3A_688 = tpu.vector_load %arg13[%swap3A_686, %swap3A_687] {strides = array<i32>} : memref<128x128xf32, #tpu.memory_space<vmem>>, vector<1x16xf32>,
      %swap3A_689 = vector.shape_cast %swap3A_688 : vector<1x16xf32> to vector<16xf32>
      %swap3A_690 = vector.shape_cast %mul3A_685 : vector<16xf32> to vector<1x16xf32>
      tpu.vector_store %arg13[%swap3A_686, %swap3A_687], %swap3A_690 {strides = array<i32>} : memref<128x128xf32, #tpu.memory_space<vmem>>, vector<1x16xf32>,
      %get3A_691 = arith.index_cast %add3A_650 : i32 to index
      %get3A_692 = arith.constant 64 : index
      %get3A_693 = tpu.vector_load %arg13[%get3A_691, %get3A_692] {strides = array<i32>} : memref<128x128xf32, #tpu.memory_space<vmem>>, vector<1x16xf32>,
      %get3A_694 = vector.shape_cast %get3A_693 : vector<1x16xf32> to vector<16xf32>
      %mul3A_695 = arith.mulf %get3A_694, %broadcast_in_dim3A_646 : vector<16xf32>
      %swap3A_696 = arith.index_cast %add3A_650 : i32 to index
      %swap3A_697 = arith.constant 64 : index
      %swap3A_698 = tpu.vector_load %arg13[%swap3A_696, %swap3A_697] {strides = array<i32>} : memref<128x128xf32, #tpu.memory_space<vmem>>, vector<1x16xf32>,
      %swap3A_699 = vector.shape_cast %swap3A_698 : vector<1x16xf32> to vector<16xf32>
      %swap3A_700 = vector.shape_cast %mul3A_695 : vector<16xf32> to vector<1x16xf32>
      tpu.vector_store %arg13[%swap3A_696, %swap3A_697], %swap3A_700 {strides = array<i32>} : memref<128x128xf32, #tpu.memory_space<vmem>>, vector<1x16xf32>,
      %get3A_701 = arith.index_cast %add3A_650 : i32 to index
      %get3A_702 = arith.constant 80 : index
      %get3A_703 = tpu.vector_load %arg13[%get3A_701, %get3A_702] {strides = array<i32>} : memref<128x128xf32, #tpu.memory_space<vmem>>, vector<1x16xf32>,
      %get3A_704 = vector.shape_cast %get3A_703 : vector<1x16xf32> to vector<16xf32>
      %mul3A_705 = arith.mulf %get3A_704, %broadcast_in_dim3A_646 : vector<16xf32>
      %swap3A_706 = arith.index_cast %add3A_650 : i32 to index
      %swap3A_707 = arith.constant 80 : index
      %swap3A_708 = tpu.vector_load %arg13[%swap3A_706, %swap3A_707] {strides = array<i32>} : memref<128x128xf32, #tpu.memory_space<vmem>>, vector<1x16xf32>,
      %swap3A_709 = vector.shape_cast %swap3A_708 : vector<1x16xf32> to vector<16xf32>
      %swap3A_710 = vector.shape_cast %mul3A_705 : vector<16xf32> to vector<1x16xf32>
      tpu.vector_store %arg13[%swap3A_706, %swap3A_707], %swap3A_710 {strides = array<i32>} : memref<128x128xf32, #tpu.memory_space<vmem>>, vector<1x16xf32>,
      %get3A_711 = arith.index_cast %add3A_650 : i32 to index
      %get3A_712 = arith.constant 96 : index
      %get3A_713 = tpu.vector_load %arg13[%get3A_711, %get3A_712] {strides = array<i32>} : memref<128x128xf32, #tpu.memory_space<vmem>>, vector<1x16xf32>,
      %get3A_714 = vector.shape_cast %get3A_713 : vector<1x16xf32> to vector<16xf32>
      %mul3A_715 = arith.mulf %get3A_714, %broadcast_in_dim3A_646 : vector<16xf32>
      %swap3A_716 = arith.index_cast %add3A_650 : i32 to index
      %swap3A_717 = arith.constant 96 : index
      %swap3A_718 = tpu.vector_load %arg13[%swap3A_716, %swap3A_717] {strides = array<i32>} : memref<128x128xf32, #tpu.memory_space<vmem>>, vector<1x16xf32>,
      %swap3A_719 = vector.shape_cast %swap3A_718 : vector<1x16xf32> to vector<16xf32>
      %swap3A_720 = vector.shape_cast %mul3A_715 : vector<16xf32> to vector<1x16xf32>
      tpu.vector_store %arg13[%swap3A_716, %swap3A_717], %swap3A_720 {strides = array<i32>} : memref<128x128xf32, #tpu.memory_space<vmem>>, vector<1x16xf32>,
      %get3A_721 = arith.index_cast %add3A_650 : i32 to index
      %get3A_722 = arith.constant 112 : index
      %get3A_723 = tpu.vector_load %arg13[%get3A_721, %get3A_722] {strides = array<i32>} : memref<128x128xf32, #tpu.memory_space<vmem>>, vector<1x16xf32>,
      %get3A_724 = vector.shape_cast %get3A_723 : vector<1x16xf32> to vector<16xf32>
      %mul3A_725 = arith.mulf %get3A_724, %broadcast_in_dim3A_646 : vector<16xf32>
      %swap3A_726 = arith.index_cast %add3A_650 : i32 to index
      %swap3A_727 = arith.constant 112 : index
      %swap3A_728 = tpu.vector_load %arg13[%swap3A_726, %swap3A_727] {strides = array<i32>} : memref<128x128xf32, #tpu.memory_space<vmem>>, vector<1x16xf32>,
      %swap3A_729 = vector.shape_cast %swap3A_728 : vector<1x16xf32> to vector<16xf32>
      %swap3A_730 = vector.shape_cast %mul3A_725 : vector<16xf32> to vector<1x16xf32>
      tpu.vector_store %arg13[%swap3A_726, %swap3A_727], %swap3A_730 {strides = array<i32>} : memref<128x128xf32, #tpu.memory_space<vmem>>, vector<1x16xf32>,
      %slice3A_731 = vector.extract_strided_slice %get3A_36 {offsets = [8], sizes = [1], strides = [1]} : vector<16xf32> to vector<1xf32>
      %squeeze3A_732 = vector.extract %slice3A_731[0] : f32 from vector<1xf32>
      %broadcast_in_dim3A_733 = vector.broadcast %squeeze3A_732 : f32 to vector<16xf32>
      %mul3A_734 = arith.constant 16 : i32
      %mul3A_735 = arith.muli %scan3A_31, %mul3A_734 : i32
      %add3A_736 = arith.constant 8 : i32
      %add3A_737 = arith.addi %mul3A_735, %add3A_736 : i32
      %get3A_738 = arith.index_cast %add3A_737 : i32 to index
      %get3A_739 = arith.constant 0 : index
      %get3A_740 = tpu.vector_load %arg13[%get3A_738, %get3A_739] {strides = array<i32>} : memref<128x128xf32, #tpu.memory_space<vmem>>, vector<1x16xf32>,
      %get3A_741 = vector.shape_cast %get3A_740 : vector<1x16xf32> to vector<16xf32>
      %mul3A_742 = arith.mulf %get3A_741, %broadcast_in_dim3A_733 : vector<16xf32>
      %swap3A_743 = arith.index_cast %add3A_737 : i32 to index
      %swap3A_744 = arith.constant 0 : index
      %swap3A_745 = tpu.vector_load %arg13[%swap3A_743, %swap3A_744] {strides = array<i32>} : memref<128x128xf32, #tpu.memory_space<vmem>>, vector<1x16xf32>,
      %swap3A_746 = vector.shape_cast %swap3A_745 : vector<1x16xf32> to vector<16xf32>
      %swap3A_747 = vector.shape_cast %mul3A_742 : vector<16xf32> to vector<1x16xf32>
      tpu.vector_store %arg13[%swap3A_743, %swap3A_744], %swap3A_747 {strides = array<i32>} : memref<128x128xf32, #tpu.memory_space<vmem>>, vector<1x16xf32>,
      %get3A_748 = arith.index_cast %add3A_737 : i32 to index
      %get3A_749 = arith.constant 16 : index
      %get3A_750 = tpu.vector_load %arg13[%get3A_748, %get3A_749] {strides = array<i32>} : memref<128x128xf32, #tpu.memory_space<vmem>>, vector<1x16xf32>,
      %get3A_751 = vector.shape_cast %get3A_750 : vector<1x16xf32> to vector<16xf32>
      %mul3A_752 = arith.mulf %get3A_751, %broadcast_in_dim3A_733 : vector<16xf32>
      %swap3A_753 = arith.index_cast %add3A_737 : i32 to index
      %swap3A_754 = arith.constant 16 : index
      %swap3A_755 = tpu.vector_load %arg13[%swap3A_753, %swap3A_754] {strides = array<i32>} : memref<128x128xf32, #tpu.memory_space<vmem>>, vector<1x16xf32>,
      %swap3A_756 = vector.shape_cast %swap3A_755 : vector<1x16xf32> to vector<16xf32>
      %swap3A_757 = vector.shape_cast %mul3A_752 : vector<16xf32> to vector<1x16xf32>
      tpu.vector_store %arg13[%swap3A_753, %swap3A_754], %swap3A_757 {strides = array<i32>} : memref<128x128xf32, #tpu.memory_space<vmem>>, vector<1x16xf32>,
      %get3A_758 = arith.index_cast %add3A_737 : i32 to index
      %get3A_759 = arith.constant 32 : index
      %get3A_760 = tpu.vector_load %arg13[%get3A_758, %get3A_759] {strides = array<i32>} : memref<128x128xf32, #tpu.memory_space<vmem>>, vector<1x16xf32>,
      %get3A_761 = vector.shape_cast %get3A_760 : vector<1x16xf32> to vector<16xf32>
      %mul3A_762 = arith.mulf %get3A_761, %broadcast_in_dim3A_733 : vector<16xf32>
      %swap3A_763 = arith.index_cast %add3A_737 : i32 to index
      %swap3A_764 = arith.constant 32 : index
      %swap3A_765 = tpu.vector_load %arg13[%swap3A_763, %swap3A_764] {strides = array<i32>} : memref<128x128xf32, #tpu.memory_space<vmem>>, vector<1x16xf32>,
      %swap3A_766 = vector.shape_cast %swap3A_765 : vector<1x16xf32> to vector<16xf32>
      %swap3A_767 = vector.shape_cast %mul3A_762 : vector<16xf32> to vector<1x16xf32>
      tpu.vector_store %arg13[%swap3A_763, %swap3A_764], %swap3A_767 {strides = array<i32>} : memref<128x128xf32, #tpu.memory_space<vmem>>, vector<1x16xf32>,
      %get3A_768 = arith.index_cast %add3A_737 : i32 to index
      %get3A_769 = arith.constant 48 : index
      %get3A_770 = tpu.vector_load %arg13[%get3A_768, %get3A_769] {strides = array<i32>} : memref<128x128xf32, #tpu.memory_space<vmem>>, vector<1x16xf32>,
      %get3A_771 = vector.shape_cast %get3A_770 : vector<1x16xf32> to vector<16xf32>
      %mul3A_772 = arith.mulf %get3A_771, %broadcast_in_dim3A_733 : vector<16xf32>
      %swap3A_773 = arith.index_cast %add3A_737 : i32 to index
      %swap3A_774 = arith.constant 48 : index
      %swap3A_775 = tpu.vector_load %arg13[%swap3A_773, %swap3A_774] {strides = array<i32>} : memref<128x128xf32, #tpu.memory_space<vmem>>, vector<1x16xf32>,
      %swap3A_776 = vector.shape_cast %swap3A_775 : vector<1x16xf32> to vector<16xf32>
      %swap3A_777 = vector.shape_cast %mul3A_772 : vector<16xf32> to vector<1x16xf32>
      tpu.vector_store %arg13[%swap3A_773, %swap3A_774], %swap3A_777 {strides = array<i32>} : memref<128x128xf32, #tpu.memory_space<vmem>>, vector<1x16xf32>,
      %get3A_778 = arith.index_cast %add3A_737 : i32 to index
      %get3A_779 = arith.constant 64 : index
      %get3A_780 = tpu.vector_load %arg13[%get3A_778, %get3A_779] {strides = array<i32>} : memref<128x128xf32, #tpu.memory_space<vmem>>, vector<1x16xf32>,
      %get3A_781 = vector.shape_cast %get3A_780 : vector<1x16xf32> to vector<16xf32>
      %mul3A_782 = arith.mulf %get3A_781, %broadcast_in_dim3A_733 : vector<16xf32>
      %swap3A_783 = arith.index_cast %add3A_737 : i32 to index
      %swap3A_784 = arith.constant 64 : index
      %swap3A_785 = tpu.vector_load %arg13[%swap3A_783, %swap3A_784] {strides = array<i32>} : memref<128x128xf32, #tpu.memory_space<vmem>>, vector<1x16xf32>,
      %swap3A_786 = vector.shape_cast %swap3A_785 : vector<1x16xf32> to vector<16xf32>
      %swap3A_787 = vector.shape_cast %mul3A_782 : vector<16xf32> to vector<1x16xf32>
      tpu.vector_store %arg13[%swap3A_783, %swap3A_784], %swap3A_787 {strides = array<i32>} : memref<128x128xf32, #tpu.memory_space<vmem>>, vector<1x16xf32>,
      %get3A_788 = arith.index_cast %add3A_737 : i32 to index
      %get3A_789 = arith.constant 80 : index
      %get3A_790 = tpu.vector_load %arg13[%get3A_788, %get3A_789] {strides = array<i32>} : memref<128x128xf32, #tpu.memory_space<vmem>>, vector<1x16xf32>,
      %get3A_791 = vector.shape_cast %get3A_790 : vector<1x16xf32> to vector<16xf32>
      %mul3A_792 = arith.mulf %get3A_791, %broadcast_in_dim3A_733 : vector<16xf32>
      %swap3A_793 = arith.index_cast %add3A_737 : i32 to index
      %swap3A_794 = arith.constant 80 : index
      %swap3A_795 = tpu.vector_load %arg13[%swap3A_793, %swap3A_794] {strides = array<i32>} : memref<128x128xf32, #tpu.memory_space<vmem>>, vector<1x16xf32>,
      %swap3A_796 = vector.shape_cast %swap3A_795 : vector<1x16xf32> to vector<16xf32>
      %swap3A_797 = vector.shape_cast %mul3A_792 : vector<16xf32> to vector<1x16xf32>
      tpu.vector_store %arg13[%swap3A_793, %swap3A_794], %swap3A_797 {strides = array<i32>} : memref<128x128xf32, #tpu.memory_space<vmem>>, vector<1x16xf32>,
      %get3A_798 = arith.index_cast %add3A_737 : i32 to index
      %get3A_799 = arith.constant 96 : index
      %get3A_800 = tpu.vector_load %arg13[%get3A_798, %get3A_799] {strides = array<i32>} : memref<128x128xf32, #tpu.memory_space<vmem>>, vector<1x16xf32>,
      %get3A_801 = vector.shape_cast %get3A_800 : vector<1x16xf32> to vector<16xf32>
      %mul3A_802 = arith.mulf %get3A_801, %broadcast_in_dim3A_733 : vector<16xf32>
      %swap3A_803 = arith.index_cast %add3A_737 : i32 to index
      %swap3A_804 = arith.constant 96 : index
      %swap3A_805 = tpu.vector_load %arg13[%swap3A_803, %swap3A_804] {strides = array<i32>} : memref<128x128xf32, #tpu.memory_space<vmem>>, vector<1x16xf32>,
      %swap3A_806 = vector.shape_cast %swap3A_805 : vector<1x16xf32> to vector<16xf32>
      %swap3A_807 = vector.shape_cast %mul3A_802 : vector<16xf32> to vector<1x16xf32>
      tpu.vector_store %arg13[%swap3A_803, %swap3A_804], %swap3A_807 {strides = array<i32>} : memref<128x128xf32, #tpu.memory_space<vmem>>, vector<1x16xf32>,
      %get3A_808 = arith.index_cast %add3A_737 : i32 to index
      %get3A_809 = arith.constant 112 : index
      %get3A_810 = tpu.vector_load %arg13[%get3A_808, %get3A_809] {strides = array<i32>} : memref<128x128xf32, #tpu.memory_space<vmem>>, vector<1x16xf32>,
      %get3A_811 = vector.shape_cast %get3A_810 : vector<1x16xf32> to vector<16xf32>
      %mul3A_812 = arith.mulf %get3A_811, %broadcast_in_dim3A_733 : vector<16xf32>
      %swap3A_813 = arith.index_cast %add3A_737 : i32 to index
      %swap3A_814 = arith.constant 112 : index
      %swap3A_815 = tpu.vector_load %arg13[%swap3A_813, %swap3A_814] {strides = array<i32>} : memref<128x128xf32, #tpu.memory_space<vmem>>, vector<1x16xf32>,
      %swap3A_816 = vector.shape_cast %swap3A_815 : vector<1x16xf32> to vector<16xf32>
      %swap3A_817 = vector.shape_cast %mul3A_812 : vector<16xf32> to vector<1x16xf32>
      tpu.vector_store %arg13[%swap3A_813, %swap3A_814], %swap3A_817 {strides = array<i32>} : memref<128x128xf32, #tpu.memory_space<vmem>>, vector<1x16xf32>,
      %slice3A_818 = vector.extract_strided_slice %get3A_36 {offsets = [9], sizes = [1], strides = [1]} : vector<16xf32> to vector<1xf32>
      %squeeze3A_819 = vector.extract %slice3A_818[0] : f32 from vector<1xf32>
      %broadcast_in_dim3A_820 = vector.broadcast %squeeze3A_819 : f32 to vector<16xf32>
      %mul3A_821 = arith.constant 16 : i32
      %mul3A_822 = arith.muli %scan3A_31, %mul3A_821 : i32
      %add3A_823 = arith.constant 9 : i32
      %add3A_824 = arith.addi %mul3A_822, %add3A_823 : i32
      %get3A_825 = arith.index_cast %add3A_824 : i32 to index
      %get3A_826 = arith.constant 0 : index
      %get3A_827 = tpu.vector_load %arg13[%get3A_825, %get3A_826] {strides = array<i32>} : memref<128x128xf32, #tpu.memory_space<vmem>>, vector<1x16xf32>,
      %get3A_828 = vector.shape_cast %get3A_827 : vector<1x16xf32> to vector<16xf32>
      %mul3A_829 = arith.mulf %get3A_828, %broadcast_in_dim3A_820 : vector<16xf32>
      %swap3A_830 = arith.index_cast %add3A_824 : i32 to index
      %swap3A_831 = arith.constant 0 : index
      %swap3A_832 = tpu.vector_load %arg13[%swap3A_830, %swap3A_831] {strides = array<i32>} : memref<128x128xf32, #tpu.memory_space<vmem>>, vector<1x16xf32>,
      %swap3A_833 = vector.shape_cast %swap3A_832 : vector<1x16xf32> to vector<16xf32>
      %swap3A_834 = vector.shape_cast %mul3A_829 : vector<16xf32> to vector<1x16xf32>
      tpu.vector_store %arg13[%swap3A_830, %swap3A_831], %swap3A_834 {strides = array<i32>} : memref<128x128xf32, #tpu.memory_space<vmem>>, vector<1x16xf32>,
      %get3A_835 = arith.index_cast %add3A_824 : i32 to index
      %get3A_836 = arith.constant 16 : index
      %get3A_837 = tpu.vector_load %arg13[%get3A_835, %get3A_836] {strides = array<i32>} : memref<128x128xf32, #tpu.memory_space<vmem>>, vector<1x16xf32>,
      %get3A_838 = vector.shape_cast %get3A_837 : vector<1x16xf32> to vector<16xf32>
      %mul3A_839 = arith.mulf %get3A_838, %broadcast_in_dim3A_820 : vector<16xf32>
      %swap3A_840 = arith.index_cast %add3A_824 : i32 to index
      %swap3A_841 = arith.constant 16 : index
      %swap3A_842 = tpu.vector_load %arg13[%swap3A_840, %swap3A_841] {strides = array<i32>} : memref<128x128xf32, #tpu.memory_space<vmem>>, vector<1x16xf32>,
      %swap3A_843 = vector.shape_cast %swap3A_842 : vector<1x16xf32> to vector<16xf32>
      %swap3A_844 = vector.shape_cast %mul3A_839 : vector<16xf32> to vector<1x16xf32>
      tpu.vector_store %arg13[%swap3A_840, %swap3A_841], %swap3A_844 {strides = array<i32>} : memref<128x128xf32, #tpu.memory_space<vmem>>, vector<1x16xf32>,
      %get3A_845 = arith.index_cast %add3A_824 : i32 to index
      %get3A_846 = arith.constant 32 : index
      %get3A_847 = tpu.vector_load %arg13[%get3A_845, %get3A_846] {strides = array<i32>} : memref<128x128xf32, #tpu.memory_space<vmem>>, vector<1x16xf32>,
      %get3A_848 = vector.shape_cast %get3A_847 : vector<1x16xf32> to vector<16xf32>
      %mul3A_849 = arith.mulf %get3A_848, %broadcast_in_dim3A_820 : vector<16xf32>
      %swap3A_850 = arith.index_cast %add3A_824 : i32 to index
      %swap3A_851 = arith.constant 32 : index
      %swap3A_852 = tpu.vector_load %arg13[%swap3A_850, %swap3A_851] {strides = array<i32>} : memref<128x128xf32, #tpu.memory_space<vmem>>, vector<1x16xf32>,
      %swap3A_853 = vector.shape_cast %swap3A_852 : vector<1x16xf32> to vector<16xf32>
      %swap3A_854 = vector.shape_cast %mul3A_849 : vector<16xf32> to vector<1x16xf32>
      tpu.vector_store %arg13[%swap3A_850, %swap3A_851], %swap3A_854 {strides = array<i32>} : memref<128x128xf32, #tpu.memory_space<vmem>>, vector<1x16xf32>,
      %get3A_855 = arith.index_cast %add3A_824 : i32 to index
      %get3A_856 = arith.constant 48 : index
      %get3A_857 = tpu.vector_load %arg13[%get3A_855, %get3A_856] {strides = array<i32>} : memref<128x128xf32, #tpu.memory_space<vmem>>, vector<1x16xf32>,
      %get3A_858 = vector.shape_cast %get3A_857 : vector<1x16xf32> to vector<16xf32>
      %mul3A_859 = arith.mulf %get3A_858, %broadcast_in_dim3A_820 : vector<16xf32>
      %swap3A_860 = arith.index_cast %add3A_824 : i32 to index
      %swap3A_861 = arith.constant 48 : index
      %swap3A_862 = tpu.vector_load %arg13[%swap3A_860, %swap3A_861] {strides = array<i32>} : memref<128x128xf32, #tpu.memory_space<vmem>>, vector<1x16xf32>,
      %swap3A_863 = vector.shape_cast %swap3A_862 : vector<1x16xf32> to vector<16xf32>
      %swap3A_864 = vector.shape_cast %mul3A_859 : vector<16xf32> to vector<1x16xf32>
      tpu.vector_store %arg13[%swap3A_860, %swap3A_861], %swap3A_864 {strides = array<i32>} : memref<128x128xf32, #tpu.memory_space<vmem>>, vector<1x16xf32>,
      %get3A_865 = arith.index_cast %add3A_824 : i32 to index
      %get3A_866 = arith.constant 64 : index
      %get3A_867 = tpu.vector_load %arg13[%get3A_865, %get3A_866] {strides = array<i32>} : memref<128x128xf32, #tpu.memory_space<vmem>>, vector<1x16xf32>,
      %get3A_868 = vector.shape_cast %get3A_867 : vector<1x16xf32> to vector<16xf32>
      %mul3A_869 = arith.mulf %get3A_868, %broadcast_in_dim3A_820 : vector<16xf32>
      %swap3A_870 = arith.index_cast %add3A_824 : i32 to index
      %swap3A_871 = arith.constant 64 : index
      %swap3A_872 = tpu.vector_load %arg13[%swap3A_870, %swap3A_871] {strides = array<i32>} : memref<128x128xf32, #tpu.memory_space<vmem>>, vector<1x16xf32>,
      %swap3A_873 = vector.shape_cast %swap3A_872 : vector<1x16xf32> to vector<16xf32>
      %swap3A_874 = vector.shape_cast %mul3A_869 : vector<16xf32> to vector<1x16xf32>
      tpu.vector_store %arg13[%swap3A_870, %swap3A_871], %swap3A_874 {strides = array<i32>} : memref<128x128xf32, #tpu.memory_space<vmem>>, vector<1x16xf32>,
      %get3A_875 = arith.index_cast %add3A_824 : i32 to index
      %get3A_876 = arith.constant 80 : index
      %get3A_877 = tpu.vector_load %arg13[%get3A_875, %get3A_876] {strides = array<i32>} : memref<128x128xf32, #tpu.memory_space<vmem>>, vector<1x16xf32>,
      %get3A_878 = vector.shape_cast %get3A_877 : vector<1x16xf32> to vector<16xf32>
      %mul3A_879 = arith.mulf %get3A_878, %broadcast_in_dim3A_820 : vector<16xf32>
      %swap3A_880 = arith.index_cast %add3A_824 : i32 to index
      %swap3A_881 = arith.constant 80 : index
      %swap3A_882 = tpu.vector_load %arg13[%swap3A_880, %swap3A_881] {strides = array<i32>} : memref<128x128xf32, #tpu.memory_space<vmem>>, vector<1x16xf32>,
      %swap3A_883 = vector.shape_cast %swap3A_882 : vector<1x16xf32> to vector<16xf32>
      %swap3A_884 = vector.shape_cast %mul3A_879 : vector<16xf32> to vector<1x16xf32>
      tpu.vector_store %arg13[%swap3A_880, %swap3A_881], %swap3A_884 {strides = array<i32>} : memref<128x128xf32, #tpu.memory_space<vmem>>, vector<1x16xf32>,
      %get3A_885 = arith.index_cast %add3A_824 : i32 to index
      %get3A_886 = arith.constant 96 : index
      %get3A_887 = tpu.vector_load %arg13[%get3A_885, %get3A_886] {strides = array<i32>} : memref<128x128xf32, #tpu.memory_space<vmem>>, vector<1x16xf32>,
      %get3A_888 = vector.shape_cast %get3A_887 : vector<1x16xf32> to vector<16xf32>
      %mul3A_889 = arith.mulf %get3A_888, %broadcast_in_dim3A_820 : vector<16xf32>
      %swap3A_890 = arith.index_cast %add3A_824 : i32 to index
      %swap3A_891 = arith.constant 96 : index
      %swap3A_892 = tpu.vector_load %arg13[%swap3A_890, %swap3A_891] {strides = array<i32>} : memref<128x128xf32, #tpu.memory_space<vmem>>, vector<1x16xf32>,
      %swap3A_893 = vector.shape_cast %swap3A_892 : vector<1x16xf32> to vector<16xf32>
      %swap3A_894 = vector.shape_cast %mul3A_889 : vector<16xf32> to vector<1x16xf32>
      tpu.vector_store %arg13[%swap3A_890, %swap3A_891], %swap3A_894 {strides = array<i32>} : memref<128x128xf32, #tpu.memory_space<vmem>>, vector<1x16xf32>,
      %get3A_895 = arith.index_cast %add3A_824 : i32 to index
      %get3A_896 = arith.constant 112 : index
      %get3A_897 = tpu.vector_load %arg13[%get3A_895, %get3A_896] {strides = array<i32>} : memref<128x128xf32, #tpu.memory_space<vmem>>, vector<1x16xf32>,
      %get3A_898 = vector.shape_cast %get3A_897 : vector<1x16xf32> to vector<16xf32>
      %mul3A_899 = arith.mulf %get3A_898, %broadcast_in_dim3A_820 : vector<16xf32>
      %swap3A_900 = arith.index_cast %add3A_824 : i32 to index
      %swap3A_901 = arith.constant 112 : index
      %swap3A_902 = tpu.vector_load %arg13[%swap3A_900, %swap3A_901] {strides = array<i32>} : memref<128x128xf32, #tpu.memory_space<vmem>>, vector<1x16xf32>,
      %swap3A_903 = vector.shape_cast %swap3A_902 : vector<1x16xf32> to vector<16xf32>
      %swap3A_904 = vector.shape_cast %mul3A_899 : vector<16xf32> to vector<1x16xf32>
      tpu.vector_store %arg13[%swap3A_900, %swap3A_901], %swap3A_904 {strides = array<i32>} : memref<128x128xf32, #tpu.memory_space<vmem>>, vector<1x16xf32>,
      %slice3A_905 = vector.extract_strided_slice %get3A_36 {offsets = [10], sizes = [1], strides = [1]} : vector<16xf32> to vector<1xf32>
      %squeeze3A_906 = vector.extract %slice3A_905[0] : f32 from vector<1xf32>
      %broadcast_in_dim3A_907 = vector.broadcast %squeeze3A_906 : f32 to vector<16xf32>
      %mul3A_908 = arith.constant 16 : i32
      %mul3A_909 = arith.muli %scan3A_31, %mul3A_908 : i32
      %add3A_910 = arith.constant 10 : i32
      %add3A_911 = arith.addi %mul3A_909, %add3A_910 : i32
      %get3A_912 = arith.index_cast %add3A_911 : i32 to index
      %get3A_913 = arith.constant 0 : index
      %get3A_914 = tpu.vector_load %arg13[%get3A_912, %get3A_913] {strides = array<i32>} : memref<128x128xf32, #tpu.memory_space<vmem>>, vector<1x16xf32>,
      %get3A_915 = vector.shape_cast %get3A_914 : vector<1x16xf32> to vector<16xf32>
      %mul3A_916 = arith.mulf %get3A_915, %broadcast_in_dim3A_907 : vector<16xf32>
      %swap3A_917 = arith.index_cast %add3A_911 : i32 to index
      %swap3A_918 = arith.constant 0 : index
      %swap3A_919 = tpu.vector_load %arg13[%swap3A_917, %swap3A_918] {strides = array<i32>} : memref<128x128xf32, #tpu.memory_space<vmem>>, vector<1x16xf32>,
      %swap3A_920 = vector.shape_cast %swap3A_919 : vector<1x16xf32> to vector<16xf32>
      %swap3A_921 = vector.shape_cast %mul3A_916 : vector<16xf32> to vector<1x16xf32>
      tpu.vector_store %arg13[%swap3A_917, %swap3A_918], %swap3A_921 {strides = array<i32>} : memref<128x128xf32, #tpu.memory_space<vmem>>, vector<1x16xf32>,
      %get3A_922 = arith.index_cast %add3A_911 : i32 to index
      %get3A_923 = arith.constant 16 : index
      %get3A_924 = tpu.vector_load %arg13[%get3A_922, %get3A_923] {strides = array<i32>} : memref<128x128xf32, #tpu.memory_space<vmem>>, vector<1x16xf32>,
      %get3A_925 = vector.shape_cast %get3A_924 : vector<1x16xf32> to vector<16xf32>
      %mul3A_926 = arith.mulf %get3A_925, %broadcast_in_dim3A_907 : vector<16xf32>
      %swap3A_927 = arith.index_cast %add3A_911 : i32 to index
      %swap3A_928 = arith.constant 16 : index
      %swap3A_929 = tpu.vector_load %arg13[%swap3A_927, %swap3A_928] {strides = array<i32>} : memref<128x128xf32, #tpu.memory_space<vmem>>, vector<1x16xf32>,
      %swap3A_930 = vector.shape_cast %swap3A_929 : vector<1x16xf32> to vector<16xf32>
      %swap3A_931 = vector.shape_cast %mul3A_926 : vector<16xf32> to vector<1x16xf32>
      tpu.vector_store %arg13[%swap3A_927, %swap3A_928], %swap3A_931 {strides = array<i32>} : memref<128x128xf32, #tpu.memory_space<vmem>>, vector<1x16xf32>,
      %get3A_932 = arith.index_cast %add3A_911 : i32 to index
      %get3A_933 = arith.constant 32 : index
      %get3A_934 = tpu.vector_load %arg13[%get3A_932, %get3A_933] {strides = array<i32>} : memref<128x128xf32, #tpu.memory_space<vmem>>, vector<1x16xf32>,
      %get3A_935 = vector.shape_cast %get3A_934 : vector<1x16xf32> to vector<16xf32>
      %mul3A_936 = arith.mulf %get3A_935, %broadcast_in_dim3A_907 : vector<16xf32>
      %swap3A_937 = arith.index_cast %add3A_911 : i32 to index
      %swap3A_938 = arith.constant 32 : index
      %swap3A_939 = tpu.vector_load %arg13[%swap3A_937, %swap3A_938] {strides = array<i32>} : memref<128x128xf32, #tpu.memory_space<vmem>>, vector<1x16xf32>,
      %swap3A_940 = vector.shape_cast %swap3A_939 : vector<1x16xf32> to vector<16xf32>
      %swap3A_941 = vector.shape_cast %mul3A_936 : vector<16xf32> to vector<1x16xf32>
      tpu.vector_store %arg13[%swap3A_937, %swap3A_938], %swap3A_941 {strides = array<i32>} : memref<128x128xf32, #tpu.memory_space<vmem>>, vector<1x16xf32>,
      %get3A_942 = arith.index_cast %add3A_911 : i32 to index
      %get3A_943 = arith.constant 48 : index
      %get3A_944 = tpu.vector_load %arg13[%get3A_942, %get3A_943] {strides = array<i32>} : memref<128x128xf32, #tpu.memory_space<vmem>>, vector<1x16xf32>,
      %get3A_945 = vector.shape_cast %get3A_944 : vector<1x16xf32> to vector<16xf32>
      %mul3A_946 = arith.mulf %get3A_945, %broadcast_in_dim3A_907 : vector<16xf32>
      %swap3A_947 = arith.index_cast %add3A_911 : i32 to index
      %swap3A_948 = arith.constant 48 : index
      %swap3A_949 = tpu.vector_load %arg13[%swap3A_947, %swap3A_948] {strides = array<i32>} : memref<128x128xf32, #tpu.memory_space<vmem>>, vector<1x16xf32>,
      %swap3A_950 = vector.shape_cast %swap3A_949 : vector<1x16xf32> to vector<16xf32>
      %swap3A_951 = vector.shape_cast %mul3A_946 : vector<16xf32> to vector<1x16xf32>
      tpu.vector_store %arg13[%swap3A_947, %swap3A_948], %swap3A_951 {strides = array<i32>} : memref<128x128xf32, #tpu.memory_space<vmem>>, vector<1x16xf32>,
      %get3A_952 = arith.index_cast %add3A_911 : i32 to index
      %get3A_953 = arith.constant 64 : index
      %get3A_954 = tpu.vector_load %arg13[%get3A_952, %get3A_953] {strides = array<i32>} : memref<128x128xf32, #tpu.memory_space<vmem>>, vector<1x16xf32>,
      %get3A_955 = vector.shape_cast %get3A_954 : vector<1x16xf32> to vector<16xf32>
      %mul3A_956 = arith.mulf %get3A_955, %broadcast_in_dim3A_907 : vector<16xf32>
      %swap3A_957 = arith.index_cast %add3A_911 : i32 to index
      %swap3A_958 = arith.constant 64 : index
      %swap3A_959 = tpu.vector_load %arg13[%swap3A_957, %swap3A_958] {strides = array<i32>} : memref<128x128xf32, #tpu.memory_space<vmem>>, vector<1x16xf32>,
      %swap3A_960 = vector.shape_cast %swap3A_959 : vector<1x16xf32> to vector<16xf32>
      %swap3A_961 = vector.shape_cast %mul3A_956 : vector<16xf32> to vector<1x16xf32>
      tpu.vector_store %arg13[%swap3A_957, %swap3A_958], %swap3A_961 {strides = array<i32>} : memref<128x128xf32, #tpu.memory_space<vmem>>, vector<1x16xf32>,
      %get3A_962 = arith.index_cast %add3A_911 : i32 to index
      %get3A_963 = arith.constant 80 : index
      %get3A_964 = tpu.vector_load %arg13[%get3A_962, %get3A_963] {strides = array<i32>} : memref<128x128xf32, #tpu.memory_space<vmem>>, vector<1x16xf32>,
      %get3A_965 = vector.shape_cast %get3A_964 : vector<1x16xf32> to vector<16xf32>
      %mul3A_966 = arith.mulf %get3A_965, %broadcast_in_dim3A_907 : vector<16xf32>
      %swap3A_967 = arith.index_cast %add3A_911 : i32 to index
      %swap3A_968 = arith.constant 80 : index
      %swap3A_969 = tpu.vector_load %arg13[%swap3A_967, %swap3A_968] {strides = array<i32>} : memref<128x128xf32, #tpu.memory_space<vmem>>, vector<1x16xf32>,
      %swap3A_970 = vector.shape_cast %swap3A_969 : vector<1x16xf32> to vector<16xf32>
      %swap3A_971 = vector.shape_cast %mul3A_966 : vector<16xf32> to vector<1x16xf32>
      tpu.vector_store %arg13[%swap3A_967, %swap3A_968], %swap3A_971 {strides = array<i32>} : memref<128x128xf32, #tpu.memory_space<vmem>>, vector<1x16xf32>,
      %get3A_972 = arith.index_cast %add3A_911 : i32 to index
      %get3A_973 = arith.constant 96 : index
      %get3A_974 = tpu.vector_load %arg13[%get3A_972, %get3A_973] {strides = array<i32>} : memref<128x128xf32, #tpu.memory_space<vmem>>, vector<1x16xf32>,
      %get3A_975 = vector.shape_cast %get3A_974 : vector<1x16xf32> to vector<16xf32>
      %mul3A_976 = arith.mulf %get3A_975, %broadcast_in_dim3A_907 : vector<16xf32>
      %swap3A_977 = arith.index_cast %add3A_911 : i32 to index
      %swap3A_978 = arith.constant 96 : index
      %swap3A_979 = tpu.vector_load %arg13[%swap3A_977, %swap3A_978] {strides = array<i32>} : memref<128x128xf32, #tpu.memory_space<vmem>>, vector<1x16xf32>,
      %swap3A_980 = vector.shape_cast %swap3A_979 : vector<1x16xf32> to vector<16xf32>
      %swap3A_981 = vector.shape_cast %mul3A_976 : vector<16xf32> to vector<1x16xf32>
      tpu.vector_store %arg13[%swap3A_977, %swap3A_978], %swap3A_981 {strides = array<i32>} : memref<128x128xf32, #tpu.memory_space<vmem>>, vector<1x16xf32>,
      %get3A_982 = arith.index_cast %add3A_911 : i32 to index
      %get3A_983 = arith.constant 112 : index
      %get3A_984 = tpu.vector_load %arg13[%get3A_982, %get3A_983] {strides = array<i32>} : memref<128x128xf32, #tpu.memory_space<vmem>>, vector<1x16xf32>,
      %get3A_985 = vector.shape_cast %get3A_984 : vector<1x16xf32> to vector<16xf32>
      %mul3A_986 = arith.mulf %get3A_985, %broadcast_in_dim3A_907 : vector<16xf32>
      %swap3A_987 = arith.index_cast %add3A_911 : i32 to index
      %swap3A_988 = arith.constant 112 : index
      %swap3A_989 = tpu.vector_load %arg13[%swap3A_987, %swap3A_988] {strides = array<i32>} : memref<128x128xf32, #tpu.memory_space<vmem>>, vector<1x16xf32>,
      %swap3A_990 = vector.shape_cast %swap3A_989 : vector<1x16xf32> to vector<16xf32>
      %swap3A_991 = vector.shape_cast %mul3A_986 : vector<16xf32> to vector<1x16xf32>
      tpu.vector_store %arg13[%swap3A_987, %swap3A_988], %swap3A_991 {strides = array<i32>} : memref<128x128xf32, #tpu.memory_space<vmem>>, vector<1x16xf32>,
      %slice3A_992 = vector.extract_strided_slice %get3A_36 {offsets = [11], sizes = [1], strides = [1]} : vector<16xf32> to vector<1xf32>
      %squeeze3A_993 = vector.extract %slice3A_992[0] : f32 from vector<1xf32>
      %broadcast_in_dim3A_994 = vector.broadcast %squeeze3A_993 : f32 to vector<16xf32>
      %mul3A_995 = arith.constant 16 : i32
      %mul3A_996 = arith.muli %scan3A_31, %mul3A_995 : i32
      %add3A_997 = arith.constant 11 : i32
      %add3A_998 = arith.addi %mul3A_996, %add3A_997 : i32
      %get3A_999 = arith.index_cast %add3A_998 : i32 to index
      %get3A_1000 = arith.constant 0 : index
      %get3A_1001 = tpu.vector_load %arg13[%get3A_999, %get3A_1000] {strides = array<i32>} : memref<128x128xf32, #tpu.memory_space<vmem>>, vector<1x16xf32>,
      %get3A_1002 = vector.shape_cast %get3A_1001 : vector<1x16xf32> to vector<16xf32>
      %mul3A_1003 = arith.mulf %get3A_1002, %broadcast_in_dim3A_994 : vector<16xf32>
      %swap3A_1004 = arith.index_cast %add3A_998 : i32 to index
      %swap3A_1005 = arith.constant 0 : index
      %swap3A_1006 = tpu.vector_load %arg13[%swap3A_1004, %swap3A_1005] {strides = array<i32>} : memref<128x128xf32, #tpu.memory_space<vmem>>, vector<1x16xf32>,
      %swap3A_1007 = vector.shape_cast %swap3A_1006 : vector<1x16xf32> to vector<16xf32>
      %swap3A_1008 = vector.shape_cast %mul3A_1003 : vector<16xf32> to vector<1x16xf32>
      tpu.vector_store %arg13[%swap3A_1004, %swap3A_1005], %swap3A_1008 {strides = array<i32>} : memref<128x128xf32, #tpu.memory_space<vmem>>, vector<1x16xf32>,
      %get3A_1009 = arith.index_cast %add3A_998 : i32 to index
      %get3A_1010 = arith.constant 16 : index
      %get3A_1011 = tpu.vector_load %arg13[%get3A_1009, %get3A_1010] {strides = array<i32>} : memref<128x128xf32, #tpu.memory_space<vmem>>, vector<1x16xf32>,
      %get3A_1012 = vector.shape_cast %get3A_1011 : vector<1x16xf32> to vector<16xf32>
      %mul3A_1013 = arith.mulf %get3A_1012, %broadcast_in_dim3A_994 : vector<16xf32>
      %swap3A_1014 = arith.index_cast %add3A_998 : i32 to index
      %swap3A_1015 = arith.constant 16 : index
      %swap3A_1016 = tpu.vector_load %arg13[%swap3A_1014, %swap3A_1015] {strides = array<i32>} : memref<128x128xf32, #tpu.memory_space<vmem>>, vector<1x16xf32>,
      %swap3A_1017 = vector.shape_cast %swap3A_1016 : vector<1x16xf32> to vector<16xf32>
      %swap3A_1018 = vector.shape_cast %mul3A_1013 : vector<16xf32> to vector<1x16xf32>
      tpu.vector_store %arg13[%swap3A_1014, %swap3A_1015], %swap3A_1018 {strides = array<i32>} : memref<128x128xf32, #tpu.memory_space<vmem>>, vector<1x16xf32>,
      %get3A_1019 = arith.index_cast %add3A_998 : i32 to index
      %get3A_1020 = arith.constant 32 : index
      %get3A_1021 = tpu.vector_load %arg13[%get3A_1019, %get3A_1020] {strides = array<i32>} : memref<128x128xf32, #tpu.memory_space<vmem>>, vector<1x16xf32>,
      %get3A_1022 = vector.shape_cast %get3A_1021 : vector<1x16xf32> to vector<16xf32>
      %mul3A_1023 = arith.mulf %get3A_1022, %broadcast_in_dim3A_994 : vector<16xf32>
      %swap3A_1024 = arith.index_cast %add3A_998 : i32 to index
      %swap3A_1025 = arith.constant 32 : index
      %swap3A_1026 = tpu.vector_load %arg13[%swap3A_1024, %swap3A_1025] {strides = array<i32>} : memref<128x128xf32, #tpu.memory_space<vmem>>, vector<1x16xf32>,
      %swap3A_1027 = vector.shape_cast %swap3A_1026 : vector<1x16xf32> to vector<16xf32>
      %swap3A_1028 = vector.shape_cast %mul3A_1023 : vector<16xf32> to vector<1x16xf32>
      tpu.vector_store %arg13[%swap3A_1024, %swap3A_1025], %swap3A_1028 {strides = array<i32>} : memref<128x128xf32, #tpu.memory_space<vmem>>, vector<1x16xf32>,
      %get3A_1029 = arith.index_cast %add3A_998 : i32 to index
      %get3A_1030 = arith.constant 48 : index
      %get3A_1031 = tpu.vector_load %arg13[%get3A_1029, %get3A_1030] {strides = array<i32>} : memref<128x128xf32, #tpu.memory_space<vmem>>, vector<1x16xf32>,
      %get3A_1032 = vector.shape_cast %get3A_1031 : vector<1x16xf32> to vector<16xf32>
      %mul3A_1033 = arith.mulf %get3A_1032, %broadcast_in_dim3A_994 : vector<16xf32>
      %swap3A_1034 = arith.index_cast %add3A_998 : i32 to index
      %swap3A_1035 = arith.constant 48 : index
      %swap3A_1036 = tpu.vector_load %arg13[%swap3A_1034, %swap3A_1035] {strides = array<i32>} : memref<128x128xf32, #tpu.memory_space<vmem>>, vector<1x16xf32>,
      %swap3A_1037 = vector.shape_cast %swap3A_1036 : vector<1x16xf32> to vector<16xf32>
      %swap3A_1038 = vector.shape_cast %mul3A_1033 : vector<16xf32> to vector<1x16xf32>
      tpu.vector_store %arg13[%swap3A_1034, %swap3A_1035], %swap3A_1038 {strides = array<i32>} : memref<128x128xf32, #tpu.memory_space<vmem>>, vector<1x16xf32>,
      %get3A_1039 = arith.index_cast %add3A_998 : i32 to index
      %get3A_1040 = arith.constant 64 : index
      %get3A_1041 = tpu.vector_load %arg13[%get3A_1039, %get3A_1040] {strides = array<i32>} : memref<128x128xf32, #tpu.memory_space<vmem>>, vector<1x16xf32>,
      %get3A_1042 = vector.shape_cast %get3A_1041 : vector<1x16xf32> to vector<16xf32>
      %mul3A_1043 = arith.mulf %get3A_1042, %broadcast_in_dim3A_994 : vector<16xf32>
      %swap3A_1044 = arith.index_cast %add3A_998 : i32 to index
      %swap3A_1045 = arith.constant 64 : index
      %swap3A_1046 = tpu.vector_load %arg13[%swap3A_1044, %swap3A_1045] {strides = array<i32>} : memref<128x128xf32, #tpu.memory_space<vmem>>, vector<1x16xf32>,
      %swap3A_1047 = vector.shape_cast %swap3A_1046 : vector<1x16xf32> to vector<16xf32>
      %swap3A_1048 = vector.shape_cast %mul3A_1043 : vector<16xf32> to vector<1x16xf32>
      tpu.vector_store %arg13[%swap3A_1044, %swap3A_1045], %swap3A_1048 {strides = array<i32>} : memref<128x128xf32, #tpu.memory_space<vmem>>, vector<1x16xf32>,
      %get3A_1049 = arith.index_cast %add3A_998 : i32 to index
      %get3A_1050 = arith.constant 80 : index
      %get3A_1051 = tpu.vector_load %arg13[%get3A_1049, %get3A_1050] {strides = array<i32>} : memref<128x128xf32, #tpu.memory_space<vmem>>, vector<1x16xf32>,
      %get3A_1052 = vector.shape_cast %get3A_1051 : vector<1x16xf32> to vector<16xf32>
      %mul3A_1053 = arith.mulf %get3A_1052, %broadcast_in_dim3A_994 : vector<16xf32>
      %swap3A_1054 = arith.index_cast %add3A_998 : i32 to index
      %swap3A_1055 = arith.constant 80 : index
      %swap3A_1056 = tpu.vector_load %arg13[%swap3A_1054, %swap3A_1055] {strides = array<i32>} : memref<128x128xf32, #tpu.memory_space<vmem>>, vector<1x16xf32>,
      %swap3A_1057 = vector.shape_cast %swap3A_1056 : vector<1x16xf32> to vector<16xf32>
      %swap3A_1058 = vector.shape_cast %mul3A_1053 : vector<16xf32> to vector<1x16xf32>
      tpu.vector_store %arg13[%swap3A_1054, %swap3A_1055], %swap3A_1058 {strides = array<i32>} : memref<128x128xf32, #tpu.memory_space<vmem>>, vector<1x16xf32>,
      %get3A_1059 = arith.index_cast %add3A_998 : i32 to index
      %get3A_1060 = arith.constant 96 : index
      %get3A_1061 = tpu.vector_load %arg13[%get3A_1059, %get3A_1060] {strides = array<i32>} : memref<128x128xf32, #tpu.memory_space<vmem>>, vector<1x16xf32>,
      %get3A_1062 = vector.shape_cast %get3A_1061 : vector<1x16xf32> to vector<16xf32>
      %mul3A_1063 = arith.mulf %get3A_1062, %broadcast_in_dim3A_994 : vector<16xf32>
      %swap3A_1064 = arith.index_cast %add3A_998 : i32 to index
      %swap3A_1065 = arith.constant 96 : index
      %swap3A_1066 = tpu.vector_load %arg13[%swap3A_1064, %swap3A_1065] {strides = array<i32>} : memref<128x128xf32, #tpu.memory_space<vmem>>, vector<1x16xf32>,
      %swap3A_1067 = vector.shape_cast %swap3A_1066 : vector<1x16xf32> to vector<16xf32>
      %swap3A_1068 = vector.shape_cast %mul3A_1063 : vector<16xf32> to vector<1x16xf32>
      tpu.vector_store %arg13[%swap3A_1064, %swap3A_1065], %swap3A_1068 {strides = array<i32>} : memref<128x128xf32, #tpu.memory_space<vmem>>, vector<1x16xf32>,
      %get3A_1069 = arith.index_cast %add3A_998 : i32 to index
      %get3A_1070 = arith.constant 112 : index
      %get3A_1071 = tpu.vector_load %arg13[%get3A_1069, %get3A_1070] {strides = array<i32>} : memref<128x128xf32, #tpu.memory_space<vmem>>, vector<1x16xf32>,
      %get3A_1072 = vector.shape_cast %get3A_1071 : vector<1x16xf32> to vector<16xf32>
      %mul3A_1073 = arith.mulf %get3A_1072, %broadcast_in_dim3A_994 : vector<16xf32>
      %swap3A_1074 = arith.index_cast %add3A_998 : i32 to index
      %swap3A_1075 = arith.constant 112 : index
      %swap3A_1076 = tpu.vector_load %arg13[%swap3A_1074, %swap3A_1075] {strides = array<i32>} : memref<128x128xf32, #tpu.memory_space<vmem>>, vector<1x16xf32>,
      %swap3A_1077 = vector.shape_cast %swap3A_1076 : vector<1x16xf32> to vector<16xf32>
      %swap3A_1078 = vector.shape_cast %mul3A_1073 : vector<16xf32> to vector<1x16xf32>
      tpu.vector_store %arg13[%swap3A_1074, %swap3A_1075], %swap3A_1078 {strides = array<i32>} : memref<128x128xf32, #tpu.memory_space<vmem>>, vector<1x16xf32>,
      %slice3A_1079 = vector.extract_strided_slice %get3A_36 {offsets = [12], sizes = [1], strides = [1]} : vector<16xf32> to vector<1xf32>
      %squeeze3A_1080 = vector.extract %slice3A_1079[0] : f32 from vector<1xf32>
      %broadcast_in_dim3A_1081 = vector.broadcast %squeeze3A_1080 : f32 to vector<16xf32>
      %mul3A_1082 = arith.constant 16 : i32
      %mul3A_1083 = arith.muli %scan3A_31, %mul3A_1082 : i32
      %add3A_1084 = arith.constant 12 : i32
      %add3A_1085 = arith.addi %mul3A_1083, %add3A_1084 : i32
      %get3A_1086 = arith.index_cast %add3A_1085 : i32 to index
      %get3A_1087 = arith.constant 0 : index
      %get3A_1088 = tpu.vector_load %arg13[%get3A_1086, %get3A_1087] {strides = array<i32>} : memref<128x128xf32, #tpu.memory_space<vmem>>, vector<1x16xf32>,
      %get3A_1089 = vector.shape_cast %get3A_1088 : vector<1x16xf32> to vector<16xf32>
      %mul3A_1090 = arith.mulf %get3A_1089, %broadcast_in_dim3A_1081 : vector<16xf32>
      %swap3A_1091 = arith.index_cast %add3A_1085 : i32 to index
      %swap3A_1092 = arith.constant 0 : index
      %swap3A_1093 = tpu.vector_load %arg13[%swap3A_1091, %swap3A_1092] {strides = array<i32>} : memref<128x128xf32, #tpu.memory_space<vmem>>, vector<1x16xf32>,
      %swap3A_1094 = vector.shape_cast %swap3A_1093 : vector<1x16xf32> to vector<16xf32>
      %swap3A_1095 = vector.shape_cast %mul3A_1090 : vector<16xf32> to vector<1x16xf32>
      tpu.vector_store %arg13[%swap3A_1091, %swap3A_1092], %swap3A_1095 {strides = array<i32>} : memref<128x128xf32, #tpu.memory_space<vmem>>, vector<1x16xf32>,
      %get3A_1096 = arith.index_cast %add3A_1085 : i32 to index
      %get3A_1097 = arith.constant 16 : index
      %get3A_1098 = tpu.vector_load %arg13[%get3A_1096, %get3A_1097] {strides = array<i32>} : memref<128x128xf32, #tpu.memory_space<vmem>>, vector<1x16xf32>,
      %get3A_1099 = vector.shape_cast %get3A_1098 : vector<1x16xf32> to vector<16xf32>
      %mul3A_1100 = arith.mulf %get3A_1099, %broadcast_in_dim3A_1081 : vector<16xf32>
      %swap3A_1101 = arith.index_cast %add3A_1085 : i32 to index
      %swap3A_1102 = arith.constant 16 : index
      %swap3A_1103 = tpu.vector_load %arg13[%swap3A_1101, %swap3A_1102] {strides = array<i32>} : memref<128x128xf32, #tpu.memory_space<vmem>>, vector<1x16xf32>,
      %swap3A_1104 = vector.shape_cast %swap3A_1103 : vector<1x16xf32> to vector<16xf32>
      %swap3A_1105 = vector.shape_cast %mul3A_1100 : vector<16xf32> to vector<1x16xf32>
      tpu.vector_store %arg13[%swap3A_1101, %swap3A_1102], %swap3A_1105 {strides = array<i32>} : memref<128x128xf32, #tpu.memory_space<vmem>>, vector<1x16xf32>,
      %get3A_1106 = arith.index_cast %add3A_1085 : i32 to index
      %get3A_1107 = arith.constant 32 : index
      %get3A_1108 = tpu.vector_load %arg13[%get3A_1106, %get3A_1107] {strides = array<i32>} : memref<128x128xf32, #tpu.memory_space<vmem>>, vector<1x16xf32>,
      %get3A_1109 = vector.shape_cast %get3A_1108 : vector<1x16xf32> to vector<16xf32>
      %mul3A_1110 = arith.mulf %get3A_1109, %broadcast_in_dim3A_1081 : vector<16xf32>
      %swap3A_1111 = arith.index_cast %add3A_1085 : i32 to index
      %swap3A_1112 = arith.constant 32 : index
      %swap3A_1113 = tpu.vector_load %arg13[%swap3A_1111, %swap3A_1112] {strides = array<i32>} : memref<128x128xf32, #tpu.memory_space<vmem>>, vector<1x16xf32>,
      %swap3A_1114 = vector.shape_cast %swap3A_1113 : vector<1x16xf32> to vector<16xf32>
      %swap3A_1115 = vector.shape_cast %mul3A_1110 : vector<16xf32> to vector<1x16xf32>
      tpu.vector_store %arg13[%swap3A_1111, %swap3A_1112], %swap3A_1115 {strides = array<i32>} : memref<128x128xf32, #tpu.memory_space<vmem>>, vector<1x16xf32>,
      %get3A_1116 = arith.index_cast %add3A_1085 : i32 to index
      %get3A_1117 = arith.constant 48 : index
      %get3A_1118 = tpu.vector_load %arg13[%get3A_1116, %get3A_1117] {strides = array<i32>} : memref<128x128xf32, #tpu.memory_space<vmem>>, vector<1x16xf32>,
      %get3A_1119 = vector.shape_cast %get3A_1118 : vector<1x16xf32> to vector<16xf32>
      %mul3A_1120 = arith.mulf %get3A_1119, %broadcast_in_dim3A_1081 : vector<16xf32>
      %swap3A_1121 = arith.index_cast %add3A_1085 : i32 to index
      %swap3A_1122 = arith.constant 48 : index
      %swap3A_1123 = tpu.vector_load %arg13[%swap3A_1121, %swap3A_1122] {strides = array<i32>} : memref<128x128xf32, #tpu.memory_space<vmem>>, vector<1x16xf32>,
      %swap3A_1124 = vector.shape_cast %swap3A_1123 : vector<1x16xf32> to vector<16xf32>
      %swap3A_1125 = vector.shape_cast %mul3A_1120 : vector<16xf32> to vector<1x16xf32>
      tpu.vector_store %arg13[%swap3A_1121, %swap3A_1122], %swap3A_1125 {strides = array<i32>} : memref<128x128xf32, #tpu.memory_space<vmem>>, vector<1x16xf32>,
      %get3A_1126 = arith.index_cast %add3A_1085 : i32 to index
      %get3A_1127 = arith.constant 64 : index
      %get3A_1128 = tpu.vector_load %arg13[%get3A_1126, %get3A_1127] {strides = array<i32>} : memref<128x128xf32, #tpu.memory_space<vmem>>, vector<1x16xf32>,
      %get3A_1129 = vector.shape_cast %get3A_1128 : vector<1x16xf32> to vector<16xf32>
      %mul3A_1130 = arith.mulf %get3A_1129, %broadcast_in_dim3A_1081 : vector<16xf32>
      %swap3A_1131 = arith.index_cast %add3A_1085 : i32 to index
      %swap3A_1132 = arith.constant 64 : index
      %swap3A_1133 = tpu.vector_load %arg13[%swap3A_1131, %swap3A_1132] {strides = array<i32>} : memref<128x128xf32, #tpu.memory_space<vmem>>, vector<1x16xf32>,
      %swap3A_1134 = vector.shape_cast %swap3A_1133 : vector<1x16xf32> to vector<16xf32>
      %swap3A_1135 = vector.shape_cast %mul3A_1130 : vector<16xf32> to vector<1x16xf32>
      tpu.vector_store %arg13[%swap3A_1131, %swap3A_1132], %swap3A_1135 {strides = array<i32>} : memref<128x128xf32, #tpu.memory_space<vmem>>, vector<1x16xf32>,
      %get3A_1136 = arith.index_cast %add3A_1085 : i32 to index
      %get3A_1137 = arith.constant 80 : index
      %get3A_1138 = tpu.vector_load %arg13[%get3A_1136, %get3A_1137] {strides = array<i32>} : memref<128x128xf32, #tpu.memory_space<vmem>>, vector<1x16xf32>,
      %get3A_1139 = vector.shape_cast %get3A_1138 : vector<1x16xf32> to vector<16xf32>
      %mul3A_1140 = arith.mulf %get3A_1139, %broadcast_in_dim3A_1081 : vector<16xf32>
      %swap3A_1141 = arith.index_cast %add3A_1085 : i32 to index
      %swap3A_1142 = arith.constant 80 : index
      %swap3A_1143 = tpu.vector_load %arg13[%swap3A_1141, %swap3A_1142] {strides = array<i32>} : memref<128x128xf32, #tpu.memory_space<vmem>>, vector<1x16xf32>,
      %swap3A_1144 = vector.shape_cast %swap3A_1143 : vector<1x16xf32> to vector<16xf32>
      %swap3A_1145 = vector.shape_cast %mul3A_1140 : vector<16xf32> to vector<1x16xf32>
      tpu.vector_store %arg13[%swap3A_1141, %swap3A_1142], %swap3A_1145 {strides = array<i32>} : memref<128x128xf32, #tpu.memory_space<vmem>>, vector<1x16xf32>,
      %get3A_1146 = arith.index_cast %add3A_1085 : i32 to index
      %get3A_1147 = arith.constant 96 : index
      %get3A_1148 = tpu.vector_load %arg13[%get3A_1146, %get3A_1147] {strides = array<i32>} : memref<128x128xf32, #tpu.memory_space<vmem>>, vector<1x16xf32>,
      %get3A_1149 = vector.shape_cast %get3A_1148 : vector<1x16xf32> to vector<16xf32>
      %mul3A_1150 = arith.mulf %get3A_1149, %broadcast_in_dim3A_1081 : vector<16xf32>
      %swap3A_1151 = arith.index_cast %add3A_1085 : i32 to index
      %swap3A_1152 = arith.constant 96 : index
      %swap3A_1153 = tpu.vector_load %arg13[%swap3A_1151, %swap3A_1152] {strides = array<i32>} : memref<128x128xf32, #tpu.memory_space<vmem>>, vector<1x16xf32>,
      %swap3A_1154 = vector.shape_cast %swap3A_1153 : vector<1x16xf32> to vector<16xf32>
      %swap3A_1155 = vector.shape_cast %mul3A_1150 : vector<16xf32> to vector<1x16xf32>
      tpu.vector_store %arg13[%swap3A_1151, %swap3A_1152], %swap3A_1155 {strides = array<i32>} : memref<128x128xf32, #tpu.memory_space<vmem>>, vector<1x16xf32>,
      %get3A_1156 = arith.index_cast %add3A_1085 : i32 to index
      %get3A_1157 = arith.constant 112 : index
      %get3A_1158 = tpu.vector_load %arg13[%get3A_1156, %get3A_1157] {strides = array<i32>} : memref<128x128xf32, #tpu.memory_space<vmem>>, vector<1x16xf32>,
      %get3A_1159 = vector.shape_cast %get3A_1158 : vector<1x16xf32> to vector<16xf32>
      %mul3A_1160 = arith.mulf %get3A_1159, %broadcast_in_dim3A_1081 : vector<16xf32>
      %swap3A_1161 = arith.index_cast %add3A_1085 : i32 to index
      %swap3A_1162 = arith.constant 112 : index
      %swap3A_1163 = tpu.vector_load %arg13[%swap3A_1161, %swap3A_1162] {strides = array<i32>} : memref<128x128xf32, #tpu.memory_space<vmem>>, vector<1x16xf32>,
      %swap3A_1164 = vector.shape_cast %swap3A_1163 : vector<1x16xf32> to vector<16xf32>
      %swap3A_1165 = vector.shape_cast %mul3A_1160 : vector<16xf32> to vector<1x16xf32>
      tpu.vector_store %arg13[%swap3A_1161, %swap3A_1162], %swap3A_1165 {strides = array<i32>} : memref<128x128xf32, #tpu.memory_space<vmem>>, vector<1x16xf32>,
      %slice3A_1166 = vector.extract_strided_slice %get3A_36 {offsets = [13], sizes = [1], strides = [1]} : vector<16xf32> to vector<1xf32>
      %squeeze3A_1167 = vector.extract %slice3A_1166[0] : f32 from vector<1xf32>
      %broadcast_in_dim3A_1168 = vector.broadcast %squeeze3A_1167 : f32 to vector<16xf32>
      %mul3A_1169 = arith.constant 16 : i32
      %mul3A_1170 = arith.muli %scan3A_31, %mul3A_1169 : i32
      %add3A_1171 = arith.constant 13 : i32
      %add3A_1172 = arith.addi %mul3A_1170, %add3A_1171 : i32
      %get3A_1173 = arith.index_cast %add3A_1172 : i32 to index
      %get3A_1174 = arith.constant 0 : index
      %get3A_1175 = tpu.vector_load %arg13[%get3A_1173, %get3A_1174] {strides = array<i32>} : memref<128x128xf32, #tpu.memory_space<vmem>>, vector<1x16xf32>,
      %get3A_1176 = vector.shape_cast %get3A_1175 : vector<1x16xf32> to vector<16xf32>
      %mul3A_1177 = arith.mulf %get3A_1176, %broadcast_in_dim3A_1168 : vector<16xf32>
      %swap3A_1178 = arith.index_cast %add3A_1172 : i32 to index
      %swap3A_1179 = arith.constant 0 : index
      %swap3A_1180 = tpu.vector_load %arg13[%swap3A_1178, %swap3A_1179] {strides = array<i32>} : memref<128x128xf32, #tpu.memory_space<vmem>>, vector<1x16xf32>,
      %swap3A_1181 = vector.shape_cast %swap3A_1180 : vector<1x16xf32> to vector<16xf32>
      %swap3A_1182 = vector.shape_cast %mul3A_1177 : vector<16xf32> to vector<1x16xf32>
      tpu.vector_store %arg13[%swap3A_1178, %swap3A_1179], %swap3A_1182 {strides = array<i32>} : memref<128x128xf32, #tpu.memory_space<vmem>>, vector<1x16xf32>,
      %get3A_1183 = arith.index_cast %add3A_1172 : i32 to index
      %get3A_1184 = arith.constant 16 : index
      %get3A_1185 = tpu.vector_load %arg13[%get3A_1183, %get3A_1184] {strides = array<i32>} : memref<128x128xf32, #tpu.memory_space<vmem>>, vector<1x16xf32>,
      %get3A_1186 = vector.shape_cast %get3A_1185 : vector<1x16xf32> to vector<16xf32>
      %mul3A_1187 = arith.mulf %get3A_1186, %broadcast_in_dim3A_1168 : vector<16xf32>
      %swap3A_1188 = arith.index_cast %add3A_1172 : i32 to index
      %swap3A_1189 = arith.constant 16 : index
      %swap3A_1190 = tpu.vector_load %arg13[%swap3A_1188, %swap3A_1189] {strides = array<i32>} : memref<128x128xf32, #tpu.memory_space<vmem>>, vector<1x16xf32>,
      %swap3A_1191 = vector.shape_cast %swap3A_1190 : vector<1x16xf32> to vector<16xf32>
      %swap3A_1192 = vector.shape_cast %mul3A_1187 : vector<16xf32> to vector<1x16xf32>
      tpu.vector_store %arg13[%swap3A_1188, %swap3A_1189], %swap3A_1192 {strides = array<i32>} : memref<128x128xf32, #tpu.memory_space<vmem>>, vector<1x16xf32>,
      %get3A_1193 = arith.index_cast %add3A_1172 : i32 to index
      %get3A_1194 = arith.constant 32 : index
      %get3A_1195 = tpu.vector_load %arg13[%get3A_1193, %get3A_1194] {strides = array<i32>} : memref<128x128xf32, #tpu.memory_space<vmem>>, vector<1x16xf32>,
      %get3A_1196 = vector.shape_cast %get3A_1195 : vector<1x16xf32> to vector<16xf32>
      %mul3A_1197 = arith.mulf %get3A_1196, %broadcast_in_dim3A_1168 : vector<16xf32>
      %swap3A_1198 = arith.index_cast %add3A_1172 : i32 to index
      %swap3A_1199 = arith.constant 32 : index
      %swap3A_1200 = tpu.vector_load %arg13[%swap3A_1198, %swap3A_1199] {strides = array<i32>} : memref<128x128xf32, #tpu.memory_space<vmem>>, vector<1x16xf32>,
      %swap3A_1201 = vector.shape_cast %swap3A_1200 : vector<1x16xf32> to vector<16xf32>
      %swap3A_1202 = vector.shape_cast %mul3A_1197 : vector<16xf32> to vector<1x16xf32>
      tpu.vector_store %arg13[%swap3A_1198, %swap3A_1199], %swap3A_1202 {strides = array<i32>} : memref<128x128xf32, #tpu.memory_space<vmem>>, vector<1x16xf32>,
      %get3A_1203 = arith.index_cast %add3A_1172 : i32 to index
      %get3A_1204 = arith.constant 48 : index
      %get3A_1205 = tpu.vector_load %arg13[%get3A_1203, %get3A_1204] {strides = array<i32>} : memref<128x128xf32, #tpu.memory_space<vmem>>, vector<1x16xf32>,
      %get3A_1206 = vector.shape_cast %get3A_1205 : vector<1x16xf32> to vector<16xf32>
      %mul3A_1207 = arith.mulf %get3A_1206, %broadcast_in_dim3A_1168 : vector<16xf32>
      %swap3A_1208 = arith.index_cast %add3A_1172 : i32 to index
      %swap3A_1209 = arith.constant 48 : index
      %swap3A_1210 = tpu.vector_load %arg13[%swap3A_1208, %swap3A_1209] {strides = array<i32>} : memref<128x128xf32, #tpu.memory_space<vmem>>, vector<1x16xf32>,
      %swap3A_1211 = vector.shape_cast %swap3A_1210 : vector<1x16xf32> to vector<16xf32>
      %swap3A_1212 = vector.shape_cast %mul3A_1207 : vector<16xf32> to vector<1x16xf32>
      tpu.vector_store %arg13[%swap3A_1208, %swap3A_1209], %swap3A_1212 {strides = array<i32>} : memref<128x128xf32, #tpu.memory_space<vmem>>, vector<1x16xf32>,
      %get3A_1213 = arith.index_cast %add3A_1172 : i32 to index
      %get3A_1214 = arith.constant 64 : index
      %get3A_1215 = tpu.vector_load %arg13[%get3A_1213, %get3A_1214] {strides = array<i32>} : memref<128x128xf32, #tpu.memory_space<vmem>>, vector<1x16xf32>,
      %get3A_1216 = vector.shape_cast %get3A_1215 : vector<1x16xf32> to vector<16xf32>
      %mul3A_1217 = arith.mulf %get3A_1216, %broadcast_in_dim3A_1168 : vector<16xf32>
      %swap3A_1218 = arith.index_cast %add3A_1172 : i32 to index
      %swap3A_1219 = arith.constant 64 : index
      %swap3A_1220 = tpu.vector_load %arg13[%swap3A_1218, %swap3A_1219] {strides = array<i32>} : memref<128x128xf32, #tpu.memory_space<vmem>>, vector<1x16xf32>,
      %swap3A_1221 = vector.shape_cast %swap3A_1220 : vector<1x16xf32> to vector<16xf32>
      %swap3A_1222 = vector.shape_cast %mul3A_1217 : vector<16xf32> to vector<1x16xf32>
      tpu.vector_store %arg13[%swap3A_1218, %swap3A_1219], %swap3A_1222 {strides = array<i32>} : memref<128x128xf32, #tpu.memory_space<vmem>>, vector<1x16xf32>,
      %get3A_1223 = arith.index_cast %add3A_1172 : i32 to index
      %get3A_1224 = arith.constant 80 : index
      %get3A_1225 = tpu.vector_load %arg13[%get3A_1223, %get3A_1224] {strides = array<i32>} : memref<128x128xf32, #tpu.memory_space<vmem>>, vector<1x16xf32>,
      %get3A_1226 = vector.shape_cast %get3A_1225 : vector<1x16xf32> to vector<16xf32>
      %mul3A_1227 = arith.mulf %get3A_1226, %broadcast_in_dim3A_1168 : vector<16xf32>
      %swap3A_1228 = arith.index_cast %add3A_1172 : i32 to index
      %swap3A_1229 = arith.constant 80 : index
      %swap3A_1230 = tpu.vector_load %arg13[%swap3A_1228, %swap3A_1229] {strides = array<i32>} : memref<128x128xf32, #tpu.memory_space<vmem>>, vector<1x16xf32>,
      %swap3A_1231 = vector.shape_cast %swap3A_1230 : vector<1x16xf32> to vector<16xf32>
      %swap3A_1232 = vector.shape_cast %mul3A_1227 : vector<16xf32> to vector<1x16xf32>
      tpu.vector_store %arg13[%swap3A_1228, %swap3A_1229], %swap3A_1232 {strides = array<i32>} : memref<128x128xf32, #tpu.memory_space<vmem>>, vector<1x16xf32>,
      %get3A_1233 = arith.index_cast %add3A_1172 : i32 to index
      %get3A_1234 = arith.constant 96 : index
      %get3A_1235 = tpu.vector_load %arg13[%get3A_1233, %get3A_1234] {strides = array<i32>} : memref<128x128xf32, #tpu.memory_space<vmem>>, vector<1x16xf32>,
      %get3A_1236 = vector.shape_cast %get3A_1235 : vector<1x16xf32> to vector<16xf32>
      %mul3A_1237 = arith.mulf %get3A_1236, %broadcast_in_dim3A_1168 : vector<16xf32>
      %swap3A_1238 = arith.index_cast %add3A_1172 : i32 to index
      %swap3A_1239 = arith.constant 96 : index
      %swap3A_1240 = tpu.vector_load %arg13[%swap3A_1238, %swap3A_1239] {strides = array<i32>} : memref<128x128xf32, #tpu.memory_space<vmem>>, vector<1x16xf32>,
      %swap3A_1241 = vector.shape_cast %swap3A_1240 : vector<1x16xf32> to vector<16xf32>
      %swap3A_1242 = vector.shape_cast %mul3A_1237 : vector<16xf32> to vector<1x16xf32>
      tpu.vector_store %arg13[%swap3A_1238, %swap3A_1239], %swap3A_1242 {strides = array<i32>} : memref<128x128xf32, #tpu.memory_space<vmem>>, vector<1x16xf32>,
      %get3A_1243 = arith.index_cast %add3A_1172 : i32 to index
      %get3A_1244 = arith.constant 112 : index
      %get3A_1245 = tpu.vector_load %arg13[%get3A_1243, %get3A_1244] {strides = array<i32>} : memref<128x128xf32, #tpu.memory_space<vmem>>, vector<1x16xf32>,
      %get3A_1246 = vector.shape_cast %get3A_1245 : vector<1x16xf32> to vector<16xf32>
      %mul3A_1247 = arith.mulf %get3A_1246, %broadcast_in_dim3A_1168 : vector<16xf32>
      %swap3A_1248 = arith.index_cast %add3A_1172 : i32 to index
      %swap3A_1249 = arith.constant 112 : index
      %swap3A_1250 = tpu.vector_load %arg13[%swap3A_1248, %swap3A_1249] {strides = array<i32>} : memref<128x128xf32, #tpu.memory_space<vmem>>, vector<1x16xf32>,
      %swap3A_1251 = vector.shape_cast %swap3A_1250 : vector<1x16xf32> to vector<16xf32>
      %swap3A_1252 = vector.shape_cast %mul3A_1247 : vector<16xf32> to vector<1x16xf32>
      tpu.vector_store %arg13[%swap3A_1248, %swap3A_1249], %swap3A_1252 {strides = array<i32>} : memref<128x128xf32, #tpu.memory_space<vmem>>, vector<1x16xf32>,
      %slice3A_1253 = vector.extract_strided_slice %get3A_36 {offsets = [14], sizes = [1], strides = [1]} : vector<16xf32> to vector<1xf32>
      %squeeze3A_1254 = vector.extract %slice3A_1253[0] : f32 from vector<1xf32>
      %broadcast_in_dim3A_1255 = vector.broadcast %squeeze3A_1254 : f32 to vector<16xf32>
      %mul3A_1256 = arith.constant 16 : i32
      %mul3A_1257 = arith.muli %scan3A_31, %mul3A_1256 : i32
      %add3A_1258 = arith.constant 14 : i32
      %add3A_1259 = arith.addi %mul3A_1257, %add3A_1258 : i32
      %get3A_1260 = arith.index_cast %add3A_1259 : i32 to index
      %get3A_1261 = arith.constant 0 : index
      %get3A_1262 = tpu.vector_load %arg13[%get3A_1260, %get3A_1261] {strides = array<i32>} : memref<128x128xf32, #tpu.memory_space<vmem>>, vector<1x16xf32>,
      %get3A_1263 = vector.shape_cast %get3A_1262 : vector<1x16xf32> to vector<16xf32>
      %mul3A_1264 = arith.mulf %get3A_1263, %broadcast_in_dim3A_1255 : vector<16xf32>
      %swap3A_1265 = arith.index_cast %add3A_1259 : i32 to index
      %swap3A_1266 = arith.constant 0 : index
      %swap3A_1267 = tpu.vector_load %arg13[%swap3A_1265, %swap3A_1266] {strides = array<i32>} : memref<128x128xf32, #tpu.memory_space<vmem>>, vector<1x16xf32>,
      %swap3A_1268 = vector.shape_cast %swap3A_1267 : vector<1x16xf32> to vector<16xf32>
      %swap3A_1269 = vector.shape_cast %mul3A_1264 : vector<16xf32> to vector<1x16xf32>
      tpu.vector_store %arg13[%swap3A_1265, %swap3A_1266], %swap3A_1269 {strides = array<i32>} : memref<128x128xf32, #tpu.memory_space<vmem>>, vector<1x16xf32>,
      %get3A_1270 = arith.index_cast %add3A_1259 : i32 to index
      %get3A_1271 = arith.constant 16 : index
      %get3A_1272 = tpu.vector_load %arg13[%get3A_1270, %get3A_1271] {strides = array<i32>} : memref<128x128xf32, #tpu.memory_space<vmem>>, vector<1x16xf32>,
      %get3A_1273 = vector.shape_cast %get3A_1272 : vector<1x16xf32> to vector<16xf32>
      %mul3A_1274 = arith.mulf %get3A_1273, %broadcast_in_dim3A_1255 : vector<16xf32>
      %swap3A_1275 = arith.index_cast %add3A_1259 : i32 to index
      %swap3A_1276 = arith.constant 16 : index
      %swap3A_1277 = tpu.vector_load %arg13[%swap3A_1275, %swap3A_1276] {strides = array<i32>} : memref<128x128xf32, #tpu.memory_space<vmem>>, vector<1x16xf32>,
      %swap3A_1278 = vector.shape_cast %swap3A_1277 : vector<1x16xf32> to vector<16xf32>
      %swap3A_1279 = vector.shape_cast %mul3A_1274 : vector<16xf32> to vector<1x16xf32>
      tpu.vector_store %arg13[%swap3A_1275, %swap3A_1276], %swap3A_1279 {strides = array<i32>} : memref<128x128xf32, #tpu.memory_space<vmem>>, vector<1x16xf32>,
      %get3A_1280 = arith.index_cast %add3A_1259 : i32 to index
      %get3A_1281 = arith.constant 32 : index
      %get3A_1282 = tpu.vector_load %arg13[%get3A_1280, %get3A_1281] {strides = array<i32>} : memref<128x128xf32, #tpu.memory_space<vmem>>, vector<1x16xf32>,
      %get3A_1283 = vector.shape_cast %get3A_1282 : vector<1x16xf32> to vector<16xf32>
      %mul3A_1284 = arith.mulf %get3A_1283, %broadcast_in_dim3A_1255 : vector<16xf32>
      %swap3A_1285 = arith.index_cast %add3A_1259 : i32 to index
      %swap3A_1286 = arith.constant 32 : index
      %swap3A_1287 = tpu.vector_load %arg13[%swap3A_1285, %swap3A_1286] {strides = array<i32>} : memref<128x128xf32, #tpu.memory_space<vmem>>, vector<1x16xf32>,
      %swap3A_1288 = vector.shape_cast %swap3A_1287 : vector<1x16xf32> to vector<16xf32>
      %swap3A_1289 = vector.shape_cast %mul3A_1284 : vector<16xf32> to vector<1x16xf32>
      tpu.vector_store %arg13[%swap3A_1285, %swap3A_1286], %swap3A_1289 {strides = array<i32>} : memref<128x128xf32, #tpu.memory_space<vmem>>, vector<1x16xf32>,
      %get3A_1290 = arith.index_cast %add3A_1259 : i32 to index
      %get3A_1291 = arith.constant 48 : index
      %get3A_1292 = tpu.vector_load %arg13[%get3A_1290, %get3A_1291] {strides = array<i32>} : memref<128x128xf32, #tpu.memory_space<vmem>>, vector<1x16xf32>,
      %get3A_1293 = vector.shape_cast %get3A_1292 : vector<1x16xf32> to vector<16xf32>
      %mul3A_1294 = arith.mulf %get3A_1293, %broadcast_in_dim3A_1255 : vector<16xf32>
      %swap3A_1295 = arith.index_cast %add3A_1259 : i32 to index
      %swap3A_1296 = arith.constant 48 : index
      %swap3A_1297 = tpu.vector_load %arg13[%swap3A_1295, %swap3A_1296] {strides = array<i32>} : memref<128x128xf32, #tpu.memory_space<vmem>>, vector<1x16xf32>,
      %swap3A_1298 = vector.shape_cast %swap3A_1297 : vector<1x16xf32> to vector<16xf32>
      %swap3A_1299 = vector.shape_cast %mul3A_1294 : vector<16xf32> to vector<1x16xf32>
      tpu.vector_store %arg13[%swap3A_1295, %swap3A_1296], %swap3A_1299 {strides = array<i32>} : memref<128x128xf32, #tpu.memory_space<vmem>>, vector<1x16xf32>,
      %get3A_1300 = arith.index_cast %add3A_1259 : i32 to index
      %get3A_1301 = arith.constant 64 : index
      %get3A_1302 = tpu.vector_load %arg13[%get3A_1300, %get3A_1301] {strides = array<i32>} : memref<128x128xf32, #tpu.memory_space<vmem>>, vector<1x16xf32>,
      %get3A_1303 = vector.shape_cast %get3A_1302 : vector<1x16xf32> to vector<16xf32>
      %mul3A_1304 = arith.mulf %get3A_1303, %broadcast_in_dim3A_1255 : vector<16xf32>
      %swap3A_1305 = arith.index_cast %add3A_1259 : i32 to index
      %swap3A_1306 = arith.constant 64 : index
      %swap3A_1307 = tpu.vector_load %arg13[%swap3A_1305, %swap3A_1306] {strides = array<i32>} : memref<128x128xf32, #tpu.memory_space<vmem>>, vector<1x16xf32>,
      %swap3A_1308 = vector.shape_cast %swap3A_1307 : vector<1x16xf32> to vector<16xf32>
      %swap3A_1309 = vector.shape_cast %mul3A_1304 : vector<16xf32> to vector<1x16xf32>
      tpu.vector_store %arg13[%swap3A_1305, %swap3A_1306], %swap3A_1309 {strides = array<i32>} : memref<128x128xf32, #tpu.memory_space<vmem>>, vector<1x16xf32>,
      %get3A_1310 = arith.index_cast %add3A_1259 : i32 to index
      %get3A_1311 = arith.constant 80 : index
      %get3A_1312 = tpu.vector_load %arg13[%get3A_1310, %get3A_1311] {strides = array<i32>} : memref<128x128xf32, #tpu.memory_space<vmem>>, vector<1x16xf32>,
      %get3A_1313 = vector.shape_cast %get3A_1312 : vector<1x16xf32> to vector<16xf32>
      %mul3A_1314 = arith.mulf %get3A_1313, %broadcast_in_dim3A_1255 : vector<16xf32>
      %swap3A_1315 = arith.index_cast %add3A_1259 : i32 to index
      %swap3A_1316 = arith.constant 80 : index
      %swap3A_1317 = tpu.vector_load %arg13[%swap3A_1315, %swap3A_1316] {strides = array<i32>} : memref<128x128xf32, #tpu.memory_space<vmem>>, vector<1x16xf32>,
      %swap3A_1318 = vector.shape_cast %swap3A_1317 : vector<1x16xf32> to vector<16xf32>
      %swap3A_1319 = vector.shape_cast %mul3A_1314 : vector<16xf32> to vector<1x16xf32>
      tpu.vector_store %arg13[%swap3A_1315, %swap3A_1316], %swap3A_1319 {strides = array<i32>} : memref<128x128xf32, #tpu.memory_space<vmem>>, vector<1x16xf32>,
      %get3A_1320 = arith.index_cast %add3A_1259 : i32 to index
      %get3A_1321 = arith.constant 96 : index
      %get3A_1322 = tpu.vector_load %arg13[%get3A_1320, %get3A_1321] {strides = array<i32>} : memref<128x128xf32, #tpu.memory_space<vmem>>, vector<1x16xf32>,
      %get3A_1323 = vector.shape_cast %get3A_1322 : vector<1x16xf32> to vector<16xf32>
      %mul3A_1324 = arith.mulf %get3A_1323, %broadcast_in_dim3A_1255 : vector<16xf32>
      %swap3A_1325 = arith.index_cast %add3A_1259 : i32 to index
      %swap3A_1326 = arith.constant 96 : index
      %swap3A_1327 = tpu.vector_load %arg13[%swap3A_1325, %swap3A_1326] {strides = array<i32>} : memref<128x128xf32, #tpu.memory_space<vmem>>, vector<1x16xf32>,
      %swap3A_1328 = vector.shape_cast %swap3A_1327 : vector<1x16xf32> to vector<16xf32>
      %swap3A_1329 = vector.shape_cast %mul3A_1324 : vector<16xf32> to vector<1x16xf32>
      tpu.vector_store %arg13[%swap3A_1325, %swap3A_1326], %swap3A_1329 {strides = array<i32>} : memref<128x128xf32, #tpu.memory_space<vmem>>, vector<1x16xf32>,
      %get3A_1330 = arith.index_cast %add3A_1259 : i32 to index
      %get3A_1331 = arith.constant 112 : index
      %get3A_1332 = tpu.vector_load %arg13[%get3A_1330, %get3A_1331] {strides = array<i32>} : memref<128x128xf32, #tpu.memory_space<vmem>>, vector<1x16xf32>,
      %get3A_1333 = vector.shape_cast %get3A_1332 : vector<1x16xf32> to vector<16xf32>
      %mul3A_1334 = arith.mulf %get3A_1333, %broadcast_in_dim3A_1255 : vector<16xf32>
      %swap3A_1335 = arith.index_cast %add3A_1259 : i32 to index
      %swap3A_1336 = arith.constant 112 : index
      %swap3A_1337 = tpu.vector_load %arg13[%swap3A_1335, %swap3A_1336] {strides = array<i32>} : memref<128x128xf32, #tpu.memory_space<vmem>>, vector<1x16xf32>,
      %swap3A_1338 = vector.shape_cast %swap3A_1337 : vector<1x16xf32> to vector<16xf32>
      %swap3A_1339 = vector.shape_cast %mul3A_1334 : vector<16xf32> to vector<1x16xf32>
      tpu.vector_store %arg13[%swap3A_1335, %swap3A_1336], %swap3A_1339 {strides = array<i32>} : memref<128x128xf32, #tpu.memory_space<vmem>>, vector<1x16xf32>,
      %slice3A_1340 = vector.extract_strided_slice %get3A_36 {offsets = [15], sizes = [1], strides = [1]} : vector<16xf32> to vector<1xf32>
      %squeeze3A_1341 = vector.extract %slice3A_1340[0] : f32 from vector<1xf32>
      %broadcast_in_dim3A_1342 = vector.broadcast %squeeze3A_1341 : f32 to vector<16xf32>
      %mul3A_1343 = arith.constant 16 : i32
      %mul3A_1344 = arith.muli %scan3A_31, %mul3A_1343 : i32
      %add3A_1345 = arith.constant 15 : i32
      %add3A_1346 = arith.addi %mul3A_1344, %add3A_1345 : i32
      %get3A_1347 = arith.index_cast %add3A_1346 : i32 to index
      %get3A_1348 = arith.constant 0 : index
      %get3A_1349 = tpu.vector_load %arg13[%get3A_1347, %get3A_1348] {strides = array<i32>} : memref<128x128xf32, #tpu.memory_space<vmem>>, vector<1x16xf32>,
      %get3A_1350 = vector.shape_cast %get3A_1349 : vector<1x16xf32> to vector<16xf32>
      %mul3A_1351 = arith.mulf %get3A_1350, %broadcast_in_dim3A_1342 : vector<16xf32>
      %swap3A_1352 = arith.index_cast %add3A_1346 : i32 to index
      %swap3A_1353 = arith.constant 0 : index
      %swap3A_1354 = tpu.vector_load %arg13[%swap3A_1352, %swap3A_1353] {strides = array<i32>} : memref<128x128xf32, #tpu.memory_space<vmem>>, vector<1x16xf32>,
      %swap3A_1355 = vector.shape_cast %swap3A_1354 : vector<1x16xf32> to vector<16xf32>
      %swap3A_1356 = vector.shape_cast %mul3A_1351 : vector<16xf32> to vector<1x16xf32>
      tpu.vector_store %arg13[%swap3A_1352, %swap3A_1353], %swap3A_1356 {strides = array<i32>} : memref<128x128xf32, #tpu.memory_space<vmem>>, vector<1x16xf32>,
      %get3A_1357 = arith.index_cast %add3A_1346 : i32 to index
      %get3A_1358 = arith.constant 16 : index
      %get3A_1359 = tpu.vector_load %arg13[%get3A_1357, %get3A_1358] {strides = array<i32>} : memref<128x128xf32, #tpu.memory_space<vmem>>, vector<1x16xf32>,
      %get3A_1360 = vector.shape_cast %get3A_1359 : vector<1x16xf32> to vector<16xf32>
      %mul3A_1361 = arith.mulf %get3A_1360, %broadcast_in_dim3A_1342 : vector<16xf32>
      %swap3A_1362 = arith.index_cast %add3A_1346 : i32 to index
      %swap3A_1363 = arith.constant 16 : index
      %swap3A_1364 = tpu.vector_load %arg13[%swap3A_1362, %swap3A_1363] {strides = array<i32>} : memref<128x128xf32, #tpu.memory_space<vmem>>, vector<1x16xf32>,
      %swap3A_1365 = vector.shape_cast %swap3A_1364 : vector<1x16xf32> to vector<16xf32>
      %swap3A_1366 = vector.shape_cast %mul3A_1361 : vector<16xf32> to vector<1x16xf32>
      tpu.vector_store %arg13[%swap3A_1362, %swap3A_1363], %swap3A_1366 {strides = array<i32>} : memref<128x128xf32, #tpu.memory_space<vmem>>, vector<1x16xf32>,
      %get3A_1367 = arith.index_cast %add3A_1346 : i32 to index
      %get3A_1368 = arith.constant 32 : index
      %get3A_1369 = tpu.vector_load %arg13[%get3A_1367, %get3A_1368] {strides = array<i32>} : memref<128x128xf32, #tpu.memory_space<vmem>>, vector<1x16xf32>,
      %get3A_1370 = vector.shape_cast %get3A_1369 : vector<1x16xf32> to vector<16xf32>
      %mul3A_1371 = arith.mulf %get3A_1370, %broadcast_in_dim3A_1342 : vector<16xf32>
      %swap3A_1372 = arith.index_cast %add3A_1346 : i32 to index
      %swap3A_1373 = arith.constant 32 : index
      %swap3A_1374 = tpu.vector_load %arg13[%swap3A_1372, %swap3A_1373] {strides = array<i32>} : memref<128x128xf32, #tpu.memory_space<vmem>>, vector<1x16xf32>,
      %swap3A_1375 = vector.shape_cast %swap3A_1374 : vector<1x16xf32> to vector<16xf32>
      %swap3A_1376 = vector.shape_cast %mul3A_1371 : vector<16xf32> to vector<1x16xf32>
      tpu.vector_store %arg13[%swap3A_1372, %swap3A_1373], %swap3A_1376 {strides = array<i32>} : memref<128x128xf32, #tpu.memory_space<vmem>>, vector<1x16xf32>,
      %get3A_1377 = arith.index_cast %add3A_1346 : i32 to index
      %get3A_1378 = arith.constant 48 : index
      %get3A_1379 = tpu.vector_load %arg13[%get3A_1377, %get3A_1378] {strides = array<i32>} : memref<128x128xf32, #tpu.memory_space<vmem>>, vector<1x16xf32>,
      %get3A_1380 = vector.shape_cast %get3A_1379 : vector<1x16xf32> to vector<16xf32>
      %mul3A_1381 = arith.mulf %get3A_1380, %broadcast_in_dim3A_1342 : vector<16xf32>
      %swap3A_1382 = arith.index_cast %add3A_1346 : i32 to index
      %swap3A_1383 = arith.constant 48 : index
      %swap3A_1384 = tpu.vector_load %arg13[%swap3A_1382, %swap3A_1383] {strides = array<i32>} : memref<128x128xf32, #tpu.memory_space<vmem>>, vector<1x16xf32>,
      %swap3A_1385 = vector.shape_cast %swap3A_1384 : vector<1x16xf32> to vector<16xf32>
      %swap3A_1386 = vector.shape_cast %mul3A_1381 : vector<16xf32> to vector<1x16xf32>
      tpu.vector_store %arg13[%swap3A_1382, %swap3A_1383], %swap3A_1386 {strides = array<i32>} : memref<128x128xf32, #tpu.memory_space<vmem>>, vector<1x16xf32>,
      %get3A_1387 = arith.index_cast %add3A_1346 : i32 to index
      %get3A_1388 = arith.constant 64 : index
      %get3A_1389 = tpu.vector_load %arg13[%get3A_1387, %get3A_1388] {strides = array<i32>} : memref<128x128xf32, #tpu.memory_space<vmem>>, vector<1x16xf32>,
      %get3A_1390 = vector.shape_cast %get3A_1389 : vector<1x16xf32> to vector<16xf32>
      %mul3A_1391 = arith.mulf %get3A_1390, %broadcast_in_dim3A_1342 : vector<16xf32>
      %swap3A_1392 = arith.index_cast %add3A_1346 : i32 to index
      %swap3A_1393 = arith.constant 64 : index
      %swap3A_1394 = tpu.vector_load %arg13[%swap3A_1392, %swap3A_1393] {strides = array<i32>} : memref<128x128xf32, #tpu.memory_space<vmem>>, vector<1x16xf32>,
      %swap3A_1395 = vector.shape_cast %swap3A_1394 : vector<1x16xf32> to vector<16xf32>
      %swap3A_1396 = vector.shape_cast %mul3A_1391 : vector<16xf32> to vector<1x16xf32>
      tpu.vector_store %arg13[%swap3A_1392, %swap3A_1393], %swap3A_1396 {strides = array<i32>} : memref<128x128xf32, #tpu.memory_space<vmem>>, vector<1x16xf32>,
      %get3A_1397 = arith.index_cast %add3A_1346 : i32 to index
      %get3A_1398 = arith.constant 80 : index
      %get3A_1399 = tpu.vector_load %arg13[%get3A_1397, %get3A_1398] {strides = array<i32>} : memref<128x128xf32, #tpu.memory_space<vmem>>, vector<1x16xf32>,
      %get3A_1400 = vector.shape_cast %get3A_1399 : vector<1x16xf32> to vector<16xf32>
      %mul3A_1401 = arith.mulf %get3A_1400, %broadcast_in_dim3A_1342 : vector<16xf32>
      %swap3A_1402 = arith.index_cast %add3A_1346 : i32 to index
      %swap3A_1403 = arith.constant 80 : index
      %swap3A_1404 = tpu.vector_load %arg13[%swap3A_1402, %swap3A_1403] {strides = array<i32>} : memref<128x128xf32, #tpu.memory_space<vmem>>, vector<1x16xf32>,
      %swap3A_1405 = vector.shape_cast %swap3A_1404 : vector<1x16xf32> to vector<16xf32>
      %swap3A_1406 = vector.shape_cast %mul3A_1401 : vector<16xf32> to vector<1x16xf32>
      tpu.vector_store %arg13[%swap3A_1402, %swap3A_1403], %swap3A_1406 {strides = array<i32>} : memref<128x128xf32, #tpu.memory_space<vmem>>, vector<1x16xf32>,
      %get3A_1407 = arith.index_cast %add3A_1346 : i32 to index
      %get3A_1408 = arith.constant 96 : index
      %get3A_1409 = tpu.vector_load %arg13[%get3A_1407, %get3A_1408] {strides = array<i32>} : memref<128x128xf32, #tpu.memory_space<vmem>>, vector<1x16xf32>,
      %get3A_1410 = vector.shape_cast %get3A_1409 : vector<1x16xf32> to vector<16xf32>
      %mul3A_1411 = arith.mulf %get3A_1410, %broadcast_in_dim3A_1342 : vector<16xf32>
      %swap3A_1412 = arith.index_cast %add3A_1346 : i32 to index
      %swap3A_1413 = arith.constant 96 : index
      %swap3A_1414 = tpu.vector_load %arg13[%swap3A_1412, %swap3A_1413] {strides = array<i32>} : memref<128x128xf32, #tpu.memory_space<vmem>>, vector<1x16xf32>,
      %swap3A_1415 = vector.shape_cast %swap3A_1414 : vector<1x16xf32> to vector<16xf32>
      %swap3A_1416 = vector.shape_cast %mul3A_1411 : vector<16xf32> to vector<1x16xf32>
      tpu.vector_store %arg13[%swap3A_1412, %swap3A_1413], %swap3A_1416 {strides = array<i32>} : memref<128x128xf32, #tpu.memory_space<vmem>>, vector<1x16xf32>,
      %get3A_1417 = arith.index_cast %add3A_1346 : i32 to index
      %get3A_1418 = arith.constant 112 : index
      %get3A_1419 = tpu.vector_load %arg13[%get3A_1417, %get3A_1418] {strides = array<i32>} : memref<128x128xf32, #tpu.memory_space<vmem>>, vector<1x16xf32>,
      %get3A_1420 = vector.shape_cast %get3A_1419 : vector<1x16xf32> to vector<16xf32>
      %mul3A_1421 = arith.mulf %get3A_1420, %broadcast_in_dim3A_1342 : vector<16xf32>
      %swap3A_1422 = arith.index_cast %add3A_1346 : i32 to index
      %swap3A_1423 = arith.constant 112 : index
      %swap3A_1424 = tpu.vector_load %arg13[%swap3A_1422, %swap3A_1423] {strides = array<i32>} : memref<128x128xf32, #tpu.memory_space<vmem>>, vector<1x16xf32>,
      %swap3A_1425 = vector.shape_cast %swap3A_1424 : vector<1x16xf32> to vector<16xf32>
      %swap3A_1426 = vector.shape_cast %mul3A_1421 : vector<16xf32> to vector<1x16xf32>
      tpu.vector_store %arg13[%swap3A_1422, %swap3A_1423], %swap3A_1426 {strides = array<i32>} : memref<128x128xf32, #tpu.memory_space<vmem>>, vector<1x16xf32>,
    }
    %scan3A_28 = arith.constant 8 : i32
    %mul3A_29 = arith.constant 128 : i32
    %mul3A_30 = arith.muli %add3A, %mul3A_29 : i32
    "tpu.region"() ({
      %run_scoped3A = tpu.sem_alloc : memref<!tpu.dma_semaphore, #tpu.memory_space<semaphore_mem>>
      %dma_start3A = arith.constant 0 : i32
      %dma_start3A_31 = tpu.memref_slice %arg8[%mul3A_30, %dma_start3A] : memref<4096x128xf32, #tpu.memory_space<hbm>> -> memref<128x128xf32, #tpu.memory_space<hbm>>
      %dma_start3A_32 = arith.constant 0 : i32
      %dma_start3A_33 = tpu.memref_slice %arg8[%mul3A_30, %dma_start3A_32] : memref<4096x128xf32, #tpu.memory_space<hbm>> -> memref<128x128xf32, #tpu.memory_space<hbm>>
      tpu.enqueue_dma source(%arg13 : memref<128x128xf32, #tpu.memory_space<vmem>>) target(%dma_start3A_33 : memref<128x128xf32, #tpu.memory_space<hbm>>) target_semaphore(%run_scoped3A : memref<!tpu.dma_semaphore, #tpu.memory_space<semaphore_mem>>)
      %dma_wait3A = arith.constant 0 : i32
      %dma_wait3A_34 = tpu.memref_slice %arg8[%mul3A_30, %dma_wait3A] : memref<4096x128xf32, #tpu.memory_space<hbm>> -> memref<128x128xf32, #tpu.memory_space<hbm>>
      %dma_wait3A_35 = arith.constant 0 : i32
      %dma_wait3A_36 = tpu.memref_slice %arg8[%mul3A_30, %dma_wait3A_35] : memref<4096x128xf32, #tpu.memory_space<hbm>> -> memref<128x128xf32, #tpu.memory_space<hbm>>
      tpu.wait_dma2 semaphore(%run_scoped3A : memref<!tpu.dma_semaphore, #tpu.memory_space<semaphore_mem>>) src(%arg13 : memref<128x128xf32, #tpu.memory_space<vmem>>) dst(%dma_wait3A_36 : memref<128x128xf32, #tpu.memory_space<hbm>>)
      tpu.yield
    }) : () -> ()
    return
  }
}

module attributes {stable_mosaic.version = 14 : i64} {
  func.func @body(%arg0: i32, %arg1: memref<256x128xf32, #tpu.memory_space<vmem>>, %arg2: memref<256x1xf32, #tpu.memory_space<vmem>>, %arg3: memref<128x128xf32, #tpu.memory_space<vmem>>, %arg4: memref<1x128xf32, #tpu.memory_space<vmem>>, %arg5: memref<128x128xf32, #tpu.memory_space<vmem>>, %arg6: memref<1x128xf32, #tpu.memory_space<vmem>>, %arg7: memref<256x128xf32, #tpu.memory_space<vmem>>, %arg8: memref<256x1xf32, #tpu.memory_space<vmem>>, %arg9: memref<256x1xf32, #tpu.memory_space<vmem>>) attributes {dimension_semantics = [#tpu.dimension_semantics<arbitrary>], iteration_bounds = array<i64: 16>, scalar_prefetch = 0 : i64, scratch_operands = 0 : i64, tpu.core_type = #tpu.core_type<tc>, window_params = [{transform_indices = @transform_0, window_bounds = array<i64: 256, 128>}, {transform_indices = @transform_1, window_bounds = array<i64: 256, 1>}, {pipeline_mode = #tpu.pipeline_mode<synchronous>, transform_indices = @transform_2, window_bounds = array<i64: 128, 128>}, {pipeline_mode = #tpu.pipeline_mode<synchronous>, transform_indices = @transform_3, window_bounds = array<i64: 1, 128>}, {pipeline_mode = #tpu.pipeline_mode<synchronous>, transform_indices = @transform_4, window_bounds = array<i64: 128, 128>}, {pipeline_mode = #tpu.pipeline_mode<synchronous>, transform_indices = @transform_5, window_bounds = array<i64: 1, 128>}, {transform_indices = @transform_6, window_bounds = array<i64: 256, 128>}, {transform_indices = @transform_7, window_bounds = array<i64: 256, 1>}, {transform_indices = @transform_8, window_bounds = array<i64: 256, 1>}]} {
    %get3A = arith.constant 0 : index
    %get3A_0 = arith.constant 0 : index
    %get3A_1 = vector.load %arg1[%get3A, %get3A_0] : memref<256x128xf32, #tpu.memory_space<vmem>>, vector<256x128xf32>
    %get3A_2 = arith.constant 0 : index
    %get3A_3 = arith.constant 0 : index
    %get3A_4 = vector.load %arg3[%get3A_2, %get3A_3] : memref<128x128xf32, #tpu.memory_space<vmem>>, vector<128x128xf32>
    %dot_general3A = arith.constant dense<0.000000e+00> : vector<256x128xf32>
    %dot_general3A_5 = tpu.matmul %get3A_1, %get3A_4, %dot_general3A {dimension_numbers = #tpu.dot_dimension_numbers<[1], [0], [0], [1], [0, 0, 1, 1], [], []>, transpose_lhs_hint = false} : vector<256x128xf32>, vector<128x128xf32>, vector<256x128xf32> -> vector<256x128xf32>
    %get3A_6 = arith.constant 0 : index
    %get3A_7 = arith.constant 0 : index
    %get3A_8 = vector.load %arg4[%get3A_6, %get3A_7] : memref<1x128xf32, #tpu.memory_space<vmem>>, vector<1x128xf32>
    %add3A = vector.broadcast %get3A_8 : vector<1x128xf32> to vector<256x128xf32>
    %add3A_9 = arith.addf %dot_general3A_5, %add3A : vector<256x128xf32>
    %max3A = arith.constant 0.000000e+00 : f32
    %max3A_10 = vector.broadcast %max3A : f32 to vector<256x128xf32>
    %max3A_11 = arith.maximumf %add3A_9, %max3A_10 : vector<256x128xf32>
    %get3A_12 = arith.constant 0 : index
    %get3A_13 = arith.constant 0 : index
    %get3A_14 = vector.load %arg5[%get3A_12, %get3A_13] : memref<128x128xf32, #tpu.memory_space<vmem>>, vector<128x128xf32>
    %dot_general3A_15 = arith.constant dense<0.000000e+00> : vector<256x128xf32>
    %dot_general3A_16 = tpu.matmul %max3A_11, %get3A_14, %dot_general3A_15 {dimension_numbers = #tpu.dot_dimension_numbers<[1], [0], [0], [1], [0, 0, 1, 1], [], []>, transpose_lhs_hint = false} : vector<256x128xf32>, vector<128x128xf32>, vector<256x128xf32> -> vector<256x128xf32>
    %get3A_17 = arith.constant 0 : index
    %get3A_18 = arith.constant 0 : index
    %get3A_19 = vector.load %arg6[%get3A_17, %get3A_18] : memref<1x128xf32, #tpu.memory_space<vmem>>, vector<1x128xf32>
    %add3A_20 = vector.broadcast %get3A_19 : vector<1x128xf32> to vector<256x128xf32>
    %add3A_21 = arith.addf %dot_general3A_16, %add3A_20 : vector<256x128xf32>
    %get3A_22 = arith.constant 0 : index
    %get3A_23 = arith.constant 0 : index
    %get3A_24 = vector.load %arg2[%get3A_22, %get3A_23] : memref<256x1xf32, #tpu.memory_space<vmem>>, vector<256x1xf32>
    %max3A_25 = arith.constant 1.000000e+00 : f32
    %max3A_26 = vector.broadcast %max3A_25 : f32 to vector<256x1xf32>
    %max3A_27 = arith.maximumf %get3A_24, %max3A_26 : vector<256x1xf32>
    %rsqrt3A = math.rsqrt %max3A_27 : vector<256x1xf32>
    %mul3A = vector.broadcast %rsqrt3A : vector<256x1xf32> to vector<256x128xf32>
    %mul3A_28 = arith.mulf %add3A_21, %mul3A : vector<256x128xf32>
    %swap3A = arith.constant 0 : index
    %swap3A_29 = arith.constant 0 : index
    %swap3A_30 = vector.load %arg7[%swap3A, %swap3A_29] : memref<256x128xf32, #tpu.memory_space<vmem>>, vector<256x128xf32>
    tpu.vector_store %arg7[%swap3A, %swap3A_29], %mul3A_28 {strides = array<i32>} : memref<256x128xf32, #tpu.memory_space<vmem>>, vector<256x128xf32>,
    %mul3A_31 = arith.mulf %rsqrt3A, %rsqrt3A : vector<256x1xf32>
    %swap3A_32 = arith.constant 0 : index
    %swap3A_33 = arith.constant 0 : index
    %swap3A_34 = vector.load %arg8[%swap3A_32, %swap3A_33] : memref<256x1xf32, #tpu.memory_space<vmem>>, vector<256x1xf32>
    tpu.vector_store %arg8[%swap3A_32, %swap3A_33], %mul3A_31 {strides = array<i32>} : memref<256x1xf32, #tpu.memory_space<vmem>>, vector<256x1xf32>,
    %mul3A_35 = arith.mulf %max3A_27, %rsqrt3A : vector<256x1xf32>
    %swap3A_36 = arith.constant 0 : index
    %swap3A_37 = arith.constant 0 : index
    %swap3A_38 = vector.load %arg9[%swap3A_36, %swap3A_37] : memref<256x1xf32, #tpu.memory_space<vmem>>, vector<256x1xf32>
    tpu.vector_store %arg9[%swap3A_36, %swap3A_37], %mul3A_35 {strides = array<i32>} : memref<256x1xf32, #tpu.memory_space<vmem>>, vector<256x1xf32>,
    return
  }
  func.func @transform_0(%arg0: i32) -> (i32, i32) {
    %c0_i32 = arith.constant 0 : i32
    %c0_i32_0 = arith.constant 0 : i32
    return %arg0, %c0_i32 : i32, i32
  }
  func.func @transform_1(%arg0: i32) -> (i32, i32) {
    %c0_i32 = arith.constant 0 : i32
    %c0_i32_0 = arith.constant 0 : i32
    return %arg0, %c0_i32 : i32, i32
  }
  func.func @transform_2(%arg0: i32) -> (i32, i32) {
    %c0_i32 = arith.constant 0 : i32
    %c0_i32_0 = arith.constant 0 : i32
    %c0_i32_1 = arith.constant 0 : i32
    return %c0_i32, %c0_i32_0 : i32, i32
  }
  func.func @transform_3(%arg0: i32) -> (i32, i32) {
    %c0_i32 = arith.constant 0 : i32
    %c0_i32_0 = arith.constant 0 : i32
    %c0_i32_1 = arith.constant 0 : i32
    return %c0_i32, %c0_i32_0 : i32, i32
  }
  func.func @transform_4(%arg0: i32) -> (i32, i32) {
    %c0_i32 = arith.constant 0 : i32
    %c0_i32_0 = arith.constant 0 : i32
    %c0_i32_1 = arith.constant 0 : i32
    return %c0_i32, %c0_i32_0 : i32, i32
  }
  func.func @transform_5(%arg0: i32) -> (i32, i32) {
    %c0_i32 = arith.constant 0 : i32
    %c0_i32_0 = arith.constant 0 : i32
    %c0_i32_1 = arith.constant 0 : i32
    return %c0_i32, %c0_i32_0 : i32, i32
  }
  func.func @transform_6(%arg0: i32) -> (i32, i32) {
    %c0_i32 = arith.constant 0 : i32
    %c0_i32_0 = arith.constant 0 : i32
    return %arg0, %c0_i32 : i32, i32
  }
  func.func @transform_7(%arg0: i32) -> (i32, i32) {
    %c0_i32 = arith.constant 0 : i32
    %c0_i32_0 = arith.constant 0 : i32
    return %arg0, %c0_i32 : i32, i32
  }
  func.func @transform_8(%arg0: i32) -> (i32, i32) {
    %c0_i32 = arith.constant 0 : i32
    %c0_i32_0 = arith.constant 0 : i32
    return %arg0, %c0_i32 : i32, i32
  }
}

module attributes {stable_mosaic.version = 14 : i64} {
  func.func @body(%arg0: i32, %arg1: memref<512x128xf32, #tpu.memory_space<vmem>>, %arg2: memref<512x128xf32, #tpu.memory_space<vmem>>, %arg3: memref<512x128xf32, #tpu.memory_space<vmem>>, %arg4: memref<512x128xf32, #tpu.memory_space<vmem>>, %arg5: memref<512x128xf32, #tpu.memory_space<vmem>>, %arg6: memref<512x128xf32, #tpu.memory_space<vmem>>, %arg7: memref<512x128xf32, #tpu.memory_space<vmem>>, %arg8: memref<512x128xf32, #tpu.memory_space<vmem>>, %arg9: memref<512x128xf32, #tpu.memory_space<vmem>>, %arg10: memref<512x128xf32, #tpu.memory_space<vmem>>, %arg11: memref<512x128xf32, #tpu.memory_space<vmem>>, %arg12: memref<512x1xf32, #tpu.memory_space<vmem>>, %arg13: memref<3x5x11xf32, #tpu.memory_space<smem>>, %arg14: memref<5x128x128xf32, #tpu.memory_space<vmem>>, %arg15: memref<3x128x128xf32, #tpu.memory_space<vmem>>, %arg16: memref<3x128xf32, #tpu.memory_space<vmem>>, %arg17: memref<3x512x128xf32, #tpu.memory_space<vmem>>) attributes {dimension_semantics = [#tpu.dimension_semantics<arbitrary>], iteration_bounds = array<i64: 8>, scalar_prefetch = 0 : i64, scratch_operands = 0 : i64, tpu.core_type = #tpu.core_type<tc>, window_params = [{transform_indices = @transform_0, window_bounds = array<i64: 512, 128>}, {transform_indices = @transform_1, window_bounds = array<i64: 512, 128>}, {transform_indices = @transform_2, window_bounds = array<i64: 512, 128>}, {transform_indices = @transform_3, window_bounds = array<i64: 512, 128>}, {transform_indices = @transform_4, window_bounds = array<i64: 512, 128>}, {transform_indices = @transform_5, window_bounds = array<i64: 512, 128>}, {transform_indices = @transform_6, window_bounds = array<i64: 512, 128>}, {transform_indices = @transform_7, window_bounds = array<i64: 512, 128>}, {transform_indices = @transform_8, window_bounds = array<i64: 512, 128>}, {transform_indices = @transform_9, window_bounds = array<i64: 512, 128>}, {transform_indices = @transform_10, window_bounds = array<i64: 512, 128>}, {transform_indices = @transform_11, window_bounds = array<i64: 512, 1>}, {transform_indices = @transform_12, window_bounds = array<i64: 3, 5, 11>}, {pipeline_mode = #tpu.pipeline_mode<synchronous>, transform_indices = @transform_13, window_bounds = array<i64: 5, 128, 128>}, {pipeline_mode = #tpu.pipeline_mode<synchronous>, transform_indices = @transform_14, window_bounds = array<i64: 3, 128, 128>}, {pipeline_mode = #tpu.pipeline_mode<synchronous>, transform_indices = @transform_15, window_bounds = array<i64: 3, 128>}, {transform_indices = @transform_16, window_bounds = array<i64: 3, 512, 128>}]} {
    %get3A = arith.constant 0 : index
    %get3A_0 = arith.constant 0 : index
    %get3A_1 = vector.load %arg12[%get3A, %get3A_0] : memref<512x1xf32, #tpu.memory_space<vmem>>, vector<512x1xf32>
    %get3A_2 = arith.constant 0 : index
    %get3A_3 = arith.constant 0 : index
    %get3A_4 = vector.load %arg1[%get3A_2, %get3A_3] : memref<512x128xf32, #tpu.memory_space<vmem>>, vector<512x128xf32>
    %get3A_5 = arith.constant 0 : index
    %get3A_6 = arith.constant 0 : index
    %get3A_7 = vector.load %arg2[%get3A_5, %get3A_6] : memref<512x128xf32, #tpu.memory_space<vmem>>, vector<512x128xf32>
    %get3A_8 = arith.constant 0 : index
    %get3A_9 = arith.constant 0 : index
    %get3A_10 = vector.load %arg3[%get3A_8, %get3A_9] : memref<512x128xf32, #tpu.memory_space<vmem>>, vector<512x128xf32>
    %get3A_11 = arith.constant 0 : index
    %get3A_12 = arith.constant 0 : index
    %get3A_13 = vector.load %arg4[%get3A_11, %get3A_12] : memref<512x128xf32, #tpu.memory_space<vmem>>, vector<512x128xf32>
    %get3A_14 = arith.constant 0 : index
    %get3A_15 = arith.constant 0 : index
    %get3A_16 = vector.load %arg5[%get3A_14, %get3A_15] : memref<512x128xf32, #tpu.memory_space<vmem>>, vector<512x128xf32>
    %get3A_17 = arith.constant 0 : index
    %get3A_18 = arith.constant 0 : index
    %get3A_19 = vector.load %arg6[%get3A_17, %get3A_18] : memref<512x128xf32, #tpu.memory_space<vmem>>, vector<512x128xf32>
    %get3A_20 = arith.constant 0 : index
    %get3A_21 = arith.constant 0 : index
    %get3A_22 = vector.load %arg7[%get3A_20, %get3A_21] : memref<512x128xf32, #tpu.memory_space<vmem>>, vector<512x128xf32>
    %get3A_23 = arith.constant 0 : index
    %get3A_24 = arith.constant 0 : index
    %get3A_25 = vector.load %arg8[%get3A_23, %get3A_24] : memref<512x128xf32, #tpu.memory_space<vmem>>, vector<512x128xf32>
    %get3A_26 = arith.constant 0 : index
    %get3A_27 = arith.constant 0 : index
    %get3A_28 = vector.load %arg9[%get3A_26, %get3A_27] : memref<512x128xf32, #tpu.memory_space<vmem>>, vector<512x128xf32>
    %get3A_29 = arith.constant 0 : index
    %get3A_30 = arith.constant 0 : index
    %get3A_31 = vector.load %arg10[%get3A_29, %get3A_30] : memref<512x128xf32, #tpu.memory_space<vmem>>, vector<512x128xf32>
    %get3A_32 = arith.constant 0 : index
    %get3A_33 = arith.constant 0 : index
    %get3A_34 = vector.load %arg11[%get3A_32, %get3A_33] : memref<512x128xf32, #tpu.memory_space<vmem>>, vector<512x128xf32>
    %mul3A = vector.broadcast %get3A_1 : vector<512x1xf32> to vector<512x128xf32>
    %mul3A_35 = arith.mulf %get3A_4, %mul3A : vector<512x128xf32>
    %get3A_36 = arith.constant 0 : index
    %get3A_37 = arith.constant 0 : index
    %get3A_38 = arith.constant 0 : index
    %get3A_39 = vector.load %arg15[%get3A_36, %get3A_37, %get3A_38] : memref<3x128x128xf32, #tpu.memory_space<vmem>>, vector<1x128x128xf32>
    %get3A_40 = vector.shape_cast %get3A_39 : vector<1x128x128xf32> to vector<128x128xf32>
    %dot_general3A = arith.constant dense<0.000000e+00> : vector<512x128xf32>
    %dot_general3A_41 = tpu.matmul %mul3A_35, %get3A_40, %dot_general3A {dimension_numbers = #tpu.dot_dimension_numbers<[1], [0], [0], [1], [0, 0, 1, 1], [], []>, transpose_lhs_hint = false} : vector<512x128xf32>, vector<128x128xf32>, vector<512x128xf32> -> vector<512x128xf32>
    %get3A_42 = arith.constant 0 : index
    %get3A_43 = arith.constant 0 : index
    %get3A_44 = vector.load %arg16[%get3A_42, %get3A_43] : memref<3x128xf32, #tpu.memory_space<vmem>>, vector<1x128xf32>
    %get3A_45 = vector.shape_cast %get3A_44 : vector<1x128xf32> to vector<128xf32>
    %broadcast_in_dim3A = vector.shape_cast %get3A_45 : vector<128xf32> to vector<1x128xf32>
    %add3A = vector.broadcast %broadcast_in_dim3A : vector<1x128xf32> to vector<512x128xf32>
    %add3A_46 = arith.addf %dot_general3A_41, %add3A : vector<512x128xf32>
    %tanh3A = math.tanh %add3A_46 : vector<512x128xf32>
    %get3A_47 = arith.constant 0 : index
    %get3A_48 = arith.constant 0 : index
    %get3A_49 = arith.constant 0 : index
    %get3A_50 = memref.load %arg13[%get3A_47, %get3A_48, %get3A_49] : memref<3x5x11xf32, #tpu.memory_space<smem>>
    %mul3A_51 = vector.broadcast %get3A_50 : f32 to vector<512x128xf32>
    %mul3A_52 = arith.mulf %mul3A_51, %get3A_4 : vector<512x128xf32>
    %get3A_53 = arith.constant 0 : index
    %get3A_54 = arith.constant 0 : index
    %get3A_55 = arith.constant 1 : index
    %get3A_56 = memref.load %arg13[%get3A_53, %get3A_54, %get3A_55] : memref<3x5x11xf32, #tpu.memory_space<smem>>
    %mul3A_57 = vector.broadcast %get3A_56 : f32 to vector<512x128xf32>
    %mul3A_58 = arith.mulf %mul3A_57, %get3A_7 : vector<512x128xf32>
    %add3A_59 = arith.addf %mul3A_52, %mul3A_58 : vector<512x128xf32>
    %get3A_60 = arith.constant 0 : index
    %get3A_61 = arith.constant 0 : index
    %get3A_62 = arith.constant 2 : index
    %get3A_63 = memref.load %arg13[%get3A_60, %get3A_61, %get3A_62] : memref<3x5x11xf32, #tpu.memory_space<smem>>
    %mul3A_64 = vector.broadcast %get3A_63 : f32 to vector<512x128xf32>
    %mul3A_65 = arith.mulf %mul3A_64, %get3A_10 : vector<512x128xf32>
    %add3A_66 = arith.addf %add3A_59, %mul3A_65 : vector<512x128xf32>
    %get3A_67 = arith.constant 0 : index
    %get3A_68 = arith.constant 0 : index
    %get3A_69 = arith.constant 3 : index
    %get3A_70 = memref.load %arg13[%get3A_67, %get3A_68, %get3A_69] : memref<3x5x11xf32, #tpu.memory_space<smem>>
    %mul3A_71 = vector.broadcast %get3A_70 : f32 to vector<512x128xf32>
    %mul3A_72 = arith.mulf %mul3A_71, %get3A_13 : vector<512x128xf32>
    %add3A_73 = arith.addf %add3A_66, %mul3A_72 : vector<512x128xf32>
    %get3A_74 = arith.constant 0 : index
    %get3A_75 = arith.constant 0 : index
    %get3A_76 = arith.constant 4 : index
    %get3A_77 = memref.load %arg13[%get3A_74, %get3A_75, %get3A_76] : memref<3x5x11xf32, #tpu.memory_space<smem>>
    %mul3A_78 = vector.broadcast %get3A_77 : f32 to vector<512x128xf32>
    %mul3A_79 = arith.mulf %mul3A_78, %get3A_16 : vector<512x128xf32>
    %add3A_80 = arith.addf %add3A_73, %mul3A_79 : vector<512x128xf32>
    %get3A_81 = arith.constant 0 : index
    %get3A_82 = arith.constant 0 : index
    %get3A_83 = arith.constant 5 : index
    %get3A_84 = memref.load %arg13[%get3A_81, %get3A_82, %get3A_83] : memref<3x5x11xf32, #tpu.memory_space<smem>>
    %mul3A_85 = vector.broadcast %get3A_84 : f32 to vector<512x128xf32>
    %mul3A_86 = arith.mulf %mul3A_85, %get3A_19 : vector<512x128xf32>
    %add3A_87 = arith.addf %add3A_80, %mul3A_86 : vector<512x128xf32>
    %get3A_88 = arith.constant 0 : index
    %get3A_89 = arith.constant 0 : index
    %get3A_90 = arith.constant 6 : index
    %get3A_91 = memref.load %arg13[%get3A_88, %get3A_89, %get3A_90] : memref<3x5x11xf32, #tpu.memory_space<smem>>
    %mul3A_92 = vector.broadcast %get3A_91 : f32 to vector<512x128xf32>
    %mul3A_93 = arith.mulf %mul3A_92, %get3A_22 : vector<512x128xf32>
    %add3A_94 = arith.addf %add3A_87, %mul3A_93 : vector<512x128xf32>
    %get3A_95 = arith.constant 0 : index
    %get3A_96 = arith.constant 0 : index
    %get3A_97 = arith.constant 7 : index
    %get3A_98 = memref.load %arg13[%get3A_95, %get3A_96, %get3A_97] : memref<3x5x11xf32, #tpu.memory_space<smem>>
    %mul3A_99 = vector.broadcast %get3A_98 : f32 to vector<512x128xf32>
    %mul3A_100 = arith.mulf %mul3A_99, %get3A_25 : vector<512x128xf32>
    %add3A_101 = arith.addf %add3A_94, %mul3A_100 : vector<512x128xf32>
    %get3A_102 = arith.constant 0 : index
    %get3A_103 = arith.constant 0 : index
    %get3A_104 = arith.constant 8 : index
    %get3A_105 = memref.load %arg13[%get3A_102, %get3A_103, %get3A_104] : memref<3x5x11xf32, #tpu.memory_space<smem>>
    %mul3A_106 = vector.broadcast %get3A_105 : f32 to vector<512x128xf32>
    %mul3A_107 = arith.mulf %mul3A_106, %get3A_28 : vector<512x128xf32>
    %add3A_108 = arith.addf %add3A_101, %mul3A_107 : vector<512x128xf32>
    %get3A_109 = arith.constant 0 : index
    %get3A_110 = arith.constant 0 : index
    %get3A_111 = arith.constant 9 : index
    %get3A_112 = memref.load %arg13[%get3A_109, %get3A_110, %get3A_111] : memref<3x5x11xf32, #tpu.memory_space<smem>>
    %mul3A_113 = vector.broadcast %get3A_112 : f32 to vector<512x128xf32>
    %mul3A_114 = arith.mulf %mul3A_113, %get3A_31 : vector<512x128xf32>
    %add3A_115 = arith.addf %add3A_108, %mul3A_114 : vector<512x128xf32>
    %get3A_116 = arith.constant 0 : index
    %get3A_117 = arith.constant 0 : index
    %get3A_118 = arith.constant 10 : index
    %get3A_119 = memref.load %arg13[%get3A_116, %get3A_117, %get3A_118] : memref<3x5x11xf32, #tpu.memory_space<smem>>
    %mul3A_120 = vector.broadcast %get3A_119 : f32 to vector<512x128xf32>
    %mul3A_121 = arith.mulf %mul3A_120, %get3A_34 : vector<512x128xf32>
    %add3A_122 = arith.addf %add3A_115, %mul3A_121 : vector<512x128xf32>
    %mul3A_123 = vector.broadcast %get3A_1 : vector<512x1xf32> to vector<512x128xf32>
    %mul3A_124 = arith.mulf %add3A_122, %mul3A_123 : vector<512x128xf32>
    %get3A_125 = arith.constant 0 : index
    %get3A_126 = arith.constant 0 : index
    %get3A_127 = arith.constant 0 : index
    %get3A_128 = vector.load %arg14[%get3A_125, %get3A_126, %get3A_127] : memref<5x128x128xf32, #tpu.memory_space<vmem>>, vector<1x128x128xf32>
    %get3A_129 = vector.shape_cast %get3A_128 : vector<1x128x128xf32> to vector<128x128xf32>
    %dot_general3A_130 = arith.constant dense<0.000000e+00> : vector<512x128xf32>
    %dot_general3A_131 = tpu.matmul %mul3A_124, %get3A_129, %dot_general3A_130 {dimension_numbers = #tpu.dot_dimension_numbers<[1], [0], [0], [1], [0, 0, 1, 1], [], []>, transpose_lhs_hint = false} : vector<512x128xf32>, vector<128x128xf32>, vector<512x128xf32> -> vector<512x128xf32>
    %ge3A = arith.constant 0.000000e+00 : f32
    %ge3A_132 = vector.broadcast %ge3A : f32 to vector<512x128xf32>
    %ge3A_133 = arith.cmpf oge, %dot_general3A_131, %ge3A_132 : vector<512x128xf32>
    %mul3A_134 = arith.constant 0.00999999977 : f32
    %mul3A_135 = vector.broadcast %mul3A_134 : f32 to vector<512x128xf32>
    %mul3A_136 = arith.mulf %mul3A_135, %dot_general3A_131 : vector<512x128xf32>
    %select_n3A = arith.select %ge3A_133, %dot_general3A_131, %mul3A_136 : vector<512x128xi1>, vector<512x128xf32>
    %mul3A_137 = arith.mulf %select_n3A, %tanh3A : vector<512x128xf32>
    %reduce_sum3A = arith.constant dense<0.000000e+00> : vector<512xf32>
    %reduce_sum3A_138 = vector.multi_reduction <add>, %mul3A_137, %reduce_sum3A [1] : vector<512x128xf32> to vector<512xf32>
    %broadcast_in_dim3A_139 = vector.shape_cast %reduce_sum3A_138 : vector<512xf32> to vector<512x1xf32>
    %get3A_140 = arith.constant 0 : index
    %get3A_141 = arith.constant 1 : index
    %get3A_142 = arith.constant 0 : index
    %get3A_143 = memref.load %arg13[%get3A_140, %get3A_141, %get3A_142] : memref<3x5x11xf32, #tpu.memory_space<smem>>
    %mul3A_144 = vector.broadcast %get3A_143 : f32 to vector<512x128xf32>
    %mul3A_145 = arith.mulf %mul3A_144, %get3A_4 : vector<512x128xf32>
    %get3A_146 = arith.constant 0 : index
    %get3A_147 = arith.constant 1 : index
    %get3A_148 = arith.constant 1 : index
    %get3A_149 = memref.load %arg13[%get3A_146, %get3A_147, %get3A_148] : memref<3x5x11xf32, #tpu.memory_space<smem>>
    %mul3A_150 = vector.broadcast %get3A_149 : f32 to vector<512x128xf32>
    %mul3A_151 = arith.mulf %mul3A_150, %get3A_7 : vector<512x128xf32>
    %add3A_152 = arith.addf %mul3A_145, %mul3A_151 : vector<512x128xf32>
    %get3A_153 = arith.constant 0 : index
    %get3A_154 = arith.constant 1 : index
    %get3A_155 = arith.constant 2 : index
    %get3A_156 = memref.load %arg13[%get3A_153, %get3A_154, %get3A_155] : memref<3x5x11xf32, #tpu.memory_space<smem>>
    %mul3A_157 = vector.broadcast %get3A_156 : f32 to vector<512x128xf32>
    %mul3A_158 = arith.mulf %mul3A_157, %get3A_10 : vector<512x128xf32>
    %add3A_159 = arith.addf %add3A_152, %mul3A_158 : vector<512x128xf32>
    %get3A_160 = arith.constant 0 : index
    %get3A_161 = arith.constant 1 : index
    %get3A_162 = arith.constant 3 : index
    %get3A_163 = memref.load %arg13[%get3A_160, %get3A_161, %get3A_162] : memref<3x5x11xf32, #tpu.memory_space<smem>>
    %mul3A_164 = vector.broadcast %get3A_163 : f32 to vector<512x128xf32>
    %mul3A_165 = arith.mulf %mul3A_164, %get3A_13 : vector<512x128xf32>
    %add3A_166 = arith.addf %add3A_159, %mul3A_165 : vector<512x128xf32>
    %get3A_167 = arith.constant 0 : index
    %get3A_168 = arith.constant 1 : index
    %get3A_169 = arith.constant 4 : index
    %get3A_170 = memref.load %arg13[%get3A_167, %get3A_168, %get3A_169] : memref<3x5x11xf32, #tpu.memory_space<smem>>
    %mul3A_171 = vector.broadcast %get3A_170 : f32 to vector<512x128xf32>
    %mul3A_172 = arith.mulf %mul3A_171, %get3A_16 : vector<512x128xf32>
    %add3A_173 = arith.addf %add3A_166, %mul3A_172 : vector<512x128xf32>
    %get3A_174 = arith.constant 0 : index
    %get3A_175 = arith.constant 1 : index
    %get3A_176 = arith.constant 5 : index
    %get3A_177 = memref.load %arg13[%get3A_174, %get3A_175, %get3A_176] : memref<3x5x11xf32, #tpu.memory_space<smem>>
    %mul3A_178 = vector.broadcast %get3A_177 : f32 to vector<512x128xf32>
    %mul3A_179 = arith.mulf %mul3A_178, %get3A_19 : vector<512x128xf32>
    %add3A_180 = arith.addf %add3A_173, %mul3A_179 : vector<512x128xf32>
    %get3A_181 = arith.constant 0 : index
    %get3A_182 = arith.constant 1 : index
    %get3A_183 = arith.constant 6 : index
    %get3A_184 = memref.load %arg13[%get3A_181, %get3A_182, %get3A_183] : memref<3x5x11xf32, #tpu.memory_space<smem>>
    %mul3A_185 = vector.broadcast %get3A_184 : f32 to vector<512x128xf32>
    %mul3A_186 = arith.mulf %mul3A_185, %get3A_22 : vector<512x128xf32>
    %add3A_187 = arith.addf %add3A_180, %mul3A_186 : vector<512x128xf32>
    %get3A_188 = arith.constant 0 : index
    %get3A_189 = arith.constant 1 : index
    %get3A_190 = arith.constant 7 : index
    %get3A_191 = memref.load %arg13[%get3A_188, %get3A_189, %get3A_190] : memref<3x5x11xf32, #tpu.memory_space<smem>>
    %mul3A_192 = vector.broadcast %get3A_191 : f32 to vector<512x128xf32>
    %mul3A_193 = arith.mulf %mul3A_192, %get3A_25 : vector<512x128xf32>
    %add3A_194 = arith.addf %add3A_187, %mul3A_193 : vector<512x128xf32>
    %get3A_195 = arith.constant 0 : index
    %get3A_196 = arith.constant 1 : index
    %get3A_197 = arith.constant 8 : index
    %get3A_198 = memref.load %arg13[%get3A_195, %get3A_196, %get3A_197] : memref<3x5x11xf32, #tpu.memory_space<smem>>
    %mul3A_199 = vector.broadcast %get3A_198 : f32 to vector<512x128xf32>
    %mul3A_200 = arith.mulf %mul3A_199, %get3A_28 : vector<512x128xf32>
    %add3A_201 = arith.addf %add3A_194, %mul3A_200 : vector<512x128xf32>
    %get3A_202 = arith.constant 0 : index
    %get3A_203 = arith.constant 1 : index
    %get3A_204 = arith.constant 9 : index
    %get3A_205 = memref.load %arg13[%get3A_202, %get3A_203, %get3A_204] : memref<3x5x11xf32, #tpu.memory_space<smem>>
    %mul3A_206 = vector.broadcast %get3A_205 : f32 to vector<512x128xf32>
    %mul3A_207 = arith.mulf %mul3A_206, %get3A_31 : vector<512x128xf32>
    %add3A_208 = arith.addf %add3A_201, %mul3A_207 : vector<512x128xf32>
    %get3A_209 = arith.constant 0 : index
    %get3A_210 = arith.constant 1 : index
    %get3A_211 = arith.constant 10 : index
    %get3A_212 = memref.load %arg13[%get3A_209, %get3A_210, %get3A_211] : memref<3x5x11xf32, #tpu.memory_space<smem>>
    %mul3A_213 = vector.broadcast %get3A_212 : f32 to vector<512x128xf32>
    %mul3A_214 = arith.mulf %mul3A_213, %get3A_34 : vector<512x128xf32>
    %add3A_215 = arith.addf %add3A_208, %mul3A_214 : vector<512x128xf32>
    %mul3A_216 = vector.broadcast %get3A_1 : vector<512x1xf32> to vector<512x128xf32>
    %mul3A_217 = arith.mulf %add3A_215, %mul3A_216 : vector<512x128xf32>
    %get3A_218 = arith.constant 1 : index
    %get3A_219 = arith.constant 0 : index
    %get3A_220 = arith.constant 0 : index
    %get3A_221 = vector.load %arg14[%get3A_218, %get3A_219, %get3A_220] : memref<5x128x128xf32, #tpu.memory_space<vmem>>, vector<1x128x128xf32>
    %get3A_222 = vector.shape_cast %get3A_221 : vector<1x128x128xf32> to vector<128x128xf32>
    %dot_general3A_223 = arith.constant dense<0.000000e+00> : vector<512x128xf32>
    %dot_general3A_224 = tpu.matmul %mul3A_217, %get3A_222, %dot_general3A_223 {dimension_numbers = #tpu.dot_dimension_numbers<[1], [0], [0], [1], [0, 0, 1, 1], [], []>, transpose_lhs_hint = false} : vector<512x128xf32>, vector<128x128xf32>, vector<512x128xf32> -> vector<512x128xf32>
    %ge3A_225 = arith.constant 0.000000e+00 : f32
    %ge3A_226 = vector.broadcast %ge3A_225 : f32 to vector<512x128xf32>
    %ge3A_227 = arith.cmpf oge, %dot_general3A_224, %ge3A_226 : vector<512x128xf32>
    %mul3A_228 = arith.constant 0.00999999977 : f32
    %mul3A_229 = vector.broadcast %mul3A_228 : f32 to vector<512x128xf32>
    %mul3A_230 = arith.mulf %mul3A_229, %dot_general3A_224 : vector<512x128xf32>
    %select_n3A_231 = arith.select %ge3A_227, %dot_general3A_224, %mul3A_230 : vector<512x128xi1>, vector<512x128xf32>
    %mul3A_232 = arith.mulf %select_n3A_231, %tanh3A : vector<512x128xf32>
    %reduce_sum3A_233 = arith.constant dense<0.000000e+00> : vector<512xf32>
    %reduce_sum3A_234 = vector.multi_reduction <add>, %mul3A_232, %reduce_sum3A_233 [1] : vector<512x128xf32> to vector<512xf32>
    %broadcast_in_dim3A_235 = vector.shape_cast %reduce_sum3A_234 : vector<512xf32> to vector<512x1xf32>
    %get3A_236 = arith.constant 0 : index
    %get3A_237 = arith.constant 2 : index
    %get3A_238 = arith.constant 0 : index
    %get3A_239 = memref.load %arg13[%get3A_236, %get3A_237, %get3A_238] : memref<3x5x11xf32, #tpu.memory_space<smem>>
    %mul3A_240 = vector.broadcast %get3A_239 : f32 to vector<512x128xf32>
    %mul3A_241 = arith.mulf %mul3A_240, %get3A_4 : vector<512x128xf32>
    %get3A_242 = arith.constant 0 : index
    %get3A_243 = arith.constant 2 : index
    %get3A_244 = arith.constant 1 : index
    %get3A_245 = memref.load %arg13[%get3A_242, %get3A_243, %get3A_244] : memref<3x5x11xf32, #tpu.memory_space<smem>>
    %mul3A_246 = vector.broadcast %get3A_245 : f32 to vector<512x128xf32>
    %mul3A_247 = arith.mulf %mul3A_246, %get3A_7 : vector<512x128xf32>
    %add3A_248 = arith.addf %mul3A_241, %mul3A_247 : vector<512x128xf32>
    %get3A_249 = arith.constant 0 : index
    %get3A_250 = arith.constant 2 : index
    %get3A_251 = arith.constant 2 : index
    %get3A_252 = memref.load %arg13[%get3A_249, %get3A_250, %get3A_251] : memref<3x5x11xf32, #tpu.memory_space<smem>>
    %mul3A_253 = vector.broadcast %get3A_252 : f32 to vector<512x128xf32>
    %mul3A_254 = arith.mulf %mul3A_253, %get3A_10 : vector<512x128xf32>
    %add3A_255 = arith.addf %add3A_248, %mul3A_254 : vector<512x128xf32>
    %get3A_256 = arith.constant 0 : index
    %get3A_257 = arith.constant 2 : index
    %get3A_258 = arith.constant 3 : index
    %get3A_259 = memref.load %arg13[%get3A_256, %get3A_257, %get3A_258] : memref<3x5x11xf32, #tpu.memory_space<smem>>
    %mul3A_260 = vector.broadcast %get3A_259 : f32 to vector<512x128xf32>
    %mul3A_261 = arith.mulf %mul3A_260, %get3A_13 : vector<512x128xf32>
    %add3A_262 = arith.addf %add3A_255, %mul3A_261 : vector<512x128xf32>
    %get3A_263 = arith.constant 0 : index
    %get3A_264 = arith.constant 2 : index
    %get3A_265 = arith.constant 4 : index
    %get3A_266 = memref.load %arg13[%get3A_263, %get3A_264, %get3A_265] : memref<3x5x11xf32, #tpu.memory_space<smem>>
    %mul3A_267 = vector.broadcast %get3A_266 : f32 to vector<512x128xf32>
    %mul3A_268 = arith.mulf %mul3A_267, %get3A_16 : vector<512x128xf32>
    %add3A_269 = arith.addf %add3A_262, %mul3A_268 : vector<512x128xf32>
    %get3A_270 = arith.constant 0 : index
    %get3A_271 = arith.constant 2 : index
    %get3A_272 = arith.constant 5 : index
    %get3A_273 = memref.load %arg13[%get3A_270, %get3A_271, %get3A_272] : memref<3x5x11xf32, #tpu.memory_space<smem>>
    %mul3A_274 = vector.broadcast %get3A_273 : f32 to vector<512x128xf32>
    %mul3A_275 = arith.mulf %mul3A_274, %get3A_19 : vector<512x128xf32>
    %add3A_276 = arith.addf %add3A_269, %mul3A_275 : vector<512x128xf32>
    %get3A_277 = arith.constant 0 : index
    %get3A_278 = arith.constant 2 : index
    %get3A_279 = arith.constant 6 : index
    %get3A_280 = memref.load %arg13[%get3A_277, %get3A_278, %get3A_279] : memref<3x5x11xf32, #tpu.memory_space<smem>>
    %mul3A_281 = vector.broadcast %get3A_280 : f32 to vector<512x128xf32>
    %mul3A_282 = arith.mulf %mul3A_281, %get3A_22 : vector<512x128xf32>
    %add3A_283 = arith.addf %add3A_276, %mul3A_282 : vector<512x128xf32>
    %get3A_284 = arith.constant 0 : index
    %get3A_285 = arith.constant 2 : index
    %get3A_286 = arith.constant 7 : index
    %get3A_287 = memref.load %arg13[%get3A_284, %get3A_285, %get3A_286] : memref<3x5x11xf32, #tpu.memory_space<smem>>
    %mul3A_288 = vector.broadcast %get3A_287 : f32 to vector<512x128xf32>
    %mul3A_289 = arith.mulf %mul3A_288, %get3A_25 : vector<512x128xf32>
    %add3A_290 = arith.addf %add3A_283, %mul3A_289 : vector<512x128xf32>
    %get3A_291 = arith.constant 0 : index
    %get3A_292 = arith.constant 2 : index
    %get3A_293 = arith.constant 8 : index
    %get3A_294 = memref.load %arg13[%get3A_291, %get3A_292, %get3A_293] : memref<3x5x11xf32, #tpu.memory_space<smem>>
    %mul3A_295 = vector.broadcast %get3A_294 : f32 to vector<512x128xf32>
    %mul3A_296 = arith.mulf %mul3A_295, %get3A_28 : vector<512x128xf32>
    %add3A_297 = arith.addf %add3A_290, %mul3A_296 : vector<512x128xf32>
    %get3A_298 = arith.constant 0 : index
    %get3A_299 = arith.constant 2 : index
    %get3A_300 = arith.constant 9 : index
    %get3A_301 = memref.load %arg13[%get3A_298, %get3A_299, %get3A_300] : memref<3x5x11xf32, #tpu.memory_space<smem>>
    %mul3A_302 = vector.broadcast %get3A_301 : f32 to vector<512x128xf32>
    %mul3A_303 = arith.mulf %mul3A_302, %get3A_31 : vector<512x128xf32>
    %add3A_304 = arith.addf %add3A_297, %mul3A_303 : vector<512x128xf32>
    %get3A_305 = arith.constant 0 : index
    %get3A_306 = arith.constant 2 : index
    %get3A_307 = arith.constant 10 : index
    %get3A_308 = memref.load %arg13[%get3A_305, %get3A_306, %get3A_307] : memref<3x5x11xf32, #tpu.memory_space<smem>>
    %mul3A_309 = vector.broadcast %get3A_308 : f32 to vector<512x128xf32>
    %mul3A_310 = arith.mulf %mul3A_309, %get3A_34 : vector<512x128xf32>
    %add3A_311 = arith.addf %add3A_304, %mul3A_310 : vector<512x128xf32>
    %mul3A_312 = vector.broadcast %get3A_1 : vector<512x1xf32> to vector<512x128xf32>
    %mul3A_313 = arith.mulf %add3A_311, %mul3A_312 : vector<512x128xf32>
    %get3A_314 = arith.constant 2 : index
    %get3A_315 = arith.constant 0 : index
    %get3A_316 = arith.constant 0 : index
    %get3A_317 = vector.load %arg14[%get3A_314, %get3A_315, %get3A_316] : memref<5x128x128xf32, #tpu.memory_space<vmem>>, vector<1x128x128xf32>
    %get3A_318 = vector.shape_cast %get3A_317 : vector<1x128x128xf32> to vector<128x128xf32>
    %dot_general3A_319 = arith.constant dense<0.000000e+00> : vector<512x128xf32>
    %dot_general3A_320 = tpu.matmul %mul3A_313, %get3A_318, %dot_general3A_319 {dimension_numbers = #tpu.dot_dimension_numbers<[1], [0], [0], [1], [0, 0, 1, 1], [], []>, transpose_lhs_hint = false} : vector<512x128xf32>, vector<128x128xf32>, vector<512x128xf32> -> vector<512x128xf32>
    %ge3A_321 = arith.constant 0.000000e+00 : f32
    %ge3A_322 = vector.broadcast %ge3A_321 : f32 to vector<512x128xf32>
    %ge3A_323 = arith.cmpf oge, %dot_general3A_320, %ge3A_322 : vector<512x128xf32>
    %mul3A_324 = arith.constant 0.00999999977 : f32
    %mul3A_325 = vector.broadcast %mul3A_324 : f32 to vector<512x128xf32>
    %mul3A_326 = arith.mulf %mul3A_325, %dot_general3A_320 : vector<512x128xf32>
    %select_n3A_327 = arith.select %ge3A_323, %dot_general3A_320, %mul3A_326 : vector<512x128xi1>, vector<512x128xf32>
    %mul3A_328 = arith.mulf %select_n3A_327, %tanh3A : vector<512x128xf32>
    %reduce_sum3A_329 = arith.constant dense<0.000000e+00> : vector<512xf32>
    %reduce_sum3A_330 = vector.multi_reduction <add>, %mul3A_328, %reduce_sum3A_329 [1] : vector<512x128xf32> to vector<512xf32>
    %broadcast_in_dim3A_331 = vector.shape_cast %reduce_sum3A_330 : vector<512xf32> to vector<512x1xf32>
    %get3A_332 = arith.constant 0 : index
    %get3A_333 = arith.constant 3 : index
    %get3A_334 = arith.constant 0 : index
    %get3A_335 = memref.load %arg13[%get3A_332, %get3A_333, %get3A_334] : memref<3x5x11xf32, #tpu.memory_space<smem>>
    %mul3A_336 = vector.broadcast %get3A_335 : f32 to vector<512x128xf32>
    %mul3A_337 = arith.mulf %mul3A_336, %get3A_4 : vector<512x128xf32>
    %get3A_338 = arith.constant 0 : index
    %get3A_339 = arith.constant 3 : index
    %get3A_340 = arith.constant 1 : index
    %get3A_341 = memref.load %arg13[%get3A_338, %get3A_339, %get3A_340] : memref<3x5x11xf32, #tpu.memory_space<smem>>
    %mul3A_342 = vector.broadcast %get3A_341 : f32 to vector<512x128xf32>
    %mul3A_343 = arith.mulf %mul3A_342, %get3A_7 : vector<512x128xf32>
    %add3A_344 = arith.addf %mul3A_337, %mul3A_343 : vector<512x128xf32>
    %get3A_345 = arith.constant 0 : index
    %get3A_346 = arith.constant 3 : index
    %get3A_347 = arith.constant 2 : index
    %get3A_348 = memref.load %arg13[%get3A_345, %get3A_346, %get3A_347] : memref<3x5x11xf32, #tpu.memory_space<smem>>
    %mul3A_349 = vector.broadcast %get3A_348 : f32 to vector<512x128xf32>
    %mul3A_350 = arith.mulf %mul3A_349, %get3A_10 : vector<512x128xf32>
    %add3A_351 = arith.addf %add3A_344, %mul3A_350 : vector<512x128xf32>
    %get3A_352 = arith.constant 0 : index
    %get3A_353 = arith.constant 3 : index
    %get3A_354 = arith.constant 3 : index
    %get3A_355 = memref.load %arg13[%get3A_352, %get3A_353, %get3A_354] : memref<3x5x11xf32, #tpu.memory_space<smem>>
    %mul3A_356 = vector.broadcast %get3A_355 : f32 to vector<512x128xf32>
    %mul3A_357 = arith.mulf %mul3A_356, %get3A_13 : vector<512x128xf32>
    %add3A_358 = arith.addf %add3A_351, %mul3A_357 : vector<512x128xf32>
    %get3A_359 = arith.constant 0 : index
    %get3A_360 = arith.constant 3 : index
    %get3A_361 = arith.constant 4 : index
    %get3A_362 = memref.load %arg13[%get3A_359, %get3A_360, %get3A_361] : memref<3x5x11xf32, #tpu.memory_space<smem>>
    %mul3A_363 = vector.broadcast %get3A_362 : f32 to vector<512x128xf32>
    %mul3A_364 = arith.mulf %mul3A_363, %get3A_16 : vector<512x128xf32>
    %add3A_365 = arith.addf %add3A_358, %mul3A_364 : vector<512x128xf32>
    %get3A_366 = arith.constant 0 : index
    %get3A_367 = arith.constant 3 : index
    %get3A_368 = arith.constant 5 : index
    %get3A_369 = memref.load %arg13[%get3A_366, %get3A_367, %get3A_368] : memref<3x5x11xf32, #tpu.memory_space<smem>>
    %mul3A_370 = vector.broadcast %get3A_369 : f32 to vector<512x128xf32>
    %mul3A_371 = arith.mulf %mul3A_370, %get3A_19 : vector<512x128xf32>
    %add3A_372 = arith.addf %add3A_365, %mul3A_371 : vector<512x128xf32>
    %get3A_373 = arith.constant 0 : index
    %get3A_374 = arith.constant 3 : index
    %get3A_375 = arith.constant 6 : index
    %get3A_376 = memref.load %arg13[%get3A_373, %get3A_374, %get3A_375] : memref<3x5x11xf32, #tpu.memory_space<smem>>
    %mul3A_377 = vector.broadcast %get3A_376 : f32 to vector<512x128xf32>
    %mul3A_378 = arith.mulf %mul3A_377, %get3A_22 : vector<512x128xf32>
    %add3A_379 = arith.addf %add3A_372, %mul3A_378 : vector<512x128xf32>
    %get3A_380 = arith.constant 0 : index
    %get3A_381 = arith.constant 3 : index
    %get3A_382 = arith.constant 7 : index
    %get3A_383 = memref.load %arg13[%get3A_380, %get3A_381, %get3A_382] : memref<3x5x11xf32, #tpu.memory_space<smem>>
    %mul3A_384 = vector.broadcast %get3A_383 : f32 to vector<512x128xf32>
    %mul3A_385 = arith.mulf %mul3A_384, %get3A_25 : vector<512x128xf32>
    %add3A_386 = arith.addf %add3A_379, %mul3A_385 : vector<512x128xf32>
    %get3A_387 = arith.constant 0 : index
    %get3A_388 = arith.constant 3 : index
    %get3A_389 = arith.constant 8 : index
    %get3A_390 = memref.load %arg13[%get3A_387, %get3A_388, %get3A_389] : memref<3x5x11xf32, #tpu.memory_space<smem>>
    %mul3A_391 = vector.broadcast %get3A_390 : f32 to vector<512x128xf32>
    %mul3A_392 = arith.mulf %mul3A_391, %get3A_28 : vector<512x128xf32>
    %add3A_393 = arith.addf %add3A_386, %mul3A_392 : vector<512x128xf32>
    %get3A_394 = arith.constant 0 : index
    %get3A_395 = arith.constant 3 : index
    %get3A_396 = arith.constant 9 : index
    %get3A_397 = memref.load %arg13[%get3A_394, %get3A_395, %get3A_396] : memref<3x5x11xf32, #tpu.memory_space<smem>>
    %mul3A_398 = vector.broadcast %get3A_397 : f32 to vector<512x128xf32>
    %mul3A_399 = arith.mulf %mul3A_398, %get3A_31 : vector<512x128xf32>
    %add3A_400 = arith.addf %add3A_393, %mul3A_399 : vector<512x128xf32>
    %get3A_401 = arith.constant 0 : index
    %get3A_402 = arith.constant 3 : index
    %get3A_403 = arith.constant 10 : index
    %get3A_404 = memref.load %arg13[%get3A_401, %get3A_402, %get3A_403] : memref<3x5x11xf32, #tpu.memory_space<smem>>
    %mul3A_405 = vector.broadcast %get3A_404 : f32 to vector<512x128xf32>
    %mul3A_406 = arith.mulf %mul3A_405, %get3A_34 : vector<512x128xf32>
    %add3A_407 = arith.addf %add3A_400, %mul3A_406 : vector<512x128xf32>
    %mul3A_408 = vector.broadcast %get3A_1 : vector<512x1xf32> to vector<512x128xf32>
    %mul3A_409 = arith.mulf %add3A_407, %mul3A_408 : vector<512x128xf32>
    %get3A_410 = arith.constant 3 : index
    %get3A_411 = arith.constant 0 : index
    %get3A_412 = arith.constant 0 : index
    %get3A_413 = vector.load %arg14[%get3A_410, %get3A_411, %get3A_412] : memref<5x128x128xf32, #tpu.memory_space<vmem>>, vector<1x128x128xf32>
    %get3A_414 = vector.shape_cast %get3A_413 : vector<1x128x128xf32> to vector<128x128xf32>
    %dot_general3A_415 = arith.constant dense<0.000000e+00> : vector<512x128xf32>
    %dot_general3A_416 = tpu.matmul %mul3A_409, %get3A_414, %dot_general3A_415 {dimension_numbers = #tpu.dot_dimension_numbers<[1], [0], [0], [1], [0, 0, 1, 1], [], []>, transpose_lhs_hint = false} : vector<512x128xf32>, vector<128x128xf32>, vector<512x128xf32> -> vector<512x128xf32>
    %ge3A_417 = arith.constant 0.000000e+00 : f32
    %ge3A_418 = vector.broadcast %ge3A_417 : f32 to vector<512x128xf32>
    %ge3A_419 = arith.cmpf oge, %dot_general3A_416, %ge3A_418 : vector<512x128xf32>
    %mul3A_420 = arith.constant 0.00999999977 : f32
    %mul3A_421 = vector.broadcast %mul3A_420 : f32 to vector<512x128xf32>
    %mul3A_422 = arith.mulf %mul3A_421, %dot_general3A_416 : vector<512x128xf32>
    %select_n3A_423 = arith.select %ge3A_419, %dot_general3A_416, %mul3A_422 : vector<512x128xi1>, vector<512x128xf32>
    %mul3A_424 = arith.mulf %select_n3A_423, %tanh3A : vector<512x128xf32>
    %reduce_sum3A_425 = arith.constant dense<0.000000e+00> : vector<512xf32>
    %reduce_sum3A_426 = vector.multi_reduction <add>, %mul3A_424, %reduce_sum3A_425 [1] : vector<512x128xf32> to vector<512xf32>
    %broadcast_in_dim3A_427 = vector.shape_cast %reduce_sum3A_426 : vector<512xf32> to vector<512x1xf32>
    %get3A_428 = arith.constant 0 : index
    %get3A_429 = arith.constant 4 : index
    %get3A_430 = arith.constant 0 : index
    %get3A_431 = memref.load %arg13[%get3A_428, %get3A_429, %get3A_430] : memref<3x5x11xf32, #tpu.memory_space<smem>>
    %mul3A_432 = vector.broadcast %get3A_431 : f32 to vector<512x128xf32>
    %mul3A_433 = arith.mulf %mul3A_432, %get3A_4 : vector<512x128xf32>
    %get3A_434 = arith.constant 0 : index
    %get3A_435 = arith.constant 4 : index
    %get3A_436 = arith.constant 1 : index
    %get3A_437 = memref.load %arg13[%get3A_434, %get3A_435, %get3A_436] : memref<3x5x11xf32, #tpu.memory_space<smem>>
    %mul3A_438 = vector.broadcast %get3A_437 : f32 to vector<512x128xf32>
    %mul3A_439 = arith.mulf %mul3A_438, %get3A_7 : vector<512x128xf32>
    %add3A_440 = arith.addf %mul3A_433, %mul3A_439 : vector<512x128xf32>
    %get3A_441 = arith.constant 0 : index
    %get3A_442 = arith.constant 4 : index
    %get3A_443 = arith.constant 2 : index
    %get3A_444 = memref.load %arg13[%get3A_441, %get3A_442, %get3A_443] : memref<3x5x11xf32, #tpu.memory_space<smem>>
    %mul3A_445 = vector.broadcast %get3A_444 : f32 to vector<512x128xf32>
    %mul3A_446 = arith.mulf %mul3A_445, %get3A_10 : vector<512x128xf32>
    %add3A_447 = arith.addf %add3A_440, %mul3A_446 : vector<512x128xf32>
    %get3A_448 = arith.constant 0 : index
    %get3A_449 = arith.constant 4 : index
    %get3A_450 = arith.constant 3 : index
    %get3A_451 = memref.load %arg13[%get3A_448, %get3A_449, %get3A_450] : memref<3x5x11xf32, #tpu.memory_space<smem>>
    %mul3A_452 = vector.broadcast %get3A_451 : f32 to vector<512x128xf32>
    %mul3A_453 = arith.mulf %mul3A_452, %get3A_13 : vector<512x128xf32>
    %add3A_454 = arith.addf %add3A_447, %mul3A_453 : vector<512x128xf32>
    %get3A_455 = arith.constant 0 : index
    %get3A_456 = arith.constant 4 : index
    %get3A_457 = arith.constant 4 : index
    %get3A_458 = memref.load %arg13[%get3A_455, %get3A_456, %get3A_457] : memref<3x5x11xf32, #tpu.memory_space<smem>>
    %mul3A_459 = vector.broadcast %get3A_458 : f32 to vector<512x128xf32>
    %mul3A_460 = arith.mulf %mul3A_459, %get3A_16 : vector<512x128xf32>
    %add3A_461 = arith.addf %add3A_454, %mul3A_460 : vector<512x128xf32>
    %get3A_462 = arith.constant 0 : index
    %get3A_463 = arith.constant 4 : index
    %get3A_464 = arith.constant 5 : index
    %get3A_465 = memref.load %arg13[%get3A_462, %get3A_463, %get3A_464] : memref<3x5x11xf32, #tpu.memory_space<smem>>
    %mul3A_466 = vector.broadcast %get3A_465 : f32 to vector<512x128xf32>
    %mul3A_467 = arith.mulf %mul3A_466, %get3A_19 : vector<512x128xf32>
    %add3A_468 = arith.addf %add3A_461, %mul3A_467 : vector<512x128xf32>
    %get3A_469 = arith.constant 0 : index
    %get3A_470 = arith.constant 4 : index
    %get3A_471 = arith.constant 6 : index
    %get3A_472 = memref.load %arg13[%get3A_469, %get3A_470, %get3A_471] : memref<3x5x11xf32, #tpu.memory_space<smem>>
    %mul3A_473 = vector.broadcast %get3A_472 : f32 to vector<512x128xf32>
    %mul3A_474 = arith.mulf %mul3A_473, %get3A_22 : vector<512x128xf32>
    %add3A_475 = arith.addf %add3A_468, %mul3A_474 : vector<512x128xf32>
    %get3A_476 = arith.constant 0 : index
    %get3A_477 = arith.constant 4 : index
    %get3A_478 = arith.constant 7 : index
    %get3A_479 = memref.load %arg13[%get3A_476, %get3A_477, %get3A_478] : memref<3x5x11xf32, #tpu.memory_space<smem>>
    %mul3A_480 = vector.broadcast %get3A_479 : f32 to vector<512x128xf32>
    %mul3A_481 = arith.mulf %mul3A_480, %get3A_25 : vector<512x128xf32>
    %add3A_482 = arith.addf %add3A_475, %mul3A_481 : vector<512x128xf32>
    %get3A_483 = arith.constant 0 : index
    %get3A_484 = arith.constant 4 : index
    %get3A_485 = arith.constant 8 : index
    %get3A_486 = memref.load %arg13[%get3A_483, %get3A_484, %get3A_485] : memref<3x5x11xf32, #tpu.memory_space<smem>>
    %mul3A_487 = vector.broadcast %get3A_486 : f32 to vector<512x128xf32>
    %mul3A_488 = arith.mulf %mul3A_487, %get3A_28 : vector<512x128xf32>
    %add3A_489 = arith.addf %add3A_482, %mul3A_488 : vector<512x128xf32>
    %get3A_490 = arith.constant 0 : index
    %get3A_491 = arith.constant 4 : index
    %get3A_492 = arith.constant 9 : index
    %get3A_493 = memref.load %arg13[%get3A_490, %get3A_491, %get3A_492] : memref<3x5x11xf32, #tpu.memory_space<smem>>
    %mul3A_494 = vector.broadcast %get3A_493 : f32 to vector<512x128xf32>
    %mul3A_495 = arith.mulf %mul3A_494, %get3A_31 : vector<512x128xf32>
    %add3A_496 = arith.addf %add3A_489, %mul3A_495 : vector<512x128xf32>
    %get3A_497 = arith.constant 0 : index
    %get3A_498 = arith.constant 4 : index
    %get3A_499 = arith.constant 10 : index
    %get3A_500 = memref.load %arg13[%get3A_497, %get3A_498, %get3A_499] : memref<3x5x11xf32, #tpu.memory_space<smem>>
    %mul3A_501 = vector.broadcast %get3A_500 : f32 to vector<512x128xf32>
    %mul3A_502 = arith.mulf %mul3A_501, %get3A_34 : vector<512x128xf32>
    %add3A_503 = arith.addf %add3A_496, %mul3A_502 : vector<512x128xf32>
    %mul3A_504 = vector.broadcast %get3A_1 : vector<512x1xf32> to vector<512x128xf32>
    %mul3A_505 = arith.mulf %add3A_503, %mul3A_504 : vector<512x128xf32>
    %get3A_506 = arith.constant 4 : index
    %get3A_507 = arith.constant 0 : index
    %get3A_508 = arith.constant 0 : index
    %get3A_509 = vector.load %arg14[%get3A_506, %get3A_507, %get3A_508] : memref<5x128x128xf32, #tpu.memory_space<vmem>>, vector<1x128x128xf32>
    %get3A_510 = vector.shape_cast %get3A_509 : vector<1x128x128xf32> to vector<128x128xf32>
    %dot_general3A_511 = arith.constant dense<0.000000e+00> : vector<512x128xf32>
    %dot_general3A_512 = tpu.matmul %mul3A_505, %get3A_510, %dot_general3A_511 {dimension_numbers = #tpu.dot_dimension_numbers<[1], [0], [0], [1], [0, 0, 1, 1], [], []>, transpose_lhs_hint = false} : vector<512x128xf32>, vector<128x128xf32>, vector<512x128xf32> -> vector<512x128xf32>
    %ge3A_513 = arith.constant 0.000000e+00 : f32
    %ge3A_514 = vector.broadcast %ge3A_513 : f32 to vector<512x128xf32>
    %ge3A_515 = arith.cmpf oge, %dot_general3A_512, %ge3A_514 : vector<512x128xf32>
    %mul3A_516 = arith.constant 0.00999999977 : f32
    %mul3A_517 = vector.broadcast %mul3A_516 : f32 to vector<512x128xf32>
    %mul3A_518 = arith.mulf %mul3A_517, %dot_general3A_512 : vector<512x128xf32>
    %select_n3A_519 = arith.select %ge3A_515, %dot_general3A_512, %mul3A_518 : vector<512x128xi1>, vector<512x128xf32>
    %mul3A_520 = arith.mulf %select_n3A_519, %tanh3A : vector<512x128xf32>
    %reduce_sum3A_521 = arith.constant dense<0.000000e+00> : vector<512xf32>
    %reduce_sum3A_522 = vector.multi_reduction <add>, %mul3A_520, %reduce_sum3A_521 [1] : vector<512x128xf32> to vector<512xf32>
    %broadcast_in_dim3A_523 = vector.shape_cast %reduce_sum3A_522 : vector<512xf32> to vector<512x1xf32>
    %get3A_524 = arith.constant 1 : index
    %get3A_525 = arith.constant 0 : index
    %get3A_526 = arith.constant 0 : index
    %get3A_527 = vector.load %arg15[%get3A_524, %get3A_525, %get3A_526] : memref<3x128x128xf32, #tpu.memory_space<vmem>>, vector<1x128x128xf32>
    %get3A_528 = vector.shape_cast %get3A_527 : vector<1x128x128xf32> to vector<128x128xf32>
    %dot_general3A_529 = arith.constant dense<0.000000e+00> : vector<512x128xf32>
    %dot_general3A_530 = tpu.matmul %mul3A_35, %get3A_528, %dot_general3A_529 {dimension_numbers = #tpu.dot_dimension_numbers<[1], [0], [0], [1], [0, 0, 1, 1], [], []>, transpose_lhs_hint = false} : vector<512x128xf32>, vector<128x128xf32>, vector<512x128xf32> -> vector<512x128xf32>
    %get3A_531 = arith.constant 1 : index
    %get3A_532 = arith.constant 0 : index
    %get3A_533 = vector.load %arg16[%get3A_531, %get3A_532] : memref<3x128xf32, #tpu.memory_space<vmem>>, vector<1x128xf32>
    %get3A_534 = vector.shape_cast %get3A_533 : vector<1x128xf32> to vector<128xf32>
    %broadcast_in_dim3A_535 = vector.shape_cast %get3A_534 : vector<128xf32> to vector<1x128xf32>
    %add3A_536 = vector.broadcast %broadcast_in_dim3A_535 : vector<1x128xf32> to vector<512x128xf32>
    %add3A_537 = arith.addf %dot_general3A_530, %add3A_536 : vector<512x128xf32>
    %tanh3A_538 = math.tanh %add3A_537 : vector<512x128xf32>
    %get3A_539 = arith.constant 1 : index
    %get3A_540 = arith.constant 0 : index
    %get3A_541 = arith.constant 0 : index
    %get3A_542 = memref.load %arg13[%get3A_539, %get3A_540, %get3A_541] : memref<3x5x11xf32, #tpu.memory_space<smem>>
    %mul3A_543 = vector.broadcast %get3A_542 : f32 to vector<512x128xf32>
    %mul3A_544 = arith.mulf %mul3A_543, %get3A_4 : vector<512x128xf32>
    %get3A_545 = arith.constant 1 : index
    %get3A_546 = arith.constant 0 : index
    %get3A_547 = arith.constant 1 : index
    %get3A_548 = memref.load %arg13[%get3A_545, %get3A_546, %get3A_547] : memref<3x5x11xf32, #tpu.memory_space<smem>>
    %mul3A_549 = vector.broadcast %get3A_548 : f32 to vector<512x128xf32>
    %mul3A_550 = arith.mulf %mul3A_549, %get3A_7 : vector<512x128xf32>
    %add3A_551 = arith.addf %mul3A_544, %mul3A_550 : vector<512x128xf32>
    %get3A_552 = arith.constant 1 : index
    %get3A_553 = arith.constant 0 : index
    %get3A_554 = arith.constant 2 : index
    %get3A_555 = memref.load %arg13[%get3A_552, %get3A_553, %get3A_554] : memref<3x5x11xf32, #tpu.memory_space<smem>>
    %mul3A_556 = vector.broadcast %get3A_555 : f32 to vector<512x128xf32>
    %mul3A_557 = arith.mulf %mul3A_556, %get3A_10 : vector<512x128xf32>
    %add3A_558 = arith.addf %add3A_551, %mul3A_557 : vector<512x128xf32>
    %get3A_559 = arith.constant 1 : index
    %get3A_560 = arith.constant 0 : index
    %get3A_561 = arith.constant 3 : index
    %get3A_562 = memref.load %arg13[%get3A_559, %get3A_560, %get3A_561] : memref<3x5x11xf32, #tpu.memory_space<smem>>
    %mul3A_563 = vector.broadcast %get3A_562 : f32 to vector<512x128xf32>
    %mul3A_564 = arith.mulf %mul3A_563, %get3A_13 : vector<512x128xf32>
    %add3A_565 = arith.addf %add3A_558, %mul3A_564 : vector<512x128xf32>
    %get3A_566 = arith.constant 1 : index
    %get3A_567 = arith.constant 0 : index
    %get3A_568 = arith.constant 4 : index
    %get3A_569 = memref.load %arg13[%get3A_566, %get3A_567, %get3A_568] : memref<3x5x11xf32, #tpu.memory_space<smem>>
    %mul3A_570 = vector.broadcast %get3A_569 : f32 to vector<512x128xf32>
    %mul3A_571 = arith.mulf %mul3A_570, %get3A_16 : vector<512x128xf32>
    %add3A_572 = arith.addf %add3A_565, %mul3A_571 : vector<512x128xf32>
    %get3A_573 = arith.constant 1 : index
    %get3A_574 = arith.constant 0 : index
    %get3A_575 = arith.constant 5 : index
    %get3A_576 = memref.load %arg13[%get3A_573, %get3A_574, %get3A_575] : memref<3x5x11xf32, #tpu.memory_space<smem>>
    %mul3A_577 = vector.broadcast %get3A_576 : f32 to vector<512x128xf32>
    %mul3A_578 = arith.mulf %mul3A_577, %get3A_19 : vector<512x128xf32>
    %add3A_579 = arith.addf %add3A_572, %mul3A_578 : vector<512x128xf32>
    %get3A_580 = arith.constant 1 : index
    %get3A_581 = arith.constant 0 : index
    %get3A_582 = arith.constant 6 : index
    %get3A_583 = memref.load %arg13[%get3A_580, %get3A_581, %get3A_582] : memref<3x5x11xf32, #tpu.memory_space<smem>>
    %mul3A_584 = vector.broadcast %get3A_583 : f32 to vector<512x128xf32>
    %mul3A_585 = arith.mulf %mul3A_584, %get3A_22 : vector<512x128xf32>
    %add3A_586 = arith.addf %add3A_579, %mul3A_585 : vector<512x128xf32>
    %get3A_587 = arith.constant 1 : index
    %get3A_588 = arith.constant 0 : index
    %get3A_589 = arith.constant 7 : index
    %get3A_590 = memref.load %arg13[%get3A_587, %get3A_588, %get3A_589] : memref<3x5x11xf32, #tpu.memory_space<smem>>
    %mul3A_591 = vector.broadcast %get3A_590 : f32 to vector<512x128xf32>
    %mul3A_592 = arith.mulf %mul3A_591, %get3A_25 : vector<512x128xf32>
    %add3A_593 = arith.addf %add3A_586, %mul3A_592 : vector<512x128xf32>
    %get3A_594 = arith.constant 1 : index
    %get3A_595 = arith.constant 0 : index
    %get3A_596 = arith.constant 8 : index
    %get3A_597 = memref.load %arg13[%get3A_594, %get3A_595, %get3A_596] : memref<3x5x11xf32, #tpu.memory_space<smem>>
    %mul3A_598 = vector.broadcast %get3A_597 : f32 to vector<512x128xf32>
    %mul3A_599 = arith.mulf %mul3A_598, %get3A_28 : vector<512x128xf32>
    %add3A_600 = arith.addf %add3A_593, %mul3A_599 : vector<512x128xf32>
    %get3A_601 = arith.constant 1 : index
    %get3A_602 = arith.constant 0 : index
    %get3A_603 = arith.constant 9 : index
    %get3A_604 = memref.load %arg13[%get3A_601, %get3A_602, %get3A_603] : memref<3x5x11xf32, #tpu.memory_space<smem>>
    %mul3A_605 = vector.broadcast %get3A_604 : f32 to vector<512x128xf32>
    %mul3A_606 = arith.mulf %mul3A_605, %get3A_31 : vector<512x128xf32>
    %add3A_607 = arith.addf %add3A_600, %mul3A_606 : vector<512x128xf32>
    %get3A_608 = arith.constant 1 : index
    %get3A_609 = arith.constant 0 : index
    %get3A_610 = arith.constant 10 : index
    %get3A_611 = memref.load %arg13[%get3A_608, %get3A_609, %get3A_610] : memref<3x5x11xf32, #tpu.memory_space<smem>>
    %mul3A_612 = vector.broadcast %get3A_611 : f32 to vector<512x128xf32>
    %mul3A_613 = arith.mulf %mul3A_612, %get3A_34 : vector<512x128xf32>
    %add3A_614 = arith.addf %add3A_607, %mul3A_613 : vector<512x128xf32>
    %mul3A_615 = vector.broadcast %get3A_1 : vector<512x1xf32> to vector<512x128xf32>
    %mul3A_616 = arith.mulf %add3A_614, %mul3A_615 : vector<512x128xf32>
    %get3A_617 = arith.constant 0 : index
    %get3A_618 = arith.constant 0 : index
    %get3A_619 = arith.constant 0 : index
    %get3A_620 = vector.load %arg14[%get3A_617, %get3A_618, %get3A_619] : memref<5x128x128xf32, #tpu.memory_space<vmem>>, vector<1x128x128xf32>
    %get3A_621 = vector.shape_cast %get3A_620 : vector<1x128x128xf32> to vector<128x128xf32>
    %dot_general3A_622 = arith.constant dense<0.000000e+00> : vector<512x128xf32>
    %dot_general3A_623 = tpu.matmul %mul3A_616, %get3A_621, %dot_general3A_622 {dimension_numbers = #tpu.dot_dimension_numbers<[1], [0], [0], [1], [0, 0, 1, 1], [], []>, transpose_lhs_hint = false} : vector<512x128xf32>, vector<128x128xf32>, vector<512x128xf32> -> vector<512x128xf32>
    %ge3A_624 = arith.constant 0.000000e+00 : f32
    %ge3A_625 = vector.broadcast %ge3A_624 : f32 to vector<512x128xf32>
    %ge3A_626 = arith.cmpf oge, %dot_general3A_623, %ge3A_625 : vector<512x128xf32>
    %mul3A_627 = arith.constant 0.00999999977 : f32
    %mul3A_628 = vector.broadcast %mul3A_627 : f32 to vector<512x128xf32>
    %mul3A_629 = arith.mulf %mul3A_628, %dot_general3A_623 : vector<512x128xf32>
    %select_n3A_630 = arith.select %ge3A_626, %dot_general3A_623, %mul3A_629 : vector<512x128xi1>, vector<512x128xf32>
    %mul3A_631 = arith.mulf %select_n3A_630, %tanh3A_538 : vector<512x128xf32>
    %reduce_sum3A_632 = arith.constant dense<0.000000e+00> : vector<512xf32>
    %reduce_sum3A_633 = vector.multi_reduction <add>, %mul3A_631, %reduce_sum3A_632 [1] : vector<512x128xf32> to vector<512xf32>
    %broadcast_in_dim3A_634 = vector.shape_cast %reduce_sum3A_633 : vector<512xf32> to vector<512x1xf32>
    %get3A_635 = arith.constant 1 : index
    %get3A_636 = arith.constant 1 : index
    %get3A_637 = arith.constant 0 : index
    %get3A_638 = memref.load %arg13[%get3A_635, %get3A_636, %get3A_637] : memref<3x5x11xf32, #tpu.memory_space<smem>>
    %mul3A_639 = vector.broadcast %get3A_638 : f32 to vector<512x128xf32>
    %mul3A_640 = arith.mulf %mul3A_639, %get3A_4 : vector<512x128xf32>
    %get3A_641 = arith.constant 1 : index
    %get3A_642 = arith.constant 1 : index
    %get3A_643 = arith.constant 1 : index
    %get3A_644 = memref.load %arg13[%get3A_641, %get3A_642, %get3A_643] : memref<3x5x11xf32, #tpu.memory_space<smem>>
    %mul3A_645 = vector.broadcast %get3A_644 : f32 to vector<512x128xf32>
    %mul3A_646 = arith.mulf %mul3A_645, %get3A_7 : vector<512x128xf32>
    %add3A_647 = arith.addf %mul3A_640, %mul3A_646 : vector<512x128xf32>
    %get3A_648 = arith.constant 1 : index
    %get3A_649 = arith.constant 1 : index
    %get3A_650 = arith.constant 2 : index
    %get3A_651 = memref.load %arg13[%get3A_648, %get3A_649, %get3A_650] : memref<3x5x11xf32, #tpu.memory_space<smem>>
    %mul3A_652 = vector.broadcast %get3A_651 : f32 to vector<512x128xf32>
    %mul3A_653 = arith.mulf %mul3A_652, %get3A_10 : vector<512x128xf32>
    %add3A_654 = arith.addf %add3A_647, %mul3A_653 : vector<512x128xf32>
    %get3A_655 = arith.constant 1 : index
    %get3A_656 = arith.constant 1 : index
    %get3A_657 = arith.constant 3 : index
    %get3A_658 = memref.load %arg13[%get3A_655, %get3A_656, %get3A_657] : memref<3x5x11xf32, #tpu.memory_space<smem>>
    %mul3A_659 = vector.broadcast %get3A_658 : f32 to vector<512x128xf32>
    %mul3A_660 = arith.mulf %mul3A_659, %get3A_13 : vector<512x128xf32>
    %add3A_661 = arith.addf %add3A_654, %mul3A_660 : vector<512x128xf32>
    %get3A_662 = arith.constant 1 : index
    %get3A_663 = arith.constant 1 : index
    %get3A_664 = arith.constant 4 : index
    %get3A_665 = memref.load %arg13[%get3A_662, %get3A_663, %get3A_664] : memref<3x5x11xf32, #tpu.memory_space<smem>>
    %mul3A_666 = vector.broadcast %get3A_665 : f32 to vector<512x128xf32>
    %mul3A_667 = arith.mulf %mul3A_666, %get3A_16 : vector<512x128xf32>
    %add3A_668 = arith.addf %add3A_661, %mul3A_667 : vector<512x128xf32>
    %get3A_669 = arith.constant 1 : index
    %get3A_670 = arith.constant 1 : index
    %get3A_671 = arith.constant 5 : index
    %get3A_672 = memref.load %arg13[%get3A_669, %get3A_670, %get3A_671] : memref<3x5x11xf32, #tpu.memory_space<smem>>
    %mul3A_673 = vector.broadcast %get3A_672 : f32 to vector<512x128xf32>
    %mul3A_674 = arith.mulf %mul3A_673, %get3A_19 : vector<512x128xf32>
    %add3A_675 = arith.addf %add3A_668, %mul3A_674 : vector<512x128xf32>
    %get3A_676 = arith.constant 1 : index
    %get3A_677 = arith.constant 1 : index
    %get3A_678 = arith.constant 6 : index
    %get3A_679 = memref.load %arg13[%get3A_676, %get3A_677, %get3A_678] : memref<3x5x11xf32, #tpu.memory_space<smem>>
    %mul3A_680 = vector.broadcast %get3A_679 : f32 to vector<512x128xf32>
    %mul3A_681 = arith.mulf %mul3A_680, %get3A_22 : vector<512x128xf32>
    %add3A_682 = arith.addf %add3A_675, %mul3A_681 : vector<512x128xf32>
    %get3A_683 = arith.constant 1 : index
    %get3A_684 = arith.constant 1 : index
    %get3A_685 = arith.constant 7 : index
    %get3A_686 = memref.load %arg13[%get3A_683, %get3A_684, %get3A_685] : memref<3x5x11xf32, #tpu.memory_space<smem>>
    %mul3A_687 = vector.broadcast %get3A_686 : f32 to vector<512x128xf32>
    %mul3A_688 = arith.mulf %mul3A_687, %get3A_25 : vector<512x128xf32>
    %add3A_689 = arith.addf %add3A_682, %mul3A_688 : vector<512x128xf32>
    %get3A_690 = arith.constant 1 : index
    %get3A_691 = arith.constant 1 : index
    %get3A_692 = arith.constant 8 : index
    %get3A_693 = memref.load %arg13[%get3A_690, %get3A_691, %get3A_692] : memref<3x5x11xf32, #tpu.memory_space<smem>>
    %mul3A_694 = vector.broadcast %get3A_693 : f32 to vector<512x128xf32>
    %mul3A_695 = arith.mulf %mul3A_694, %get3A_28 : vector<512x128xf32>
    %add3A_696 = arith.addf %add3A_689, %mul3A_695 : vector<512x128xf32>
    %get3A_697 = arith.constant 1 : index
    %get3A_698 = arith.constant 1 : index
    %get3A_699 = arith.constant 9 : index
    %get3A_700 = memref.load %arg13[%get3A_697, %get3A_698, %get3A_699] : memref<3x5x11xf32, #tpu.memory_space<smem>>
    %mul3A_701 = vector.broadcast %get3A_700 : f32 to vector<512x128xf32>
    %mul3A_702 = arith.mulf %mul3A_701, %get3A_31 : vector<512x128xf32>
    %add3A_703 = arith.addf %add3A_696, %mul3A_702 : vector<512x128xf32>
    %get3A_704 = arith.constant 1 : index
    %get3A_705 = arith.constant 1 : index
    %get3A_706 = arith.constant 10 : index
    %get3A_707 = memref.load %arg13[%get3A_704, %get3A_705, %get3A_706] : memref<3x5x11xf32, #tpu.memory_space<smem>>
    %mul3A_708 = vector.broadcast %get3A_707 : f32 to vector<512x128xf32>
    %mul3A_709 = arith.mulf %mul3A_708, %get3A_34 : vector<512x128xf32>
    %add3A_710 = arith.addf %add3A_703, %mul3A_709 : vector<512x128xf32>
    %mul3A_711 = vector.broadcast %get3A_1 : vector<512x1xf32> to vector<512x128xf32>
    %mul3A_712 = arith.mulf %add3A_710, %mul3A_711 : vector<512x128xf32>
    %get3A_713 = arith.constant 1 : index
    %get3A_714 = arith.constant 0 : index
    %get3A_715 = arith.constant 0 : index
    %get3A_716 = vector.load %arg14[%get3A_713, %get3A_714, %get3A_715] : memref<5x128x128xf32, #tpu.memory_space<vmem>>, vector<1x128x128xf32>
    %get3A_717 = vector.shape_cast %get3A_716 : vector<1x128x128xf32> to vector<128x128xf32>
    %dot_general3A_718 = arith.constant dense<0.000000e+00> : vector<512x128xf32>
    %dot_general3A_719 = tpu.matmul %mul3A_712, %get3A_717, %dot_general3A_718 {dimension_numbers = #tpu.dot_dimension_numbers<[1], [0], [0], [1], [0, 0, 1, 1], [], []>, transpose_lhs_hint = false} : vector<512x128xf32>, vector<128x128xf32>, vector<512x128xf32> -> vector<512x128xf32>
    %ge3A_720 = arith.constant 0.000000e+00 : f32
    %ge3A_721 = vector.broadcast %ge3A_720 : f32 to vector<512x128xf32>
    %ge3A_722 = arith.cmpf oge, %dot_general3A_719, %ge3A_721 : vector<512x128xf32>
    %mul3A_723 = arith.constant 0.00999999977 : f32
    %mul3A_724 = vector.broadcast %mul3A_723 : f32 to vector<512x128xf32>
    %mul3A_725 = arith.mulf %mul3A_724, %dot_general3A_719 : vector<512x128xf32>
    %select_n3A_726 = arith.select %ge3A_722, %dot_general3A_719, %mul3A_725 : vector<512x128xi1>, vector<512x128xf32>
    %mul3A_727 = arith.mulf %select_n3A_726, %tanh3A_538 : vector<512x128xf32>
    %reduce_sum3A_728 = arith.constant dense<0.000000e+00> : vector<512xf32>
    %reduce_sum3A_729 = vector.multi_reduction <add>, %mul3A_727, %reduce_sum3A_728 [1] : vector<512x128xf32> to vector<512xf32>
    %broadcast_in_dim3A_730 = vector.shape_cast %reduce_sum3A_729 : vector<512xf32> to vector<512x1xf32>
    %get3A_731 = arith.constant 1 : index
    %get3A_732 = arith.constant 2 : index
    %get3A_733 = arith.constant 0 : index
    %get3A_734 = memref.load %arg13[%get3A_731, %get3A_732, %get3A_733] : memref<3x5x11xf32, #tpu.memory_space<smem>>
    %mul3A_735 = vector.broadcast %get3A_734 : f32 to vector<512x128xf32>
    %mul3A_736 = arith.mulf %mul3A_735, %get3A_4 : vector<512x128xf32>
    %get3A_737 = arith.constant 1 : index
    %get3A_738 = arith.constant 2 : index
    %get3A_739 = arith.constant 1 : index
    %get3A_740 = memref.load %arg13[%get3A_737, %get3A_738, %get3A_739] : memref<3x5x11xf32, #tpu.memory_space<smem>>
    %mul3A_741 = vector.broadcast %get3A_740 : f32 to vector<512x128xf32>
    %mul3A_742 = arith.mulf %mul3A_741, %get3A_7 : vector<512x128xf32>
    %add3A_743 = arith.addf %mul3A_736, %mul3A_742 : vector<512x128xf32>
    %get3A_744 = arith.constant 1 : index
    %get3A_745 = arith.constant 2 : index
    %get3A_746 = arith.constant 2 : index
    %get3A_747 = memref.load %arg13[%get3A_744, %get3A_745, %get3A_746] : memref<3x5x11xf32, #tpu.memory_space<smem>>
    %mul3A_748 = vector.broadcast %get3A_747 : f32 to vector<512x128xf32>
    %mul3A_749 = arith.mulf %mul3A_748, %get3A_10 : vector<512x128xf32>
    %add3A_750 = arith.addf %add3A_743, %mul3A_749 : vector<512x128xf32>
    %get3A_751 = arith.constant 1 : index
    %get3A_752 = arith.constant 2 : index
    %get3A_753 = arith.constant 3 : index
    %get3A_754 = memref.load %arg13[%get3A_751, %get3A_752, %get3A_753] : memref<3x5x11xf32, #tpu.memory_space<smem>>
    %mul3A_755 = vector.broadcast %get3A_754 : f32 to vector<512x128xf32>
    %mul3A_756 = arith.mulf %mul3A_755, %get3A_13 : vector<512x128xf32>
    %add3A_757 = arith.addf %add3A_750, %mul3A_756 : vector<512x128xf32>
    %get3A_758 = arith.constant 1 : index
    %get3A_759 = arith.constant 2 : index
    %get3A_760 = arith.constant 4 : index
    %get3A_761 = memref.load %arg13[%get3A_758, %get3A_759, %get3A_760] : memref<3x5x11xf32, #tpu.memory_space<smem>>
    %mul3A_762 = vector.broadcast %get3A_761 : f32 to vector<512x128xf32>
    %mul3A_763 = arith.mulf %mul3A_762, %get3A_16 : vector<512x128xf32>
    %add3A_764 = arith.addf %add3A_757, %mul3A_763 : vector<512x128xf32>
    %get3A_765 = arith.constant 1 : index
    %get3A_766 = arith.constant 2 : index
    %get3A_767 = arith.constant 5 : index
    %get3A_768 = memref.load %arg13[%get3A_765, %get3A_766, %get3A_767] : memref<3x5x11xf32, #tpu.memory_space<smem>>
    %mul3A_769 = vector.broadcast %get3A_768 : f32 to vector<512x128xf32>
    %mul3A_770 = arith.mulf %mul3A_769, %get3A_19 : vector<512x128xf32>
    %add3A_771 = arith.addf %add3A_764, %mul3A_770 : vector<512x128xf32>
    %get3A_772 = arith.constant 1 : index
    %get3A_773 = arith.constant 2 : index
    %get3A_774 = arith.constant 6 : index
    %get3A_775 = memref.load %arg13[%get3A_772, %get3A_773, %get3A_774] : memref<3x5x11xf32, #tpu.memory_space<smem>>
    %mul3A_776 = vector.broadcast %get3A_775 : f32 to vector<512x128xf32>
    %mul3A_777 = arith.mulf %mul3A_776, %get3A_22 : vector<512x128xf32>
    %add3A_778 = arith.addf %add3A_771, %mul3A_777 : vector<512x128xf32>
    %get3A_779 = arith.constant 1 : index
    %get3A_780 = arith.constant 2 : index
    %get3A_781 = arith.constant 7 : index
    %get3A_782 = memref.load %arg13[%get3A_779, %get3A_780, %get3A_781] : memref<3x5x11xf32, #tpu.memory_space<smem>>
    %mul3A_783 = vector.broadcast %get3A_782 : f32 to vector<512x128xf32>
    %mul3A_784 = arith.mulf %mul3A_783, %get3A_25 : vector<512x128xf32>
    %add3A_785 = arith.addf %add3A_778, %mul3A_784 : vector<512x128xf32>
    %get3A_786 = arith.constant 1 : index
    %get3A_787 = arith.constant 2 : index
    %get3A_788 = arith.constant 8 : index
    %get3A_789 = memref.load %arg13[%get3A_786, %get3A_787, %get3A_788] : memref<3x5x11xf32, #tpu.memory_space<smem>>
    %mul3A_790 = vector.broadcast %get3A_789 : f32 to vector<512x128xf32>
    %mul3A_791 = arith.mulf %mul3A_790, %get3A_28 : vector<512x128xf32>
    %add3A_792 = arith.addf %add3A_785, %mul3A_791 : vector<512x128xf32>
    %get3A_793 = arith.constant 1 : index
    %get3A_794 = arith.constant 2 : index
    %get3A_795 = arith.constant 9 : index
    %get3A_796 = memref.load %arg13[%get3A_793, %get3A_794, %get3A_795] : memref<3x5x11xf32, #tpu.memory_space<smem>>
    %mul3A_797 = vector.broadcast %get3A_796 : f32 to vector<512x128xf32>
    %mul3A_798 = arith.mulf %mul3A_797, %get3A_31 : vector<512x128xf32>
    %add3A_799 = arith.addf %add3A_792, %mul3A_798 : vector<512x128xf32>
    %get3A_800 = arith.constant 1 : index
    %get3A_801 = arith.constant 2 : index
    %get3A_802 = arith.constant 10 : index
    %get3A_803 = memref.load %arg13[%get3A_800, %get3A_801, %get3A_802] : memref<3x5x11xf32, #tpu.memory_space<smem>>
    %mul3A_804 = vector.broadcast %get3A_803 : f32 to vector<512x128xf32>
    %mul3A_805 = arith.mulf %mul3A_804, %get3A_34 : vector<512x128xf32>
    %add3A_806 = arith.addf %add3A_799, %mul3A_805 : vector<512x128xf32>
    %mul3A_807 = vector.broadcast %get3A_1 : vector<512x1xf32> to vector<512x128xf32>
    %mul3A_808 = arith.mulf %add3A_806, %mul3A_807 : vector<512x128xf32>
    %get3A_809 = arith.constant 2 : index
    %get3A_810 = arith.constant 0 : index
    %get3A_811 = arith.constant 0 : index
    %get3A_812 = vector.load %arg14[%get3A_809, %get3A_810, %get3A_811] : memref<5x128x128xf32, #tpu.memory_space<vmem>>, vector<1x128x128xf32>
    %get3A_813 = vector.shape_cast %get3A_812 : vector<1x128x128xf32> to vector<128x128xf32>
    %dot_general3A_814 = arith.constant dense<0.000000e+00> : vector<512x128xf32>
    %dot_general3A_815 = tpu.matmul %mul3A_808, %get3A_813, %dot_general3A_814 {dimension_numbers = #tpu.dot_dimension_numbers<[1], [0], [0], [1], [0, 0, 1, 1], [], []>, transpose_lhs_hint = false} : vector<512x128xf32>, vector<128x128xf32>, vector<512x128xf32> -> vector<512x128xf32>
    %ge3A_816 = arith.constant 0.000000e+00 : f32
    %ge3A_817 = vector.broadcast %ge3A_816 : f32 to vector<512x128xf32>
    %ge3A_818 = arith.cmpf oge, %dot_general3A_815, %ge3A_817 : vector<512x128xf32>
    %mul3A_819 = arith.constant 0.00999999977 : f32
    %mul3A_820 = vector.broadcast %mul3A_819 : f32 to vector<512x128xf32>
    %mul3A_821 = arith.mulf %mul3A_820, %dot_general3A_815 : vector<512x128xf32>
    %select_n3A_822 = arith.select %ge3A_818, %dot_general3A_815, %mul3A_821 : vector<512x128xi1>, vector<512x128xf32>
    %mul3A_823 = arith.mulf %select_n3A_822, %tanh3A_538 : vector<512x128xf32>
    %reduce_sum3A_824 = arith.constant dense<0.000000e+00> : vector<512xf32>
    %reduce_sum3A_825 = vector.multi_reduction <add>, %mul3A_823, %reduce_sum3A_824 [1] : vector<512x128xf32> to vector<512xf32>
    %broadcast_in_dim3A_826 = vector.shape_cast %reduce_sum3A_825 : vector<512xf32> to vector<512x1xf32>
    %get3A_827 = arith.constant 1 : index
    %get3A_828 = arith.constant 3 : index
    %get3A_829 = arith.constant 0 : index
    %get3A_830 = memref.load %arg13[%get3A_827, %get3A_828, %get3A_829] : memref<3x5x11xf32, #tpu.memory_space<smem>>
    %mul3A_831 = vector.broadcast %get3A_830 : f32 to vector<512x128xf32>
    %mul3A_832 = arith.mulf %mul3A_831, %get3A_4 : vector<512x128xf32>
    %get3A_833 = arith.constant 1 : index
    %get3A_834 = arith.constant 3 : index
    %get3A_835 = arith.constant 1 : index
    %get3A_836 = memref.load %arg13[%get3A_833, %get3A_834, %get3A_835] : memref<3x5x11xf32, #tpu.memory_space<smem>>
    %mul3A_837 = vector.broadcast %get3A_836 : f32 to vector<512x128xf32>
    %mul3A_838 = arith.mulf %mul3A_837, %get3A_7 : vector<512x128xf32>
    %add3A_839 = arith.addf %mul3A_832, %mul3A_838 : vector<512x128xf32>
    %get3A_840 = arith.constant 1 : index
    %get3A_841 = arith.constant 3 : index
    %get3A_842 = arith.constant 2 : index
    %get3A_843 = memref.load %arg13[%get3A_840, %get3A_841, %get3A_842] : memref<3x5x11xf32, #tpu.memory_space<smem>>
    %mul3A_844 = vector.broadcast %get3A_843 : f32 to vector<512x128xf32>
    %mul3A_845 = arith.mulf %mul3A_844, %get3A_10 : vector<512x128xf32>
    %add3A_846 = arith.addf %add3A_839, %mul3A_845 : vector<512x128xf32>
    %get3A_847 = arith.constant 1 : index
    %get3A_848 = arith.constant 3 : index
    %get3A_849 = arith.constant 3 : index
    %get3A_850 = memref.load %arg13[%get3A_847, %get3A_848, %get3A_849] : memref<3x5x11xf32, #tpu.memory_space<smem>>
    %mul3A_851 = vector.broadcast %get3A_850 : f32 to vector<512x128xf32>
    %mul3A_852 = arith.mulf %mul3A_851, %get3A_13 : vector<512x128xf32>
    %add3A_853 = arith.addf %add3A_846, %mul3A_852 : vector<512x128xf32>
    %get3A_854 = arith.constant 1 : index
    %get3A_855 = arith.constant 3 : index
    %get3A_856 = arith.constant 4 : index
    %get3A_857 = memref.load %arg13[%get3A_854, %get3A_855, %get3A_856] : memref<3x5x11xf32, #tpu.memory_space<smem>>
    %mul3A_858 = vector.broadcast %get3A_857 : f32 to vector<512x128xf32>
    %mul3A_859 = arith.mulf %mul3A_858, %get3A_16 : vector<512x128xf32>
    %add3A_860 = arith.addf %add3A_853, %mul3A_859 : vector<512x128xf32>
    %get3A_861 = arith.constant 1 : index
    %get3A_862 = arith.constant 3 : index
    %get3A_863 = arith.constant 5 : index
    %get3A_864 = memref.load %arg13[%get3A_861, %get3A_862, %get3A_863] : memref<3x5x11xf32, #tpu.memory_space<smem>>
    %mul3A_865 = vector.broadcast %get3A_864 : f32 to vector<512x128xf32>
    %mul3A_866 = arith.mulf %mul3A_865, %get3A_19 : vector<512x128xf32>
    %add3A_867 = arith.addf %add3A_860, %mul3A_866 : vector<512x128xf32>
    %get3A_868 = arith.constant 1 : index
    %get3A_869 = arith.constant 3 : index
    %get3A_870 = arith.constant 6 : index
    %get3A_871 = memref.load %arg13[%get3A_868, %get3A_869, %get3A_870] : memref<3x5x11xf32, #tpu.memory_space<smem>>
    %mul3A_872 = vector.broadcast %get3A_871 : f32 to vector<512x128xf32>
    %mul3A_873 = arith.mulf %mul3A_872, %get3A_22 : vector<512x128xf32>
    %add3A_874 = arith.addf %add3A_867, %mul3A_873 : vector<512x128xf32>
    %get3A_875 = arith.constant 1 : index
    %get3A_876 = arith.constant 3 : index
    %get3A_877 = arith.constant 7 : index
    %get3A_878 = memref.load %arg13[%get3A_875, %get3A_876, %get3A_877] : memref<3x5x11xf32, #tpu.memory_space<smem>>
    %mul3A_879 = vector.broadcast %get3A_878 : f32 to vector<512x128xf32>
    %mul3A_880 = arith.mulf %mul3A_879, %get3A_25 : vector<512x128xf32>
    %add3A_881 = arith.addf %add3A_874, %mul3A_880 : vector<512x128xf32>
    %get3A_882 = arith.constant 1 : index
    %get3A_883 = arith.constant 3 : index
    %get3A_884 = arith.constant 8 : index
    %get3A_885 = memref.load %arg13[%get3A_882, %get3A_883, %get3A_884] : memref<3x5x11xf32, #tpu.memory_space<smem>>
    %mul3A_886 = vector.broadcast %get3A_885 : f32 to vector<512x128xf32>
    %mul3A_887 = arith.mulf %mul3A_886, %get3A_28 : vector<512x128xf32>
    %add3A_888 = arith.addf %add3A_881, %mul3A_887 : vector<512x128xf32>
    %get3A_889 = arith.constant 1 : index
    %get3A_890 = arith.constant 3 : index
    %get3A_891 = arith.constant 9 : index
    %get3A_892 = memref.load %arg13[%get3A_889, %get3A_890, %get3A_891] : memref<3x5x11xf32, #tpu.memory_space<smem>>
    %mul3A_893 = vector.broadcast %get3A_892 : f32 to vector<512x128xf32>
    %mul3A_894 = arith.mulf %mul3A_893, %get3A_31 : vector<512x128xf32>
    %add3A_895 = arith.addf %add3A_888, %mul3A_894 : vector<512x128xf32>
    %get3A_896 = arith.constant 1 : index
    %get3A_897 = arith.constant 3 : index
    %get3A_898 = arith.constant 10 : index
    %get3A_899 = memref.load %arg13[%get3A_896, %get3A_897, %get3A_898] : memref<3x5x11xf32, #tpu.memory_space<smem>>
    %mul3A_900 = vector.broadcast %get3A_899 : f32 to vector<512x128xf32>
    %mul3A_901 = arith.mulf %mul3A_900, %get3A_34 : vector<512x128xf32>
    %add3A_902 = arith.addf %add3A_895, %mul3A_901 : vector<512x128xf32>
    %mul3A_903 = vector.broadcast %get3A_1 : vector<512x1xf32> to vector<512x128xf32>
    %mul3A_904 = arith.mulf %add3A_902, %mul3A_903 : vector<512x128xf32>
    %get3A_905 = arith.constant 3 : index
    %get3A_906 = arith.constant 0 : index
    %get3A_907 = arith.constant 0 : index
    %get3A_908 = vector.load %arg14[%get3A_905, %get3A_906, %get3A_907] : memref<5x128x128xf32, #tpu.memory_space<vmem>>, vector<1x128x128xf32>
    %get3A_909 = vector.shape_cast %get3A_908 : vector<1x128x128xf32> to vector<128x128xf32>
    %dot_general3A_910 = arith.constant dense<0.000000e+00> : vector<512x128xf32>
    %dot_general3A_911 = tpu.matmul %mul3A_904, %get3A_909, %dot_general3A_910 {dimension_numbers = #tpu.dot_dimension_numbers<[1], [0], [0], [1], [0, 0, 1, 1], [], []>, transpose_lhs_hint = false} : vector<512x128xf32>, vector<128x128xf32>, vector<512x128xf32> -> vector<512x128xf32>
    %ge3A_912 = arith.constant 0.000000e+00 : f32
    %ge3A_913 = vector.broadcast %ge3A_912 : f32 to vector<512x128xf32>
    %ge3A_914 = arith.cmpf oge, %dot_general3A_911, %ge3A_913 : vector<512x128xf32>
    %mul3A_915 = arith.constant 0.00999999977 : f32
    %mul3A_916 = vector.broadcast %mul3A_915 : f32 to vector<512x128xf32>
    %mul3A_917 = arith.mulf %mul3A_916, %dot_general3A_911 : vector<512x128xf32>
    %select_n3A_918 = arith.select %ge3A_914, %dot_general3A_911, %mul3A_917 : vector<512x128xi1>, vector<512x128xf32>
    %mul3A_919 = arith.mulf %select_n3A_918, %tanh3A_538 : vector<512x128xf32>
    %reduce_sum3A_920 = arith.constant dense<0.000000e+00> : vector<512xf32>
    %reduce_sum3A_921 = vector.multi_reduction <add>, %mul3A_919, %reduce_sum3A_920 [1] : vector<512x128xf32> to vector<512xf32>
    %broadcast_in_dim3A_922 = vector.shape_cast %reduce_sum3A_921 : vector<512xf32> to vector<512x1xf32>
    %get3A_923 = arith.constant 1 : index
    %get3A_924 = arith.constant 4 : index
    %get3A_925 = arith.constant 0 : index
    %get3A_926 = memref.load %arg13[%get3A_923, %get3A_924, %get3A_925] : memref<3x5x11xf32, #tpu.memory_space<smem>>
    %mul3A_927 = vector.broadcast %get3A_926 : f32 to vector<512x128xf32>
    %mul3A_928 = arith.mulf %mul3A_927, %get3A_4 : vector<512x128xf32>
    %get3A_929 = arith.constant 1 : index
    %get3A_930 = arith.constant 4 : index
    %get3A_931 = arith.constant 1 : index
    %get3A_932 = memref.load %arg13[%get3A_929, %get3A_930, %get3A_931] : memref<3x5x11xf32, #tpu.memory_space<smem>>
    %mul3A_933 = vector.broadcast %get3A_932 : f32 to vector<512x128xf32>
    %mul3A_934 = arith.mulf %mul3A_933, %get3A_7 : vector<512x128xf32>
    %add3A_935 = arith.addf %mul3A_928, %mul3A_934 : vector<512x128xf32>
    %get3A_936 = arith.constant 1 : index
    %get3A_937 = arith.constant 4 : index
    %get3A_938 = arith.constant 2 : index
    %get3A_939 = memref.load %arg13[%get3A_936, %get3A_937, %get3A_938] : memref<3x5x11xf32, #tpu.memory_space<smem>>
    %mul3A_940 = vector.broadcast %get3A_939 : f32 to vector<512x128xf32>
    %mul3A_941 = arith.mulf %mul3A_940, %get3A_10 : vector<512x128xf32>
    %add3A_942 = arith.addf %add3A_935, %mul3A_941 : vector<512x128xf32>
    %get3A_943 = arith.constant 1 : index
    %get3A_944 = arith.constant 4 : index
    %get3A_945 = arith.constant 3 : index
    %get3A_946 = memref.load %arg13[%get3A_943, %get3A_944, %get3A_945] : memref<3x5x11xf32, #tpu.memory_space<smem>>
    %mul3A_947 = vector.broadcast %get3A_946 : f32 to vector<512x128xf32>
    %mul3A_948 = arith.mulf %mul3A_947, %get3A_13 : vector<512x128xf32>
    %add3A_949 = arith.addf %add3A_942, %mul3A_948 : vector<512x128xf32>
    %get3A_950 = arith.constant 1 : index
    %get3A_951 = arith.constant 4 : index
    %get3A_952 = arith.constant 4 : index
    %get3A_953 = memref.load %arg13[%get3A_950, %get3A_951, %get3A_952] : memref<3x5x11xf32, #tpu.memory_space<smem>>
    %mul3A_954 = vector.broadcast %get3A_953 : f32 to vector<512x128xf32>
    %mul3A_955 = arith.mulf %mul3A_954, %get3A_16 : vector<512x128xf32>
    %add3A_956 = arith.addf %add3A_949, %mul3A_955 : vector<512x128xf32>
    %get3A_957 = arith.constant 1 : index
    %get3A_958 = arith.constant 4 : index
    %get3A_959 = arith.constant 5 : index
    %get3A_960 = memref.load %arg13[%get3A_957, %get3A_958, %get3A_959] : memref<3x5x11xf32, #tpu.memory_space<smem>>
    %mul3A_961 = vector.broadcast %get3A_960 : f32 to vector<512x128xf32>
    %mul3A_962 = arith.mulf %mul3A_961, %get3A_19 : vector<512x128xf32>
    %add3A_963 = arith.addf %add3A_956, %mul3A_962 : vector<512x128xf32>
    %get3A_964 = arith.constant 1 : index
    %get3A_965 = arith.constant 4 : index
    %get3A_966 = arith.constant 6 : index
    %get3A_967 = memref.load %arg13[%get3A_964, %get3A_965, %get3A_966] : memref<3x5x11xf32, #tpu.memory_space<smem>>
    %mul3A_968 = vector.broadcast %get3A_967 : f32 to vector<512x128xf32>
    %mul3A_969 = arith.mulf %mul3A_968, %get3A_22 : vector<512x128xf32>
    %add3A_970 = arith.addf %add3A_963, %mul3A_969 : vector<512x128xf32>
    %get3A_971 = arith.constant 1 : index
    %get3A_972 = arith.constant 4 : index
    %get3A_973 = arith.constant 7 : index
    %get3A_974 = memref.load %arg13[%get3A_971, %get3A_972, %get3A_973] : memref<3x5x11xf32, #tpu.memory_space<smem>>
    %mul3A_975 = vector.broadcast %get3A_974 : f32 to vector<512x128xf32>
    %mul3A_976 = arith.mulf %mul3A_975, %get3A_25 : vector<512x128xf32>
    %add3A_977 = arith.addf %add3A_970, %mul3A_976 : vector<512x128xf32>
    %get3A_978 = arith.constant 1 : index
    %get3A_979 = arith.constant 4 : index
    %get3A_980 = arith.constant 8 : index
    %get3A_981 = memref.load %arg13[%get3A_978, %get3A_979, %get3A_980] : memref<3x5x11xf32, #tpu.memory_space<smem>>
    %mul3A_982 = vector.broadcast %get3A_981 : f32 to vector<512x128xf32>
    %mul3A_983 = arith.mulf %mul3A_982, %get3A_28 : vector<512x128xf32>
    %add3A_984 = arith.addf %add3A_977, %mul3A_983 : vector<512x128xf32>
    %get3A_985 = arith.constant 1 : index
    %get3A_986 = arith.constant 4 : index
    %get3A_987 = arith.constant 9 : index
    %get3A_988 = memref.load %arg13[%get3A_985, %get3A_986, %get3A_987] : memref<3x5x11xf32, #tpu.memory_space<smem>>
    %mul3A_989 = vector.broadcast %get3A_988 : f32 to vector<512x128xf32>
    %mul3A_990 = arith.mulf %mul3A_989, %get3A_31 : vector<512x128xf32>
    %add3A_991 = arith.addf %add3A_984, %mul3A_990 : vector<512x128xf32>
    %get3A_992 = arith.constant 1 : index
    %get3A_993 = arith.constant 4 : index
    %get3A_994 = arith.constant 10 : index
    %get3A_995 = memref.load %arg13[%get3A_992, %get3A_993, %get3A_994] : memref<3x5x11xf32, #tpu.memory_space<smem>>
    %mul3A_996 = vector.broadcast %get3A_995 : f32 to vector<512x128xf32>
    %mul3A_997 = arith.mulf %mul3A_996, %get3A_34 : vector<512x128xf32>
    %add3A_998 = arith.addf %add3A_991, %mul3A_997 : vector<512x128xf32>
    %mul3A_999 = vector.broadcast %get3A_1 : vector<512x1xf32> to vector<512x128xf32>
    %mul3A_1000 = arith.mulf %add3A_998, %mul3A_999 : vector<512x128xf32>
    %get3A_1001 = arith.constant 4 : index
    %get3A_1002 = arith.constant 0 : index
    %get3A_1003 = arith.constant 0 : index
    %get3A_1004 = vector.load %arg14[%get3A_1001, %get3A_1002, %get3A_1003] : memref<5x128x128xf32, #tpu.memory_space<vmem>>, vector<1x128x128xf32>
    %get3A_1005 = vector.shape_cast %get3A_1004 : vector<1x128x128xf32> to vector<128x128xf32>
    %dot_general3A_1006 = arith.constant dense<0.000000e+00> : vector<512x128xf32>
    %dot_general3A_1007 = tpu.matmul %mul3A_1000, %get3A_1005, %dot_general3A_1006 {dimension_numbers = #tpu.dot_dimension_numbers<[1], [0], [0], [1], [0, 0, 1, 1], [], []>, transpose_lhs_hint = false} : vector<512x128xf32>, vector<128x128xf32>, vector<512x128xf32> -> vector<512x128xf32>
    %ge3A_1008 = arith.constant 0.000000e+00 : f32
    %ge3A_1009 = vector.broadcast %ge3A_1008 : f32 to vector<512x128xf32>
    %ge3A_1010 = arith.cmpf oge, %dot_general3A_1007, %ge3A_1009 : vector<512x128xf32>
    %mul3A_1011 = arith.constant 0.00999999977 : f32
    %mul3A_1012 = vector.broadcast %mul3A_1011 : f32 to vector<512x128xf32>
    %mul3A_1013 = arith.mulf %mul3A_1012, %dot_general3A_1007 : vector<512x128xf32>
    %select_n3A_1014 = arith.select %ge3A_1010, %dot_general3A_1007, %mul3A_1013 : vector<512x128xi1>, vector<512x128xf32>
    %mul3A_1015 = arith.mulf %select_n3A_1014, %tanh3A_538 : vector<512x128xf32>
    %reduce_sum3A_1016 = arith.constant dense<0.000000e+00> : vector<512xf32>
    %reduce_sum3A_1017 = vector.multi_reduction <add>, %mul3A_1015, %reduce_sum3A_1016 [1] : vector<512x128xf32> to vector<512xf32>
    %broadcast_in_dim3A_1018 = vector.shape_cast %reduce_sum3A_1017 : vector<512xf32> to vector<512x1xf32>
    %get3A_1019 = arith.constant 2 : index
    %get3A_1020 = arith.constant 0 : index
    %get3A_1021 = arith.constant 0 : index
    %get3A_1022 = vector.load %arg15[%get3A_1019, %get3A_1020, %get3A_1021] : memref<3x128x128xf32, #tpu.memory_space<vmem>>, vector<1x128x128xf32>
    %get3A_1023 = vector.shape_cast %get3A_1022 : vector<1x128x128xf32> to vector<128x128xf32>
    %dot_general3A_1024 = arith.constant dense<0.000000e+00> : vector<512x128xf32>
    %dot_general3A_1025 = tpu.matmul %mul3A_35, %get3A_1023, %dot_general3A_1024 {dimension_numbers = #tpu.dot_dimension_numbers<[1], [0], [0], [1], [0, 0, 1, 1], [], []>, transpose_lhs_hint = false} : vector<512x128xf32>, vector<128x128xf32>, vector<512x128xf32> -> vector<512x128xf32>
    %get3A_1026 = arith.constant 2 : index
    %get3A_1027 = arith.constant 0 : index
    %get3A_1028 = vector.load %arg16[%get3A_1026, %get3A_1027] : memref<3x128xf32, #tpu.memory_space<vmem>>, vector<1x128xf32>
    %get3A_1029 = vector.shape_cast %get3A_1028 : vector<1x128xf32> to vector<128xf32>
    %broadcast_in_dim3A_1030 = vector.shape_cast %get3A_1029 : vector<128xf32> to vector<1x128xf32>
    %add3A_1031 = vector.broadcast %broadcast_in_dim3A_1030 : vector<1x128xf32> to vector<512x128xf32>
    %add3A_1032 = arith.addf %dot_general3A_1025, %add3A_1031 : vector<512x128xf32>
    %tanh3A_1033 = math.tanh %add3A_1032 : vector<512x128xf32>
    %get3A_1034 = arith.constant 2 : index
    %get3A_1035 = arith.constant 0 : index
    %get3A_1036 = arith.constant 0 : index
    %get3A_1037 = memref.load %arg13[%get3A_1034, %get3A_1035, %get3A_1036] : memref<3x5x11xf32, #tpu.memory_space<smem>>
    %mul3A_1038 = vector.broadcast %get3A_1037 : f32 to vector<512x128xf32>
    %mul3A_1039 = arith.mulf %mul3A_1038, %get3A_4 : vector<512x128xf32>
    %get3A_1040 = arith.constant 2 : index
    %get3A_1041 = arith.constant 0 : index
    %get3A_1042 = arith.constant 1 : index
    %get3A_1043 = memref.load %arg13[%get3A_1040, %get3A_1041, %get3A_1042] : memref<3x5x11xf32, #tpu.memory_space<smem>>
    %mul3A_1044 = vector.broadcast %get3A_1043 : f32 to vector<512x128xf32>
    %mul3A_1045 = arith.mulf %mul3A_1044, %get3A_7 : vector<512x128xf32>
    %add3A_1046 = arith.addf %mul3A_1039, %mul3A_1045 : vector<512x128xf32>
    %get3A_1047 = arith.constant 2 : index
    %get3A_1048 = arith.constant 0 : index
    %get3A_1049 = arith.constant 2 : index
    %get3A_1050 = memref.load %arg13[%get3A_1047, %get3A_1048, %get3A_1049] : memref<3x5x11xf32, #tpu.memory_space<smem>>
    %mul3A_1051 = vector.broadcast %get3A_1050 : f32 to vector<512x128xf32>
    %mul3A_1052 = arith.mulf %mul3A_1051, %get3A_10 : vector<512x128xf32>
    %add3A_1053 = arith.addf %add3A_1046, %mul3A_1052 : vector<512x128xf32>
    %get3A_1054 = arith.constant 2 : index
    %get3A_1055 = arith.constant 0 : index
    %get3A_1056 = arith.constant 3 : index
    %get3A_1057 = memref.load %arg13[%get3A_1054, %get3A_1055, %get3A_1056] : memref<3x5x11xf32, #tpu.memory_space<smem>>
    %mul3A_1058 = vector.broadcast %get3A_1057 : f32 to vector<512x128xf32>
    %mul3A_1059 = arith.mulf %mul3A_1058, %get3A_13 : vector<512x128xf32>
    %add3A_1060 = arith.addf %add3A_1053, %mul3A_1059 : vector<512x128xf32>
    %get3A_1061 = arith.constant 2 : index
    %get3A_1062 = arith.constant 0 : index
    %get3A_1063 = arith.constant 4 : index
    %get3A_1064 = memref.load %arg13[%get3A_1061, %get3A_1062, %get3A_1063] : memref<3x5x11xf32, #tpu.memory_space<smem>>
    %mul3A_1065 = vector.broadcast %get3A_1064 : f32 to vector<512x128xf32>
    %mul3A_1066 = arith.mulf %mul3A_1065, %get3A_16 : vector<512x128xf32>
    %add3A_1067 = arith.addf %add3A_1060, %mul3A_1066 : vector<512x128xf32>
    %get3A_1068 = arith.constant 2 : index
    %get3A_1069 = arith.constant 0 : index
    %get3A_1070 = arith.constant 5 : index
    %get3A_1071 = memref.load %arg13[%get3A_1068, %get3A_1069, %get3A_1070] : memref<3x5x11xf32, #tpu.memory_space<smem>>
    %mul3A_1072 = vector.broadcast %get3A_1071 : f32 to vector<512x128xf32>
    %mul3A_1073 = arith.mulf %mul3A_1072, %get3A_19 : vector<512x128xf32>
    %add3A_1074 = arith.addf %add3A_1067, %mul3A_1073 : vector<512x128xf32>
    %get3A_1075 = arith.constant 2 : index
    %get3A_1076 = arith.constant 0 : index
    %get3A_1077 = arith.constant 6 : index
    %get3A_1078 = memref.load %arg13[%get3A_1075, %get3A_1076, %get3A_1077] : memref<3x5x11xf32, #tpu.memory_space<smem>>
    %mul3A_1079 = vector.broadcast %get3A_1078 : f32 to vector<512x128xf32>
    %mul3A_1080 = arith.mulf %mul3A_1079, %get3A_22 : vector<512x128xf32>
    %add3A_1081 = arith.addf %add3A_1074, %mul3A_1080 : vector<512x128xf32>
    %get3A_1082 = arith.constant 2 : index
    %get3A_1083 = arith.constant 0 : index
    %get3A_1084 = arith.constant 7 : index
    %get3A_1085 = memref.load %arg13[%get3A_1082, %get3A_1083, %get3A_1084] : memref<3x5x11xf32, #tpu.memory_space<smem>>
    %mul3A_1086 = vector.broadcast %get3A_1085 : f32 to vector<512x128xf32>
    %mul3A_1087 = arith.mulf %mul3A_1086, %get3A_25 : vector<512x128xf32>
    %add3A_1088 = arith.addf %add3A_1081, %mul3A_1087 : vector<512x128xf32>
    %get3A_1089 = arith.constant 2 : index
    %get3A_1090 = arith.constant 0 : index
    %get3A_1091 = arith.constant 8 : index
    %get3A_1092 = memref.load %arg13[%get3A_1089, %get3A_1090, %get3A_1091] : memref<3x5x11xf32, #tpu.memory_space<smem>>
    %mul3A_1093 = vector.broadcast %get3A_1092 : f32 to vector<512x128xf32>
    %mul3A_1094 = arith.mulf %mul3A_1093, %get3A_28 : vector<512x128xf32>
    %add3A_1095 = arith.addf %add3A_1088, %mul3A_1094 : vector<512x128xf32>
    %get3A_1096 = arith.constant 2 : index
    %get3A_1097 = arith.constant 0 : index
    %get3A_1098 = arith.constant 9 : index
    %get3A_1099 = memref.load %arg13[%get3A_1096, %get3A_1097, %get3A_1098] : memref<3x5x11xf32, #tpu.memory_space<smem>>
    %mul3A_1100 = vector.broadcast %get3A_1099 : f32 to vector<512x128xf32>
    %mul3A_1101 = arith.mulf %mul3A_1100, %get3A_31 : vector<512x128xf32>
    %add3A_1102 = arith.addf %add3A_1095, %mul3A_1101 : vector<512x128xf32>
    %get3A_1103 = arith.constant 2 : index
    %get3A_1104 = arith.constant 0 : index
    %get3A_1105 = arith.constant 10 : index
    %get3A_1106 = memref.load %arg13[%get3A_1103, %get3A_1104, %get3A_1105] : memref<3x5x11xf32, #tpu.memory_space<smem>>
    %mul3A_1107 = vector.broadcast %get3A_1106 : f32 to vector<512x128xf32>
    %mul3A_1108 = arith.mulf %mul3A_1107, %get3A_34 : vector<512x128xf32>
    %add3A_1109 = arith.addf %add3A_1102, %mul3A_1108 : vector<512x128xf32>
    %mul3A_1110 = vector.broadcast %get3A_1 : vector<512x1xf32> to vector<512x128xf32>
    %mul3A_1111 = arith.mulf %add3A_1109, %mul3A_1110 : vector<512x128xf32>
    %get3A_1112 = arith.constant 0 : index
    %get3A_1113 = arith.constant 0 : index
    %get3A_1114 = arith.constant 0 : index
    %get3A_1115 = vector.load %arg14[%get3A_1112, %get3A_1113, %get3A_1114] : memref<5x128x128xf32, #tpu.memory_space<vmem>>, vector<1x128x128xf32>
    %get3A_1116 = vector.shape_cast %get3A_1115 : vector<1x128x128xf32> to vector<128x128xf32>
    %dot_general3A_1117 = arith.constant dense<0.000000e+00> : vector<512x128xf32>
    %dot_general3A_1118 = tpu.matmul %mul3A_1111, %get3A_1116, %dot_general3A_1117 {dimension_numbers = #tpu.dot_dimension_numbers<[1], [0], [0], [1], [0, 0, 1, 1], [], []>, transpose_lhs_hint = false} : vector<512x128xf32>, vector<128x128xf32>, vector<512x128xf32> -> vector<512x128xf32>
    %ge3A_1119 = arith.constant 0.000000e+00 : f32
    %ge3A_1120 = vector.broadcast %ge3A_1119 : f32 to vector<512x128xf32>
    %ge3A_1121 = arith.cmpf oge, %dot_general3A_1118, %ge3A_1120 : vector<512x128xf32>
    %mul3A_1122 = arith.constant 0.00999999977 : f32
    %mul3A_1123 = vector.broadcast %mul3A_1122 : f32 to vector<512x128xf32>
    %mul3A_1124 = arith.mulf %mul3A_1123, %dot_general3A_1118 : vector<512x128xf32>
    %select_n3A_1125 = arith.select %ge3A_1121, %dot_general3A_1118, %mul3A_1124 : vector<512x128xi1>, vector<512x128xf32>
    %mul3A_1126 = arith.mulf %select_n3A_1125, %tanh3A_1033 : vector<512x128xf32>
    %reduce_sum3A_1127 = arith.constant dense<0.000000e+00> : vector<512xf32>
    %reduce_sum3A_1128 = vector.multi_reduction <add>, %mul3A_1126, %reduce_sum3A_1127 [1] : vector<512x128xf32> to vector<512xf32>
    %broadcast_in_dim3A_1129 = vector.shape_cast %reduce_sum3A_1128 : vector<512xf32> to vector<512x1xf32>
    %get3A_1130 = arith.constant 2 : index
    %get3A_1131 = arith.constant 1 : index
    %get3A_1132 = arith.constant 0 : index
    %get3A_1133 = memref.load %arg13[%get3A_1130, %get3A_1131, %get3A_1132] : memref<3x5x11xf32, #tpu.memory_space<smem>>
    %mul3A_1134 = vector.broadcast %get3A_1133 : f32 to vector<512x128xf32>
    %mul3A_1135 = arith.mulf %mul3A_1134, %get3A_4 : vector<512x128xf32>
    %get3A_1136 = arith.constant 2 : index
    %get3A_1137 = arith.constant 1 : index
    %get3A_1138 = arith.constant 1 : index
    %get3A_1139 = memref.load %arg13[%get3A_1136, %get3A_1137, %get3A_1138] : memref<3x5x11xf32, #tpu.memory_space<smem>>
    %mul3A_1140 = vector.broadcast %get3A_1139 : f32 to vector<512x128xf32>
    %mul3A_1141 = arith.mulf %mul3A_1140, %get3A_7 : vector<512x128xf32>
    %add3A_1142 = arith.addf %mul3A_1135, %mul3A_1141 : vector<512x128xf32>
    %get3A_1143 = arith.constant 2 : index
    %get3A_1144 = arith.constant 1 : index
    %get3A_1145 = arith.constant 2 : index
    %get3A_1146 = memref.load %arg13[%get3A_1143, %get3A_1144, %get3A_1145] : memref<3x5x11xf32, #tpu.memory_space<smem>>
    %mul3A_1147 = vector.broadcast %get3A_1146 : f32 to vector<512x128xf32>
    %mul3A_1148 = arith.mulf %mul3A_1147, %get3A_10 : vector<512x128xf32>
    %add3A_1149 = arith.addf %add3A_1142, %mul3A_1148 : vector<512x128xf32>
    %get3A_1150 = arith.constant 2 : index
    %get3A_1151 = arith.constant 1 : index
    %get3A_1152 = arith.constant 3 : index
    %get3A_1153 = memref.load %arg13[%get3A_1150, %get3A_1151, %get3A_1152] : memref<3x5x11xf32, #tpu.memory_space<smem>>
    %mul3A_1154 = vector.broadcast %get3A_1153 : f32 to vector<512x128xf32>
    %mul3A_1155 = arith.mulf %mul3A_1154, %get3A_13 : vector<512x128xf32>
    %add3A_1156 = arith.addf %add3A_1149, %mul3A_1155 : vector<512x128xf32>
    %get3A_1157 = arith.constant 2 : index
    %get3A_1158 = arith.constant 1 : index
    %get3A_1159 = arith.constant 4 : index
    %get3A_1160 = memref.load %arg13[%get3A_1157, %get3A_1158, %get3A_1159] : memref<3x5x11xf32, #tpu.memory_space<smem>>
    %mul3A_1161 = vector.broadcast %get3A_1160 : f32 to vector<512x128xf32>
    %mul3A_1162 = arith.mulf %mul3A_1161, %get3A_16 : vector<512x128xf32>
    %add3A_1163 = arith.addf %add3A_1156, %mul3A_1162 : vector<512x128xf32>
    %get3A_1164 = arith.constant 2 : index
    %get3A_1165 = arith.constant 1 : index
    %get3A_1166 = arith.constant 5 : index
    %get3A_1167 = memref.load %arg13[%get3A_1164, %get3A_1165, %get3A_1166] : memref<3x5x11xf32, #tpu.memory_space<smem>>
    %mul3A_1168 = vector.broadcast %get3A_1167 : f32 to vector<512x128xf32>
    %mul3A_1169 = arith.mulf %mul3A_1168, %get3A_19 : vector<512x128xf32>
    %add3A_1170 = arith.addf %add3A_1163, %mul3A_1169 : vector<512x128xf32>
    %get3A_1171 = arith.constant 2 : index
    %get3A_1172 = arith.constant 1 : index
    %get3A_1173 = arith.constant 6 : index
    %get3A_1174 = memref.load %arg13[%get3A_1171, %get3A_1172, %get3A_1173] : memref<3x5x11xf32, #tpu.memory_space<smem>>
    %mul3A_1175 = vector.broadcast %get3A_1174 : f32 to vector<512x128xf32>
    %mul3A_1176 = arith.mulf %mul3A_1175, %get3A_22 : vector<512x128xf32>
    %add3A_1177 = arith.addf %add3A_1170, %mul3A_1176 : vector<512x128xf32>
    %get3A_1178 = arith.constant 2 : index
    %get3A_1179 = arith.constant 1 : index
    %get3A_1180 = arith.constant 7 : index
    %get3A_1181 = memref.load %arg13[%get3A_1178, %get3A_1179, %get3A_1180] : memref<3x5x11xf32, #tpu.memory_space<smem>>
    %mul3A_1182 = vector.broadcast %get3A_1181 : f32 to vector<512x128xf32>
    %mul3A_1183 = arith.mulf %mul3A_1182, %get3A_25 : vector<512x128xf32>
    %add3A_1184 = arith.addf %add3A_1177, %mul3A_1183 : vector<512x128xf32>
    %get3A_1185 = arith.constant 2 : index
    %get3A_1186 = arith.constant 1 : index
    %get3A_1187 = arith.constant 8 : index
    %get3A_1188 = memref.load %arg13[%get3A_1185, %get3A_1186, %get3A_1187] : memref<3x5x11xf32, #tpu.memory_space<smem>>
    %mul3A_1189 = vector.broadcast %get3A_1188 : f32 to vector<512x128xf32>
    %mul3A_1190 = arith.mulf %mul3A_1189, %get3A_28 : vector<512x128xf32>
    %add3A_1191 = arith.addf %add3A_1184, %mul3A_1190 : vector<512x128xf32>
    %get3A_1192 = arith.constant 2 : index
    %get3A_1193 = arith.constant 1 : index
    %get3A_1194 = arith.constant 9 : index
    %get3A_1195 = memref.load %arg13[%get3A_1192, %get3A_1193, %get3A_1194] : memref<3x5x11xf32, #tpu.memory_space<smem>>
    %mul3A_1196 = vector.broadcast %get3A_1195 : f32 to vector<512x128xf32>
    %mul3A_1197 = arith.mulf %mul3A_1196, %get3A_31 : vector<512x128xf32>
    %add3A_1198 = arith.addf %add3A_1191, %mul3A_1197 : vector<512x128xf32>
    %get3A_1199 = arith.constant 2 : index
    %get3A_1200 = arith.constant 1 : index
    %get3A_1201 = arith.constant 10 : index
    %get3A_1202 = memref.load %arg13[%get3A_1199, %get3A_1200, %get3A_1201] : memref<3x5x11xf32, #tpu.memory_space<smem>>
    %mul3A_1203 = vector.broadcast %get3A_1202 : f32 to vector<512x128xf32>
    %mul3A_1204 = arith.mulf %mul3A_1203, %get3A_34 : vector<512x128xf32>
    %add3A_1205 = arith.addf %add3A_1198, %mul3A_1204 : vector<512x128xf32>
    %mul3A_1206 = vector.broadcast %get3A_1 : vector<512x1xf32> to vector<512x128xf32>
    %mul3A_1207 = arith.mulf %add3A_1205, %mul3A_1206 : vector<512x128xf32>
    %get3A_1208 = arith.constant 1 : index
    %get3A_1209 = arith.constant 0 : index
    %get3A_1210 = arith.constant 0 : index
    %get3A_1211 = vector.load %arg14[%get3A_1208, %get3A_1209, %get3A_1210] : memref<5x128x128xf32, #tpu.memory_space<vmem>>, vector<1x128x128xf32>
    %get3A_1212 = vector.shape_cast %get3A_1211 : vector<1x128x128xf32> to vector<128x128xf32>
    %dot_general3A_1213 = arith.constant dense<0.000000e+00> : vector<512x128xf32>
    %dot_general3A_1214 = tpu.matmul %mul3A_1207, %get3A_1212, %dot_general3A_1213 {dimension_numbers = #tpu.dot_dimension_numbers<[1], [0], [0], [1], [0, 0, 1, 1], [], []>, transpose_lhs_hint = false} : vector<512x128xf32>, vector<128x128xf32>, vector<512x128xf32> -> vector<512x128xf32>
    %ge3A_1215 = arith.constant 0.000000e+00 : f32
    %ge3A_1216 = vector.broadcast %ge3A_1215 : f32 to vector<512x128xf32>
    %ge3A_1217 = arith.cmpf oge, %dot_general3A_1214, %ge3A_1216 : vector<512x128xf32>
    %mul3A_1218 = arith.constant 0.00999999977 : f32
    %mul3A_1219 = vector.broadcast %mul3A_1218 : f32 to vector<512x128xf32>
    %mul3A_1220 = arith.mulf %mul3A_1219, %dot_general3A_1214 : vector<512x128xf32>
    %select_n3A_1221 = arith.select %ge3A_1217, %dot_general3A_1214, %mul3A_1220 : vector<512x128xi1>, vector<512x128xf32>
    %mul3A_1222 = arith.mulf %select_n3A_1221, %tanh3A_1033 : vector<512x128xf32>
    %reduce_sum3A_1223 = arith.constant dense<0.000000e+00> : vector<512xf32>
    %reduce_sum3A_1224 = vector.multi_reduction <add>, %mul3A_1222, %reduce_sum3A_1223 [1] : vector<512x128xf32> to vector<512xf32>
    %broadcast_in_dim3A_1225 = vector.shape_cast %reduce_sum3A_1224 : vector<512xf32> to vector<512x1xf32>
    %get3A_1226 = arith.constant 2 : index
    %get3A_1227 = arith.constant 2 : index
    %get3A_1228 = arith.constant 0 : index
    %get3A_1229 = memref.load %arg13[%get3A_1226, %get3A_1227, %get3A_1228] : memref<3x5x11xf32, #tpu.memory_space<smem>>
    %mul3A_1230 = vector.broadcast %get3A_1229 : f32 to vector<512x128xf32>
    %mul3A_1231 = arith.mulf %mul3A_1230, %get3A_4 : vector<512x128xf32>
    %get3A_1232 = arith.constant 2 : index
    %get3A_1233 = arith.constant 2 : index
    %get3A_1234 = arith.constant 1 : index
    %get3A_1235 = memref.load %arg13[%get3A_1232, %get3A_1233, %get3A_1234] : memref<3x5x11xf32, #tpu.memory_space<smem>>
    %mul3A_1236 = vector.broadcast %get3A_1235 : f32 to vector<512x128xf32>
    %mul3A_1237 = arith.mulf %mul3A_1236, %get3A_7 : vector<512x128xf32>
    %add3A_1238 = arith.addf %mul3A_1231, %mul3A_1237 : vector<512x128xf32>
    %get3A_1239 = arith.constant 2 : index
    %get3A_1240 = arith.constant 2 : index
    %get3A_1241 = arith.constant 2 : index
    %get3A_1242 = memref.load %arg13[%get3A_1239, %get3A_1240, %get3A_1241] : memref<3x5x11xf32, #tpu.memory_space<smem>>
    %mul3A_1243 = vector.broadcast %get3A_1242 : f32 to vector<512x128xf32>
    %mul3A_1244 = arith.mulf %mul3A_1243, %get3A_10 : vector<512x128xf32>
    %add3A_1245 = arith.addf %add3A_1238, %mul3A_1244 : vector<512x128xf32>
    %get3A_1246 = arith.constant 2 : index
    %get3A_1247 = arith.constant 2 : index
    %get3A_1248 = arith.constant 3 : index
    %get3A_1249 = memref.load %arg13[%get3A_1246, %get3A_1247, %get3A_1248] : memref<3x5x11xf32, #tpu.memory_space<smem>>
    %mul3A_1250 = vector.broadcast %get3A_1249 : f32 to vector<512x128xf32>
    %mul3A_1251 = arith.mulf %mul3A_1250, %get3A_13 : vector<512x128xf32>
    %add3A_1252 = arith.addf %add3A_1245, %mul3A_1251 : vector<512x128xf32>
    %get3A_1253 = arith.constant 2 : index
    %get3A_1254 = arith.constant 2 : index
    %get3A_1255 = arith.constant 4 : index
    %get3A_1256 = memref.load %arg13[%get3A_1253, %get3A_1254, %get3A_1255] : memref<3x5x11xf32, #tpu.memory_space<smem>>
    %mul3A_1257 = vector.broadcast %get3A_1256 : f32 to vector<512x128xf32>
    %mul3A_1258 = arith.mulf %mul3A_1257, %get3A_16 : vector<512x128xf32>
    %add3A_1259 = arith.addf %add3A_1252, %mul3A_1258 : vector<512x128xf32>
    %get3A_1260 = arith.constant 2 : index
    %get3A_1261 = arith.constant 2 : index
    %get3A_1262 = arith.constant 5 : index
    %get3A_1263 = memref.load %arg13[%get3A_1260, %get3A_1261, %get3A_1262] : memref<3x5x11xf32, #tpu.memory_space<smem>>
    %mul3A_1264 = vector.broadcast %get3A_1263 : f32 to vector<512x128xf32>
    %mul3A_1265 = arith.mulf %mul3A_1264, %get3A_19 : vector<512x128xf32>
    %add3A_1266 = arith.addf %add3A_1259, %mul3A_1265 : vector<512x128xf32>
    %get3A_1267 = arith.constant 2 : index
    %get3A_1268 = arith.constant 2 : index
    %get3A_1269 = arith.constant 6 : index
    %get3A_1270 = memref.load %arg13[%get3A_1267, %get3A_1268, %get3A_1269] : memref<3x5x11xf32, #tpu.memory_space<smem>>
    %mul3A_1271 = vector.broadcast %get3A_1270 : f32 to vector<512x128xf32>
    %mul3A_1272 = arith.mulf %mul3A_1271, %get3A_22 : vector<512x128xf32>
    %add3A_1273 = arith.addf %add3A_1266, %mul3A_1272 : vector<512x128xf32>
    %get3A_1274 = arith.constant 2 : index
    %get3A_1275 = arith.constant 2 : index
    %get3A_1276 = arith.constant 7 : index
    %get3A_1277 = memref.load %arg13[%get3A_1274, %get3A_1275, %get3A_1276] : memref<3x5x11xf32, #tpu.memory_space<smem>>
    %mul3A_1278 = vector.broadcast %get3A_1277 : f32 to vector<512x128xf32>
    %mul3A_1279 = arith.mulf %mul3A_1278, %get3A_25 : vector<512x128xf32>
    %add3A_1280 = arith.addf %add3A_1273, %mul3A_1279 : vector<512x128xf32>
    %get3A_1281 = arith.constant 2 : index
    %get3A_1282 = arith.constant 2 : index
    %get3A_1283 = arith.constant 8 : index
    %get3A_1284 = memref.load %arg13[%get3A_1281, %get3A_1282, %get3A_1283] : memref<3x5x11xf32, #tpu.memory_space<smem>>
    %mul3A_1285 = vector.broadcast %get3A_1284 : f32 to vector<512x128xf32>
    %mul3A_1286 = arith.mulf %mul3A_1285, %get3A_28 : vector<512x128xf32>
    %add3A_1287 = arith.addf %add3A_1280, %mul3A_1286 : vector<512x128xf32>
    %get3A_1288 = arith.constant 2 : index
    %get3A_1289 = arith.constant 2 : index
    %get3A_1290 = arith.constant 9 : index
    %get3A_1291 = memref.load %arg13[%get3A_1288, %get3A_1289, %get3A_1290] : memref<3x5x11xf32, #tpu.memory_space<smem>>
    %mul3A_1292 = vector.broadcast %get3A_1291 : f32 to vector<512x128xf32>
    %mul3A_1293 = arith.mulf %mul3A_1292, %get3A_31 : vector<512x128xf32>
    %add3A_1294 = arith.addf %add3A_1287, %mul3A_1293 : vector<512x128xf32>
    %get3A_1295 = arith.constant 2 : index
    %get3A_1296 = arith.constant 2 : index
    %get3A_1297 = arith.constant 10 : index
    %get3A_1298 = memref.load %arg13[%get3A_1295, %get3A_1296, %get3A_1297] : memref<3x5x11xf32, #tpu.memory_space<smem>>
    %mul3A_1299 = vector.broadcast %get3A_1298 : f32 to vector<512x128xf32>
    %mul3A_1300 = arith.mulf %mul3A_1299, %get3A_34 : vector<512x128xf32>
    %add3A_1301 = arith.addf %add3A_1294, %mul3A_1300 : vector<512x128xf32>
    %mul3A_1302 = vector.broadcast %get3A_1 : vector<512x1xf32> to vector<512x128xf32>
    %mul3A_1303 = arith.mulf %add3A_1301, %mul3A_1302 : vector<512x128xf32>
    %get3A_1304 = arith.constant 2 : index
    %get3A_1305 = arith.constant 0 : index
    %get3A_1306 = arith.constant 0 : index
    %get3A_1307 = vector.load %arg14[%get3A_1304, %get3A_1305, %get3A_1306] : memref<5x128x128xf32, #tpu.memory_space<vmem>>, vector<1x128x128xf32>
    %get3A_1308 = vector.shape_cast %get3A_1307 : vector<1x128x128xf32> to vector<128x128xf32>
    %dot_general3A_1309 = arith.constant dense<0.000000e+00> : vector<512x128xf32>
    %dot_general3A_1310 = tpu.matmul %mul3A_1303, %get3A_1308, %dot_general3A_1309 {dimension_numbers = #tpu.dot_dimension_numbers<[1], [0], [0], [1], [0, 0, 1, 1], [], []>, transpose_lhs_hint = false} : vector<512x128xf32>, vector<128x128xf32>, vector<512x128xf32> -> vector<512x128xf32>
    %ge3A_1311 = arith.constant 0.000000e+00 : f32
    %ge3A_1312 = vector.broadcast %ge3A_1311 : f32 to vector<512x128xf32>
    %ge3A_1313 = arith.cmpf oge, %dot_general3A_1310, %ge3A_1312 : vector<512x128xf32>
    %mul3A_1314 = arith.constant 0.00999999977 : f32
    %mul3A_1315 = vector.broadcast %mul3A_1314 : f32 to vector<512x128xf32>
    %mul3A_1316 = arith.mulf %mul3A_1315, %dot_general3A_1310 : vector<512x128xf32>
    %select_n3A_1317 = arith.select %ge3A_1313, %dot_general3A_1310, %mul3A_1316 : vector<512x128xi1>, vector<512x128xf32>
    %mul3A_1318 = arith.mulf %select_n3A_1317, %tanh3A_1033 : vector<512x128xf32>
    %reduce_sum3A_1319 = arith.constant dense<0.000000e+00> : vector<512xf32>
    %reduce_sum3A_1320 = vector.multi_reduction <add>, %mul3A_1318, %reduce_sum3A_1319 [1] : vector<512x128xf32> to vector<512xf32>
    %broadcast_in_dim3A_1321 = vector.shape_cast %reduce_sum3A_1320 : vector<512xf32> to vector<512x1xf32>
    %get3A_1322 = arith.constant 2 : index
    %get3A_1323 = arith.constant 3 : index
    %get3A_1324 = arith.constant 0 : index
    %get3A_1325 = memref.load %arg13[%get3A_1322, %get3A_1323, %get3A_1324] : memref<3x5x11xf32, #tpu.memory_space<smem>>
    %mul3A_1326 = vector.broadcast %get3A_1325 : f32 to vector<512x128xf32>
    %mul3A_1327 = arith.mulf %mul3A_1326, %get3A_4 : vector<512x128xf32>
    %get3A_1328 = arith.constant 2 : index
    %get3A_1329 = arith.constant 3 : index
    %get3A_1330 = arith.constant 1 : index
    %get3A_1331 = memref.load %arg13[%get3A_1328, %get3A_1329, %get3A_1330] : memref<3x5x11xf32, #tpu.memory_space<smem>>
    %mul3A_1332 = vector.broadcast %get3A_1331 : f32 to vector<512x128xf32>
    %mul3A_1333 = arith.mulf %mul3A_1332, %get3A_7 : vector<512x128xf32>
    %add3A_1334 = arith.addf %mul3A_1327, %mul3A_1333 : vector<512x128xf32>
    %get3A_1335 = arith.constant 2 : index
    %get3A_1336 = arith.constant 3 : index
    %get3A_1337 = arith.constant 2 : index
    %get3A_1338 = memref.load %arg13[%get3A_1335, %get3A_1336, %get3A_1337] : memref<3x5x11xf32, #tpu.memory_space<smem>>
    %mul3A_1339 = vector.broadcast %get3A_1338 : f32 to vector<512x128xf32>
    %mul3A_1340 = arith.mulf %mul3A_1339, %get3A_10 : vector<512x128xf32>
    %add3A_1341 = arith.addf %add3A_1334, %mul3A_1340 : vector<512x128xf32>
    %get3A_1342 = arith.constant 2 : index
    %get3A_1343 = arith.constant 3 : index
    %get3A_1344 = arith.constant 3 : index
    %get3A_1345 = memref.load %arg13[%get3A_1342, %get3A_1343, %get3A_1344] : memref<3x5x11xf32, #tpu.memory_space<smem>>
    %mul3A_1346 = vector.broadcast %get3A_1345 : f32 to vector<512x128xf32>
    %mul3A_1347 = arith.mulf %mul3A_1346, %get3A_13 : vector<512x128xf32>
    %add3A_1348 = arith.addf %add3A_1341, %mul3A_1347 : vector<512x128xf32>
    %get3A_1349 = arith.constant 2 : index
    %get3A_1350 = arith.constant 3 : index
    %get3A_1351 = arith.constant 4 : index
    %get3A_1352 = memref.load %arg13[%get3A_1349, %get3A_1350, %get3A_1351] : memref<3x5x11xf32, #tpu.memory_space<smem>>
    %mul3A_1353 = vector.broadcast %get3A_1352 : f32 to vector<512x128xf32>
    %mul3A_1354 = arith.mulf %mul3A_1353, %get3A_16 : vector<512x128xf32>
    %add3A_1355 = arith.addf %add3A_1348, %mul3A_1354 : vector<512x128xf32>
    %get3A_1356 = arith.constant 2 : index
    %get3A_1357 = arith.constant 3 : index
    %get3A_1358 = arith.constant 5 : index
    %get3A_1359 = memref.load %arg13[%get3A_1356, %get3A_1357, %get3A_1358] : memref<3x5x11xf32, #tpu.memory_space<smem>>
    %mul3A_1360 = vector.broadcast %get3A_1359 : f32 to vector<512x128xf32>
    %mul3A_1361 = arith.mulf %mul3A_1360, %get3A_19 : vector<512x128xf32>
    %add3A_1362 = arith.addf %add3A_1355, %mul3A_1361 : vector<512x128xf32>
    %get3A_1363 = arith.constant 2 : index
    %get3A_1364 = arith.constant 3 : index
    %get3A_1365 = arith.constant 6 : index
    %get3A_1366 = memref.load %arg13[%get3A_1363, %get3A_1364, %get3A_1365] : memref<3x5x11xf32, #tpu.memory_space<smem>>
    %mul3A_1367 = vector.broadcast %get3A_1366 : f32 to vector<512x128xf32>
    %mul3A_1368 = arith.mulf %mul3A_1367, %get3A_22 : vector<512x128xf32>
    %add3A_1369 = arith.addf %add3A_1362, %mul3A_1368 : vector<512x128xf32>
    %get3A_1370 = arith.constant 2 : index
    %get3A_1371 = arith.constant 3 : index
    %get3A_1372 = arith.constant 7 : index
    %get3A_1373 = memref.load %arg13[%get3A_1370, %get3A_1371, %get3A_1372] : memref<3x5x11xf32, #tpu.memory_space<smem>>
    %mul3A_1374 = vector.broadcast %get3A_1373 : f32 to vector<512x128xf32>
    %mul3A_1375 = arith.mulf %mul3A_1374, %get3A_25 : vector<512x128xf32>
    %add3A_1376 = arith.addf %add3A_1369, %mul3A_1375 : vector<512x128xf32>
    %get3A_1377 = arith.constant 2 : index
    %get3A_1378 = arith.constant 3 : index
    %get3A_1379 = arith.constant 8 : index
    %get3A_1380 = memref.load %arg13[%get3A_1377, %get3A_1378, %get3A_1379] : memref<3x5x11xf32, #tpu.memory_space<smem>>
    %mul3A_1381 = vector.broadcast %get3A_1380 : f32 to vector<512x128xf32>
    %mul3A_1382 = arith.mulf %mul3A_1381, %get3A_28 : vector<512x128xf32>
    %add3A_1383 = arith.addf %add3A_1376, %mul3A_1382 : vector<512x128xf32>
    %get3A_1384 = arith.constant 2 : index
    %get3A_1385 = arith.constant 3 : index
    %get3A_1386 = arith.constant 9 : index
    %get3A_1387 = memref.load %arg13[%get3A_1384, %get3A_1385, %get3A_1386] : memref<3x5x11xf32, #tpu.memory_space<smem>>
    %mul3A_1388 = vector.broadcast %get3A_1387 : f32 to vector<512x128xf32>
    %mul3A_1389 = arith.mulf %mul3A_1388, %get3A_31 : vector<512x128xf32>
    %add3A_1390 = arith.addf %add3A_1383, %mul3A_1389 : vector<512x128xf32>
    %get3A_1391 = arith.constant 2 : index
    %get3A_1392 = arith.constant 3 : index
    %get3A_1393 = arith.constant 10 : index
    %get3A_1394 = memref.load %arg13[%get3A_1391, %get3A_1392, %get3A_1393] : memref<3x5x11xf32, #tpu.memory_space<smem>>
    %mul3A_1395 = vector.broadcast %get3A_1394 : f32 to vector<512x128xf32>
    %mul3A_1396 = arith.mulf %mul3A_1395, %get3A_34 : vector<512x128xf32>
    %add3A_1397 = arith.addf %add3A_1390, %mul3A_1396 : vector<512x128xf32>
    %mul3A_1398 = vector.broadcast %get3A_1 : vector<512x1xf32> to vector<512x128xf32>
    %mul3A_1399 = arith.mulf %add3A_1397, %mul3A_1398 : vector<512x128xf32>
    %get3A_1400 = arith.constant 3 : index
    %get3A_1401 = arith.constant 0 : index
    %get3A_1402 = arith.constant 0 : index
    %get3A_1403 = vector.load %arg14[%get3A_1400, %get3A_1401, %get3A_1402] : memref<5x128x128xf32, #tpu.memory_space<vmem>>, vector<1x128x128xf32>
    %get3A_1404 = vector.shape_cast %get3A_1403 : vector<1x128x128xf32> to vector<128x128xf32>
    %dot_general3A_1405 = arith.constant dense<0.000000e+00> : vector<512x128xf32>
    %dot_general3A_1406 = tpu.matmul %mul3A_1399, %get3A_1404, %dot_general3A_1405 {dimension_numbers = #tpu.dot_dimension_numbers<[1], [0], [0], [1], [0, 0, 1, 1], [], []>, transpose_lhs_hint = false} : vector<512x128xf32>, vector<128x128xf32>, vector<512x128xf32> -> vector<512x128xf32>
    %ge3A_1407 = arith.constant 0.000000e+00 : f32
    %ge3A_1408 = vector.broadcast %ge3A_1407 : f32 to vector<512x128xf32>
    %ge3A_1409 = arith.cmpf oge, %dot_general3A_1406, %ge3A_1408 : vector<512x128xf32>
    %mul3A_1410 = arith.constant 0.00999999977 : f32
    %mul3A_1411 = vector.broadcast %mul3A_1410 : f32 to vector<512x128xf32>
    %mul3A_1412 = arith.mulf %mul3A_1411, %dot_general3A_1406 : vector<512x128xf32>
    %select_n3A_1413 = arith.select %ge3A_1409, %dot_general3A_1406, %mul3A_1412 : vector<512x128xi1>, vector<512x128xf32>
    %mul3A_1414 = arith.mulf %select_n3A_1413, %tanh3A_1033 : vector<512x128xf32>
    %reduce_sum3A_1415 = arith.constant dense<0.000000e+00> : vector<512xf32>
    %reduce_sum3A_1416 = vector.multi_reduction <add>, %mul3A_1414, %reduce_sum3A_1415 [1] : vector<512x128xf32> to vector<512xf32>
    %broadcast_in_dim3A_1417 = vector.shape_cast %reduce_sum3A_1416 : vector<512xf32> to vector<512x1xf32>
    %get3A_1418 = arith.constant 2 : index
    %get3A_1419 = arith.constant 4 : index
    %get3A_1420 = arith.constant 0 : index
    %get3A_1421 = memref.load %arg13[%get3A_1418, %get3A_1419, %get3A_1420] : memref<3x5x11xf32, #tpu.memory_space<smem>>
    %mul3A_1422 = vector.broadcast %get3A_1421 : f32 to vector<512x128xf32>
    %mul3A_1423 = arith.mulf %mul3A_1422, %get3A_4 : vector<512x128xf32>
    %get3A_1424 = arith.constant 2 : index
    %get3A_1425 = arith.constant 4 : index
    %get3A_1426 = arith.constant 1 : index
    %get3A_1427 = memref.load %arg13[%get3A_1424, %get3A_1425, %get3A_1426] : memref<3x5x11xf32, #tpu.memory_space<smem>>
    %mul3A_1428 = vector.broadcast %get3A_1427 : f32 to vector<512x128xf32>
    %mul3A_1429 = arith.mulf %mul3A_1428, %get3A_7 : vector<512x128xf32>
    %add3A_1430 = arith.addf %mul3A_1423, %mul3A_1429 : vector<512x128xf32>
    %get3A_1431 = arith.constant 2 : index
    %get3A_1432 = arith.constant 4 : index
    %get3A_1433 = arith.constant 2 : index
    %get3A_1434 = memref.load %arg13[%get3A_1431, %get3A_1432, %get3A_1433] : memref<3x5x11xf32, #tpu.memory_space<smem>>
    %mul3A_1435 = vector.broadcast %get3A_1434 : f32 to vector<512x128xf32>
    %mul3A_1436 = arith.mulf %mul3A_1435, %get3A_10 : vector<512x128xf32>
    %add3A_1437 = arith.addf %add3A_1430, %mul3A_1436 : vector<512x128xf32>
    %get3A_1438 = arith.constant 2 : index
    %get3A_1439 = arith.constant 4 : index
    %get3A_1440 = arith.constant 3 : index
    %get3A_1441 = memref.load %arg13[%get3A_1438, %get3A_1439, %get3A_1440] : memref<3x5x11xf32, #tpu.memory_space<smem>>
    %mul3A_1442 = vector.broadcast %get3A_1441 : f32 to vector<512x128xf32>
    %mul3A_1443 = arith.mulf %mul3A_1442, %get3A_13 : vector<512x128xf32>
    %add3A_1444 = arith.addf %add3A_1437, %mul3A_1443 : vector<512x128xf32>
    %get3A_1445 = arith.constant 2 : index
    %get3A_1446 = arith.constant 4 : index
    %get3A_1447 = arith.constant 4 : index
    %get3A_1448 = memref.load %arg13[%get3A_1445, %get3A_1446, %get3A_1447] : memref<3x5x11xf32, #tpu.memory_space<smem>>
    %mul3A_1449 = vector.broadcast %get3A_1448 : f32 to vector<512x128xf32>
    %mul3A_1450 = arith.mulf %mul3A_1449, %get3A_16 : vector<512x128xf32>
    %add3A_1451 = arith.addf %add3A_1444, %mul3A_1450 : vector<512x128xf32>
    %get3A_1452 = arith.constant 2 : index
    %get3A_1453 = arith.constant 4 : index
    %get3A_1454 = arith.constant 5 : index
    %get3A_1455 = memref.load %arg13[%get3A_1452, %get3A_1453, %get3A_1454] : memref<3x5x11xf32, #tpu.memory_space<smem>>
    %mul3A_1456 = vector.broadcast %get3A_1455 : f32 to vector<512x128xf32>
    %mul3A_1457 = arith.mulf %mul3A_1456, %get3A_19 : vector<512x128xf32>
    %add3A_1458 = arith.addf %add3A_1451, %mul3A_1457 : vector<512x128xf32>
    %get3A_1459 = arith.constant 2 : index
    %get3A_1460 = arith.constant 4 : index
    %get3A_1461 = arith.constant 6 : index
    %get3A_1462 = memref.load %arg13[%get3A_1459, %get3A_1460, %get3A_1461] : memref<3x5x11xf32, #tpu.memory_space<smem>>
    %mul3A_1463 = vector.broadcast %get3A_1462 : f32 to vector<512x128xf32>
    %mul3A_1464 = arith.mulf %mul3A_1463, %get3A_22 : vector<512x128xf32>
    %add3A_1465 = arith.addf %add3A_1458, %mul3A_1464 : vector<512x128xf32>
    %get3A_1466 = arith.constant 2 : index
    %get3A_1467 = arith.constant 4 : index
    %get3A_1468 = arith.constant 7 : index
    %get3A_1469 = memref.load %arg13[%get3A_1466, %get3A_1467, %get3A_1468] : memref<3x5x11xf32, #tpu.memory_space<smem>>
    %mul3A_1470 = vector.broadcast %get3A_1469 : f32 to vector<512x128xf32>
    %mul3A_1471 = arith.mulf %mul3A_1470, %get3A_25 : vector<512x128xf32>
    %add3A_1472 = arith.addf %add3A_1465, %mul3A_1471 : vector<512x128xf32>
    %get3A_1473 = arith.constant 2 : index
    %get3A_1474 = arith.constant 4 : index
    %get3A_1475 = arith.constant 8 : index
    %get3A_1476 = memref.load %arg13[%get3A_1473, %get3A_1474, %get3A_1475] : memref<3x5x11xf32, #tpu.memory_space<smem>>
    %mul3A_1477 = vector.broadcast %get3A_1476 : f32 to vector<512x128xf32>
    %mul3A_1478 = arith.mulf %mul3A_1477, %get3A_28 : vector<512x128xf32>
    %add3A_1479 = arith.addf %add3A_1472, %mul3A_1478 : vector<512x128xf32>
    %get3A_1480 = arith.constant 2 : index
    %get3A_1481 = arith.constant 4 : index
    %get3A_1482 = arith.constant 9 : index
    %get3A_1483 = memref.load %arg13[%get3A_1480, %get3A_1481, %get3A_1482] : memref<3x5x11xf32, #tpu.memory_space<smem>>
    %mul3A_1484 = vector.broadcast %get3A_1483 : f32 to vector<512x128xf32>
    %mul3A_1485 = arith.mulf %mul3A_1484, %get3A_31 : vector<512x128xf32>
    %add3A_1486 = arith.addf %add3A_1479, %mul3A_1485 : vector<512x128xf32>
    %get3A_1487 = arith.constant 2 : index
    %get3A_1488 = arith.constant 4 : index
    %get3A_1489 = arith.constant 10 : index
    %get3A_1490 = memref.load %arg13[%get3A_1487, %get3A_1488, %get3A_1489] : memref<3x5x11xf32, #tpu.memory_space<smem>>
    %mul3A_1491 = vector.broadcast %get3A_1490 : f32 to vector<512x128xf32>
    %mul3A_1492 = arith.mulf %mul3A_1491, %get3A_34 : vector<512x128xf32>
    %add3A_1493 = arith.addf %add3A_1486, %mul3A_1492 : vector<512x128xf32>
    %mul3A_1494 = vector.broadcast %get3A_1 : vector<512x1xf32> to vector<512x128xf32>
    %mul3A_1495 = arith.mulf %add3A_1493, %mul3A_1494 : vector<512x128xf32>
    %get3A_1496 = arith.constant 4 : index
    %get3A_1497 = arith.constant 0 : index
    %get3A_1498 = arith.constant 0 : index
    %get3A_1499 = vector.load %arg14[%get3A_1496, %get3A_1497, %get3A_1498] : memref<5x128x128xf32, #tpu.memory_space<vmem>>, vector<1x128x128xf32>
    %get3A_1500 = vector.shape_cast %get3A_1499 : vector<1x128x128xf32> to vector<128x128xf32>
    %dot_general3A_1501 = arith.constant dense<0.000000e+00> : vector<512x128xf32>
    %dot_general3A_1502 = tpu.matmul %mul3A_1495, %get3A_1500, %dot_general3A_1501 {dimension_numbers = #tpu.dot_dimension_numbers<[1], [0], [0], [1], [0, 0, 1, 1], [], []>, transpose_lhs_hint = false} : vector<512x128xf32>, vector<128x128xf32>, vector<512x128xf32> -> vector<512x128xf32>
    %ge3A_1503 = arith.constant 0.000000e+00 : f32
    %ge3A_1504 = vector.broadcast %ge3A_1503 : f32 to vector<512x128xf32>
    %ge3A_1505 = arith.cmpf oge, %dot_general3A_1502, %ge3A_1504 : vector<512x128xf32>
    %mul3A_1506 = arith.constant 0.00999999977 : f32
    %mul3A_1507 = vector.broadcast %mul3A_1506 : f32 to vector<512x128xf32>
    %mul3A_1508 = arith.mulf %mul3A_1507, %dot_general3A_1502 : vector<512x128xf32>
    %select_n3A_1509 = arith.select %ge3A_1505, %dot_general3A_1502, %mul3A_1508 : vector<512x128xi1>, vector<512x128xf32>
    %mul3A_1510 = arith.mulf %select_n3A_1509, %tanh3A_1033 : vector<512x128xf32>
    %reduce_sum3A_1511 = arith.constant dense<0.000000e+00> : vector<512xf32>
    %reduce_sum3A_1512 = vector.multi_reduction <add>, %mul3A_1510, %reduce_sum3A_1511 [1] : vector<512x128xf32> to vector<512xf32>
    %broadcast_in_dim3A_1513 = vector.shape_cast %reduce_sum3A_1512 : vector<512xf32> to vector<512x1xf32>
    %max3A = arith.maximumf %broadcast_in_dim3A_139, %broadcast_in_dim3A_634 : vector<512x1xf32>
    %max3A_1514 = arith.maximumf %max3A, %broadcast_in_dim3A_1129 : vector<512x1xf32>
    %sub3A = arith.subf %broadcast_in_dim3A_139, %max3A_1514 : vector<512x1xf32>
    %exp3A = math.exp %sub3A : vector<512x1xf32>
    %sub3A_1515 = arith.subf %broadcast_in_dim3A_634, %max3A_1514 : vector<512x1xf32>
    %exp3A_1516 = math.exp %sub3A_1515 : vector<512x1xf32>
    %sub3A_1517 = arith.subf %broadcast_in_dim3A_1129, %max3A_1514 : vector<512x1xf32>
    %exp3A_1518 = math.exp %sub3A_1517 : vector<512x1xf32>
    %add3A_1519 = arith.addf %exp3A, %exp3A_1516 : vector<512x1xf32>
    %add3A_1520 = arith.addf %add3A_1519, %exp3A_1518 : vector<512x1xf32>
    %div3A = arith.divf %exp3A, %add3A_1520 : vector<512x1xf32>
    %mul3A_1521 = vector.broadcast %div3A : vector<512x1xf32> to vector<512x128xf32>
    %mul3A_1522 = arith.mulf %mul3A_1521, %select_n3A : vector<512x128xf32>
    %max3A_1523 = arith.maximumf %broadcast_in_dim3A_235, %broadcast_in_dim3A_730 : vector<512x1xf32>
    %max3A_1524 = arith.maximumf %max3A_1523, %broadcast_in_dim3A_1225 : vector<512x1xf32>
    %sub3A_1525 = arith.subf %broadcast_in_dim3A_235, %max3A_1524 : vector<512x1xf32>
    %exp3A_1526 = math.exp %sub3A_1525 : vector<512x1xf32>
    %sub3A_1527 = arith.subf %broadcast_in_dim3A_730, %max3A_1524 : vector<512x1xf32>
    %exp3A_1528 = math.exp %sub3A_1527 : vector<512x1xf32>
    %sub3A_1529 = arith.subf %broadcast_in_dim3A_1225, %max3A_1524 : vector<512x1xf32>
    %exp3A_1530 = math.exp %sub3A_1529 : vector<512x1xf32>
    %add3A_1531 = arith.addf %exp3A_1526, %exp3A_1528 : vector<512x1xf32>
    %add3A_1532 = arith.addf %add3A_1531, %exp3A_1530 : vector<512x1xf32>
    %div3A_1533 = arith.divf %exp3A_1526, %add3A_1532 : vector<512x1xf32>
    %mul3A_1534 = vector.broadcast %div3A_1533 : vector<512x1xf32> to vector<512x128xf32>
    %mul3A_1535 = arith.mulf %mul3A_1534, %select_n3A_231 : vector<512x128xf32>
    %add3A_1536 = arith.addf %mul3A_1522, %mul3A_1535 : vector<512x128xf32>
    %max3A_1537 = arith.maximumf %broadcast_in_dim3A_331, %broadcast_in_dim3A_826 : vector<512x1xf32>
    %max3A_1538 = arith.maximumf %max3A_1537, %broadcast_in_dim3A_1321 : vector<512x1xf32>
    %sub3A_1539 = arith.subf %broadcast_in_dim3A_331, %max3A_1538 : vector<512x1xf32>
    %exp3A_1540 = math.exp %sub3A_1539 : vector<512x1xf32>
    %sub3A_1541 = arith.subf %broadcast_in_dim3A_826, %max3A_1538 : vector<512x1xf32>
    %exp3A_1542 = math.exp %sub3A_1541 : vector<512x1xf32>
    %sub3A_1543 = arith.subf %broadcast_in_dim3A_1321, %max3A_1538 : vector<512x1xf32>
    %exp3A_1544 = math.exp %sub3A_1543 : vector<512x1xf32>
    %add3A_1545 = arith.addf %exp3A_1540, %exp3A_1542 : vector<512x1xf32>
    %add3A_1546 = arith.addf %add3A_1545, %exp3A_1544 : vector<512x1xf32>
    %div3A_1547 = arith.divf %exp3A_1540, %add3A_1546 : vector<512x1xf32>
    %mul3A_1548 = vector.broadcast %div3A_1547 : vector<512x1xf32> to vector<512x128xf32>
    %mul3A_1549 = arith.mulf %mul3A_1548, %select_n3A_327 : vector<512x128xf32>
    %add3A_1550 = arith.addf %add3A_1536, %mul3A_1549 : vector<512x128xf32>
    %max3A_1551 = arith.maximumf %broadcast_in_dim3A_427, %broadcast_in_dim3A_922 : vector<512x1xf32>
    %max3A_1552 = arith.maximumf %max3A_1551, %broadcast_in_dim3A_1417 : vector<512x1xf32>
    %sub3A_1553 = arith.subf %broadcast_in_dim3A_427, %max3A_1552 : vector<512x1xf32>
    %exp3A_1554 = math.exp %sub3A_1553 : vector<512x1xf32>
    %sub3A_1555 = arith.subf %broadcast_in_dim3A_922, %max3A_1552 : vector<512x1xf32>
    %exp3A_1556 = math.exp %sub3A_1555 : vector<512x1xf32>
    %sub3A_1557 = arith.subf %broadcast_in_dim3A_1417, %max3A_1552 : vector<512x1xf32>
    %exp3A_1558 = math.exp %sub3A_1557 : vector<512x1xf32>
    %add3A_1559 = arith.addf %exp3A_1554, %exp3A_1556 : vector<512x1xf32>
    %add3A_1560 = arith.addf %add3A_1559, %exp3A_1558 : vector<512x1xf32>
    %div3A_1561 = arith.divf %exp3A_1554, %add3A_1560 : vector<512x1xf32>
    %mul3A_1562 = vector.broadcast %div3A_1561 : vector<512x1xf32> to vector<512x128xf32>
    %mul3A_1563 = arith.mulf %mul3A_1562, %select_n3A_423 : vector<512x128xf32>
    %add3A_1564 = arith.addf %add3A_1550, %mul3A_1563 : vector<512x128xf32>
    %max3A_1565 = arith.maximumf %broadcast_in_dim3A_523, %broadcast_in_dim3A_1018 : vector<512x1xf32>
    %max3A_1566 = arith.maximumf %max3A_1565, %broadcast_in_dim3A_1513 : vector<512x1xf32>
    %sub3A_1567 = arith.subf %broadcast_in_dim3A_523, %max3A_1566 : vector<512x1xf32>
    %exp3A_1568 = math.exp %sub3A_1567 : vector<512x1xf32>
    %sub3A_1569 = arith.subf %broadcast_in_dim3A_1018, %max3A_1566 : vector<512x1xf32>
    %exp3A_1570 = math.exp %sub3A_1569 : vector<512x1xf32>
    %sub3A_1571 = arith.subf %broadcast_in_dim3A_1513, %max3A_1566 : vector<512x1xf32>
    %exp3A_1572 = math.exp %sub3A_1571 : vector<512x1xf32>
    %add3A_1573 = arith.addf %exp3A_1568, %exp3A_1570 : vector<512x1xf32>
    %add3A_1574 = arith.addf %add3A_1573, %exp3A_1572 : vector<512x1xf32>
    %div3A_1575 = arith.divf %exp3A_1568, %add3A_1574 : vector<512x1xf32>
    %mul3A_1576 = vector.broadcast %div3A_1575 : vector<512x1xf32> to vector<512x128xf32>
    %mul3A_1577 = arith.mulf %mul3A_1576, %select_n3A_519 : vector<512x128xf32>
    %add3A_1578 = arith.addf %add3A_1564, %mul3A_1577 : vector<512x128xf32>
    %max3A_1579 = arith.maximumf %broadcast_in_dim3A_139, %broadcast_in_dim3A_634 : vector<512x1xf32>
    %max3A_1580 = arith.maximumf %max3A_1579, %broadcast_in_dim3A_1129 : vector<512x1xf32>
    %sub3A_1581 = arith.subf %broadcast_in_dim3A_139, %max3A_1580 : vector<512x1xf32>
    %exp3A_1582 = math.exp %sub3A_1581 : vector<512x1xf32>
    %sub3A_1583 = arith.subf %broadcast_in_dim3A_634, %max3A_1580 : vector<512x1xf32>
    %exp3A_1584 = math.exp %sub3A_1583 : vector<512x1xf32>
    %sub3A_1585 = arith.subf %broadcast_in_dim3A_1129, %max3A_1580 : vector<512x1xf32>
    %exp3A_1586 = math.exp %sub3A_1585 : vector<512x1xf32>
    %add3A_1587 = arith.addf %exp3A_1582, %exp3A_1584 : vector<512x1xf32>
    %add3A_1588 = arith.addf %add3A_1587, %exp3A_1586 : vector<512x1xf32>
    %div3A_1589 = arith.divf %exp3A_1584, %add3A_1588 : vector<512x1xf32>
    %mul3A_1590 = vector.broadcast %div3A_1589 : vector<512x1xf32> to vector<512x128xf32>
    %mul3A_1591 = arith.mulf %mul3A_1590, %select_n3A_630 : vector<512x128xf32>
    %max3A_1592 = arith.maximumf %broadcast_in_dim3A_235, %broadcast_in_dim3A_730 : vector<512x1xf32>
    %max3A_1593 = arith.maximumf %max3A_1592, %broadcast_in_dim3A_1225 : vector<512x1xf32>
    %sub3A_1594 = arith.subf %broadcast_in_dim3A_235, %max3A_1593 : vector<512x1xf32>
    %exp3A_1595 = math.exp %sub3A_1594 : vector<512x1xf32>
    %sub3A_1596 = arith.subf %broadcast_in_dim3A_730, %max3A_1593 : vector<512x1xf32>
    %exp3A_1597 = math.exp %sub3A_1596 : vector<512x1xf32>
    %sub3A_1598 = arith.subf %broadcast_in_dim3A_1225, %max3A_1593 : vector<512x1xf32>
    %exp3A_1599 = math.exp %sub3A_1598 : vector<512x1xf32>
    %add3A_1600 = arith.addf %exp3A_1595, %exp3A_1597 : vector<512x1xf32>
    %add3A_1601 = arith.addf %add3A_1600, %exp3A_1599 : vector<512x1xf32>
    %div3A_1602 = arith.divf %exp3A_1597, %add3A_1601 : vector<512x1xf32>
    %mul3A_1603 = vector.broadcast %div3A_1602 : vector<512x1xf32> to vector<512x128xf32>
    %mul3A_1604 = arith.mulf %mul3A_1603, %select_n3A_726 : vector<512x128xf32>
    %add3A_1605 = arith.addf %mul3A_1591, %mul3A_1604 : vector<512x128xf32>
    %max3A_1606 = arith.maximumf %broadcast_in_dim3A_331, %broadcast_in_dim3A_826 : vector<512x1xf32>
    %max3A_1607 = arith.maximumf %max3A_1606, %broadcast_in_dim3A_1321 : vector<512x1xf32>
    %sub3A_1608 = arith.subf %broadcast_in_dim3A_331, %max3A_1607 : vector<512x1xf32>
    %exp3A_1609 = math.exp %sub3A_1608 : vector<512x1xf32>
    %sub3A_1610 = arith.subf %broadcast_in_dim3A_826, %max3A_1607 : vector<512x1xf32>
    %exp3A_1611 = math.exp %sub3A_1610 : vector<512x1xf32>
    %sub3A_1612 = arith.subf %broadcast_in_dim3A_1321, %max3A_1607 : vector<512x1xf32>
    %exp3A_1613 = math.exp %sub3A_1612 : vector<512x1xf32>
    %add3A_1614 = arith.addf %exp3A_1609, %exp3A_1611 : vector<512x1xf32>
    %add3A_1615 = arith.addf %add3A_1614, %exp3A_1613 : vector<512x1xf32>
    %div3A_1616 = arith.divf %exp3A_1611, %add3A_1615 : vector<512x1xf32>
    %mul3A_1617 = vector.broadcast %div3A_1616 : vector<512x1xf32> to vector<512x128xf32>
    %mul3A_1618 = arith.mulf %mul3A_1617, %select_n3A_822 : vector<512x128xf32>
    %add3A_1619 = arith.addf %add3A_1605, %mul3A_1618 : vector<512x128xf32>
    %max3A_1620 = arith.maximumf %broadcast_in_dim3A_427, %broadcast_in_dim3A_922 : vector<512x1xf32>
    %max3A_1621 = arith.maximumf %max3A_1620, %broadcast_in_dim3A_1417 : vector<512x1xf32>
    %sub3A_1622 = arith.subf %broadcast_in_dim3A_427, %max3A_1621 : vector<512x1xf32>
    %exp3A_1623 = math.exp %sub3A_1622 : vector<512x1xf32>
    %sub3A_1624 = arith.subf %broadcast_in_dim3A_922, %max3A_1621 : vector<512x1xf32>
    %exp3A_1625 = math.exp %sub3A_1624 : vector<512x1xf32>
    %sub3A_1626 = arith.subf %broadcast_in_dim3A_1417, %max3A_1621 : vector<512x1xf32>
    %exp3A_1627 = math.exp %sub3A_1626 : vector<512x1xf32>
    %add3A_1628 = arith.addf %exp3A_1623, %exp3A_1625 : vector<512x1xf32>
    %add3A_1629 = arith.addf %add3A_1628, %exp3A_1627 : vector<512x1xf32>
    %div3A_1630 = arith.divf %exp3A_1625, %add3A_1629 : vector<512x1xf32>
    %mul3A_1631 = vector.broadcast %div3A_1630 : vector<512x1xf32> to vector<512x128xf32>
    %mul3A_1632 = arith.mulf %mul3A_1631, %select_n3A_918 : vector<512x128xf32>
    %add3A_1633 = arith.addf %add3A_1619, %mul3A_1632 : vector<512x128xf32>
    %max3A_1634 = arith.maximumf %broadcast_in_dim3A_523, %broadcast_in_dim3A_1018 : vector<512x1xf32>
    %max3A_1635 = arith.maximumf %max3A_1634, %broadcast_in_dim3A_1513 : vector<512x1xf32>
    %sub3A_1636 = arith.subf %broadcast_in_dim3A_523, %max3A_1635 : vector<512x1xf32>
    %exp3A_1637 = math.exp %sub3A_1636 : vector<512x1xf32>
    %sub3A_1638 = arith.subf %broadcast_in_dim3A_1018, %max3A_1635 : vector<512x1xf32>
    %exp3A_1639 = math.exp %sub3A_1638 : vector<512x1xf32>
    %sub3A_1640 = arith.subf %broadcast_in_dim3A_1513, %max3A_1635 : vector<512x1xf32>
    %exp3A_1641 = math.exp %sub3A_1640 : vector<512x1xf32>
    %add3A_1642 = arith.addf %exp3A_1637, %exp3A_1639 : vector<512x1xf32>
    %add3A_1643 = arith.addf %add3A_1642, %exp3A_1641 : vector<512x1xf32>
    %div3A_1644 = arith.divf %exp3A_1639, %add3A_1643 : vector<512x1xf32>
    %mul3A_1645 = vector.broadcast %div3A_1644 : vector<512x1xf32> to vector<512x128xf32>
    %mul3A_1646 = arith.mulf %mul3A_1645, %select_n3A_1014 : vector<512x128xf32>
    %add3A_1647 = arith.addf %add3A_1633, %mul3A_1646 : vector<512x128xf32>
    %max3A_1648 = arith.maximumf %broadcast_in_dim3A_139, %broadcast_in_dim3A_634 : vector<512x1xf32>
    %max3A_1649 = arith.maximumf %max3A_1648, %broadcast_in_dim3A_1129 : vector<512x1xf32>
    %sub3A_1650 = arith.subf %broadcast_in_dim3A_139, %max3A_1649 : vector<512x1xf32>
    %exp3A_1651 = math.exp %sub3A_1650 : vector<512x1xf32>
    %sub3A_1652 = arith.subf %broadcast_in_dim3A_634, %max3A_1649 : vector<512x1xf32>
    %exp3A_1653 = math.exp %sub3A_1652 : vector<512x1xf32>
    %sub3A_1654 = arith.subf %broadcast_in_dim3A_1129, %max3A_1649 : vector<512x1xf32>
    %exp3A_1655 = math.exp %sub3A_1654 : vector<512x1xf32>
    %add3A_1656 = arith.addf %exp3A_1651, %exp3A_1653 : vector<512x1xf32>
    %add3A_1657 = arith.addf %add3A_1656, %exp3A_1655 : vector<512x1xf32>
    %div3A_1658 = arith.divf %exp3A_1655, %add3A_1657 : vector<512x1xf32>
    %mul3A_1659 = vector.broadcast %div3A_1658 : vector<512x1xf32> to vector<512x128xf32>
    %mul3A_1660 = arith.mulf %mul3A_1659, %select_n3A_1125 : vector<512x128xf32>
    %max3A_1661 = arith.maximumf %broadcast_in_dim3A_235, %broadcast_in_dim3A_730 : vector<512x1xf32>
    %max3A_1662 = arith.maximumf %max3A_1661, %broadcast_in_dim3A_1225 : vector<512x1xf32>
    %sub3A_1663 = arith.subf %broadcast_in_dim3A_235, %max3A_1662 : vector<512x1xf32>
    %exp3A_1664 = math.exp %sub3A_1663 : vector<512x1xf32>
    %sub3A_1665 = arith.subf %broadcast_in_dim3A_730, %max3A_1662 : vector<512x1xf32>
    %exp3A_1666 = math.exp %sub3A_1665 : vector<512x1xf32>
    %sub3A_1667 = arith.subf %broadcast_in_dim3A_1225, %max3A_1662 : vector<512x1xf32>
    %exp3A_1668 = math.exp %sub3A_1667 : vector<512x1xf32>
    %add3A_1669 = arith.addf %exp3A_1664, %exp3A_1666 : vector<512x1xf32>
    %add3A_1670 = arith.addf %add3A_1669, %exp3A_1668 : vector<512x1xf32>
    %div3A_1671 = arith.divf %exp3A_1668, %add3A_1670 : vector<512x1xf32>
    %mul3A_1672 = vector.broadcast %div3A_1671 : vector<512x1xf32> to vector<512x128xf32>
    %mul3A_1673 = arith.mulf %mul3A_1672, %select_n3A_1221 : vector<512x128xf32>
    %add3A_1674 = arith.addf %mul3A_1660, %mul3A_1673 : vector<512x128xf32>
    %max3A_1675 = arith.maximumf %broadcast_in_dim3A_331, %broadcast_in_dim3A_826 : vector<512x1xf32>
    %max3A_1676 = arith.maximumf %max3A_1675, %broadcast_in_dim3A_1321 : vector<512x1xf32>
    %sub3A_1677 = arith.subf %broadcast_in_dim3A_331, %max3A_1676 : vector<512x1xf32>
    %exp3A_1678 = math.exp %sub3A_1677 : vector<512x1xf32>
    %sub3A_1679 = arith.subf %broadcast_in_dim3A_826, %max3A_1676 : vector<512x1xf32>
    %exp3A_1680 = math.exp %sub3A_1679 : vector<512x1xf32>
    %sub3A_1681 = arith.subf %broadcast_in_dim3A_1321, %max3A_1676 : vector<512x1xf32>
    %exp3A_1682 = math.exp %sub3A_1681 : vector<512x1xf32>
    %add3A_1683 = arith.addf %exp3A_1678, %exp3A_1680 : vector<512x1xf32>
    %add3A_1684 = arith.addf %add3A_1683, %exp3A_1682 : vector<512x1xf32>
    %div3A_1685 = arith.divf %exp3A_1682, %add3A_1684 : vector<512x1xf32>
    %mul3A_1686 = vector.broadcast %div3A_1685 : vector<512x1xf32> to vector<512x128xf32>
    %mul3A_1687 = arith.mulf %mul3A_1686, %select_n3A_1317 : vector<512x128xf32>
    %add3A_1688 = arith.addf %add3A_1674, %mul3A_1687 : vector<512x128xf32>
    %max3A_1689 = arith.maximumf %broadcast_in_dim3A_427, %broadcast_in_dim3A_922 : vector<512x1xf32>
    %max3A_1690 = arith.maximumf %max3A_1689, %broadcast_in_dim3A_1417 : vector<512x1xf32>
    %sub3A_1691 = arith.subf %broadcast_in_dim3A_427, %max3A_1690 : vector<512x1xf32>
    %exp3A_1692 = math.exp %sub3A_1691 : vector<512x1xf32>
    %sub3A_1693 = arith.subf %broadcast_in_dim3A_922, %max3A_1690 : vector<512x1xf32>
    %exp3A_1694 = math.exp %sub3A_1693 : vector<512x1xf32>
    %sub3A_1695 = arith.subf %broadcast_in_dim3A_1417, %max3A_1690 : vector<512x1xf32>
    %exp3A_1696 = math.exp %sub3A_1695 : vector<512x1xf32>
    %add3A_1697 = arith.addf %exp3A_1692, %exp3A_1694 : vector<512x1xf32>
    %add3A_1698 = arith.addf %add3A_1697, %exp3A_1696 : vector<512x1xf32>
    %div3A_1699 = arith.divf %exp3A_1696, %add3A_1698 : vector<512x1xf32>
    %mul3A_1700 = vector.broadcast %div3A_1699 : vector<512x1xf32> to vector<512x128xf32>
    %mul3A_1701 = arith.mulf %mul3A_1700, %select_n3A_1413 : vector<512x128xf32>
    %add3A_1702 = arith.addf %add3A_1688, %mul3A_1701 : vector<512x128xf32>
    %max3A_1703 = arith.maximumf %broadcast_in_dim3A_523, %broadcast_in_dim3A_1018 : vector<512x1xf32>
    %max3A_1704 = arith.maximumf %max3A_1703, %broadcast_in_dim3A_1513 : vector<512x1xf32>
    %sub3A_1705 = arith.subf %broadcast_in_dim3A_523, %max3A_1704 : vector<512x1xf32>
    %exp3A_1706 = math.exp %sub3A_1705 : vector<512x1xf32>
    %sub3A_1707 = arith.subf %broadcast_in_dim3A_1018, %max3A_1704 : vector<512x1xf32>
    %exp3A_1708 = math.exp %sub3A_1707 : vector<512x1xf32>
    %sub3A_1709 = arith.subf %broadcast_in_dim3A_1513, %max3A_1704 : vector<512x1xf32>
    %exp3A_1710 = math.exp %sub3A_1709 : vector<512x1xf32>
    %add3A_1711 = arith.addf %exp3A_1706, %exp3A_1708 : vector<512x1xf32>
    %add3A_1712 = arith.addf %add3A_1711, %exp3A_1710 : vector<512x1xf32>
    %div3A_1713 = arith.divf %exp3A_1710, %add3A_1712 : vector<512x1xf32>
    %mul3A_1714 = vector.broadcast %div3A_1713 : vector<512x1xf32> to vector<512x128xf32>
    %mul3A_1715 = arith.mulf %mul3A_1714, %select_n3A_1509 : vector<512x128xf32>
    %add3A_1716 = arith.addf %add3A_1702, %mul3A_1715 : vector<512x128xf32>
    %stack3A = vector.shape_cast %add3A_1578 : vector<512x128xf32> to vector<1x512x128xf32>
    %stack3A_1717 = vector.shape_cast %add3A_1647 : vector<512x128xf32> to vector<1x512x128xf32>
    %stack3A_1718 = vector.shape_cast %add3A_1716 : vector<512x128xf32> to vector<1x512x128xf32>
    %stack3A_1719 = tpu.concatenate %stack3A, %stack3A_1717, %stack3A_1718 in 0 : vector<1x512x128xf32>, vector<1x512x128xf32>, vector<1x512x128xf32> -> vector<3x512x128xf32>
    %swap3A = arith.constant 0 : index
    %swap3A_1720 = arith.constant 0 : index
    %swap3A_1721 = arith.constant 0 : index
    %swap3A_1722 = vector.load %arg17[%swap3A, %swap3A_1720, %swap3A_1721] : memref<3x512x128xf32, #tpu.memory_space<vmem>>, vector<3x512x128xf32>
    tpu.vector_store %arg17[%swap3A, %swap3A_1720, %swap3A_1721], %stack3A_1719 {strides = array<i32>} : memref<3x512x128xf32, #tpu.memory_space<vmem>>, vector<3x512x128xf32>,
    return
  }
  func.func @transform_0(%arg0: i32) -> (i32, i32) {
    %c0_i32 = arith.constant 0 : i32
    %c0_i32_0 = arith.constant 0 : i32
    return %arg0, %c0_i32 : i32, i32
  }
  func.func @transform_1(%arg0: i32) -> (i32, i32) {
    %c0_i32 = arith.constant 0 : i32
    %c0_i32_0 = arith.constant 0 : i32
    return %arg0, %c0_i32 : i32, i32
  }
  func.func @transform_2(%arg0: i32) -> (i32, i32) {
    %c0_i32 = arith.constant 0 : i32
    %c0_i32_0 = arith.constant 0 : i32
    return %arg0, %c0_i32 : i32, i32
  }
  func.func @transform_3(%arg0: i32) -> (i32, i32) {
    %c0_i32 = arith.constant 0 : i32
    %c0_i32_0 = arith.constant 0 : i32
    return %arg0, %c0_i32 : i32, i32
  }
  func.func @transform_4(%arg0: i32) -> (i32, i32) {
    %c0_i32 = arith.constant 0 : i32
    %c0_i32_0 = arith.constant 0 : i32
    return %arg0, %c0_i32 : i32, i32
  }
  func.func @transform_5(%arg0: i32) -> (i32, i32) {
    %c0_i32 = arith.constant 0 : i32
    %c0_i32_0 = arith.constant 0 : i32
    return %arg0, %c0_i32 : i32, i32
  }
  func.func @transform_6(%arg0: i32) -> (i32, i32) {
    %c0_i32 = arith.constant 0 : i32
    %c0_i32_0 = arith.constant 0 : i32
    return %arg0, %c0_i32 : i32, i32
  }
  func.func @transform_7(%arg0: i32) -> (i32, i32) {
    %c0_i32 = arith.constant 0 : i32
    %c0_i32_0 = arith.constant 0 : i32
    return %arg0, %c0_i32 : i32, i32
  }
  func.func @transform_8(%arg0: i32) -> (i32, i32) {
    %c0_i32 = arith.constant 0 : i32
    %c0_i32_0 = arith.constant 0 : i32
    return %arg0, %c0_i32 : i32, i32
  }
  func.func @transform_9(%arg0: i32) -> (i32, i32) {
    %c0_i32 = arith.constant 0 : i32
    %c0_i32_0 = arith.constant 0 : i32
    return %arg0, %c0_i32 : i32, i32
  }
  func.func @transform_10(%arg0: i32) -> (i32, i32) {
    %c0_i32 = arith.constant 0 : i32
    %c0_i32_0 = arith.constant 0 : i32
    return %arg0, %c0_i32 : i32, i32
  }
  func.func @transform_11(%arg0: i32) -> (i32, i32) {
    %c0_i32 = arith.constant 0 : i32
    %c0_i32_0 = arith.constant 0 : i32
    return %arg0, %c0_i32 : i32, i32
  }
  func.func @transform_12(%arg0: i32) -> (i32, i32, i32) {
    %c0_i32 = arith.constant 0 : i32
    %c0_i32_0 = arith.constant 0 : i32
    %c0_i32_1 = arith.constant 0 : i32
    %c0_i32_2 = arith.constant 0 : i32
    return %c0_i32, %c0_i32_0, %c0_i32_1 : i32, i32, i32
  }
  func.func @transform_13(%arg0: i32) -> (i32, i32, i32) {
    %c0_i32 = arith.constant 0 : i32
    %c0_i32_0 = arith.constant 0 : i32
    %c0_i32_1 = arith.constant 0 : i32
    %c0_i32_2 = arith.constant 0 : i32
    return %c0_i32, %c0_i32_0, %c0_i32_1 : i32, i32, i32
  }
  func.func @transform_14(%arg0: i32) -> (i32, i32, i32) {
    %c0_i32 = arith.constant 0 : i32
    %c0_i32_0 = arith.constant 0 : i32
    %c0_i32_1 = arith.constant 0 : i32
    %c0_i32_2 = arith.constant 0 : i32
    return %c0_i32, %c0_i32_0, %c0_i32_1 : i32, i32, i32
  }
  func.func @transform_15(%arg0: i32) -> (i32, i32) {
    %c0_i32 = arith.constant 0 : i32
    %c0_i32_0 = arith.constant 0 : i32
    %c0_i32_1 = arith.constant 0 : i32
    return %c0_i32, %c0_i32_0 : i32, i32
  }
  func.func @transform_16(%arg0: i32) -> (i32, i32, i32) {
    %c0_i32 = arith.constant 0 : i32
    %c0_i32_0 = arith.constant 0 : i32
    %c0_i32_1 = arith.constant 0 : i32
    return %c0_i32, %arg0, %c0_i32_0 : i32, i32, i32
  }
}

module attributes {stable_mosaic.version = 14 : i64} {
  func.func @body(%arg0: i32, %arg1: i32, %arg2: i32, %arg3: memref<1x1024x128xf32, #tpu.memory_space<vmem>>, %arg4: memref<1x1024x128xf32, #tpu.memory_space<vmem>>, %arg5: memref<1x1024x1024xf32, #tpu.memory_space<vmem>>) attributes {dimension_semantics = [#tpu.dimension_semantics<arbitrary>, #tpu.dimension_semantics<arbitrary>, #tpu.dimension_semantics<arbitrary>], iteration_bounds = array<i64: 3, 4, 4>, scalar_prefetch = 0 : i64, scratch_operands = 0 : i64, tpu.core_type = #tpu.core_type<tc>, window_params = [{transform_indices = @transform_0, window_bounds = array<i64: 1, 1024, 128>}, {transform_indices = @transform_1, window_bounds = array<i64: 1, 1024, 128>}, {transform_indices = @transform_2, window_bounds = array<i64: 1, 1024, 1024>}]} {
    %get3A = arith.constant 0 : index
    %get3A_0 = arith.constant 0 : index
    %get3A_1 = arith.constant 0 : index
    %get3A_2 = vector.load %arg3[%get3A, %get3A_0, %get3A_1] : memref<1x1024x128xf32, #tpu.memory_space<vmem>>, vector<1x1024x128xf32>
    %get3A_3 = vector.shape_cast %get3A_2 : vector<1x1024x128xf32> to vector<1024x128xf32>
    %convert_element_type3A = arith.truncf %get3A_3 : vector<1024x128xf32> to vector<1024x128xbf16>
    %get3A_4 = arith.constant 0 : index
    %get3A_5 = arith.constant 0 : index
    %get3A_6 = arith.constant 0 : index
    %get3A_7 = vector.load %arg4[%get3A_4, %get3A_5, %get3A_6] : memref<1x1024x128xf32, #tpu.memory_space<vmem>>, vector<1x1024x128xf32>
    %get3A_8 = vector.shape_cast %get3A_7 : vector<1x1024x128xf32> to vector<1024x128xf32>
    %convert_element_type3A_9 = arith.truncf %get3A_8 : vector<1024x128xf32> to vector<1024x128xbf16>
    %dot_general3A = arith.constant dense<0.000000e+00> : vector<1024x1024xf32>
    %dot_general3A_10 = tpu.matmul %convert_element_type3A, %convert_element_type3A_9, %dot_general3A {dimension_numbers = #tpu.dot_dimension_numbers<[1], [1], [0], [0], [0, 0, 1, 0], [], []>, transpose_lhs_hint = false} : vector<1024x128xbf16>, vector<1024x128xbf16>, vector<1024x1024xf32> -> vector<1024x1024xf32>
    %neg3A = arith.constant 0.000000e+00 : f32
    %neg3A_11 = vector.broadcast %neg3A : f32 to vector<1024x1024xf32>
    %neg3A_12 = arith.subf %neg3A_11, %dot_general3A_10 : vector<1024x1024xf32>
    %exp3A = math.exp %neg3A_12 : vector<1024x1024xf32>
    %add3A = arith.constant 1.000000e+00 : f32
    %add3A_13 = vector.broadcast %add3A : f32 to vector<1024x1024xf32>
    %add3A_14 = arith.addf %add3A_13, %exp3A : vector<1024x1024xf32>
    %div3A = arith.constant 1.000000e+00 : f32
    %div3A_15 = vector.broadcast %div3A : f32 to vector<1024x1024xf32>
    %div3A_16 = arith.divf %div3A_15, %add3A_14 : vector<1024x1024xf32>
    %swap3A = arith.constant 0 : index
    %swap3A_17 = arith.constant 0 : index
    %swap3A_18 = arith.constant 0 : index
    %swap3A_19 = vector.load %arg5[%swap3A, %swap3A_17, %swap3A_18] : memref<1x1024x1024xf32, #tpu.memory_space<vmem>>, vector<1x1024x1024xf32>
    %swap3A_20 = vector.shape_cast %swap3A_19 : vector<1x1024x1024xf32> to vector<1024x1024xf32>
    %swap3A_21 = vector.shape_cast %div3A_16 : vector<1024x1024xf32> to vector<1x1024x1024xf32>
    tpu.vector_store %arg5[%swap3A, %swap3A_17, %swap3A_18], %swap3A_21 {strides = array<i32>} : memref<1x1024x1024xf32, #tpu.memory_space<vmem>>, vector<1x1024x1024xf32>,
    return
  }
  func.func @transform_0(%arg0: i32, %arg1: i32, %arg2: i32) -> (i32, i32, i32) {
    %c0_i32 = arith.constant 0 : i32
    %c0_i32_0 = arith.constant 0 : i32
    return %arg0, %arg1, %c0_i32 : i32, i32, i32
  }
  func.func @transform_1(%arg0: i32, %arg1: i32, %arg2: i32) -> (i32, i32, i32) {
    %c0_i32 = arith.constant 0 : i32
    %c0_i32_0 = arith.constant 0 : i32
    return %arg0, %arg2, %c0_i32 : i32, i32, i32
  }
  func.func @transform_2(%arg0: i32, %arg1: i32, %arg2: i32) -> (i32, i32, i32) {
    %c0_i32 = arith.constant 0 : i32
    return %arg0, %arg1, %arg2 : i32, i32, i32
  }
}

</mosaic_0001>

<sc_bundles>
// kernel: closed_call.8.cloned.1.call-start
scs
__scs_entry_jumppad:
0x0: {  	(pc) =	sbr.rel $0x88, $3  }
0x1: {  	(tag) =	ssettag $0x0;
	lr =	simm.s32 $0x1  }
0x2: {  	[smem:$0x3F97] =	sst lr;
	_ =	strace $0xD0000000  }
0x3: {  	_ = 	snop  }
0x4: {  	_ = 	snop  }
0x5: {  	_ = 	snop  }
0x6: {  	_ = 	snop  }
0x7: {  	_ = 	snop  }
__scs_overlays_trampoline_lowered:
0x8: {  	[smem:$0x3FA6] =	sst s0  }
0x9: {  	[smem:$0x3FA7] =	sst s1  }
0xa: {  	[smem:$0x3FA8] =	sst s2  }
0xb: {  	[smem:$0x3FA9] =	sst s3  }
0xc: {  	[smem:$0x3FAA] =	sst s4  }
0xd: {  	[smem:$0x3FAB] =	sst s5  }
0xe: {  	[smem:$0x3FAC] =	sst s6  }
0xf: {  	[smem:$0x3FAD] =	sst s7  }
0x10: {  	[smem:$0x3FAE] =	sst s8  }
0x11: {  	[smem:$0x3FAF] =	sst s9;
	s0 =	simm.s32 @!p0 $0x0  }
0x12: {  	s1 =	sld [smem:$0x3F95];
	s0 =	simm.s32 @p0 $0x1  }
0x13: {  	[smem:$0x3FB0] =	sst s0;
	s0 =	simm.s32 @!p1 $0x0  }
0x14: {  	s2 =	sld [smem:$0x3F94];
	s0 =	simm.s32 @p1 $0x1  }
0x15: {  	[smem:$0x3FB1] =	sst s0;
	s0 =	simm.s32 @!p2 $0x0  }
0x16: {  	s3 =	sld [smem:$0x3FDB];
	s0 =	simm.s32 @p2 $0x1  }
0x17: {  	s4 =	simm.s32 $0x1BF5;
	[smem:$0x3FB3] =	sst s0  }
0x18: {  	s0 =	sld [smem:$0x3F96];
	_ =	swait.ge [sflag:s4], $0x0  }
0x19: {  	s7 =	sld [smem:$0x3F97]  }
0x1a: {  	s8 =	sadd.s32 $0xFFFFE003, lr  }
0x1b: {  	s9 =	sadd.s32 $0xFFFFFEF7, lr;
	s5 =	simm.s32 $0xFFFFFFFF;
	p2 =	slt.u32 s8, $0xFFFFF086  }
0x1c: {  	p1 =	slt.u32 s9, $0xF7A;
	s5 =	simm.s32 @!p2 $0x0  }
0x1d: {  	s5 =	simm.s32 @p1 $0x1;
	p0 =	seq.s32 s7, s2  }
0x1e: {  	s7 =	smul.u32 @!p0 $0xF7A, s2;
	p2 =	seq.s32 @!p0 s5, $0x0  }
0x1f: {  	s9 =	smul.u32 $0xF7A, s1;
	s8 =	simm.s32 @!p0 $0x1BF5;
	p2 =	por !p2, p0  }
0x20: {  	[sflag:s8] =	ssyncset.s32 @!p0 $0xFFFFF086;
	s6 =	sadd.s32 @!p0 s3, s7;
	s7 =	simm.s32 @!p0 $0x108  }
0x21: {  	s3 =	sadd.s32 s3, s9;
	s6 =	sadd.s32 @!p0 $0x88, s6;
	s7 =	simm.s32 @p2 $0x1082  }
0x22: {  	[simem:s7], [sflag:s8] =	dma.local @!p0 [hbm:s6], $0xF7A  }
0x23: {  	s9 =	sor.u32 $0xD0000000, s2;
	s6 =	simm.s32 $0x108;
	_ =	swait.ge @!p0 [sflag:s8], $0x0  }
0x24: {  	s3 =	sadd.s32 $0x88, s3;
	s6 =	simm.s32 @!p1 $0x1082;
	[sflag:s4] =	ssyncset.s32 $0xFFFFF086  }
0x25: {  	[simem:s6], [sflag:s4] =	dma.local [hbm:s3], $0xF7A  }
0x26: {  	[smem:$0x3F97] =	sst s1;
	(tag) =	ssettag s2;
	_ =	strace s9  }
0x27: {  	s1 =	sld [smem:$0x3FA7]  }
0x28: {  	s2 =	sld [smem:$0x3FA8]  }
0x29: {  	s4 =	sld [smem:$0x3FAA]  }
0x2a: {  	p0 =	seq.s32 s5, $0x0;
	s5 =	sld [smem:$0x3FAB]  }
0x2b: {  	s6 =	sld [smem:$0x3FAC]  }
0x2c: {  	s7 =	sld [smem:$0x3FAD]  }
0x2d: {  	s3 =	simm.s32 $0x108;
	s8 =	sld [smem:$0x3FAE]  }
0x2e: {  	s3 =	simm.s32 @!p0 $0x1082;
	s9 =	sld [smem:$0x3FAF]  }
0x2f: {  	lr =	sadd.s32 s0, s3;
	s0 =	sld [smem:$0x3FA6]  }
0x30: {  	s3 =	sld [smem:$0x3FA9]  }
0x31: {  	[smem:$0x3FB2] =	sst s10  }
0x32: {  	s10 =	sld [smem:$0x3FB0];
	_ =	sdelay $0x3  }
0x33: {  	p0 =	seq.s32 s10, $0x1;
	s10 =	sld [smem:$0x3FB2];
	_ =	sdelay $0x3  }
0x34: {  	[smem:$0x3FB2] =	sst s10  }
0x35: {  	s10 =	sld [smem:$0x3FB1];
	_ =	sdelay $0x3  }
0x36: {  	p1 =	seq.s32 s10, $0x1;
	s10 =	sld [smem:$0x3FB2];
	_ =	sdelay $0x3  }
0x37: {  	[smem:$0x3FB2] =	sst s10  }
0x38: {  	s10 =	sld [smem:$0x3FB3]  }
0x39: {  	_ = 	snop;
	(pc) =	sbr.ind lr, $3  }
0x3a: {  	_ = 	snop  }
0x3b: {  	_ = 	snop  }
0x3c: {  	p2 =	seq.s32 s10, $0x1;
	s10 =	sld [smem:$0x3FB2]  }
0x3d: {  	_ =	shalt  }
0x3e: {  	_ =	shalt  }
0x3f: {  	_ =	shalt  }
0x40: {  	_ =	shalt  }
0x41: {  	_ =	shalt  }
0x42: {  	_ =	shalt  }
0x43: {  	_ =	shalt  }
0x44: {  	_ =	shalt  }
0x45: {  	_ =	shalt  }
0x46: {  	_ =	shalt  }
0x47: {  	_ =	shalt  }
0x48: {  	_ =	shalt  }
0x49: {  	_ =	shalt  }
0x4a: {  	_ =	shalt  }
0x4b: {  	_ =	shalt  }
0x4c: {  	_ =	shalt  }
0x4d: {  	_ =	shalt  }
0x4e: {  	_ =	shalt  }
0x4f: {  	_ =	shalt  }
0x50: {  	_ =	shalt  }
0x51: {  	_ =	shalt  }
0x52: {  	_ =	shalt  }
0x53: {  	_ =	shalt  }
0x54: {  	_ =	shalt  }
0x55: {  	_ =	shalt  }
0x56: {  	_ =	shalt  }
0x57: {  	_ =	shalt  }
0x58: {  	_ =	shalt  }
0x59: {  	_ =	shalt  }
0x5a: {  	_ =	shalt  }
0x5b: {  	_ =	shalt  }
0x5c: {  	_ =	shalt  }
0x5d: {  	_ =	shalt  }
0x5e: {  	_ =	shalt  }
0x5f: {  	_ =	shalt  }
0x60: {  	_ =	shalt  }
0x61: {  	_ =	shalt  }
0x62: {  	_ =	shalt  }
0x63: {  	_ =	shalt  }
0x64: {  	_ =	shalt  }
0x65: {  	_ =	shalt  }
0x66: {  	_ =	shalt  }
0x67: {  	_ =	shalt  }
0x68: {  	_ =	shalt  }
0x69: {  	_ =	shalt  }
0x6a: {  	_ =	shalt  }
0x6b: {  	_ =	shalt  }
0x6c: {  	_ =	shalt  }
0x6d: {  	_ =	shalt  }
0x6e: {  	_ =	shalt  }
0x6f: {  	_ =	shalt  }
0x70: {  	_ =	shalt  }
0x71: {  	_ =	shalt  }
0x72: {  	_ =	shalt  }
0x73: {  	_ =	shalt  }
0x74: {  	_ =	shalt  }
0x75: {  	_ =	shalt  }
0x76: {  	_ =	shalt  }
0x77: {  	_ =	shalt  }
0x78: {  	_ =	shalt  }
0x79: {  	_ =	shalt  }
0x7a: {  	_ =	shalt  }
0x7b: {  	_ =	shalt  }
0x7c: {  	_ =	shalt  }
0x7d: {  	_ =	shalt  }
0x7e: {  	_ =	shalt  }
0x7f: {  	_ =	shalt  }
0x80: {  	_ =	shalt  }
0x81: {  	_ =	shalt  }
0x82: {  	_ =	shalt  }
0x83: {  	_ =	shalt  }
0x84: {  	_ =	shalt  }
0x85: {  	_ =	shalt  }
0x86: {  	_ =	shalt  }
0x87: {  	_ =	shalt  }
.Lfunc_end0:
.L_simem_size_0:
called_computation.2_lowered:
.L_overlay_start_0:
0x88: {  	s2 =	sld [smem:$0x3FD9]  }
0x89: {  	s3 =	sld [smem:$0x3FFE];
	_ =	sdelay $0x1  }
0x8a: {  	s1 =	srdreg.scid  }
0x8b: {  	s0 =	sand.u32 $0x1, s1  }
0x8c: {  	s14 =	sshll.u32 s0, $0xA;
	s2 =	sadd.s32 s3, s2  }
0x8d: {  	s2 =	sadd.s32 s2, s14  }
0x8e: {  	[smem:$0x3FBE] =	sst s2  }
0x8f: {  	_ = 	snop  }
0x90: {  	s2 =	sld [smem:$0x3FD0];
	_ =	sdelay $0x2  }
0x91: {  	s15 =	simm.s32 $0xB;
	s4 =	simm.s32 $0x10  }
0x92: {  	[smem:s4], [sflag:s15] =	dma.local [hbm:s2], $0x1  }
0x93: {  	_ =	swait.eq [sflag:s15], $0x1  }
0x94: {  	[sflag:s15] =	ssyncset.done $0x0  }
0x95: {  	s16 =	sld [smem:$0x10];
	[sflag:s15] =	ssyncadd.s32 $0xFFFFFFFF  }
0x96: {  	s17 =	sld [smem:$0x12];
	(tm) =	ssettm $0x1  }
0x97: {  	s18 =	sld [smem:$0x3FFB];
	_ =	sdelay $0x3  }
0x98: {  	_ =	strace s18  }
0x99: {  	s4 =	sld [smem:$0x3FFC];
	_ =	sdelay $0x3  }
0x9a: {  	_ =	strace s4  }
0x9b: {  	s4 =	sld [smem:$0x3FFD];
	_ =	sdelay $0x3  }
0x9c: {  	_ =	strace s4  }
0x9d: {  	_ =	strace $0x8FFFFFFF  }
0x9e: {  	s19 =	sld [smem:$0x3FDB];
	_ =	sdelay $0x1  }
0x9f: {  	s5 =	simm.s32 $_scs_section_size  }
0xa0: {  	s6 =	simm.s32 $_size__tile_overlayer_lowered;
	s7 =	simm.s32 $_tile_overlayer_lowered  }
0xa1: {  	s22 =	simm.s32 $0x1BFF;
	s21 =	sshll.u32 s7, $0x1;
	s4 =	sadd.s32 s5, s19  }
0xa2: {  	s8 =	simm.s32 $0x0;
	s20 =	sshll.u32 s6, $0x1;
	s6 =	sadd.s32 s21, s4  }
0xa3: {  	[timem:s8], [sflag:s22] =	dma.local [hbm:s6], s20  }
0xa4: {  	_ =	swait.ge [sflag:s22], s20  }
0xa5: {  	s5 =	ssub.s32 $0x0, s20;
	[sflag:s22] =	ssyncset.done $0x0  }
0xa6: {  	[sflag:s22] =	ssyncadd.s32 s5;
	_ =	sdelay $0x1  }
0xa7: {  	s23 =	simm.s32 $0x1B8B  }
0xa8: {  	_ =	swait.ge [sflag:s23], $0x1  }
0xa9: {  	[sflag:s23] =	ssyncset.done $0x0  }
0xaa: {  	s25 =	simm.s32 $0x1B8E;
	s24 =	sld [smem:$0x3FFE];
	[sflag:s23] =	ssyncadd.s32 $0xFFFFFFFF  }
0xab: {  	s26 =	simm.s32 $execute0_lowered;
	[smem:$0x3FD2] =	sst s25  }
0xac: {  	s6 =	sshll.u32 s26, $0x1;
	_ =	strace $0x8000004F;
	[dreg:$0x1] =	wrdreg $0xFFFFFFFF  }
0xad: {  	s28 =	simm.s32 $_size_execute0_lowered;
	s4 =	sadd.s32 s4, s6;
	[dreg:$0x0] =	wrdreg $0x0  }
0xae: {  	s6 =	sshll.u32 s28, $0x1;
	[dreg:$0x2] =	wrdreg s4  }
0xaf: {  	[dreg:$0x3] =	wrdreg s6  }
0xb0: {  	[dreg:$0x4] =	wrdreg $0xC0  }
0xb1: {  	_ =	task [dreg:s8], $0x5FFFF  }
0xb2: {  	[dreg:$0x1] =	wrdreg $0xFFFFFFFF  }
0xb3: {  	[dreg:$0x0] =	wrdreg $0x60  }
0xb4: {  	[dreg:$0x2] =	wrdreg s17  }
0xb5: {  	[dreg:$0x3] =	wrdreg s24  }
0xb6: {  	[dreg:$0x4] =	wrdreg s16  }
0xb7: {  	[dreg:$0x5] =	wrdreg $0x0  }
0xb8: {  	[dreg:$0x6] =	wrdreg $0x9  }
0xb9: {  	_ =	task.clear_ibuf [dreg:s8], $0x7FFFF;
	_ =	strace $0x9000004F  }
0xba: {  	s29 =	simm.s32 $0x9;
	_ =	strace $0x80000051  }
0xbb: {  	_ =	swait.ge [sflag:s29], $0x1  }
0xbc: {  	[sflag:s29] =	ssyncadd.s32 $0xFFFFFFFF  }
0xbd: {  	_ =	strace $0x90000051  }
0xbe: {  	_ =	sfence  }
0xbf: {  	s30 =	sld [smem:$0x0];
	_ =	sdelay $0x2  }
0xc0: {  	s31 =	sshll.u32 s1, $0xD;
	s1 =	sshrl.u32 s1, $0x2  }
0xc1: {  	s3 =	sand.u32 $0x4000, s31;
	s1 =	sadd.s32 s1, s30  }
0xc2: {  	s0 =	sor.u32 s3, s0;
	s1 =	sshll.u32 s1, $0x11  }
0xc3: {  	s0 =	sor.u32 s1, s0  }
0xc4: {  	s0 =	sadd.s32 $0x8F2B, s0  }
0xc5: {  	[sflag:s0] =	ssyncadd.remote.s32 $0x1  }
0xc6: {  	_ =	sfence.sel $0xFFFF  }
0xc7: {  	[dreg:$0x0] =	wrdreg $0xFFFFFFFF;
	(pc) =	sbr.abs _section_cstart, $3  }
0xc8: {  	[dreg:$0x1] =	wrdreg $0xFFFFFFFF  }
0xc9: {  	_ =	task.clear_ibuf [dreg:s8], $0x2FFFF;
	_ =	strace $0x9FFFFFFF  }
0xca: {  	(tm) =	ssettm $0x7FFFFFFF  }
0xcb: {  	_ =	shalt  }
tec
execute0_lowered:
.L_overlay_start_1:
0x0: {  	(tag) =	ssettag $0x1  }
0x1: {  	s1 =	rddreg [dreg:$0x0]  }
0x2: {  	s9 =	rddreg [dreg:$0x1]  }
0x3: {  	s11 =	rddreg [dreg:$0x2]  }
0x4: {  	s2 =	rddreg [dreg:$0x3]  }
0x5: {  	s0 =	rddreg [dreg:$0x4];
	s3 =	simm.s32 $0x0;
	s4 =	srdreg.scid  }
0x6: {  	s14 =	stileid.u32;
	s18 =	simm.s32 $0xC1C0;
	s19 =	simm.s32 $0x4040  }
0x7: {  	s20 =	simm.s32 $0x40C0;
	s21 =	simm.s32 $0x80;
	s22 =	simm.s32 $0x4140  }
0x8: {  	s23 =	simm.s32 $0x1;
	s24 =	simm.s32 $0x8140;
	[smem:$0x7FF] =	sst s3  }
0x9: {  	s6 =	sand.u32 $0x1, s4;
	s5 =	sshll.u32 s14, $0x4;
	s4 =	sadd.s32 $0x14E00, s9  }
0xa: {  	s13 =	sshll.u32 s14, $0xB;
	s29 =	sshll.u32 s14, $0xE;
	s17 =	sadd.s32 $0x40000, s2  }
0xb: {  	p0 =	sne.s32 s14, $0x0;
	s31 =	sshll.u32 s14, $0x6;
	_ =	strace $0x80000050  }
0xc: {  	s7 =	sshll.u32 s6, $0x4;
	s8 =	sand.u32 $0x70, s5;
	s5 =	sadd.s32 $0x2A00, s9  }
0xd: {  	s6 =	ssub.s32 $0x2, s6;
	s13 =	sadd.s32 s13, s9;
	s17 =	sshrl.u32 @!p0 s17, $0x3  }
0xe: {  	s10 =	sor.u32 s14, s7;
	s25 =	sadd.s32 s8, s9;
	s15 =	sshrl.u32 s6, $0x1  }
0xf: {  	s7 =	sadd.s32 s29, s2;
	s14 =	simm.s32 $0x2;
	s26 =	sshll.u32 s10, $0x4  }
0x10: {  	s15 =	ssub.s32 s6, s15;
	s30 =	sshll.u32 s10, $0xB;
	s16 =	sshrl.u32 s7, $0x3  }
0x11: {  	s12 =	sadd.s32 s26, s9;
	s8 =	sand.u32 $0x180, s26;
	s9 =	sadd.s32 $0x1F400, s9  }
0x12: {  	s11 =	sadd.s32 s11, s30;
	s28 =	sadd.s32 s8, s25;
	s8 =	sadd.s32 $0x17400, s13  }
0x13: {  	s10 =	sadd.s32 $0x17200, s12;
	s12 =	smax.u32 s15, $0x1;
	s13 =	simm.s32 $0xC140  }
0x14: {  	s15 =	sor.u32 $0x1C02, s31;
	s25 =	simm.s32 $0x0;
	s6 =	sadd.s32 $0x2400, s28  }
.LBB2_1:
0x15: {  	[tilespmem:s13], [sflag:$0x2] =	stream.linear.gather [hbm4b:s6+s3], $0x80, $0x38;
	[tilespmem:$0xC240] =	vst v63  }
0x16: {  	_ =	swait.ge [sflag:s14], $0x80  }
0x17: {  	[sflag:s14] =	ssyncset.done $0x0  }
0x18: {  	[sflag:s14] =	ssyncadd.s32 $0xFFFFFF80  }
0x19: {  	v0 =	vld [tilespmem:$0xC140];
	_ =	sdelay $0x4  }
0x1a: {  	(v2sf) =	vpush v0, $0x0  }
0x1b: {  	(v2sf) =	vpush v0, $0x1;
	_ =	sdelay $0xd  }
0x1c: {  	s26 =	spop (v2sf)  }
0x1d: {  	s28 =	spop (v2sf)  }
0x1e: {  	[spmem:s16], [sflag:s15] =	dma.local [hbm:s8], $0x800  }
0x1f: {  	_ =	swait.ge [sflag:s14], $0x800  }
0x20: {  	[sflag:s14] =	ssyncset.done $0x0  }
0x21: {  	s29 =	simm.s32 @!p0 $0x2;
	[sflag:s14] =	ssyncadd.s32 $0xFFFFF800  }
0x22: {  	[spmem:s17], [sflag:s15] =	dma.local @!p0 [hbm:s9], $0x80  }
0x23: {  	_ =	swait.ge @!p0 [sflag:s29], $0x80  }
0x24: {  	[sflag:s29] =	ssyncset.done @!p0 $0x0  }
0x25: {  	p1 =	sle.s32 s28, s26;
	[sflag:s29] =	ssyncadd.s32 @!p0 $0xFFFFFF80  }
0x26: {  	[tilespmem:s18], [sflag:$0x2] =	stream.linear.gather [hbm4b:s10+s3], $0x80, $0x38;
	[tilespmem:$0xC240] =	vst v63  }
.Ltmp0:
0x27: {  	_ =	swait.ge [sflag:s14], $0x80;
	(pc) =	sbr.rel @p1 .LBB2_6-.Ltmp0, $3  }
0x28: {  	[sflag:s14] =	ssyncset.done $0x0  }
0x29: {  	[sflag:s14] =	ssyncadd.s32 $0xFFFFFF80  }
0x2a: {  	[bflag:$0x0] =	sbarrier.arrive $0xFFFF;
	_ =	sdelay $0x1  }
0x2b: {  	s29 =	ssub.s32 s28, s26  }
0x2c: {  	p2 =	sne.s32 s29, $0x1  }
.Ltmp1:
0x2d: {  	_ = 	snop;
	(pc) =	sbr.rel @!p2 .LBB2_5-.Ltmp1, $3  }
0x2e: {  	_ =	sdelay $0x1  }
0x2f: {  	s28 =	sshll.u32 s26, $0x4  }
0x30: {  	p1 =	por $0x0, $0x0;
	s26 =	sadd.s32 $0xFFFFFFFF, s29;
	s29 =	sand.u32 $0x1FFFFFF0, s28  }
0x31: {  	s30 =	sadd.s32 s4, s29  }
0x32: {  	[tilespmem:s19], [sflag:$0x2] =	stream.linear.gather [hbm4b:s30+s3], $0x80, $0x38;
	[tilespmem:$0xC240] =	vst v63  }
0x33: {  	_ =	swait.ge [sflag:s14], $0x80  }
0x34: {  	[sflag:s14] =	ssyncset.done $0x0  }
0x35: {  	s29 =	sadd.s32 s5, s29;
	[sflag:s14] =	ssyncadd.s32 $0xFFFFFF80  }
0x36: {  	[tilespmem:s20], [sflag:$0x2] =	stream.linear.gather [hbm4b:s29+s3], $0x80, $0x38;
	[tilespmem:$0xC240] =	vst v63  }
0x37: {  	_ =	swait.ge [sflag:s14], $0x80  }
0x38: {  	[sflag:s14] =	ssyncset.done $0x0  }
0x39: {  	[sflag:s14] =	ssyncadd.s32 $0xFFFFFF80  }
0x3a: {  	[tilespmem:s22], [sflag:$0x1] =	stream.indirect.gather [hbm4b:s1+s21], $0x80, s19, s21, $0xb8;
	[tilespmem:$0xC240] =	vst v63  }
0x3b: {  	p2 =	sne.s32 s26, $0x1;
	_ =	swait.ge [sflag:s23], $0x4000  }
.Ltmp2:
0x3c: {  	[sflag:s23] =	ssyncset.done $0x0;
	(pc) =	sbr.rel @!p2 .LBB2_5-.Ltmp2, $4  }
0x3d: {  	[sflag:s23] =	ssyncadd.s32 $0xFFFFC000  }
0x3e: {  	[spmem:s2] =	stream.indirect.scatter.add.f32 [tilespmem:s22], [sflag:$0x2], $0x80, s20, s21, $0xb8;
	[tilespmem:$0xC240] =	vst v63  }
0x3f: {  	s26 =	sadd.s32 $0xFFFFFFFF, s26;
	s28 =	sadd.s32 $0x10, s28;
	_ =	swait.ge [sflag:s14], $0x4000  }
0x40: {  	p1 =	por $0x1, $0x1;
	s29 =	sand.u32 $0x1FFFFFF0, s28;
	[sflag:s14] =	ssyncset.done $0x0  }
.LBB2_4:
0x41: {  	p2 =	sne.s32 s26, $0x1;
	s30 =	sadd.s32 s4, s29;
	[sflag:s14] =	ssyncadd.s32 $0xFFFFC000  }
0x42: {  	[tilespmem:s19], [sflag:$0x2] =	stream.linear.gather [hbm4b:s30+s3], $0x80, $0x38;
	[tilespmem:$0xC240] =	vst v63  }
0x43: {  	s26 =	sadd.s32 $0xFFFFFFFF, s26;
	_ =	swait.ge [sflag:s14], $0x80  }
0x44: {  	[sflag:s14] =	ssyncset.done $0x0  }
0x45: {  	s29 =	sadd.s32 s5, s29;
	[sflag:s14] =	ssyncadd.s32 $0xFFFFFF80  }
0x46: {  	[tilespmem:s20], [sflag:$0x2] =	stream.linear.gather [hbm4b:s29+s3], $0x80, $0x38;
	[tilespmem:$0xC240] =	vst v63  }
0x47: {  	_ =	swait.ge [sflag:s14], $0x80  }
0x48: {  	[sflag:s14] =	ssyncset.done $0x0  }
0x49: {  	[sflag:s14] =	ssyncadd.s32 $0xFFFFFF80  }
0x4a: {  	[tilespmem:s22], [sflag:$0x1] =	stream.indirect.gather [hbm4b:s1+s21], $0x80, s19, s21, $0xb8;
	[tilespmem:$0xC240] =	vst v63  }
0x4b: {  	_ =	swait.ge [sflag:s23], $0x4000  }
.Ltmp3:
0x4c: {  	[sflag:s23] =	ssyncset.done $0x0;
	(pc) =	sbr.rel @p2 .LBB2_4-.Ltmp3, $4  }
0x4d: {  	[sflag:s23] =	ssyncadd.s32 $0xFFFFC000  }
0x4e: {  	[spmem:s2] =	stream.indirect.scatter.add.f32 [tilespmem:s22], [sflag:$0x2], $0x80, s20, s21, $0xb8;
	[tilespmem:$0xC240] =	vst v63  }
0x4f: {  	s28 =	sadd.s32 $0x10, s28;
	_ =	swait.ge [sflag:s14], $0x4000  }
0x50: {  	s29 =	sand.u32 $0x1FFFFFF0, s28;
	[sflag:s14] =	ssyncset.done $0x0  }
.LBB2_5:
0x51: {  	s26 =	sadd.s32 s4, s29;
	[sflag:s14] =	ssyncadd.s32 @p1 $0xFFFFC000  }
0x52: {  	[tilespmem:s19], [sflag:$0x2] =	stream.linear.gather [hbm4b:s26+s3], $0x80, $0x38;
	[tilespmem:$0xC240] =	vst v63  }
0x53: {  	_ =	swait.ge [sflag:s14], $0x80  }
0x54: {  	[sflag:s14] =	ssyncset.done $0x0  }
0x55: {  	s31 =	sadd.s32 s5, s29;
	[sflag:s14] =	ssyncadd.s32 $0xFFFFFF80  }
0x56: {  	[tilespmem:s20], [sflag:$0x2] =	stream.linear.gather [hbm4b:s31+s3], $0x80, $0x38;
	[tilespmem:$0xC240] =	vst v63  }
0x57: {  	_ =	swait.ge [sflag:s14], $0x80  }
0x58: {  	[sflag:s14] =	ssyncset.done $0x0  }
0x59: {  	[sflag:s14] =	ssyncadd.s32 $0xFFFFFF80  }
0x5a: {  	[tilespmem:s22], [sflag:$0x1] =	stream.indirect.gather [hbm4b:s1+s21], $0x80, s19, s21, $0xb8;
	[tilespmem:$0xC240] =	vst v63  }
0x5b: {  	_ =	swait.ge [sflag:s23], $0x4000  }
0x5c: {  	[sflag:s23] =	ssyncset.done $0x0  }
0x5d: {  	[sflag:s23] =	ssyncadd.s32 $0xFFFFC000  }
0x5e: {  	[spmem:s2] =	stream.indirect.scatter.add.f32 [tilespmem:s22], [sflag:$0x2], $0x80, s20, s21, $0xb8;
	[tilespmem:$0xC240] =	vst v63  }
0x5f: {  	_ =	swait.ge [sflag:s14], $0x4000  }
0x60: {  	[sflag:s14] =	ssyncset.done $0x0  }
0x61: {  	[sflag:s14] =	ssyncadd.s32 $0xFFFFC000  }
.LBB2_6:
0x62: {  	[bflag:$0x0] =	sbarrier.arrive $0xFFFF  }
0x63: {  	[tilespmem:s24], [sflag:$0x2] =	stream.linear.gather [spmem:s7], $0x4000, $0x38;
	[tilespmem:$0xC240] =	vst v63  }
0x64: {  	_ =	swait.ge [sflag:s14], $0x4000  }
0x65: {  	[sflag:s14] =	ssyncset.done $0x0  }
0x66: {  	s26 =	simm.s32 $0x0;
	[sflag:s14] =	ssyncadd.s32 $0xFFFFC000  }
.LBB2_7:
0x67: {  	s28 =	sshll.u32 s26, $0x4  }
0x68: {  	s28 =	sand.u32 $0x3FFFFFF0, s28  }
0x69: {  	s31 =	sshll.u32 s26, $0xB;
	v0 =	vld [tilespmem:s28+$0xC1C0]  }
0x6a: {  	s28 =	sand.u32 $0x3FFFF800, s31  }
0x6b: {  	v1 =	vld [tilespmem:s28+$0x8140]  }
0x6c: {  	v2 =	vld [tilespmem:s28+$0x8150]  }
0x6d: {  	v3 =	vld [tilespmem:s28+$0x8160]  }
0x6e: {  	v5 =	vld [tilespmem:s28+$0x8170];
	v4 =	vbroadcast v0, $0x0  }
0x6f: {  	v6 =	vld [tilespmem:s28+$0x8180]  }
0x70: {  	v7 =	vld [tilespmem:s28+$0x8190];
	v1 =	vmul.f32 v4, v1  }
0x71: {  	v8 =	vld [tilespmem:s28+$0x81A0];
	v2 =	vmul.f32 v2, v4  }
0x72: {  	v14 =	vld [tilespmem:s28+$0x81B0];
	v13 =	vmul.f32 v3, v4;
	[tilespmem:s28+$0x8140] =	vst v1  }
0x73: {  	v16 =	vld [tilespmem:s28+$0x81C0];
	v15 =	vmul.f32 v5, v4;
	[tilespmem:s28+$0x8150] =	vst v2  }
0x74: {  	v18 =	vld [tilespmem:s28+$0x81D0];
	v17 =	vmul.f32 v6, v4;
	[tilespmem:s28+$0x8160] =	vst v13  }
0x75: {  	v20 =	vld [tilespmem:s28+$0x81E0];
	v19 =	vmul.f32 v7, v4;
	[tilespmem:s28+$0x8170] =	vst v15  }
0x76: {  	v9 =	vld [tilespmem:s28+$0x81F0];
	v22 =	vbroadcast v0, $0x1;
	v21 =	vmul.f32 v8, v4;
	[tilespmem:s28+$0x8180] =	vst v17  }
0x77: {  	v24 =	vld [tilespmem:s28+$0x8200];
	v23 =	vmul.f32 v14, v4;
	[tilespmem:s28+$0x8190] =	vst v19  }
0x78: {  	v26 =	vld [tilespmem:s28+$0x8210];
	v25 =	vmul.f32 v16, v22;
	[tilespmem:s28+$0x81A0] =	vst v21  }
0x79: {  	v28 =	vld [tilespmem:s28+$0x8220];
	v27 =	vmul.f32 v18, v22;
	[tilespmem:s28+$0x81B0] =	vst v23  }
0x7a: {  	v30 =	vld [tilespmem:s28+$0x8230];
	v29 =	vmul.f32 v20, v22;
	[tilespmem:s28+$0x81C0] =	vst v25  }
0x7b: {  	v32 =	vld [tilespmem:s28+$0x8240];
	v31 =	vmul.f32 v9, v22;
	[tilespmem:s28+$0x81D0] =	vst v27  }
0x7c: {  	v34 =	vld [tilespmem:s28+$0x8250];
	v33 =	vmul.f32 v24, v22;
	[tilespmem:s28+$0x81E0] =	vst v29  }
0x7d: {  	v36 =	vld [tilespmem:s28+$0x8260];
	v35 =	vmul.f32 v26, v22;
	[tilespmem:s28+$0x81F0] =	vst v31  }
0x7e: {  	v39 =	vld [tilespmem:s28+$0x8270];
	v38 =	vbroadcast v0, $0x2;
	v37 =	vmul.f32 v28, v22;
	[tilespmem:s28+$0x8200] =	vst v33  }
0x7f: {  	v41 =	vld [tilespmem:s28+$0x8280];
	v40 =	vmul.f32 v30, v22;
	[tilespmem:s28+$0x8210] =	vst v35  }
0x80: {  	v43 =	vld [tilespmem:s28+$0x8290];
	v42 =	vmul.f32 v32, v38;
	[tilespmem:s28+$0x8220] =	vst v37  }
0x81: {  	v45 =	vld [tilespmem:s28+$0x82A0];
	v44 =	vmul.f32 v34, v38;
	[tilespmem:s28+$0x8230] =	vst v40  }
0x82: {  	v47 =	vld [tilespmem:s28+$0x82B0];
	v46 =	vmul.f32 v36, v38;
	[tilespmem:s28+$0x8240] =	vst v42  }
0x83: {  	v49 =	vld [tilespmem:s28+$0x82C0];
	v48 =	vmul.f32 v39, v38;
	[tilespmem:s28+$0x8250] =	vst v44  }
0x84: {  	v51 =	vld [tilespmem:s28+$0x82D0];
	v50 =	vmul.f32 v41, v38;
	[tilespmem:s28+$0x8260] =	vst v46  }
0x85: {  	v53 =	vld [tilespmem:s28+$0x82E0];
	v52 =	vmul.f32 v43, v38;
	[tilespmem:s28+$0x8270] =	vst v48  }
0x86: {  	v12 =	vld [tilespmem:s28+$0x8330];
	v55 =	vbroadcast v0, $0x3;
	v54 =	vmul.f32 v45, v38;
	[tilespmem:s28+$0x8280] =	vst v50  }
0x87: {  	v56 =	vld [tilespmem:s28+$0x82F0];
	v57 =	vmul.f32 v47, v38;
	[tilespmem:s28+$0x8290] =	vst v52  }
0x88: {  	v58 =	vld [tilespmem:s28+$0x8300];
	v59 =	vmul.f32 v49, v55;
	[tilespmem:s28+$0x82A0] =	vst v54  }
0x89: {  	v60 =	vld [tilespmem:s28+$0x8310];
	v61 =	vmul.f32 v51, v55;
	[tilespmem:s28+$0x82B0] =	vst v57  }
0x8a: {  	v62 =	vld [tilespmem:s28+$0x8320];
	v63 =	vmul.f32 v53, v55;
	[tilespmem:s28+$0x82C0] =	vst v59  }
0x8b: {  	v14 =	vld [tilespmem:s28+$0x8340];
	v22 =	vmul.f32 v12, v55;
	[tilespmem:s28+$0x82D0] =	vst v61  }
0x8c: {  	v16 =	vld [tilespmem:s28+$0x8350];
	v13 =	vmul.f32 v56, v55;
	[tilespmem:s28+$0x82E0] =	vst v63  }
0x8d: {  	v18 =	vld [tilespmem:s28+$0x8360];
	v15 =	vmul.f32 v58, v55;
	[tilespmem:s28+$0x8330] =	vst v22  }
0x8e: {  	v20 =	vbroadcast v0, $0x4;
	v38 =	vld [tilespmem:s28+$0x83F0];
	v17 =	vmul.f32 v60, v55;
	[tilespmem:s28+$0x82F0] =	vst v13  }
0x8f: {  	v19 =	vmul.f32 v62, v55;
	v21 =	vld [tilespmem:s28+$0x8370];
	[tilespmem:s28+$0x8300] =	vst v15  }
0x90: {  	v23 =	vld [tilespmem:s28+$0x8380];
	[tilespmem:s28+$0x8310] =	vst v17;
	v24 =	vmul.f32 v14, v20  }
0x91: {  	v25 =	vld [tilespmem:s28+$0x8390];
	v37 =	vbroadcast v0, $0x5;
	[tilespmem:s28+$0x8320] =	vst v19;
	v26 =	vmul.f32 v16, v20  }
0x92: {  	v27 =	vld [tilespmem:s28+$0x83A0];
	v28 =	vmul.f32 v18, v20;
	[tilespmem:s28+$0x8340] =	vst v24  }
0x93: {  	v29 =	vld [tilespmem:s28+$0x83B0];
	v47 =	vmul.f32 v38, v37;
	[tilespmem:s28+$0x8350] =	vst v26  }
0x94: {  	v31 =	vld [tilespmem:s28+$0x83C0];
	v30 =	vmul.f32 v21, v20;
	[tilespmem:s28+$0x8360] =	vst v28  }
0x95: {  	v33 =	vld [tilespmem:s28+$0x83D0];
	v32 =	vmul.f32 v23, v20;
	[tilespmem:s28+$0x83F0] =	vst v47  }
0x96: {  	v35 =	vld [tilespmem:s28+$0x83E0];
	v34 =	vmul.f32 v25, v20;
	[tilespmem:s28+$0x8370] =	vst v30  }
0x97: {  	v40 =	vld [tilespmem:s28+$0x8400];
	v36 =	vmul.f32 v27, v20;
	[tilespmem:s28+$0x8380] =	vst v32  }
0x98: {  	v42 =	vld [tilespmem:s28+$0x8410];
	v39 =	vmul.f32 v29, v20;
	[tilespmem:s28+$0x8390] =	vst v34  }
0x99: {  	v44 =	vld [tilespmem:s28+$0x8420];
	v41 =	vmul.f32 v31, v37;
	[tilespmem:s28+$0x83A0] =	vst v36  }
0x9a: {  	v46 =	vld [tilespmem:s28+$0x8430];
	v43 =	vmul.f32 v33, v37;
	[tilespmem:s28+$0x83B0] =	vst v39  }
0x9b: {  	v48 =	vld [tilespmem:s28+$0x8440];
	v45 =	vmul.f32 v35, v37;
	[tilespmem:s28+$0x83C0] =	vst v41  }
0x9c: {  	v50 =	vld [tilespmem:s28+$0x8450];
	v49 =	vmul.f32 v40, v37;
	[tilespmem:s28+$0x83D0] =	vst v43  }
0x9d: {  	v52 =	vld [tilespmem:s28+$0x8460];
	v51 =	vmul.f32 v42, v37;
	[tilespmem:s28+$0x83E0] =	vst v45  }
0x9e: {  	v54 =	vbroadcast v0, $0x6;
	v55 =	vld [tilespmem:s28+$0x8470];
	v53 =	vmul.f32 v44, v37;
	[tilespmem:s28+$0x8400] =	vst v49  }
0x9f: {  	v57 =	vld [tilespmem:s28+$0x8480];
	v56 =	vmul.f32 v46, v37;
	[tilespmem:s28+$0x8410] =	vst v51  }
0xa0: {  	v59 =	vld [tilespmem:s28+$0x8490];
	v58 =	vmul.f32 v48, v54;
	[tilespmem:s28+$0x8420] =	vst v53  }
0xa1: {  	v61 =	vld [tilespmem:s28+$0x84A0];
	v60 =	vmul.f32 v50, v54;
	[tilespmem:s28+$0x8430] =	vst v56  }
0xa2: {  	v63 =	vld [tilespmem:s28+$0x84B0];
	v62 =	vmul.f32 v52, v54;
	[tilespmem:s28+$0x8440] =	vst v58  }
0xa3: {  	v22 =	vld [tilespmem:s28+$0x8500];
	v12 =	vmul.f32 v55, v54;
	[tilespmem:s28+$0x8450] =	vst v60  }
0xa4: {  	v13 =	vld [tilespmem:s28+$0x84C0];
	v14 =	vmul.f32 v57, v54;
	[tilespmem:s28+$0x8460] =	vst v62  }
0xa5: {  	v15 =	vld [tilespmem:s28+$0x84D0];
	v16 =	vmul.f32 v59, v54;
	[tilespmem:s28+$0x8470] =	vst v12  }
0xa6: {  	v17 =	vld [tilespmem:s28+$0x84E0];
	v19 =	vbroadcast v0, $0x7;
	v18 =	vmul.f32 v61, v54;
	[tilespmem:s28+$0x8480] =	vst v14  }
0xa7: {  	v20 =	vld [tilespmem:s28+$0x84F0];
	v21 =	vmul.f32 v63, v54;
	[tilespmem:s28+$0x8490] =	vst v16  }
0xa8: {  	v24 =	vld [tilespmem:s28+$0x8510];
	v31 =	vmul.f32 v22, v19;
	[tilespmem:s28+$0x84A0] =	vst v18  }
0xa9: {  	v26 =	vld [tilespmem:s28+$0x8520];
	v23 =	vmul.f32 v13, v19;
	[tilespmem:s28+$0x84B0] =	vst v21  }
0xaa: {  	v28 =	vld [tilespmem:s28+$0x8530];
	v25 =	vmul.f32 v15, v19;
	[tilespmem:s28+$0x8500] =	vst v31  }
0xab: {  	v37 =	vld [tilespmem:s28+$0x8570];
	v27 =	vmul.f32 v17, v19;
	[tilespmem:s28+$0x84C0] =	vst v23  }
0xac: {  	v47 =	vld [tilespmem:s28+$0x85C0];
	[tilespmem:s28+$0x84D0] =	vst v25;
	v29 =	vmul.f32 v20, v19  }
0xad: {  	v54 =	vld [tilespmem:s28+$0x85F0];
	[tilespmem:s28+$0x84E0] =	vst v27;
	v33 =	vmul.f32 v24, v19  }
0xae: {  	v30 =	vld [tilespmem:s28+$0x8540];
	v36 =	vbroadcast v0, $0x8;
	v35 =	vmul.f32 v26, v19;
	[tilespmem:s28+$0x84F0] =	vst v29  }
0xaf: {  	v32 =	vld [tilespmem:s28+$0x8550];
	v53 =	vbroadcast v0, $0x9;
	v38 =	vmul.f32 v28, v19;
	[tilespmem:s28+$0x8510] =	vst v33  }
0xb0: {  	v34 =	vld [tilespmem:s28+$0x8560];
	v46 =	vmul.f32 v37, v36;
	[tilespmem:s28+$0x8520] =	vst v35  }
0xb1: {  	v39 =	vld [tilespmem:s28+$0x8580];
	v57 =	vmul.f32 v47, v53;
	[tilespmem:s28+$0x8530] =	vst v38  }
0xb2: {  	v41 =	vld [tilespmem:s28+$0x8590];
	v63 =	vmul.f32 v54, v53;
	[tilespmem:s28+$0x8570] =	vst v46  }
0xb3: {  	v43 =	vld [tilespmem:s28+$0x85A0];
	v40 =	vmul.f32 v30, v36;
	[tilespmem:s28+$0x85C0] =	vst v57  }
0xb4: {  	v45 =	vld [tilespmem:s28+$0x85B0];
	v42 =	vmul.f32 v32, v36;
	[tilespmem:s28+$0x85F0] =	vst v63  }
0xb5: {  	v49 =	vld [tilespmem:s28+$0x85D0];
	v44 =	vmul.f32 v34, v36;
	[tilespmem:s28+$0x8540] =	vst v40  }
0xb6: {  	v51 =	vld [tilespmem:s28+$0x85E0];
	v48 =	vmul.f32 v39, v36;
	[tilespmem:s28+$0x8550] =	vst v42  }
0xb7: {  	v56 =	vld [tilespmem:s28+$0x8600];
	v50 =	vmul.f32 v41, v36;
	[tilespmem:s28+$0x8560] =	vst v44  }
0xb8: {  	v58 =	vld [tilespmem:s28+$0x8610];
	v52 =	vmul.f32 v43, v36;
	[tilespmem:s28+$0x8580] =	vst v48  }
0xb9: {  	v60 =	vld [tilespmem:s28+$0x8620];
	v55 =	vmul.f32 v45, v36;
	[tilespmem:s28+$0x8590] =	vst v50  }
0xba: {  	v62 =	vld [tilespmem:s28+$0x8630];
	v59 =	vmul.f32 v49, v53;
	[tilespmem:s28+$0x85A0] =	vst v52  }
0xbb: {  	v12 =	vld [tilespmem:s28+$0x8640];
	v61 =	vmul.f32 v51, v53;
	[tilespmem:s28+$0x85B0] =	vst v55  }
0xbc: {  	v14 =	vld [tilespmem:s28+$0x8650];
	v13 =	vmul.f32 v56, v53;
	[tilespmem:s28+$0x85D0] =	vst v59  }
0xbd: {  	v16 =	vld [tilespmem:s28+$0x8660];
	v15 =	vmul.f32 v58, v53;
	[tilespmem:s28+$0x85E0] =	vst v61  }
0xbe: {  	v18 =	vbroadcast v0, $0xA;
	v21 =	vld [tilespmem:s28+$0x8680];
	v17 =	vmul.f32 v60, v53;
	[tilespmem:s28+$0x8600] =	vst v13  }
0xbf: {  	v23 =	vld [tilespmem:s28+$0x8690];
	v20 =	vmul.f32 v62, v53;
	[tilespmem:s28+$0x8610] =	vst v15  }
0xc0: {  	v25 =	vld [tilespmem:s28+$0x86A0];
	v22 =	vmul.f32 v12, v18;
	[tilespmem:s28+$0x8620] =	vst v17  }
0xc1: {  	v27 =	vld [tilespmem:s28+$0x86B0];
	v24 =	vmul.f32 v14, v18;
	[tilespmem:s28+$0x8630] =	vst v20  }
0xc2: {  	v31 =	vld [tilespmem:s28+$0x86D0];
	v26 =	vmul.f32 v16, v18;
	[tilespmem:s28+$0x8640] =	vst v22  }
0xc3: {  	v19 =	vld [tilespmem:s28+$0x8670];
	v30 =	vmul.f32 v21, v18;
	[tilespmem:s28+$0x8650] =	vst v24  }
0xc4: {  	v29 =	vld [tilespmem:s28+$0x86C0];
	[tilespmem:s28+$0x8660] =	vst v26;
	v32 =	vmul.f32 v23, v18  }
0xc5: {  	v33 =	vld [tilespmem:s28+$0x86E0];
	v35 =	vbroadcast v0, $0xB;
	[tilespmem:s28+$0x8680] =	vst v30;
	v34 =	vmul.f32 v25, v18  }
0xc6: {  	v36 =	vld [tilespmem:s28+$0x86F0];
	v37 =	vmul.f32 v27, v18;
	[tilespmem:s28+$0x8690] =	vst v32  }
0xc7: {  	v38 =	vld [tilespmem:s28+$0x8700];
	v41 =	vmul.f32 v31, v35;
	[tilespmem:s28+$0x86A0] =	vst v34  }
0xc8: {  	v46 =	vld [tilespmem:s28+$0x8740];
	v28 =	vmul.f32 v19, v18;
	[tilespmem:s28+$0x86B0] =	vst v37  }
0xc9: {  	v53 =	vld [tilespmem:s28+$0x8770];
	[tilespmem:s28+$0x86D0] =	vst v41;
	v39 =	vmul.f32 v29, v35  }
0xca: {  	v57 =	vld [tilespmem:s28+$0x8790];
	[tilespmem:s28+$0x8670] =	vst v28;
	v43 =	vmul.f32 v33, v35  }
0xcb: {  	v63 =	vld [tilespmem:s28+$0x87C0];
	v52 =	vbroadcast v0, $0xC;
	v45 =	vmul.f32 v36, v35;
	[tilespmem:s28+$0x86C0] =	vst v39  }
0xcc: {  	v40 =	vld [tilespmem:s28+$0x8710];
	v47 =	vmul.f32 v38, v35;
	[tilespmem:s28+$0x86E0] =	vst v43  }
0xcd: {  	v42 =	vld [tilespmem:s28+$0x8720];
	v56 =	vmul.f32 v46, v52;
	[tilespmem:s28+$0x86F0] =	vst v45  }
0xce: {  	v44 =	vld [tilespmem:s28+$0x8730];
	v17 =	vbroadcast v0, $0xD;
	v62 =	vmul.f32 v53, v52;
	[tilespmem:s28+$0x8700] =	vst v47  }
0xcf: {  	v48 =	vld [tilespmem:s28+$0x8750];
	v14 =	vmul.f32 v57, v52;
	[tilespmem:s28+$0x8740] =	vst v56  }
0xd0: {  	v50 =	vld [tilespmem:s28+$0x8760];
	v21 =	vmul.f32 v63, v17;
	[tilespmem:s28+$0x8770] =	vst v62  }
0xd1: {  	v55 =	vld [tilespmem:s28+$0x8780];
	v49 =	vmul.f32 v40, v35;
	[tilespmem:s28+$0x8790] =	vst v14  }
0xd2: {  	v59 =	vld [tilespmem:s28+$0x87A0];
	v51 =	vmul.f32 v42, v35;
	[tilespmem:s28+$0x87C0] =	vst v21  }
0xd3: {  	v61 =	vld [tilespmem:s28+$0x87B0];
	v54 =	vmul.f32 v44, v35;
	[tilespmem:s28+$0x8710] =	vst v49  }
0xd4: {  	v13 =	vld [tilespmem:s28+$0x87D0];
	v58 =	vmul.f32 v48, v52;
	[tilespmem:s28+$0x8720] =	vst v51  }
0xd5: {  	v15 =	vld [tilespmem:s28+$0x87E0];
	v60 =	vmul.f32 v50, v52;
	[tilespmem:s28+$0x8730] =	vst v54  }
0xd6: {  	v20 =	vld [tilespmem:s28+$0x8800];
	v12 =	vmul.f32 v55, v52;
	[tilespmem:s28+$0x8750] =	vst v58  }
0xd7: {  	v22 =	vld [tilespmem:s28+$0x8810];
	v16 =	vmul.f32 v59, v52;
	[tilespmem:s28+$0x8760] =	vst v60  }
0xd8: {  	v24 =	vld [tilespmem:s28+$0x8820];
	v19 =	vmul.f32 v61, v52;
	[tilespmem:s28+$0x8780] =	vst v12  }
0xd9: {  	v26 =	vld [tilespmem:s28+$0x8830];
	v23 =	vmul.f32 v13, v17;
	[tilespmem:s28+$0x87A0] =	vst v16  }
0xda: {  	v30 =	vld [tilespmem:s28+$0x8850];
	v25 =	vmul.f32 v15, v17;
	[tilespmem:s28+$0x87B0] =	vst v19  }
0xdb: {  	v18 =	vld [tilespmem:s28+$0x87F0];
	v29 =	vmul.f32 v20, v17;
	[tilespmem:s28+$0x87D0] =	vst v23  }
0xdc: {  	v32 =	vld [tilespmem:s28+$0x8860];
	v31 =	vmul.f32 v22, v17;
	[tilespmem:s28+$0x87E0] =	vst v25  }
0xdd: {  	v34 =	vbroadcast v0, $0xE;
	v37 =	vld [tilespmem:s28+$0x8880];
	v33 =	vmul.f32 v24, v17;
	[tilespmem:s28+$0x8800] =	vst v29  }
0xde: {  	v41 =	vld [tilespmem:s28+$0x88A0];
	v36 =	vmul.f32 v26, v17;
	[tilespmem:s28+$0x8810] =	vst v31  }
0xdf: {  	v28 =	vld [tilespmem:s28+$0x8840];
	v40 =	vmul.f32 v30, v34;
	[tilespmem:s28+$0x8820] =	vst v33  }
0xe0: {  	v53 =	vld [tilespmem:s28+$0x8900];
	v27 =	vmul.f32 v18, v17;
	[tilespmem:s28+$0x8830] =	vst v36  }
0xe1: {  	v57 =	vld [tilespmem:s28+$0x8920];
	v42 =	vmul.f32 v32, v34;
	[tilespmem:s28+$0x8850] =	vst v40  }
0xe2: {  	v35 =	vld [tilespmem:s28+$0x8870];
	v46 =	vmul.f32 v37, v34;
	[tilespmem:s28+$0x87F0] =	vst v27  }
0xe3: {  	v0 =	vbroadcast v0, $0xF;
	v39 =	vld [tilespmem:s28+$0x8890];
	v50 =	vmul.f32 v41, v34;
	[tilespmem:s28+$0x8860] =	vst v42  }
0xe4: {  	v43 =	vld [tilespmem:s28+$0x88B0];
	v38 =	vmul.f32 v28, v34;
	[tilespmem:s28+$0x8880] =	vst v46  }
0xe5: {  	v45 =	vld [tilespmem:s28+$0x88C0];
	v61 =	vmul.f32 v53, v0;
	[tilespmem:s28+$0x88A0] =	vst v50  }
0xe6: {  	v47 =	vld [tilespmem:s28+$0x88D0];
	v63 =	vmul.f32 v57, v0;
	[tilespmem:s28+$0x8840] =	vst v38  }
0xe7: {  	v55 =	vld [tilespmem:s28+$0x8910];
	v44 =	vmul.f32 v35, v34;
	[tilespmem:s28+$0x8900] =	vst v61  }
0xe8: {  	v49 =	vld [tilespmem:s28+$0x88E0];
	v48 =	vmul.f32 v39, v34;
	[tilespmem:s28+$0x8920] =	vst v63  }
0xe9: {  	v51 =	vld [tilespmem:s28+$0x88F0];
	v52 =	vmul.f32 v43, v34;
	[tilespmem:s28+$0x8870] =	vst v44  }
0xea: {  	v59 =	vld [tilespmem:s28+$0x8930];
	v54 =	vmul.f32 v45, v0;
	[tilespmem:s28+$0x8890] =	vst v48  }
0xeb: {  	v56 =	vmul.f32 v47, v0;
	[tilespmem:s28+$0x88B0] =	vst v52  }
0xec: {  	p1 =	sne.s32 s26, $0x7;
	v62 =	vmul.f32 v55, v0;
	[tilespmem:s28+$0x88C0] =	vst v54  }
.Ltmp4:
0xed: {  	v58 =	vmul.f32 v49, v0;
	[tilespmem:s28+$0x88D0] =	vst v56;
	(pc) =	sbr.rel @p1 .LBB2_7-.Ltmp4, $4  }
0xee: {  	v60 =	vmul.f32 v51, v0;
	[tilespmem:s28+$0x8910] =	vst v62  }
0xef: {  	v0 =	vmul.f32 v59, v0;
	[tilespmem:s28+$0x88E0] =	vst v58  }
0xf0: {  	[tilespmem:s28+$0x88F0] =	vst v60  }
0xf1: {  	s26 =	sadd.s32 $0x1, s26;
	[tilespmem:s28+$0x8930] =	vst v0  }
0xf2: {  	s25 =	sadd.s32 $0x1, s25  }
0xf3: {  	p1 =	sne.s32 s25, s12  }
.Ltmp5:
0xf4: {  	_ = 	snop;
	(pc) =	sbr.rel @p1 .LBB2_1-.Ltmp5, $4  }
0xf5: {  	[hbm4b:s11+s3] =	stream.linear.scatter [tilespmem:s24], [sflag:$0x2], $0x4000, $0x38;
	[tilespmem:$0xC240] =	vst v63  }
0xf6: {  	_ =	swait.ge [sflag:s14], $0x4000  }
0xf7: {  	[sflag:s14] =	ssyncset.done $0x0  }
0xf8: {  	[sflag:s14] =	ssyncadd.s32 $0xFFFFC000  }
0xf9: {  	_ =	sfence.sel $0x180000  }
0xfa: {  	[bflag:$0x0] =	sbarrier.arrive $0xFFFF  }
0xfb: {  	_ =	strace $0x90000050  }
0xfc: {  	s0 =	sadd.s32 @!p0 $0x100000, s0;
	[bflag:$0x2] =	sbarrier.arrive $0xFFFF  }
0xfd: {  	[sflag:s0] =	ssyncadd.tile.s32 @!p0 $0x1;
	_ =	shalt  }
.Lfunc_end2:
_tile_overlayer_lowered:
.L_overlay_start_2:
0xfe: {  	(tag) =	ssettag $0x2  }
0xff: {  	s0 =	rddreg [dreg:$0x0];
	s2 =	stileid.u32  }
0x100: {  	s1 =	rddreg [dreg:$0x1];
	p0 =	sne.s32 s2, $0x0  }
0x101: {  	s3 =	rddreg [dreg:$0x2];
	[bflag:$0x3] =	sbarrier.arrive $0xFFFF;
	s2 =	simm.s32 @!p0 $0x1C02  }
0x102: {  	[timem:s3], [sflag:s2] =	dma.local @!p0 [hbm:s0], s1  }
0x103: {  	s0 =	simm.s32 @!p0 $0x2  }
0x104: {  	_ =	swait.ge @!p0 [sflag:s0], s1  }
0x105: {  	s1 =	ssub.s32 @!p0 $0x0, s1;
	[sflag:s0] =	ssyncset.done @!p0 $0x0  }
0x106: {  	[sflag:s0] =	ssyncadd.s32 @!p0 s1  }
0x107: {  	[bflag:$0x3] =	sbarrier.arrive $0xFFFF  }
0x108: {  	_ =	shalt  }

// kernel: gather_offload_async_start.1
scs
__scs_entry_jumppad:
0x0: {  	(pc) =	sbr.rel $0x88, $3  }
0x1: {  	(tag) =	ssettag $0x0;
	lr =	simm.s32 $0x1  }
0x2: {  	[smem:$0x3F97] =	sst lr;
	_ =	strace $0xD0000000  }
0x3: {  	_ = 	snop  }
0x4: {  	_ = 	snop  }
0x5: {  	_ = 	snop  }
0x6: {  	_ = 	snop  }
0x7: {  	_ = 	snop  }
__scs_overlays_trampoline_lowered:
0x8: {  	[smem:$0x3FA6] =	sst s0  }
0x9: {  	[smem:$0x3FA7] =	sst s1  }
0xa: {  	[smem:$0x3FA8] =	sst s2  }
0xb: {  	[smem:$0x3FA9] =	sst s3  }
0xc: {  	[smem:$0x3FAA] =	sst s4  }
0xd: {  	[smem:$0x3FAB] =	sst s5  }
0xe: {  	[smem:$0x3FAC] =	sst s6  }
0xf: {  	[smem:$0x3FAD] =	sst s7  }
0x10: {  	[smem:$0x3FAE] =	sst s8  }
0x11: {  	[smem:$0x3FAF] =	sst s9;
	s0 =	simm.s32 @!p0 $0x0  }
0x12: {  	s1 =	sld [smem:$0x3F95];
	s0 =	simm.s32 @p0 $0x1  }
0x13: {  	[smem:$0x3FB0] =	sst s0;
	s0 =	simm.s32 @!p1 $0x0  }
0x14: {  	s2 =	sld [smem:$0x3F94];
	s0 =	simm.s32 @p1 $0x1  }
0x15: {  	[smem:$0x3FB1] =	sst s0;
	s0 =	simm.s32 @!p2 $0x0  }
0x16: {  	s3 =	sld [smem:$0x3FDB];
	s0 =	simm.s32 @p2 $0x1  }
0x17: {  	s4 =	simm.s32 $0x1BF5;
	[smem:$0x3FB3] =	sst s0  }
0x18: {  	s0 =	sld [smem:$0x3F96];
	_ =	swait.ge [sflag:s4], $0x0  }
0x19: {  	s7 =	sld [smem:$0x3F97]  }
0x1a: {  	s8 =	sadd.s32 $0xFFFFE003, lr  }
0x1b: {  	s9 =	sadd.s32 $0xFFFFFEF7, lr;
	s5 =	simm.s32 $0xFFFFFFFF;
	p2 =	slt.u32 s8, $0xFFFFF086  }
0x1c: {  	p1 =	slt.u32 s9, $0xF7A;
	s5 =	simm.s32 @!p2 $0x0  }
0x1d: {  	s5 =	simm.s32 @p1 $0x1;
	p0 =	seq.s32 s7, s2  }
0x1e: {  	s7 =	smul.u32 @!p0 $0xF7A, s2;
	p2 =	seq.s32 @!p0 s5, $0x0  }
0x1f: {  	s9 =	smul.u32 $0xF7A, s1;
	s8 =	simm.s32 @!p0 $0x1BF5;
	p2 =	por !p2, p0  }
0x20: {  	[sflag:s8] =	ssyncset.s32 @!p0 $0xFFFFF086;
	s6 =	sadd.s32 @!p0 s3, s7;
	s7 =	simm.s32 @!p0 $0x108  }
0x21: {  	s3 =	sadd.s32 s3, s9;
	s6 =	sadd.s32 @!p0 $0x88, s6;
	s7 =	simm.s32 @p2 $0x1082  }
0x22: {  	[simem:s7], [sflag:s8] =	dma.local @!p0 [hbm:s6], $0xF7A  }
0x23: {  	s9 =	sor.u32 $0xD0000000, s2;
	s6 =	simm.s32 $0x108;
	_ =	swait.ge @!p0 [sflag:s8], $0x0  }
0x24: {  	s3 =	sadd.s32 $0x88, s3;
	s6 =	simm.s32 @!p1 $0x1082;
	[sflag:s4] =	ssyncset.s32 $0xFFFFF086  }
0x25: {  	[simem:s6], [sflag:s4] =	dma.local [hbm:s3], $0xF7A  }
0x26: {  	[smem:$0x3F97] =	sst s1;
	(tag) =	ssettag s2;
	_ =	strace s9  }
0x27: {  	s1 =	sld [smem:$0x3FA7]  }
0x28: {  	s2 =	sld [smem:$0x3FA8]  }
0x29: {  	s4 =	sld [smem:$0x3FAA]  }
0x2a: {  	p0 =	seq.s32 s5, $0x0;
	s5 =	sld [smem:$0x3FAB]  }
0x2b: {  	s6 =	sld [smem:$0x3FAC]  }
0x2c: {  	s7 =	sld [smem:$0x3FAD]  }
0x2d: {  	s3 =	simm.s32 $0x108;
	s8 =	sld [smem:$0x3FAE]  }
0x2e: {  	s3 =	simm.s32 @!p0 $0x1082;
	s9 =	sld [smem:$0x3FAF]  }
0x2f: {  	lr =	sadd.s32 s0, s3;
	s0 =	sld [smem:$0x3FA6]  }
0x30: {  	s3 =	sld [smem:$0x3FA9]  }
0x31: {  	[smem:$0x3FB2] =	sst s10  }
0x32: {  	s10 =	sld [smem:$0x3FB0];
	_ =	sdelay $0x3  }
0x33: {  	p0 =	seq.s32 s10, $0x1;
	s10 =	sld [smem:$0x3FB2];
	_ =	sdelay $0x3  }
0x34: {  	[smem:$0x3FB2] =	sst s10  }
0x35: {  	s10 =	sld [smem:$0x3FB1];
	_ =	sdelay $0x3  }
0x36: {  	p1 =	seq.s32 s10, $0x1;
	s10 =	sld [smem:$0x3FB2];
	_ =	sdelay $0x3  }
0x37: {  	[smem:$0x3FB2] =	sst s10  }
0x38: {  	s10 =	sld [smem:$0x3FB3]  }
0x39: {  	_ = 	snop;
	(pc) =	sbr.ind lr, $3  }
0x3a: {  	_ = 	snop  }
0x3b: {  	_ = 	snop  }
0x3c: {  	p2 =	seq.s32 s10, $0x1;
	s10 =	sld [smem:$0x3FB2]  }
0x3d: {  	_ =	shalt  }
0x3e: {  	_ =	shalt  }
0x3f: {  	_ =	shalt  }
0x40: {  	_ =	shalt  }
0x41: {  	_ =	shalt  }
0x42: {  	_ =	shalt  }
0x43: {  	_ =	shalt  }
0x44: {  	_ =	shalt  }
0x45: {  	_ =	shalt  }
0x46: {  	_ =	shalt  }
0x47: {  	_ =	shalt  }
0x48: {  	_ =	shalt  }
0x49: {  	_ =	shalt  }
0x4a: {  	_ =	shalt  }
0x4b: {  	_ =	shalt  }
0x4c: {  	_ =	shalt  }
0x4d: {  	_ =	shalt  }
0x4e: {  	_ =	shalt  }
0x4f: {  	_ =	shalt  }
0x50: {  	_ =	shalt  }
0x51: {  	_ =	shalt  }
0x52: {  	_ =	shalt  }
0x53: {  	_ =	shalt  }
0x54: {  	_ =	shalt  }
0x55: {  	_ =	shalt  }
0x56: {  	_ =	shalt  }
0x57: {  	_ =	shalt  }
0x58: {  	_ =	shalt  }
0x59: {  	_ =	shalt  }
0x5a: {  	_ =	shalt  }
0x5b: {  	_ =	shalt  }
0x5c: {  	_ =	shalt  }
0x5d: {  	_ =	shalt  }
0x5e: {  	_ =	shalt  }
0x5f: {  	_ =	shalt  }
0x60: {  	_ =	shalt  }
0x61: {  	_ =	shalt  }
0x62: {  	_ =	shalt  }
0x63: {  	_ =	shalt  }
0x64: {  	_ =	shalt  }
0x65: {  	_ =	shalt  }
0x66: {  	_ =	shalt  }
0x67: {  	_ =	shalt  }
0x68: {  	_ =	shalt  }
0x69: {  	_ =	shalt  }
0x6a: {  	_ =	shalt  }
0x6b: {  	_ =	shalt  }
0x6c: {  	_ =	shalt  }
0x6d: {  	_ =	shalt  }
0x6e: {  	_ =	shalt  }
0x6f: {  	_ =	shalt  }
0x70: {  	_ =	shalt  }
0x71: {  	_ =	shalt  }
0x72: {  	_ =	shalt  }
0x73: {  	_ =	shalt  }
0x74: {  	_ =	shalt  }
0x75: {  	_ =	shalt  }
0x76: {  	_ =	shalt  }
0x77: {  	_ =	shalt  }
0x78: {  	_ =	shalt  }
0x79: {  	_ =	shalt  }
0x7a: {  	_ =	shalt  }
0x7b: {  	_ =	shalt  }
0x7c: {  	_ =	shalt  }
0x7d: {  	_ =	shalt  }
0x7e: {  	_ =	shalt  }
0x7f: {  	_ =	shalt  }
0x80: {  	_ =	shalt  }
0x81: {  	_ =	shalt  }
0x82: {  	_ =	shalt  }
0x83: {  	_ =	shalt  }
0x84: {  	_ =	shalt  }
0x85: {  	_ =	shalt  }
0x86: {  	_ =	shalt  }
0x87: {  	_ =	shalt  }
.Lfunc_end0:
.L_simem_size_0:
called_computation.1_lowered:
.L_overlay_start_0:
0x88: {  	s2 =	sld [smem:$0x3FD9]  }
0x89: {  	s3 =	sld [smem:$0x3FFE];
	_ =	sdelay $0x1  }
0x8a: {  	s1 =	srdreg.scid  }
0x8b: {  	s0 =	sand.u32 $0x1, s1  }
0x8c: {  	s15 =	sshll.u32 s0, $0xA;
	s2 =	sadd.s32 s3, s2  }
0x8d: {  	s2 =	sadd.s32 s2, s15  }
0x8e: {  	[smem:$0x3FBE] =	sst s2  }
0x8f: {  	_ = 	snop  }
0x90: {  	s2 =	sld [smem:$0x3FD0];
	_ =	sdelay $0x2  }
0x91: {  	s4 =	simm.s32 $0xB;
	s16 =	simm.s32 $0x10  }
0x92: {  	[smem:s16], [sflag:s4] =	dma.local [hbm:s2], $0x1  }
0x93: {  	_ =	swait.eq [sflag:s4], $0x1  }
0x94: {  	[sflag:s4] =	ssyncset.done $0x0  }
0x95: {  	s17 =	sld [smem:$0x11];
	[sflag:s4] =	ssyncadd.s32 $0xFFFFFFFF  }
0x96: {  	s18 =	sld [smem:$0x12];
	(tm) =	ssettm $0x1  }
0x97: {  	s19 =	sld [smem:$0x3FFB];
	_ =	sdelay $0x3  }
0x98: {  	_ =	strace s19  }
0x99: {  	s2 =	sld [smem:$0x3FFC];
	_ =	sdelay $0x3  }
0x9a: {  	_ =	strace s2  }
0x9b: {  	s2 =	sld [smem:$0x3FFD];
	_ =	sdelay $0x3  }
0x9c: {  	_ =	strace s2  }
0x9d: {  	_ =	strace $0x8FFFFFFF  }
0x9e: {  	s20 =	sld [smem:$0x3FDB];
	_ =	sdelay $0x1  }
0x9f: {  	s5 =	simm.s32 $_scs_section_size  }
0xa0: {  	s6 =	simm.s32 $_size__tile_overlayer_lowered;
	s7 =	simm.s32 $_tile_overlayer_lowered  }
0xa1: {  	s8 =	simm.s32 $0x1BFF;
	s21 =	sshll.u32 s7, $0x1;
	s5 =	sadd.s32 s5, s20  }
0xa2: {  	s22 =	simm.s32 $0x0;
	s6 =	sshll.u32 s6, $0x1;
	s7 =	sadd.s32 s21, s5  }
0xa3: {  	[timem:s22], [sflag:s8] =	dma.local [hbm:s7], s6  }
0xa4: {  	_ =	swait.ge [sflag:s8], s6  }
0xa5: {  	s6 =	ssub.s32 $0x0, s6;
	[sflag:s8] =	ssyncset.done $0x0  }
0xa6: {  	[sflag:s8] =	ssyncadd.s32 s6;
	_ =	sdelay $0x1  }
0xa7: {  	s23 =	simm.s32 $0x1B8B  }
0xa8: {  	_ =	swait.ge [sflag:s23], $0x1  }
0xa9: {  	[sflag:s23] =	ssyncset.done $0x0  }
0xaa: {  	[sflag:s23] =	ssyncadd.s32 $0xFFFFFFFF  }
0xab: {  	s6 =	sld [smem:$0x0]  }
0xac: {  	s7 =	sand.u32 $0xFFFFFFFE, s1  }
0xad: {  	p0 =	sne.s32 s1, s7  }
0xae: {  	s7 =	sshll.u32 @p0 s7, $0xE  }
0xaf: {  	s7 =	sadd.s32 @p0 $0x11B8D, s7;
	s8 =	sshll.u32 @p0 s6, $0x11  }
0xb0: {  	s7 =	sor.u32 @p0 s8, s7  }
0xb1: {  	[sflag:s7] =	ssyncadd.remote.s32 @p0 $0x1;
	_ =	sdelay $0x1  }
0xb2: {  	s7 =	simm.s32 @p0 $0x1B8D  }
0xb3: {  	_ =	swait.eq @p0 [sflag:s7], $0x1  }
0xb4: {  	[sflag:s7] =	ssyncadd.s32 @p0 $0xFFFFFFFF  }
0xb5: {  	s8 =	sshll.u32 @!p0 s1, $0xE  }
0xb6: {  	s8 =	sor.u32 @!p0 $0x4000, s8;
	s7 =	simm.s32 @!p0 $0x1B8D  }
0xb7: {  	s6 =	sshll.u32 @!p0 s6, $0x11;
	s8 =	sadd.s32 @!p0 $0x11B8D, s8;
	_ =	swait.eq @!p0 [sflag:s7], $0x1  }
0xb8: {  	s6 =	sor.u32 @!p0 s6, s8;
	[sflag:s7] =	ssyncadd.s32 @!p0 $0xFFFFFFFF  }
0xb9: {  	s25 =	simm.s32 $0x1B8E;
	s24 =	sld [smem:$0x3FFE];
	[sflag:s6] =	ssyncadd.remote.s32 @!p0 $0x1  }
0xba: {  	s26 =	simm.s32 $execute0_lowered;
	[smem:$0x3FD2] =	sst s25  }
0xbb: {  	s7 =	sshll.u32 s26, $0x1;
	_ =	strace $0x80000049;
	[dreg:$0x1] =	wrdreg $0xFFFFFFFF  }
0xbc: {  	s28 =	simm.s32 $_size_execute0_lowered;
	s5 =	sadd.s32 s5, s7;
	[dreg:$0x0] =	wrdreg $0x0  }
0xbd: {  	s7 =	sshll.u32 s28, $0x1;
	[dreg:$0x2] =	wrdreg s5  }
0xbe: {  	[dreg:$0x3] =	wrdreg s7  }
0xbf: {  	[dreg:$0x4] =	wrdreg $0xC0  }
0xc0: {  	_ =	task [dreg:s22], $0x5FFFF  }
0xc1: {  	[dreg:$0x1] =	wrdreg $0xFFFFFFFF  }
0xc2: {  	[dreg:$0x0] =	wrdreg $0x60  }
0xc3: {  	[dreg:$0x2] =	wrdreg s24  }
0xc4: {  	[dreg:$0x3] =	wrdreg s18  }
0xc5: {  	[dreg:$0x4] =	wrdreg s17  }
0xc6: {  	[dreg:$0x5] =	wrdreg $0xA  }
0xc7: {  	_ =	task.clear_ibuf [dreg:s22], $0x6FFFF;
	_ =	strace $0x90000049  }
0xc8: {  	s29 =	simm.s32 $0xA;
	_ =	strace $0x8000004B  }
0xc9: {  	_ =	swait.ge [sflag:s29], $0x1  }
0xca: {  	[sflag:s29] =	ssyncadd.s32 $0xFFFFFFFF  }
0xcb: {  	_ =	strace $0x9000004B  }
0xcc: {  	_ =	sfence  }
0xcd: {  	s30 =	sld [smem:$0x0];
	_ =	sdelay $0x2  }
0xce: {  	s31 =	sshll.u32 s1, $0xD;
	s1 =	sshrl.u32 s1, $0x2  }
0xcf: {  	s4 =	sand.u32 $0x4000, s31;
	s1 =	sadd.s32 s1, s30  }
0xd0: {  	s0 =	sor.u32 s4, s0;
	s1 =	sshll.u32 s1, $0x11  }
0xd1: {  	s0 =	sor.u32 s1, s0  }
0xd2: {  	s0 =	sadd.s32 $0x8F2B, s0  }
0xd3: {  	[sflag:s0] =	ssyncadd.remote.s32 $0x1  }
0xd4: {  	_ =	sfence.sel $0xFFFF  }
0xd5: {  	[dreg:$0x0] =	wrdreg $0xFFFFFFFF;
	(pc) =	sbr.abs _section_cstart, $3  }
0xd6: {  	[dreg:$0x1] =	wrdreg $0xFFFFFFFF  }
0xd7: {  	_ =	task.clear_ibuf [dreg:s22], $0x2FFFF;
	_ =	strace $0x9FFFFFFF  }
0xd8: {  	(tm) =	ssettm $0x7FFFFFFF  }
0xd9: {  	_ =	shalt  }
tec
execute0_lowered:
.L_overlay_start_1:
0x0: {  	(tag) =	ssettag $0x1  }
0x1: {  	s8 =	rddreg [dreg:$0x0]  }
0x2: {  	s2 =	rddreg [dreg:$0x1]  }
0x3: {  	s3 =	rddreg [dreg:$0x2];
	s1 =	stileid.u32  }
0x4: {  	s4 =	srdreg.scid;
	s0 =	rddreg [dreg:$0x3];
	_ =	strace $0x8000004A  }
0x5: {  	s7 =	simm.s32 $0x1;
	s9 =	simm.s32 $0x1;
	s10 =	simm.s32 $0x3  }
0x6: {  	s13 =	simm.s32 $0x0;
	s5 =	sand.u32 $0x1, s4;
	s6 =	sshll.u32 s1, $0x1  }
0x7: {  	s12 =	simm.s32 $0x0;
	s4 =	simm.s32 $0x1;
	s5 =	sor.u32 s6, s5  }
.Ltmp0:
0x8: {  	[sflag:s4] =	ssyncpa.u1 $0x0;
	p0 =	slt.u32 s5, $0x9;
	(pc) =	sbr.rel .LBB2_1-.Ltmp0, $4  }
0x9: {  	s6 =	simm.s32 $0x2;
	s7 =	simm.s32 @!p0 $0x0;
	p0 =	sne.s32 s5, $0x8  }
0xa: {  	[sflag:s6] =	ssyncpa.u1 $0x0;
	s5 =	smul.u32 $0x6D0, s5;
	s9 =	simm.s32 @!p0 $0x0  }
0xb: {  	s8 =	sadd.s32 $0x5000, s8;
	[sflag:s10] =	ssyncpa.u1 $0x0;
	s7 =	sadd.s32 s9, s7  }
0xc: {  	vm0 =	vmmov $0xffff;
	s10 =	simm.s32 $0x0;
	s11 =	smov.u32 s5;
	s9 =	sadd.s32 $0x1, s7  }
.LBB2_4:
0xd: {  	v2 =	vnsel vm1, $0x0, v2  }
0xe: {  	vm1 =	vgt.s32 v0, $0x0;
	v2 =	vmin.u32 v2, $0x10FFF  }
0xf: {  	v0 =	vnsel vm1, $0x0, v0  }
0x10: {  	v0 =	vmin.u32 v0, $0x10FFF  }
0x11: {  	[tilespmem:s18], [sflag:$0x1] =	stream.indirect_vreg.gather [hbm4b:s8+s10], $0x1, v1, vm0, $0x4038;
	[tilespmem:$0x1B40] =	vst v63  }
0x12: {  	(ifvalue) =	ssetifvalue $0x7FFFFFFF  }
0x13: {  	[tilespmem:s15], [sflag:$0x1] =	stream.indirect_vreg.gather [hbm4b:s8+s10], $0x1, v2, vm0, $0x4038;
	[tilespmem:$0x1B40] =	vst v63  }
0x14: {  	s29 =	sadd.s32 $0x10, s15;
	(ifvalue) =	ssetifvalue $0x7FFFFFFF  }
0x15: {  	[tilespmem:s29], [sflag:$0x1] =	stream.indirect_vreg.gather [hbm4b:s8+s10], $0x1, v0, vm0, $0x4038;
	[tilespmem:$0x1B40] =	vst v63  }
0x16: {  	_ =	swait.ge [sflag:s4], $0x6D0  }
0x17: {  	s30 =	sshrl.u32 s13, $0x3;
	[sflag:s4] =	ssyncset.done $0x0  }
0x18: {  	s31 =	sand.u32 $0x7, s13;
	s15 =	sadd.s32 s3, s30;
	[sflag:s4] =	ssyncadd.s32 $0xFFFFF930  }
0x19: {  	[hbm4b:s15+s31] =	stream.linear.scatter [tilespmem:s14], [sflag:$0x3], $0x6D0, $0x38;
	[tilespmem:$0x1B40] =	vst v63  }
.LBB2_5:
0x1a: {  	s15 =	sadd.s32 $0xDA00, s11  }
0x1b: {  	p1 =	sgt.s32 s15, $0x1107F  }
0x1c: {  	s15 =	smov.u32 @p1 s5;
	p1 =	sne.s32 s12, s9  }
.Ltmp1:
0x1d: {  	p0 =	slt.u32 s12, $0x2;
	(pc) =	sbr.rel @!p1 .LBB2_6-.Ltmp1, $4  }
0x1e: {  	s14 =	simm.s32 @!p0 $0x3  }
0x1f: {  	_ =	swait.ge @!p0 [sflag:s14], $0x6D0  }
0x20: {  	s16 =	sadd.s32 $0x1, s12;
	s13 =	smov.u32 s11;
	[sflag:s14] =	ssyncset.done @!p0 $0x0  }
0x21: {  	s12 =	smov.u32 s16;
	s11 =	smov.u32 s15;
	[sflag:s14] =	ssyncadd.s32 @!p0 $0xFFFFF930  }
.LBB2_1:
0x22: {  	p0 =	sge.u32 s12, s7  }
0x23: {  	s14 =	sxor.u32 @!p0 $0x1, s12  }
0x24: {  	s14 =	smul.u32 @!p0 $0x1B40, s14  }
0x25: {  	s31 =	sadd.s32 $0xFFFFFFFF, s12;
	s15 =	sshrl.u32 @!p0 s11, $0x3  }
0x26: {  	s16 =	sand.u32 @!p0 $0x7, s11;
	s15 =	sadd.s32 @!p0 s2, s15;
	s14 =	sshra.s32 @!p0 s14, $0x2  }
0x27: {  	[tilespmem:s14], [sflag:$0x2] =	stream.linear.gather @!p0 [hbm4b:s15+s16], $0x6D0, $0x38;
	[tilespmem:$0x1B40] =	vst v63  }
0x28: {  	p0 =	sge.u32 s31, s7  }
.Ltmp2:
0x29: {  	_ = 	snop;
	(pc) =	sbr.rel @p0 .LBB2_5-.Ltmp2, $1  }
0x2a: {  	_ =	sdelay $0x3  }
0x2b: {  	s14 =	sand.u32 $0x1, s12  }
0x2c: {  	_ =	swait.ge [sflag:s6], $0x6D0;
	p0 =	seq.s32 s14, $0x1;
	s14 =	simm.s32 $0x6D0  }
0x2d: {  	[sflag:s6] =	ssyncset.done $0x0;
	s14 =	simm.s32 @!p0 $0x0  }
0x2e: {  	[sflag:s6] =	ssyncadd.s32 $0xFFFFF930;
	(ifvalue) =	ssetifvalue $0x7FFFFFFF;
	v0 =	vld.msk [tilespmem:s14+$0x0 ss:$0x1], $0xffff;
	_ =	sdelay $0x4  }
0x2f: {  	s15 =	sadd.s32 $0x10, s14;
	vm1 =	vgt.s32 v0, $0x0  }
0x30: {  	v2 =	vld.msk [tilespmem:s15+$0x0 ss:$0x1], $0xffff;
	v1 =	vnsel vm1, $0x0, v0  }
0x31: {  	v1 =	vmin.u32 v1, $0x10FFF;
	_ =	sdelay $0x2  }
0x32: {  	s17 =	simm.s32 $0x20;
	s14 =	sadd.s32 $0xDA0, s14;
	s16 =	sadd.s32 $0x10, s15  }
0x33: {  	s15 =	sadd.s32 $0x10, s14;
	s18 =	smov.u32 s14;
	v0 =	vld.msk [tilespmem:s16+$0x0 ss:$0x1], $0xffff;
	vm1 =	vgt.s32 v2, $0x0;
	(ifvalue) =	ssetifvalue $0x7FFFFFFF  }
.LBB2_3:
0x34: {  	[tilespmem:s18], [sflag:$0x1] =	stream.indirect_vreg.gather [hbm4b:s8+s10], $0x1, v1, vm0, $0x4038;
	[tilespmem:$0x1B40] =	vst v63  }
0x35: {  	s17 =	sadd.s32 $0x10, s17  }
0x36: {  	v2 =	vnsel vm1, $0x0, v2;
	p0 =	slt.u32 s17, $0x6C0  }
.Ltmp3:
0x37: {  	s18 =	smov.u32 s15;
	v1 =	vmin.u32 v2, $0x10FFF;
	(pc) =	sbr.rel @p0 .LBB2_3-.Ltmp3, $3  }
0x38: {  	_ =	sdelay $0x1  }
0x39: {  	s16 =	sadd.s32 $0x10, s16  }
0x3a: {  	vm1 =	vgt.s32 v0, $0x0;
	s15 =	sadd.s32 $0x10, s15;
	v2 =	vmov v0;
	(ifvalue) =	ssetifvalue $0x7FFFFFFF;
	v0 =	vld.msk [tilespmem:s16+$0x0 ss:$0x1], $0xffff  }
.Ltmp4:
0x3b: {  	_ = 	snop;
	(pc) =	sbr.rel .LBB2_4-.Ltmp4, $1  }
0x3c: {  	_ =	sdelay $0x3  }
.LBB2_6:
0x3d: {  	_ =	sfence.sel $0x180000  }
0x3e: {  	s2 =	simm.s32 $0x2;
	[bflag:$0x0] =	sbarrier.arrive $0xFFFF  }
0x3f: {  	s30 =	simm.s32 $0x3;
	[sflag:s2] =	ssyncpa.u1 $0x1  }
0x40: {  	s31 =	simm.s32 $0x1;
	[sflag:s30] =	ssyncpa.u1 $0x1  }
0x41: {  	[sflag:s31] =	ssyncpa.u1 $0x1  }
0x42: {  	p0 =	sne.s32 s1, $0x0;
	_ =	strace $0x9000004A  }
0x43: {  	s0 =	sadd.s32 @!p0 $0x100000, s0;
	[bflag:$0x2] =	sbarrier.arrive $0xFFFF  }
0x44: {  	[sflag:s0] =	ssyncadd.tile.s32 @!p0 $0x1;
	_ =	shalt  }
.Lfunc_end2:
_tile_overlayer_lowered:
.L_overlay_start_2:
0x45: {  	(tag) =	ssettag $0x2  }
0x46: {  	s0 =	rddreg [dreg:$0x0];
	s2 =	stileid.u32  }
0x47: {  	s1 =	rddreg [dreg:$0x1];
	p0 =	sne.s32 s2, $0x0  }
0x48: {  	s3 =	rddreg [dreg:$0x2];
	[bflag:$0x3] =	sbarrier.arrive $0xFFFF;
	s2 =	simm.s32 @!p0 $0x1C01  }
0x49: {  	[timem:s3], [sflag:s2] =	dma.local @!p0 [hbm:s0], s1  }
0x4a: {  	s0 =	simm.s32 @!p0 $0x1  }
0x4b: {  	_ =	swait.ge @!p0 [sflag:s0], s1  }
0x4c: {  	s1 =	ssub.s32 @!p0 $0x0, s1;
	[sflag:s0] =	ssyncset.done @!p0 $0x0  }
0x4d: {  	[sflag:s0] =	ssyncadd.s32 @!p0 s1  }
0x4e: {  	[bflag:$0x3] =	sbarrier.arrive $0xFFFF  }
0x4f: {  	_ =	shalt  }

// kernel: gather_offload_async_start
scs
__scs_entry_jumppad:
0x0: {  	(pc) =	sbr.rel $0x88, $3  }
0x1: {  	(tag) =	ssettag $0x0;
	lr =	simm.s32 $0x1  }
0x2: {  	[smem:$0x3F97] =	sst lr;
	_ =	strace $0xD0000000  }
0x3: {  	_ = 	snop  }
0x4: {  	_ = 	snop  }
0x5: {  	_ = 	snop  }
0x6: {  	_ = 	snop  }
0x7: {  	_ = 	snop  }
__scs_overlays_trampoline_lowered:
0x8: {  	[smem:$0x3FA6] =	sst s0  }
0x9: {  	[smem:$0x3FA7] =	sst s1  }
0xa: {  	[smem:$0x3FA8] =	sst s2  }
0xb: {  	[smem:$0x3FA9] =	sst s3  }
0xc: {  	[smem:$0x3FAA] =	sst s4  }
0xd: {  	[smem:$0x3FAB] =	sst s5  }
0xe: {  	[smem:$0x3FAC] =	sst s6  }
0xf: {  	[smem:$0x3FAD] =	sst s7  }
0x10: {  	[smem:$0x3FAE] =	sst s8  }
0x11: {  	[smem:$0x3FAF] =	sst s9;
	s0 =	simm.s32 @!p0 $0x0  }
0x12: {  	s1 =	sld [smem:$0x3F95];
	s0 =	simm.s32 @p0 $0x1  }
0x13: {  	[smem:$0x3FB0] =	sst s0;
	s0 =	simm.s32 @!p1 $0x0  }
0x14: {  	s2 =	sld [smem:$0x3F94];
	s0 =	simm.s32 @p1 $0x1  }
0x15: {  	[smem:$0x3FB1] =	sst s0;
	s0 =	simm.s32 @!p2 $0x0  }
0x16: {  	s3 =	sld [smem:$0x3FDB];
	s0 =	simm.s32 @p2 $0x1  }
0x17: {  	s4 =	simm.s32 $0x1BF5;
	[smem:$0x3FB3] =	sst s0  }
0x18: {  	s0 =	sld [smem:$0x3F96];
	_ =	swait.ge [sflag:s4], $0x0  }
0x19: {  	s7 =	sld [smem:$0x3F97]  }
0x1a: {  	s8 =	sadd.s32 $0xFFFFE003, lr  }
0x1b: {  	s9 =	sadd.s32 $0xFFFFFEF7, lr;
	s5 =	simm.s32 $0xFFFFFFFF;
	p2 =	slt.u32 s8, $0xFFFFF086  }
0x1c: {  	p1 =	slt.u32 s9, $0xF7A;
	s5 =	simm.s32 @!p2 $0x0  }
0x1d: {  	s5 =	simm.s32 @p1 $0x1;
	p0 =	seq.s32 s7, s2  }
0x1e: {  	s7 =	smul.u32 @!p0 $0xF7A, s2;
	p2 =	seq.s32 @!p0 s5, $0x0  }
0x1f: {  	s9 =	smul.u32 $0xF7A, s1;
	s8 =	simm.s32 @!p0 $0x1BF5;
	p2 =	por !p2, p0  }
0x20: {  	[sflag:s8] =	ssyncset.s32 @!p0 $0xFFFFF086;
	s6 =	sadd.s32 @!p0 s3, s7;
	s7 =	simm.s32 @!p0 $0x108  }
0x21: {  	s3 =	sadd.s32 s3, s9;
	s6 =	sadd.s32 @!p0 $0x88, s6;
	s7 =	simm.s32 @p2 $0x1082  }
0x22: {  	[simem:s7], [sflag:s8] =	dma.local @!p0 [hbm:s6], $0xF7A  }
0x23: {  	s9 =	sor.u32 $0xD0000000, s2;
	s6 =	simm.s32 $0x108;
	_ =	swait.ge @!p0 [sflag:s8], $0x0  }
0x24: {  	s3 =	sadd.s32 $0x88, s3;
	s6 =	simm.s32 @!p1 $0x1082;
	[sflag:s4] =	ssyncset.s32 $0xFFFFF086  }
0x25: {  	[simem:s6], [sflag:s4] =	dma.local [hbm:s3], $0xF7A  }
0x26: {  	[smem:$0x3F97] =	sst s1;
	(tag) =	ssettag s2;
	_ =	strace s9  }
0x27: {  	s1 =	sld [smem:$0x3FA7]  }
0x28: {  	s2 =	sld [smem:$0x3FA8]  }
0x29: {  	s4 =	sld [smem:$0x3FAA]  }
0x2a: {  	p0 =	seq.s32 s5, $0x0;
	s5 =	sld [smem:$0x3FAB]  }
0x2b: {  	s6 =	sld [smem:$0x3FAC]  }
0x2c: {  	s7 =	sld [smem:$0x3FAD]  }
0x2d: {  	s3 =	simm.s32 $0x108;
	s8 =	sld [smem:$0x3FAE]  }
0x2e: {  	s3 =	simm.s32 @!p0 $0x1082;
	s9 =	sld [smem:$0x3FAF]  }
0x2f: {  	lr =	sadd.s32 s0, s3;
	s0 =	sld [smem:$0x3FA6]  }
0x30: {  	s3 =	sld [smem:$0x3FA9]  }
0x31: {  	[smem:$0x3FB2] =	sst s10  }
0x32: {  	s10 =	sld [smem:$0x3FB0];
	_ =	sdelay $0x3  }
0x33: {  	p0 =	seq.s32 s10, $0x1;
	s10 =	sld [smem:$0x3FB2];
	_ =	sdelay $0x3  }
0x34: {  	[smem:$0x3FB2] =	sst s10  }
0x35: {  	s10 =	sld [smem:$0x3FB1];
	_ =	sdelay $0x3  }
0x36: {  	p1 =	seq.s32 s10, $0x1;
	s10 =	sld [smem:$0x3FB2];
	_ =	sdelay $0x3  }
0x37: {  	[smem:$0x3FB2] =	sst s10  }
0x38: {  	s10 =	sld [smem:$0x3FB3]  }
0x39: {  	_ = 	snop;
	(pc) =	sbr.ind lr, $3  }
0x3a: {  	_ = 	snop  }
0x3b: {  	_ = 	snop  }
0x3c: {  	p2 =	seq.s32 s10, $0x1;
	s10 =	sld [smem:$0x3FB2]  }
0x3d: {  	_ =	shalt  }
0x3e: {  	_ =	shalt  }
0x3f: {  	_ =	shalt  }
0x40: {  	_ =	shalt  }
0x41: {  	_ =	shalt  }
0x42: {  	_ =	shalt  }
0x43: {  	_ =	shalt  }
0x44: {  	_ =	shalt  }
0x45: {  	_ =	shalt  }
0x46: {  	_ =	shalt  }
0x47: {  	_ =	shalt  }
0x48: {  	_ =	shalt  }
0x49: {  	_ =	shalt  }
0x4a: {  	_ =	shalt  }
0x4b: {  	_ =	shalt  }
0x4c: {  	_ =	shalt  }
0x4d: {  	_ =	shalt  }
0x4e: {  	_ =	shalt  }
0x4f: {  	_ =	shalt  }
0x50: {  	_ =	shalt  }
0x51: {  	_ =	shalt  }
0x52: {  	_ =	shalt  }
0x53: {  	_ =	shalt  }
0x54: {  	_ =	shalt  }
0x55: {  	_ =	shalt  }
0x56: {  	_ =	shalt  }
0x57: {  	_ =	shalt  }
0x58: {  	_ =	shalt  }
0x59: {  	_ =	shalt  }
0x5a: {  	_ =	shalt  }
0x5b: {  	_ =	shalt  }
0x5c: {  	_ =	shalt  }
0x5d: {  	_ =	shalt  }
0x5e: {  	_ =	shalt  }
0x5f: {  	_ =	shalt  }
0x60: {  	_ =	shalt  }
0x61: {  	_ =	shalt  }
0x62: {  	_ =	shalt  }
0x63: {  	_ =	shalt  }
0x64: {  	_ =	shalt  }
0x65: {  	_ =	shalt  }
0x66: {  	_ =	shalt  }
0x67: {  	_ =	shalt  }
0x68: {  	_ =	shalt  }
0x69: {  	_ =	shalt  }
0x6a: {  	_ =	shalt  }
0x6b: {  	_ =	shalt  }
0x6c: {  	_ =	shalt  }
0x6d: {  	_ =	shalt  }
0x6e: {  	_ =	shalt  }
0x6f: {  	_ =	shalt  }
0x70: {  	_ =	shalt  }
0x71: {  	_ =	shalt  }
0x72: {  	_ =	shalt  }
0x73: {  	_ =	shalt  }
0x74: {  	_ =	shalt  }
0x75: {  	_ =	shalt  }
0x76: {  	_ =	shalt  }
0x77: {  	_ =	shalt  }
0x78: {  	_ =	shalt  }
0x79: {  	_ =	shalt  }
0x7a: {  	_ =	shalt  }
0x7b: {  	_ =	shalt  }
0x7c: {  	_ =	shalt  }
0x7d: {  	_ =	shalt  }
0x7e: {  	_ =	shalt  }
0x7f: {  	_ =	shalt  }
0x80: {  	_ =	shalt  }
0x81: {  	_ =	shalt  }
0x82: {  	_ =	shalt  }
0x83: {  	_ =	shalt  }
0x84: {  	_ =	shalt  }
0x85: {  	_ =	shalt  }
0x86: {  	_ =	shalt  }
0x87: {  	_ =	shalt  }
.Lfunc_end0:
.L_simem_size_0:
called_computation_lowered:
.L_overlay_start_0:
0x88: {  	s2 =	sld [smem:$0x3FD9]  }
0x89: {  	s3 =	sld [smem:$0x3FFE];
	_ =	sdelay $0x1  }
0x8a: {  	s1 =	srdreg.scid  }
0x8b: {  	s0 =	sand.u32 $0x1, s1  }
0x8c: {  	s14 =	sshll.u32 s0, $0xA;
	s2 =	sadd.s32 s3, s2  }
0x8d: {  	s2 =	sadd.s32 s2, s14  }
0x8e: {  	[smem:$0x3FBE] =	sst s2  }
0x8f: {  	_ = 	snop  }
0x90: {  	s2 =	sld [smem:$0x3FD0];
	_ =	sdelay $0x2  }
0x91: {  	s15 =	simm.s32 $0xB;
	s4 =	simm.s32 $0x10  }
0x92: {  	[smem:s4], [sflag:s15] =	dma.local [hbm:s2], $0x1  }
0x93: {  	_ =	swait.eq [sflag:s15], $0x1  }
0x94: {  	[sflag:s15] =	ssyncset.done $0x0  }
0x95: {  	s16 =	sld [smem:$0x10];
	[sflag:s15] =	ssyncadd.s32 $0xFFFFFFFF  }
0x96: {  	s17 =	sld [smem:$0x12];
	(tm) =	ssettm $0x1  }
0x97: {  	s18 =	sld [smem:$0x3FFB];
	_ =	sdelay $0x3  }
0x98: {  	_ =	strace s18  }
0x99: {  	s4 =	sld [smem:$0x3FFC];
	_ =	sdelay $0x3  }
0x9a: {  	_ =	strace s4  }
0x9b: {  	s4 =	sld [smem:$0x3FFD];
	_ =	sdelay $0x3  }
0x9c: {  	_ =	strace s4  }
0x9d: {  	_ =	strace $0x8FFFFFFF  }
0x9e: {  	s19 =	sld [smem:$0x3FDB];
	_ =	sdelay $0x1  }
0x9f: {  	s5 =	simm.s32 $_scs_section_size  }
0xa0: {  	s6 =	simm.s32 $_size__tile_overlayer_lowered;
	s7 =	simm.s32 $_tile_overlayer_lowered  }
0xa1: {  	s22 =	simm.s32 $0x1BFF;
	s21 =	sshll.u32 s7, $0x1;
	s4 =	sadd.s32 s5, s19  }
0xa2: {  	s8 =	simm.s32 $0x0;
	s20 =	sshll.u32 s6, $0x1;
	s6 =	sadd.s32 s21, s4  }
0xa3: {  	[timem:s8], [sflag:s22] =	dma.local [hbm:s6], s20  }
0xa4: {  	_ =	swait.ge [sflag:s22], s20  }
0xa5: {  	s5 =	ssub.s32 $0x0, s20;
	[sflag:s22] =	ssyncset.done $0x0  }
0xa6: {  	[sflag:s22] =	ssyncadd.s32 s5;
	_ =	sdelay $0x1  }
0xa7: {  	s23 =	simm.s32 $0x1B8B  }
0xa8: {  	_ =	swait.ge [sflag:s23], $0x1  }
0xa9: {  	[sflag:s23] =	ssyncset.done $0x0  }
0xaa: {  	s25 =	simm.s32 $0x1B8E;
	s24 =	sld [smem:$0x3FFE];
	[sflag:s23] =	ssyncadd.s32 $0xFFFFFFFF  }
0xab: {  	s26 =	simm.s32 $execute0_lowered;
	[smem:$0x3FD2] =	sst s25  }
0xac: {  	s6 =	sshll.u32 s26, $0x1;
	_ =	strace $0x80000046;
	[dreg:$0x1] =	wrdreg $0xFFFFFFFF  }
0xad: {  	s28 =	simm.s32 $_size_execute0_lowered;
	s4 =	sadd.s32 s4, s6;
	[dreg:$0x0] =	wrdreg $0x0  }
0xae: {  	s6 =	sshll.u32 s28, $0x1;
	[dreg:$0x2] =	wrdreg s4  }
0xaf: {  	[dreg:$0x3] =	wrdreg s6  }
0xb0: {  	[dreg:$0x4] =	wrdreg $0xC0  }
0xb1: {  	_ =	task [dreg:s8], $0x5FFFF  }
0xb2: {  	[dreg:$0x1] =	wrdreg $0xFFFFFFFF  }
0xb3: {  	[dreg:$0x0] =	wrdreg $0x60  }
0xb4: {  	[dreg:$0x2] =	wrdreg s24  }
0xb5: {  	[dreg:$0x3] =	wrdreg s17  }
0xb6: {  	[dreg:$0x4] =	wrdreg s16  }
0xb7: {  	[dreg:$0x5] =	wrdreg $0x9  }
0xb8: {  	_ =	task.clear_ibuf [dreg:s8], $0x6FFFF;
	_ =	strace $0x90000046  }
0xb9: {  	s29 =	simm.s32 $0x9;
	_ =	strace $0x80000048  }
0xba: {  	_ =	swait.ge [sflag:s29], $0x1  }
0xbb: {  	[sflag:s29] =	ssyncadd.s32 $0xFFFFFFFF  }
0xbc: {  	_ =	strace $0x90000048  }
0xbd: {  	_ =	sfence  }
0xbe: {  	s30 =	sld [smem:$0x0];
	_ =	sdelay $0x2  }
0xbf: {  	s31 =	sshll.u32 s1, $0xD;
	s1 =	sshrl.u32 s1, $0x2  }
0xc0: {  	s3 =	sand.u32 $0x4000, s31;
	s1 =	sadd.s32 s1, s30  }
0xc1: {  	s0 =	sor.u32 s3, s0;
	s1 =	sshll.u32 s1, $0x11  }
0xc2: {  	s0 =	sor.u32 s1, s0  }
0xc3: {  	s0 =	sadd.s32 $0x8F2B, s0  }
0xc4: {  	[sflag:s0] =	ssyncadd.remote.s32 $0x1  }
0xc5: {  	_ =	sfence.sel $0xFFFF  }
0xc6: {  	[dreg:$0x0] =	wrdreg $0xFFFFFFFF;
	(pc) =	sbr.abs _section_cstart, $3  }
0xc7: {  	[dreg:$0x1] =	wrdreg $0xFFFFFFFF  }
0xc8: {  	_ =	task.clear_ibuf [dreg:s8], $0x2FFFF;
	_ =	strace $0x9FFFFFFF  }
0xc9: {  	(tm) =	ssettm $0x7FFFFFFF  }
tec
execute0_lowered:
.L_overlay_start_1:
0x0: {  	(tag) =	ssettag $0x1  }
0x1: {  	s8 =	rddreg [dreg:$0x0]  }
0x2: {  	s2 =	rddreg [dreg:$0x1]  }
0x3: {  	s3 =	rddreg [dreg:$0x2];
	s1 =	stileid.u32  }
0x4: {  	s4 =	srdreg.scid;
	s0 =	rddreg [dreg:$0x3];
	_ =	strace $0x80000047  }
0x5: {  	s7 =	simm.s32 $0x1;
	s9 =	simm.s32 $0x1;
	s10 =	simm.s32 $0x3  }
0x6: {  	s13 =	simm.s32 $0x0;
	s5 =	sand.u32 $0x1, s4;
	s6 =	sshll.u32 s1, $0x1  }
0x7: {  	s12 =	simm.s32 $0x0;
	s4 =	simm.s32 $0x1;
	s5 =	sor.u32 s6, s5  }
.Ltmp0:
0x8: {  	[sflag:s4] =	ssyncpa.u1 $0x0;
	p0 =	slt.u32 s5, $0x9;
	(pc) =	sbr.rel .LBB2_1-.Ltmp0, $4  }
0x9: {  	s6 =	simm.s32 $0x2;
	s7 =	simm.s32 @!p0 $0x0;
	p0 =	sne.s32 s5, $0x8  }
0xa: {  	[sflag:s6] =	ssyncpa.u1 $0x0;
	s5 =	smul.u32 $0x6D0, s5;
	s9 =	simm.s32 @!p0 $0x0  }
0xb: {  	s8 =	sadd.s32 $0x2E00, s8;
	[sflag:s10] =	ssyncpa.u1 $0x0;
	s7 =	sadd.s32 s9, s7  }
0xc: {  	vm0 =	vmmov $0xffff;
	s10 =	simm.s32 $0x0;
	s11 =	smov.u32 s5;
	s9 =	sadd.s32 $0x1, s7  }
.LBB2_4:
0xd: {  	v2 =	vnsel vm1, $0x0, v2  }
0xe: {  	vm1 =	vgt.s32 v0, $0x0;
	v2 =	vmin.u32 v2, $0x10FFF  }
0xf: {  	v0 =	vnsel vm1, $0x0, v0  }
0x10: {  	v0 =	vmin.u32 v0, $0x10FFF  }
0x11: {  	[tilespmem:s18], [sflag:$0x1] =	stream.indirect_vreg.gather [hbm4b:s8+s10], $0x1, v1, vm0, $0x4038;
	[tilespmem:$0x1B40] =	vst v63  }
0x12: {  	(ifvalue) =	ssetifvalue $0x7FFFFFFF  }
0x13: {  	[tilespmem:s15], [sflag:$0x1] =	stream.indirect_vreg.gather [hbm4b:s8+s10], $0x1, v2, vm0, $0x4038;
	[tilespmem:$0x1B40] =	vst v63  }
0x14: {  	s29 =	sadd.s32 $0x10, s15;
	(ifvalue) =	ssetifvalue $0x7FFFFFFF  }
0x15: {  	[tilespmem:s29], [sflag:$0x1] =	stream.indirect_vreg.gather [hbm4b:s8+s10], $0x1, v0, vm0, $0x4038;
	[tilespmem:$0x1B40] =	vst v63  }
0x16: {  	_ =	swait.ge [sflag:s4], $0x6D0  }
0x17: {  	s30 =	sshrl.u32 s13, $0x3;
	[sflag:s4] =	ssyncset.done $0x0  }
0x18: {  	s31 =	sand.u32 $0x7, s13;
	s15 =	sadd.s32 s3, s30;
	[sflag:s4] =	ssyncadd.s32 $0xFFFFF930  }
0x19: {  	[hbm4b:s15+s31] =	stream.linear.scatter [tilespmem:s14], [sflag:$0x3], $0x6D0, $0x38;
	[tilespmem:$0x1B40] =	vst v63  }
.LBB2_5:
0x1a: {  	s15 =	sadd.s32 $0xDA00, s11  }
0x1b: {  	p1 =	sgt.s32 s15, $0x1107F  }
0x1c: {  	s15 =	smov.u32 @p1 s5;
	p1 =	sne.s32 s12, s9  }
.Ltmp1:
0x1d: {  	p0 =	slt.u32 s12, $0x2;
	(pc) =	sbr.rel @!p1 .LBB2_6-.Ltmp1, $4  }
0x1e: {  	s14 =	simm.s32 @!p0 $0x3  }
0x1f: {  	_ =	swait.ge @!p0 [sflag:s14], $0x6D0  }
0x20: {  	s16 =	sadd.s32 $0x1, s12;
	s13 =	smov.u32 s11;
	[sflag:s14] =	ssyncset.done @!p0 $0x0  }
0x21: {  	s12 =	smov.u32 s16;
	s11 =	smov.u32 s15;
	[sflag:s14] =	ssyncadd.s32 @!p0 $0xFFFFF930  }
.LBB2_1:
0x22: {  	p0 =	sge.u32 s12, s7  }
0x23: {  	s14 =	sxor.u32 @!p0 $0x1, s12  }
0x24: {  	s14 =	smul.u32 @!p0 $0x1B40, s14  }
0x25: {  	s31 =	sadd.s32 $0xFFFFFFFF, s12;
	s15 =	sshrl.u32 @!p0 s11, $0x3  }
0x26: {  	s16 =	sand.u32 @!p0 $0x7, s11;
	s15 =	sadd.s32 @!p0 s2, s15;
	s14 =	sshra.s32 @!p0 s14, $0x2  }
0x27: {  	[tilespmem:s14], [sflag:$0x2] =	stream.linear.gather @!p0 [hbm4b:s15+s16], $0x6D0, $0x38;
	[tilespmem:$0x1B40] =	vst v63  }
0x28: {  	p0 =	sge.u32 s31, s7  }
.Ltmp2:
0x29: {  	_ = 	snop;
	(pc) =	sbr.rel @p0 .LBB2_5-.Ltmp2, $1  }
0x2a: {  	_ =	sdelay $0x3  }
0x2b: {  	s14 =	sand.u32 $0x1, s12  }
0x2c: {  	_ =	swait.ge [sflag:s6], $0x6D0;
	p0 =	seq.s32 s14, $0x1;
	s14 =	simm.s32 $0x6D0  }
0x2d: {  	[sflag:s6] =	ssyncset.done $0x0;
	s14 =	simm.s32 @!p0 $0x0  }
0x2e: {  	[sflag:s6] =	ssyncadd.s32 $0xFFFFF930;
	(ifvalue) =	ssetifvalue $0x7FFFFFFF;
	v0 =	vld.msk [tilespmem:s14+$0x0 ss:$0x1], $0xffff;
	_ =	sdelay $0x4  }
0x2f: {  	s15 =	sadd.s32 $0x10, s14;
	vm1 =	vgt.s32 v0, $0x0  }
0x30: {  	v2 =	vld.msk [tilespmem:s15+$0x0 ss:$0x1], $0xffff;
	v1 =	vnsel vm1, $0x0, v0  }
0x31: {  	v1 =	vmin.u32 v1, $0x10FFF;
	_ =	sdelay $0x2  }
0x32: {  	s17 =	simm.s32 $0x20;
	s14 =	sadd.s32 $0xDA0, s14;
	s16 =	sadd.s32 $0x10, s15  }
0x33: {  	s15 =	sadd.s32 $0x10, s14;
	s18 =	smov.u32 s14;
	v0 =	vld.msk [tilespmem:s16+$0x0 ss:$0x1], $0xffff;
	vm1 =	vgt.s32 v2, $0x0;
	(ifvalue) =	ssetifvalue $0x7FFFFFFF  }
.LBB2_3:
0x34: {  	[tilespmem:s18], [sflag:$0x1] =	stream.indirect_vreg.gather [hbm4b:s8+s10], $0x1, v1, vm0, $0x4038;
	[tilespmem:$0x1B40] =	vst v63  }
0x35: {  	s17 =	sadd.s32 $0x10, s17  }
0x36: {  	v2 =	vnsel vm1, $0x0, v2;
	p0 =	slt.u32 s17, $0x6C0  }
.Ltmp3:
0x37: {  	s18 =	smov.u32 s15;
	v1 =	vmin.u32 v2, $0x10FFF;
	(pc) =	sbr.rel @p0 .LBB2_3-.Ltmp3, $3  }
0x38: {  	_ =	sdelay $0x1  }
0x39: {  	s16 =	sadd.s32 $0x10, s16  }
0x3a: {  	vm1 =	vgt.s32 v0, $0x0;
	s15 =	sadd.s32 $0x10, s15;
	v2 =	vmov v0;
	(ifvalue) =	ssetifvalue $0x7FFFFFFF;
	v0 =	vld.msk [tilespmem:s16+$0x0 ss:$0x1], $0xffff  }
.Ltmp4:
0x3b: {  	_ = 	snop;
	(pc) =	sbr.rel .LBB2_4-.Ltmp4, $1  }
0x3c: {  	_ =	sdelay $0x3  }
.LBB2_6:
0x3d: {  	_ =	sfence.sel $0x180000  }
0x3e: {  	s2 =	simm.s32 $0x2;
	[bflag:$0x0] =	sbarrier.arrive $0xFFFF  }
0x3f: {  	s30 =	simm.s32 $0x3;
	[sflag:s2] =	ssyncpa.u1 $0x1  }
0x40: {  	s31 =	simm.s32 $0x1;
	[sflag:s30] =	ssyncpa.u1 $0x1  }
0x41: {  	[sflag:s31] =	ssyncpa.u1 $0x1  }
0x42: {  	p0 =	sne.s32 s1, $0x0;
	_ =	strace $0x90000047  }
0x43: {  	s0 =	sadd.s32 @!p0 $0x100000, s0;
	[bflag:$0x2] =	sbarrier.arrive $0xFFFF  }
0x44: {  	[sflag:s0] =	ssyncadd.tile.s32 @!p0 $0x1;
	_ =	shalt  }
.Lfunc_end2:
_tile_overlayer_lowered:
.L_overlay_start_2:
0x45: {  	(tag) =	ssettag $0x2  }
0x46: {  	s0 =	rddreg [dreg:$0x0];
	s2 =	stileid.u32  }
0x47: {  	s1 =	rddreg [dreg:$0x1];
	p0 =	sne.s32 s2, $0x0  }
0x48: {  	s3 =	rddreg [dreg:$0x2];
	[bflag:$0x3] =	sbarrier.arrive $0xFFFF;
	s2 =	simm.s32 @!p0 $0x1C01  }
0x49: {  	[timem:s3], [sflag:s2] =	dma.local @!p0 [hbm:s0], s1  }
0x4a: {  	s0 =	simm.s32 @!p0 $0x1  }
0x4b: {  	_ =	swait.ge @!p0 [sflag:s0], s1  }
0x4c: {  	s1 =	ssub.s32 @!p0 $0x0, s1;
	[sflag:s0] =	ssyncset.done @!p0 $0x0  }
0x4d: {  	[sflag:s0] =	ssyncadd.s32 @!p0 s1  }
0x4e: {  	[bflag:$0x3] =	sbarrier.arrive $0xFFFF  }
0x4f: {  	_ =	shalt  }

// kernel: kernel.6.cloned.1.call-start
scs
__scs_entry_jumppad:
0x0: {  	(pc) =	sbr.rel $0x88, $3  }
0x1: {  	(tag) =	ssettag $0x0;
	lr =	simm.s32 $0x1  }
0x2: {  	[smem:$0x3F97] =	sst lr;
	_ =	strace $0xD0000000  }
0x3: {  	_ = 	snop  }
0x4: {  	_ = 	snop  }
0x5: {  	_ = 	snop  }
0x6: {  	_ = 	snop  }
0x7: {  	_ = 	snop  }
__scs_overlays_trampoline_lowered:
0x8: {  	[smem:$0x3FA6] =	sst s0  }
0x9: {  	[smem:$0x3FA7] =	sst s1  }
0xa: {  	[smem:$0x3FA8] =	sst s2  }
0xb: {  	[smem:$0x3FA9] =	sst s3  }
0xc: {  	[smem:$0x3FAA] =	sst s4  }
0xd: {  	[smem:$0x3FAB] =	sst s5  }
0xe: {  	[smem:$0x3FAC] =	sst s6  }
0xf: {  	[smem:$0x3FAD] =	sst s7  }
0x10: {  	[smem:$0x3FAE] =	sst s8  }
0x11: {  	[smem:$0x3FAF] =	sst s9;
	s0 =	simm.s32 @!p0 $0x0  }
0x12: {  	s1 =	sld [smem:$0x3F95];
	s0 =	simm.s32 @p0 $0x1  }
0x13: {  	[smem:$0x3FB0] =	sst s0;
	s0 =	simm.s32 @!p1 $0x0  }
0x14: {  	s2 =	sld [smem:$0x3F94];
	s0 =	simm.s32 @p1 $0x1  }
0x15: {  	[smem:$0x3FB1] =	sst s0;
	s0 =	simm.s32 @!p2 $0x0  }
0x16: {  	s3 =	sld [smem:$0x3FDB];
	s0 =	simm.s32 @p2 $0x1  }
0x17: {  	s4 =	simm.s32 $0x1BF5;
	[smem:$0x3FB3] =	sst s0  }
0x18: {  	s0 =	sld [smem:$0x3F96];
	_ =	swait.ge [sflag:s4], $0x0  }
0x19: {  	s7 =	sld [smem:$0x3F97]  }
0x1a: {  	s8 =	sadd.s32 $0xFFFFE003, lr  }
0x1b: {  	s9 =	sadd.s32 $0xFFFFFEF7, lr;
	s5 =	simm.s32 $0xFFFFFFFF;
	p2 =	slt.u32 s8, $0xFFFFF086  }
0x1c: {  	p1 =	slt.u32 s9, $0xF7A;
	s5 =	simm.s32 @!p2 $0x0  }
0x1d: {  	s5 =	simm.s32 @p1 $0x1;
	p0 =	seq.s32 s7, s2  }
0x1e: {  	s7 =	smul.u32 @!p0 $0xF7A, s2;
	p2 =	seq.s32 @!p0 s5, $0x0  }
0x1f: {  	s9 =	smul.u32 $0xF7A, s1;
	s8 =	simm.s32 @!p0 $0x1BF5;
	p2 =	por !p2, p0  }
0x20: {  	[sflag:s8] =	ssyncset.s32 @!p0 $0xFFFFF086;
	s6 =	sadd.s32 @!p0 s3, s7;
	s7 =	simm.s32 @!p0 $0x108  }
0x21: {  	s3 =	sadd.s32 s3, s9;
	s6 =	sadd.s32 @!p0 $0x88, s6;
	s7 =	simm.s32 @p2 $0x1082  }
0x22: {  	[simem:s7], [sflag:s8] =	dma.local @!p0 [hbm:s6], $0xF7A  }
0x23: {  	s9 =	sor.u32 $0xD0000000, s2;
	s6 =	simm.s32 $0x108;
	_ =	swait.ge @!p0 [sflag:s8], $0x0  }
0x24: {  	s3 =	sadd.s32 $0x88, s3;
	s6 =	simm.s32 @!p1 $0x1082;
	[sflag:s4] =	ssyncset.s32 $0xFFFFF086  }
0x25: {  	[simem:s6], [sflag:s4] =	dma.local [hbm:s3], $0xF7A  }
0x26: {  	[smem:$0x3F97] =	sst s1;
	(tag) =	ssettag s2;
	_ =	strace s9  }
0x27: {  	s1 =	sld [smem:$0x3FA7]  }
0x28: {  	s2 =	sld [smem:$0x3FA8]  }
0x29: {  	s4 =	sld [smem:$0x3FAA]  }
0x2a: {  	p0 =	seq.s32 s5, $0x0;
	s5 =	sld [smem:$0x3FAB]  }
0x2b: {  	s6 =	sld [smem:$0x3FAC]  }
0x2c: {  	s7 =	sld [smem:$0x3FAD]  }
0x2d: {  	s3 =	simm.s32 $0x108;
	s8 =	sld [smem:$0x3FAE]  }
0x2e: {  	s3 =	simm.s32 @!p0 $0x1082;
	s9 =	sld [smem:$0x3FAF]  }
0x2f: {  	lr =	sadd.s32 s0, s3;
	s0 =	sld [smem:$0x3FA6]  }
0x30: {  	s3 =	sld [smem:$0x3FA9]  }
0x31: {  	[smem:$0x3FB2] =	sst s10  }
0x32: {  	s10 =	sld [smem:$0x3FB0];
	_ =	sdelay $0x3  }
0x33: {  	p0 =	seq.s32 s10, $0x1;
	s10 =	sld [smem:$0x3FB2];
	_ =	sdelay $0x3  }
0x34: {  	[smem:$0x3FB2] =	sst s10  }
0x35: {  	s10 =	sld [smem:$0x3FB1];
	_ =	sdelay $0x3  }
0x36: {  	p1 =	seq.s32 s10, $0x1;
	s10 =	sld [smem:$0x3FB2];
	_ =	sdelay $0x3  }
0x37: {  	[smem:$0x3FB2] =	sst s10  }
0x38: {  	s10 =	sld [smem:$0x3FB3]  }
0x39: {  	_ = 	snop;
	(pc) =	sbr.ind lr, $3  }
0x3a: {  	_ = 	snop  }
0x3b: {  	_ = 	snop  }
0x3c: {  	p2 =	seq.s32 s10, $0x1;
	s10 =	sld [smem:$0x3FB2]  }
0x3d: {  	_ =	shalt  }
0x3e: {  	_ =	shalt  }
0x3f: {  	_ =	shalt  }
0x40: {  	_ =	shalt  }
0x41: {  	_ =	shalt  }
0x42: {  	_ =	shalt  }
0x43: {  	_ =	shalt  }
0x44: {  	_ =	shalt  }
0x45: {  	_ =	shalt  }
0x46: {  	_ =	shalt  }
0x47: {  	_ =	shalt  }
0x48: {  	_ =	shalt  }
0x49: {  	_ =	shalt  }
0x4a: {  	_ =	shalt  }
0x4b: {  	_ =	shalt  }
0x4c: {  	_ =	shalt  }
0x4d: {  	_ =	shalt  }
0x4e: {  	_ =	shalt  }
0x4f: {  	_ =	shalt  }
0x50: {  	_ =	shalt  }
0x51: {  	_ =	shalt  }
0x52: {  	_ =	shalt  }
0x53: {  	_ =	shalt  }
0x54: {  	_ =	shalt  }
0x55: {  	_ =	shalt  }
0x56: {  	_ =	shalt  }
0x57: {  	_ =	shalt  }
0x58: {  	_ =	shalt  }
0x59: {  	_ =	shalt  }
0x5a: {  	_ =	shalt  }
0x5b: {  	_ =	shalt  }
0x5c: {  	_ =	shalt  }
0x5d: {  	_ =	shalt  }
0x5e: {  	_ =	shalt  }
0x5f: {  	_ =	shalt  }
0x60: {  	_ =	shalt  }
0x61: {  	_ =	shalt  }
0x62: {  	_ =	shalt  }
0x63: {  	_ =	shalt  }
0x64: {  	_ =	shalt  }
0x65: {  	_ =	shalt  }
0x66: {  	_ =	shalt  }
0x67: {  	_ =	shalt  }
0x68: {  	_ =	shalt  }
0x69: {  	_ =	shalt  }
0x6a: {  	_ =	shalt  }
0x6b: {  	_ =	shalt  }
0x6c: {  	_ =	shalt  }
0x6d: {  	_ =	shalt  }
0x6e: {  	_ =	shalt  }
0x6f: {  	_ =	shalt  }
0x70: {  	_ =	shalt  }
0x71: {  	_ =	shalt  }
0x72: {  	_ =	shalt  }
0x73: {  	_ =	shalt  }
0x74: {  	_ =	shalt  }
0x75: {  	_ =	shalt  }
0x76: {  	_ =	shalt  }
0x77: {  	_ =	shalt  }
0x78: {  	_ =	shalt  }
0x79: {  	_ =	shalt  }
0x7a: {  	_ =	shalt  }
0x7b: {  	_ =	shalt  }
0x7c: {  	_ =	shalt  }
0x7d: {  	_ =	shalt  }
0x7e: {  	_ =	shalt  }
0x7f: {  	_ =	shalt  }
0x80: {  	_ =	shalt  }
0x81: {  	_ =	shalt  }
0x82: {  	_ =	shalt  }
0x83: {  	_ =	shalt  }
0x84: {  	_ =	shalt  }
0x85: {  	_ =	shalt  }
0x86: {  	_ =	shalt  }
0x87: {  	_ =	shalt  }
.Lfunc_end0:
.L_simem_size_0:
called_computation.3_lowered:
.L_overlay_start_0:
0x88: {  	s2 =	sld [smem:$0x3FD9]  }
0x89: {  	s3 =	sld [smem:$0x3FFE];
	_ =	sdelay $0x1  }
0x8a: {  	s1 =	srdreg.scid  }
0x8b: {  	s0 =	sand.u32 $0x1, s1  }
0x8c: {  	s14 =	sshll.u32 s0, $0xA;
	s2 =	sadd.s32 s3, s2  }
0x8d: {  	s2 =	sadd.s32 s2, s14  }
0x8e: {  	[smem:$0x3FBE] =	sst s2  }
0x8f: {  	_ = 	snop  }
0x90: {  	s2 =	sld [smem:$0x3FD0];
	_ =	sdelay $0x2  }
0x91: {  	s15 =	simm.s32 $0xB;
	s4 =	simm.s32 $0x10  }
0x92: {  	[smem:s4], [sflag:s15] =	dma.local [hbm:s2], $0x1  }
0x93: {  	_ =	swait.eq [sflag:s15], $0x1  }
0x94: {  	[sflag:s15] =	ssyncset.done $0x0  }
0x95: {  	s16 =	sld [smem:$0x10];
	[sflag:s15] =	ssyncadd.s32 $0xFFFFFFFF  }
0x96: {  	s17 =	sld [smem:$0x12];
	(tm) =	ssettm $0x1  }
0x97: {  	s18 =	sld [smem:$0x3FFB];
	_ =	sdelay $0x3  }
0x98: {  	_ =	strace s18  }
0x99: {  	s4 =	sld [smem:$0x3FFC];
	_ =	sdelay $0x3  }
0x9a: {  	_ =	strace s4  }
0x9b: {  	s4 =	sld [smem:$0x3FFD];
	_ =	sdelay $0x3  }
0x9c: {  	_ =	strace s4  }
0x9d: {  	_ =	strace $0x8FFFFFFF  }
0x9e: {  	s19 =	sld [smem:$0x3FDB];
	_ =	sdelay $0x1  }
0x9f: {  	s5 =	simm.s32 $_scs_section_size  }
0xa0: {  	s6 =	simm.s32 $_size__tile_overlayer_lowered;
	s7 =	simm.s32 $_tile_overlayer_lowered  }
0xa1: {  	s22 =	simm.s32 $0x1BFF;
	s21 =	sshll.u32 s7, $0x1;
	s4 =	sadd.s32 s5, s19  }
0xa2: {  	s8 =	simm.s32 $0x0;
	s20 =	sshll.u32 s6, $0x1;
	s6 =	sadd.s32 s21, s4  }
0xa3: {  	[timem:s8], [sflag:s22] =	dma.local [hbm:s6], s20  }
0xa4: {  	_ =	swait.ge [sflag:s22], s20  }
0xa5: {  	s5 =	ssub.s32 $0x0, s20;
	[sflag:s22] =	ssyncset.done $0x0  }
0xa6: {  	[sflag:s22] =	ssyncadd.s32 s5;
	_ =	sdelay $0x1  }
0xa7: {  	s23 =	simm.s32 $0x1B8B  }
0xa8: {  	_ =	swait.ge [sflag:s23], $0x1  }
0xa9: {  	[sflag:s23] =	ssyncset.done $0x0  }
0xaa: {  	s25 =	simm.s32 $0x1B8E;
	s24 =	sld [smem:$0x3FFE];
	[sflag:s23] =	ssyncadd.s32 $0xFFFFFFFF  }
0xab: {  	s26 =	simm.s32 $execute0_lowered;
	[smem:$0x3FD2] =	sst s25  }
0xac: {  	s6 =	sshll.u32 s26, $0x1;
	_ =	strace $0x8000004C;
	[dreg:$0x1] =	wrdreg $0xFFFFFFFF  }
0xad: {  	s28 =	simm.s32 $_size_execute0_lowered;
	s4 =	sadd.s32 s4, s6;
	[dreg:$0x0] =	wrdreg $0x0  }
0xae: {  	s6 =	sshll.u32 s28, $0x1;
	[dreg:$0x2] =	wrdreg s4  }
0xaf: {  	[dreg:$0x3] =	wrdreg s6  }
0xb0: {  	[dreg:$0x4] =	wrdreg $0xC0  }
0xb1: {  	_ =	task [dreg:s8], $0x5FFFF  }
0xb2: {  	[dreg:$0x1] =	wrdreg $0xFFFFFFFF  }
0xb3: {  	[dreg:$0x0] =	wrdreg $0x60  }
0xb4: {  	[dreg:$0x2] =	wrdreg s24  }
0xb5: {  	[dreg:$0x3] =	wrdreg s16  }
0xb6: {  	[dreg:$0x4] =	wrdreg s17  }
0xb7: {  	[dreg:$0x5] =	wrdreg $0x0  }
0xb8: {  	[dreg:$0x6] =	wrdreg $0x9  }
0xb9: {  	_ =	task.clear_ibuf [dreg:s8], $0x7FFFF;
	_ =	strace $0x9000004C  }
0xba: {  	s29 =	simm.s32 $0x9;
	_ =	strace $0x8000004E  }
0xbb: {  	_ =	swait.ge [sflag:s29], $0x1  }
0xbc: {  	[sflag:s29] =	ssyncadd.s32 $0xFFFFFFFF  }
0xbd: {  	_ =	strace $0x9000004E  }
0xbe: {  	_ =	sfence  }
0xbf: {  	s30 =	sld [smem:$0x0];
	_ =	sdelay $0x2  }
0xc0: {  	s31 =	sshll.u32 s1, $0xD;
	s1 =	sshrl.u32 s1, $0x2  }
0xc1: {  	s3 =	sand.u32 $0x4000, s31;
	s1 =	sadd.s32 s1, s30  }
0xc2: {  	s0 =	sor.u32 s3, s0;
	s1 =	sshll.u32 s1, $0x11  }
0xc3: {  	s0 =	sor.u32 s1, s0  }
0xc4: {  	s0 =	sadd.s32 $0x8F2B, s0  }
0xc5: {  	[sflag:s0] =	ssyncadd.remote.s32 $0x1  }
0xc6: {  	_ =	sfence.sel $0xFFFF  }
0xc7: {  	[dreg:$0x0] =	wrdreg $0xFFFFFFFF;
	(pc) =	sbr.abs _section_cstart, $3  }
0xc8: {  	[dreg:$0x1] =	wrdreg $0xFFFFFFFF  }
0xc9: {  	_ =	task.clear_ibuf [dreg:s8], $0x2FFFF;
	_ =	strace $0x9FFFFFFF  }
0xca: {  	(tm) =	ssettm $0x7FFFFFFF  }
0xcb: {  	_ =	shalt  }
tec
execute0_lowered:
.L_overlay_start_1:
0x0: {  	(tag) =	ssettag $0x1  }
0x1: {  	s4 =	rddreg [dreg:$0x0]  }
0x2: {  	s7 =	rddreg [dreg:$0x1]  }
0x3: {  	s8 =	rddreg [dreg:$0x2]  }
0x4: {  	s1 =	rddreg [dreg:$0x3]  }
0x5: {  	s0 =	rddreg [dreg:$0x4];
	s2 =	simm.s32 $0x0;
	s3 =	srdreg.scid  }
0x6: {  	s10 =	stileid.u32;
	s15 =	simm.s32 $0x40C0;
	s16 =	simm.s32 $0x4040  }
0x7: {  	s17 =	simm.s32 $0x80;
	s18 =	simm.s32 $0x0;
	[smem:$0x7FF] =	sst s2  }
0x8: {  	s5 =	sand.u32 $0x1, s3;
	s3 =	sadd.s32 $0x2A00, s4;
	s9 =	sshll.u32 s10, $0x4  }
0x9: {  	s28 =	sshll.u32 s10, $0xE;
	s29 =	sshll.u32 s10, $0xB;
	s14 =	sadd.s32 $0x40000, s1  }
0xa: {  	p0 =	sne.s32 s10, $0x0;
	s31 =	sshll.u32 s10, $0x6;
	_ =	strace $0x8000004D  }
0xb: {  	s6 =	sshll.u32 s5, $0x4;
	s24 =	sand.u32 $0x70, s9;
	s5 =	ssub.s32 $0x2, s5  }
0xc: {  	s13 =	sadd.s32 s28, s1;
	s14 =	sshrl.u32 @!p0 s14, $0x3;
	s11 =	sor.u32 s10, s6  }
0xd: {  	s6 =	sadd.s32 s24, s4;
	s12 =	sshrl.u32 s5, $0x1;
	s4 =	sadd.s32 $0x4E00, s4  }
.Ltmp0:
0xe: {  	s10 =	simm.s32 $0x80C0;
	s13 =	sshrl.u32 s13, $0x3;
	(pc) =	sbr.rel .LBB2_1-.Ltmp0, $4  }
0xf: {  	s25 =	sshll.u32 s11, $0x4;
	s12 =	ssub.s32 s5, s12;
	s30 =	sshll.u32 s11, $0xB  }
0x10: {  	s11 =	simm.s32 $0x1;
	s9 =	sand.u32 $0x180, s25;
	s8 =	sadd.s32 s8, s30  }
0x11: {  	s26 =	sadd.s32 s9, s6;
	s6 =	sadd.s32 s7, s29;
	s7 =	sadd.s32 $0x8000, s7  }
0x12: {  	s9 =	smax.u32 s12, $0x1;
	s12 =	sor.u32 $0x1C01, s31;
	s5 =	sadd.s32 $0x2400, s26  }
.LBB2_5:
0x13: {  	s19 =	sadd.s32 s3, s21;
	[sflag:s11] =	ssyncadd.s32 @p1 $0xFFFFC000  }
0x14: {  	[tilespmem:s16], [sflag:$0x1] =	stream.linear.gather [hbm4b:s19+s2], $0x80, $0x38;
	[tilespmem:$0x8140] =	vst v63  }
0x15: {  	_ =	swait.ge [sflag:s11], $0x80  }
0x16: {  	[sflag:s11] =	ssyncset.done $0x0  }
0x17: {  	[sflag:s11] =	ssyncadd.s32 $0xFFFFFF80  }
0x18: {  	[spmem:s1] =	stream.indirect.scatter.add.f32 [tilespmem:s15], [sflag:$0x1], $0x80, s16, s17, $0xb8;
	[tilespmem:$0x8140] =	vst v63  }
0x19: {  	_ =	swait.ge [sflag:s11], $0x4000  }
0x1a: {  	[sflag:s11] =	ssyncset.done $0x0  }
0x1b: {  	[sflag:s11] =	ssyncadd.s32 $0xFFFFC000  }
.LBB2_6:
0x1c: {  	s18 =	sadd.s32 $0x1, s18  }
0x1d: {  	p1 =	sne.s32 s18, s9  }
.Ltmp1:
0x1e: {  	[bflag:$0x0] =	sbarrier.arrive $0xFFFF;
	(pc) =	sbr.rel @!p1 .LBB2_7-.Ltmp1, $4  }
0x1f: {  	[hbm:s8], [sflag:s12] =	dma.local [spmem:s13], $0x800  }
0x20: {  	_ =	swait.ge [sflag:s11], $0x800  }
0x21: {  	[sflag:s11] =	ssyncset.done $0x0  }
0x22: {  	[sflag:s11] =	ssyncadd.s32 $0xFFFFF800  }
.LBB2_1:
0x23: {  	[tilespmem:s10], [sflag:$0x1] =	stream.linear.gather [hbm4b:s5+s2], $0x80, $0x38;
	[tilespmem:$0x8140] =	vst v63  }
0x24: {  	_ =	swait.ge [sflag:s11], $0x80  }
0x25: {  	[sflag:s11] =	ssyncset.done $0x0  }
0x26: {  	[sflag:s11] =	ssyncadd.s32 $0xFFFFFF80  }
0x27: {  	v0 =	vld [tilespmem:$0x80C0];
	_ =	sdelay $0x4  }
0x28: {  	(v2sf) =	vpush v0, $0x0  }
0x29: {  	(v2sf) =	vpush v0, $0x1;
	_ =	sdelay $0xd  }
0x2a: {  	s19 =	spop (v2sf)  }
0x2b: {  	s20 =	spop (v2sf)  }
0x2c: {  	[spmem:s13], [sflag:s12] =	dma.local [hbm:s6], $0x800  }
0x2d: {  	_ =	swait.ge [sflag:s11], $0x800  }
0x2e: {  	[sflag:s11] =	ssyncset.done $0x0  }
0x2f: {  	s21 =	simm.s32 @!p0 $0x1;
	[sflag:s11] =	ssyncadd.s32 $0xFFFFF800  }
0x30: {  	[spmem:s14], [sflag:s12] =	dma.local @!p0 [hbm:s7], $0x80  }
0x31: {  	_ =	swait.ge @!p0 [sflag:s21], $0x80  }
0x32: {  	[sflag:s21] =	ssyncset.done @!p0 $0x0  }
0x33: {  	p1 =	sle.s32 s20, s19;
	[sflag:s21] =	ssyncadd.s32 @!p0 $0xFFFFFF80  }
0x34: {  	[tilespmem:s15], [sflag:$0x1] =	stream.linear.gather [hbm4b:s4+s2], $0x4000, $0x38;
	[tilespmem:$0x8140] =	vst v63  }
.Ltmp2:
0x35: {  	_ =	swait.ge [sflag:s11], $0x4000;
	(pc) =	sbr.rel @p1 .LBB2_6-.Ltmp2, $3  }
0x36: {  	[sflag:s11] =	ssyncset.done $0x0  }
0x37: {  	[sflag:s11] =	ssyncadd.s32 $0xFFFFC000  }
0x38: {  	[bflag:$0x0] =	sbarrier.arrive $0xFFFF;
	_ =	sdelay $0x1  }
0x39: {  	s21 =	ssub.s32 s20, s19  }
0x3a: {  	p2 =	sne.s32 s21, $0x1  }
.Ltmp3:
0x3b: {  	_ = 	snop;
	(pc) =	sbr.rel @!p2 .LBB2_5-.Ltmp3, $3  }
0x3c: {  	_ =	sdelay $0x1  }
0x3d: {  	s20 =	sshll.u32 s19, $0x4  }
0x3e: {  	p1 =	por $0x0, $0x0;
	s19 =	sadd.s32 $0xFFFFFFFF, s21;
	s21 =	sand.u32 $0x1FFFFFF0, s20  }
0x3f: {  	s21 =	sadd.s32 s3, s21  }
0x40: {  	[tilespmem:s16], [sflag:$0x1] =	stream.linear.gather [hbm4b:s21+s2], $0x80, $0x38;
	[tilespmem:$0x8140] =	vst v63  }
0x41: {  	p2 =	sne.s32 s19, $0x1;
	_ =	swait.ge [sflag:s11], $0x80  }
.Ltmp4:
0x42: {  	[sflag:s11] =	ssyncset.done $0x0;
	(pc) =	sbr.rel @!p2 .LBB2_5-.Ltmp4, $4  }
0x43: {  	[sflag:s11] =	ssyncadd.s32 $0xFFFFFF80  }
0x44: {  	[spmem:s1] =	stream.indirect.scatter.add.f32 [tilespmem:s15], [sflag:$0x1], $0x80, s16, s17, $0xb8;
	[tilespmem:$0x8140] =	vst v63  }
0x45: {  	s19 =	sadd.s32 $0xFFFFFFFF, s19;
	s20 =	sadd.s32 $0x10, s20;
	_ =	swait.ge [sflag:s11], $0x4000  }
0x46: {  	p1 =	por $0x1, $0x1;
	s21 =	sand.u32 $0x1FFFFFF0, s20;
	[sflag:s11] =	ssyncset.done $0x0  }
.LBB2_4:
0x47: {  	p2 =	sne.s32 s19, $0x1;
	s21 =	sadd.s32 s3, s21;
	[sflag:s11] =	ssyncadd.s32 $0xFFFFC000  }
0x48: {  	[tilespmem:s16], [sflag:$0x1] =	stream.linear.gather [hbm4b:s21+s2], $0x80, $0x38;
	[tilespmem:$0x8140] =	vst v63  }
0x49: {  	s19 =	sadd.s32 $0xFFFFFFFF, s19;
	_ =	swait.ge [sflag:s11], $0x80  }
.Ltmp5:
0x4a: {  	[sflag:s11] =	ssyncset.done $0x0;
	(pc) =	sbr.rel @p2 .LBB2_4-.Ltmp5, $4  }
0x4b: {  	[sflag:s11] =	ssyncadd.s32 $0xFFFFFF80  }
0x4c: {  	[spmem:s1] =	stream.indirect.scatter.add.f32 [tilespmem:s15], [sflag:$0x1], $0x80, s16, s17, $0xb8;
	[tilespmem:$0x8140] =	vst v63  }
0x4d: {  	s20 =	sadd.s32 $0x10, s20;
	_ =	swait.ge [sflag:s11], $0x4000  }
0x4e: {  	s21 =	sand.u32 $0x1FFFFFF0, s20;
	[sflag:s11] =	ssyncset.done $0x0  }
.Ltmp6:
0x4f: {  	_ = 	snop;
	(pc) =	sbr.rel .LBB2_5-.Ltmp6, $1  }
0x50: {  	_ =	sdelay $0x3  }
.LBB2_7:
0x51: {  	_ =	sfence.sel $0x180000  }
0x52: {  	[bflag:$0x0] =	sbarrier.arrive $0xFFFF  }
0x53: {  	_ =	strace $0x9000004D  }
0x54: {  	s0 =	sadd.s32 @!p0 $0x100000, s0;
	[bflag:$0x2] =	sbarrier.arrive $0xFFFF  }
0x55: {  	[sflag:s0] =	ssyncadd.tile.s32 @!p0 $0x1;
	_ =	shalt  }
.Lfunc_end2:
_tile_overlayer_lowered:
.L_overlay_start_2:
0x56: {  	(tag) =	ssettag $0x2  }
0x57: {  	s0 =	rddreg [dreg:$0x0];
	s2 =	stileid.u32  }
0x58: {  	s1 =	rddreg [dreg:$0x1];
	p0 =	sne.s32 s2, $0x0  }
0x59: {  	s3 =	rddreg [dreg:$0x2];
	[bflag:$0x3] =	sbarrier.arrive $0xFFFF;
	s2 =	simm.s32 @!p0 $0x1C01  }
0x5a: {  	[timem:s3], [sflag:s2] =	dma.local @!p0 [hbm:s0], s1  }
0x5b: {  	s0 =	simm.s32 @!p0 $0x1  }
0x5c: {  	_ =	swait.ge @!p0 [sflag:s0], s1  }
0x5d: {  	s1 =	ssub.s32 @!p0 $0x0, s1;
	[sflag:s0] =	ssyncset.done @!p0 $0x0  }
0x5e: {  	[sflag:s0] =	ssyncadd.s32 @!p0 s1  }
0x5f: {  	[bflag:$0x3] =	sbarrier.arrive $0xFFFF  }
0x60: {  	_ =	shalt  }

</sc_bundles>
